<compile_context>
chip_gen: v7x
topology: tpu7x:2x2x1
jax: 0.10.2.dev20260603
libtpu: 0.0.44.dev20260713+nightly
codegen_flags: <defaults>
</compile_context>

<pallas_src>
import jax
import jax.numpy as jnp
from jax import lax
from jax.experimental import pallas as pl
from jax.experimental.pallas import tpu as pltpu
from jax.experimental.pallas import tpu_sc as plsc

N = 10000
E = 320000
D = 128
DH = D // 2

NC = 2
NS = 16
C = 128
TPC = 20480
TPC_LAST = E - 15 * TPC
CH = TPC // C
CH_LAST = TPC_LAST // C
ACC_ROWS = 10240
ZR = 64
DW = 16
ROWS_Z = ACC_ROWS // NS
K_DEG = 8
K_NODEG = 10

_mesh = plsc.VectorSubcoreMesh(
    core_axis_name="c", subcore_axis_name="s", num_cores=NC, num_subcores=NS)


def _fill(ref, rows, width, value):
  lanes = 32 if ref.dtype == jnp.bfloat16 else 16
  v = jnp.full((lanes,), value, ref.dtype)
  for r in range(rows):
    for j in range(width // lanes):
      ref[r, pl.ds(j * lanes, lanes)] = v


def _sc_agg_build(with_deg):
  K = K_DEG if with_deg else K_NODEG
  """SC segment-sum: column-half partials (NC, ACC_ROWS, DH)
  [+ degree histogram (ACC_ROWS, DW) from core 0]."""

  def body(tbl_hbm, ei_hbm, *rest):
    if with_deg:
      (out_hbm, deg_hbm, src_idx, dst_idx, rows, zrow, dzrow, ones, acc,
       dacc, tbl_s, sem, ssem) = rest
    else:
      (out_hbm, src_idx, dst_idx, rows, zrow, acc, tbl_s, sem, ssem) = rest
    cid = lax.axis_index("c")
    sid = lax.axis_index("s")

    _fill(zrow, ZR, DH, 0.0)
    if with_deg:
      _fill(dzrow, ZR, DW, 0.0)
      _fill(ones, C, DW, 1.0)

    zbase = sid * ROWS_Z
    cps = []
    for k in range(ROWS_Z // ZR):
      cps.append(pltpu.async_copy(zrow, acc.at[pl.ds(zbase + k * ZR, ZR)], sem))
      if with_deg:
        cps.append(
            pltpu.async_copy(dzrow, dacc.at[pl.ds(zbase + k * ZR, ZR)], sem))
    tb = sid * (N // NS)
    cps.append(pltpu.async_copy(tbl_hbm.at[cid, pl.ds(tb, N // NS)],
                                tbl_s.at[pl.ds(tb, N // NS)], sem))
    base = sid * TPC

    @pl.when(sid < NS - 1)
    def _():
      pltpu.sync_copy(ei_hbm.at[0, pl.ds(base, TPC)], src_idx)
      pltpu.sync_copy(ei_hbm.at[1, pl.ds(base, TPC)], dst_idx)

    @pl.when(sid == NS - 1)
    def _():
      pltpu.sync_copy(ei_hbm.at[0, pl.ds(base, TPC_LAST)],
                      src_idx.at[pl.ds(0, TPC_LAST)])
      pltpu.sync_copy(ei_hbm.at[1, pl.ds(base, TPC_LAST)],
                      dst_idx.at[pl.ds(0, TPC_LAST)])
    nch = jnp.where(sid == NS - 1, CH_LAST, CH)
    for cp in cps:
      cp.wait()
    plsc.subcore_barrier()

    def prime(b, carry):
      pltpu.async_copy(tbl_s.at[src_idx.at[pl.ds(b * C, C)]], rows.at[b], sem)
      return carry

    lax.fori_loop(0, K, prime, 0)

    def chunk(i, carry):
      b = lax.rem(i, K)
      pltpu.make_async_copy(tbl_s.at[src_idx.at[pl.ds(i * C, C)]], rows.at[b],
                            sem).wait()
      pltpu.async_copy(rows.at[b], acc.at[dst_idx.at[pl.ds(i * C, C)]], ssem, add=True)
      if with_deg:
        @pl.when(cid == 0)
        def _():
          pltpu.async_copy(ones, dacc.at[dst_idx.at[pl.ds(i * C, C)]], ssem, add=True)
      pltpu.make_async_copy(rows.at[b], acc.at[dst_idx.at[pl.ds(i * C, C)]], ssem).wait()
      if with_deg:
        @pl.when(cid == 0)
        def _():
          pltpu.make_async_copy(ones, dacc.at[dst_idx.at[pl.ds(i * C, C)]], ssem).wait()
      nxt = i + K

      @pl.when(nxt < nch)
      def _():
        pltpu.async_copy(tbl_s.at[src_idx.at[pl.ds(nxt * C, C)]], rows.at[b], sem)
      return carry

    lax.fori_loop(0, nch, chunk, 0)
    plsc.subcore_barrier()

    pltpu.sync_copy(acc.at[pl.ds(zbase, ROWS_Z)],
                    out_hbm.at[cid, pl.ds(zbase, ROWS_Z)])
    if with_deg:
      @pl.when(cid == 0)
      def _():
        pltpu.sync_copy(dacc.at[pl.ds(zbase, ROWS_Z)],
                        deg_hbm.at[pl.ds(zbase, ROWS_Z)])

  out_type = [jax.ShapeDtypeStruct((NC, ACC_ROWS, DH), jnp.bfloat16)]
  scratch = [
      pltpu.VMEM((TPC,), jnp.int32),
      pltpu.VMEM((TPC,), jnp.int32),
      pltpu.VMEM((K, C, DH), jnp.bfloat16),
      pltpu.VMEM((ZR, DH), jnp.bfloat16),
  ]
  if with_deg:
    out_type.append(jax.ShapeDtypeStruct((ACC_ROWS, DW), jnp.float32))
    scratch += [
        pltpu.VMEM((ZR, DW), jnp.float32),
        pltpu.VMEM((C, DW), jnp.float32),
    ]
  scratch.append(pltpu.VMEM_SHARED((ACC_ROWS, DH), jnp.bfloat16))
  if with_deg:
    scratch.append(pltpu.VMEM_SHARED((ACC_ROWS, DW), jnp.float32))
  scratch.append(pltpu.VMEM_SHARED((N, DH), jnp.bfloat16))
  scratch.append(pltpu.SemaphoreType.DMA)
  scratch.append(pltpu.SemaphoreType.DMA)

  return pl.kernel(body, out_type=tuple(out_type), mesh=_mesh,
                   scratch_types=tuple(scratch),
                   compiler_params=pltpu.CompilerParams(
                       use_tc_tiling_on_sc=False))


_sc_agg_deg = _sc_agg_build(True)
_sc_agg = _sc_agg_build(False)

BR = 2000
GRID = N // BR


def _neigh(p, dp):
  n = jnp.concatenate([p[0], p[1]], axis=1).astype(jnp.float32)
  scale = 1.0 / jnp.maximum(dp[:, 0:1], 1.0)
  return n * scale


def _layer(h, n, ws, wn, b):
  return jnp.maximum(
      jnp.dot(h, ws, preferred_element_type=jnp.float32)
      + jnp.dot(n, wn, preferred_element_type=jnp.float32) + b, 0.0)


def _tc_layer_body(x_ref, p_ref, dp_ref, ws_ref, wn_ref, b_ref, ob_ref):
  h1 = _layer(x_ref[...], _neigh(p_ref[...], dp_ref[...]), ws_ref[...],
              wn_ref[...], b_ref[...]).astype(jnp.bfloat16)
  ob_ref[0] = h1[:, :DH]
  ob_ref[1] = h1[:, DH:]


def _tc_layer_pool_body(h_ref, p_ref, dp_ref, ws_ref, wn_ref, b_ref,
                        w1_ref, b1_ref, w2t_ref, b2_ref, o_ref, acc_ref):
  i = pl.program_id(0)
  hb = h_ref[...]
  h = jnp.concatenate([hb[0], hb[1]], axis=1).astype(jnp.float32)
  h2 = _layer(h, _neigh(p_ref[...], dp_ref[...]), ws_ref[...], wn_ref[...],
              b_ref[...])

  @pl.when(i == 0)
  def _():
    acc_ref[...] = jnp.zeros_like(acc_ref)

  acc_ref[...] += jnp.sum(h2, axis=0, keepdims=True)

  @pl.when(i == GRID - 1)
  def _():
    hg = acc_ref[...] * (1.0 / N)
    a = jnp.maximum(
        jnp.dot(hg, w1_ref[...], preferred_element_type=jnp.float32)
        + b1_ref[...], 0.0)
    o = jnp.sum(a * w2t_ref[...], axis=1, keepdims=True) + b2_ref[...]
    o_ref[...] = jax.nn.sigmoid(o)


_row_spec = pl.BlockSpec((BR, D), lambda i: (i, 0))
_split_spec = pl.BlockSpec((NC, BR, DH), lambda i: (0, i, 0))
_dp_spec = pl.BlockSpec((BR, DW), lambda i: (i, 0))
_w_spec = pl.BlockSpec((D, D), lambda i: (0, 0))
_b_spec = pl.BlockSpec((1, D), lambda i: (0, 0))

_tc_layer = pl.pallas_call(
    _tc_layer_body,
    grid=(GRID,),
    in_specs=[_row_spec, _split_spec, _dp_spec, _w_spec, _w_spec, _b_spec],
    out_specs=pl.BlockSpec((NC, BR, DH), lambda i: (0, i, 0)),
    out_shape=jax.ShapeDtypeStruct((NC, N, DH), jnp.bfloat16),
)

_tc_layer_pool = pl.pallas_call(
    _tc_layer_pool_body,
    grid=(GRID,),
    in_specs=[_split_spec, _split_spec, _dp_spec, _w_spec, _w_spec, _b_spec,
              _w_spec, _b_spec, _b_spec,
              pl.BlockSpec((1, 1), lambda i: (0, 0))],
    out_specs=pl.BlockSpec((1, 1), lambda i: (0, 0)),
    out_shape=jax.ShapeDtypeStruct((1, 1), jnp.float32),
    scratch_shapes=[pltpu.VMEM((1, D), jnp.float32)],
)


def kernel(x, edge_index, W_self1, W_neigh1, b1, W_self2, W_neigh2, b2,
           fc1_W, fc1_b, fc2_W, fc2_b):
  xb = x.astype(jnp.bfloat16)
  x2 = jnp.stack([xb[:, :DH], xb[:, DH:]])
  p1, deg = _sc_agg_deg(x2, edge_index)
  h1b = _tc_layer(x, p1, deg, W_self1, W_neigh1, b1.reshape(1, D))
  (p2,) = _sc_agg(h1b, edge_index)
  return _tc_layer_pool(h1b, p2, deg, W_self2, W_neigh2, b2.reshape(1, D),
                        fc1_W, fc1_b.reshape(1, D), fc2_W.reshape(1, D),
                        fc2_b.reshape(1, 1))

# --- scband reference (transcript-rebuilt; emitter-appended) ---
"""Pipeline reference for scband-graph-binary-classifier-5282809774729 (READ-ONLY COPY).

The authoritative reference and input builder live on the scoring server;
editing this copy changes nothing except your own understanding.
"""

import jax, jax.numpy as jnp
import numpy as np

N = 10000
E = 320000
D = 128
H = 128


def setup_inputs(seed: int = 0) -> dict:
    key = jax.random.key(seed)
    ks = jax.random.split(key, 12)
    s_in = 1.0 / np.sqrt(D)
    s_h = 1.0 / np.sqrt(H)
    inp = {
        "x": jax.random.normal(ks[0], (N, D), dtype=jnp.float32),
        "edge_index": jax.random.randint(ks[1], (2, E), 0, N, dtype=jnp.int32),
        "W_self1": jax.random.normal(ks[2], (D, H), dtype=jnp.float32) * s_in,
        "W_neigh1": jax.random.normal(ks[3], (D, H), dtype=jnp.float32) * s_in,
        "b1": jnp.zeros((H,), dtype=jnp.float32),
        "W_self2": jax.random.normal(ks[4], (H, H), dtype=jnp.float32) * s_h,
        "W_neigh2": jax.random.normal(ks[5], (H, H), dtype=jnp.float32) * s_h,
        "b2": jnp.zeros((H,), dtype=jnp.float32),
        "fc1_W": jax.random.normal(ks[6], (H, H), dtype=jnp.float32) * s_h,
        "fc1_b": jnp.zeros((H,), dtype=jnp.float32),
        "fc2_W": jax.random.normal(ks[7], (H, 1), dtype=jnp.float32) * s_h,
        "fc2_b": jnp.zeros((1,), dtype=jnp.float32),
    }
    return inp


def _sage_conv(h, src, dst, W_self, W_neigh, b):
    # DGL SAGEConv with 'mean' aggregator: rst = fc_self(h) + fc_neigh(mean_{u in N(v)} h_u) + bias
    msg = jnp.take(h, src, axis=0)
    agg = jax.ops.segment_sum(msg, dst, num_segments=N)
    deg = jax.ops.segment_sum(jnp.ones((src.shape[0],), dtype=h.dtype), dst, num_segments=N)
    h_neigh = agg / jnp.clip(deg, 1.0, None)[:, None]
    return h @ W_self + h_neigh @ W_neigh + b


def reference(x, edge_index, W_self1, W_neigh1, b1, W_self2, W_neigh2, b2, fc1_W, fc1_b, fc2_W, fc2_b):
    src = edge_index[0]
    dst = edge_index[1]
    # conv1 + ReLU (dropout layers are identity with p=0 / eval mode)
    h = jax.nn.relu(_sage_conv(x, src, dst, W_self1, W_neigh1, b1))
    # conv2 + ReLU
    h = jax.nn.relu(_sage_conv(h, src, dst, W_self2, W_neigh2, b2))
    # global average pooling over all nodes (single graph in batch)
    hg = jnp.mean(h, axis=0, keepdims=True)
    # fc head
    h = jax.nn.relu(hg @ fc1_W + fc1_b)
    out = h @ fc2_W + fc2_b
    # apply_output_activation=False, but forward always returns self.out_act(out)
    return jax.nn.sigmoid(out)

if __name__ == "__main__":
    import jax
    _d = setup_inputs()
    print(jax.jit(kernel)(*tuple(_d.values())))

</pallas_src>

<mosaic_0001>
#map = affine_map<(d0, d1) -> (0, 0, 0)>
#map1 = affine_map<(d0, d1) -> (0, 0)>
module attributes {stable_mosaic.version = 14 : i64} {
  func.func @body(%arg0: i32, %arg1: i32, %arg2: memref<2x10000x64xbf16, #tpu.memory_space<hbm>>, %arg3: memref<2x320000xi32, #tpu.memory_space<hbm>>, %arg4: memref<2x10240x64xbf16, #tpu.memory_space<hbm>>, %arg5: memref<10240x16xf32, #tpu.memory_space<hbm>>, %arg6: memref<20480xi32, #tpu.memory_space<vmem>>, %arg7: memref<20480xi32, #tpu.memory_space<vmem>>, %arg8: memref<8x128x64xbf16, #tpu.memory_space<vmem>>, %arg9: memref<64x64xbf16, #tpu.memory_space<vmem>>, %arg10: memref<64x16xf32, #tpu.memory_space<vmem>>, %arg11: memref<128x16xf32, #tpu.memory_space<vmem>>, %arg12: memref<10240x64xbf16, #tpu.memory_space<vmem_shared>>, %arg13: memref<10240x16xf32, #tpu.memory_space<vmem_shared>>, %arg14: memref<10000x64xbf16, #tpu.memory_space<vmem_shared>>, %arg15: memref<!tpu.dma_semaphore, #tpu.memory_space<semaphore_mem>>, %arg16: memref<!tpu.dma_semaphore, #tpu.memory_space<semaphore_mem>>) attributes {dimension_semantics = [#tpu.dimension_semantics<core_parallel>, #tpu.dimension_semantics<subcore_parallel>], iteration_bounds = array<i64: 2, 16>, scalar_prefetch = 0 : i64, scratch_operands = 11 : i64, tpu.core_type = #tpu.core_type<sc_vector_subcore>, window_params = [{transform_indices = #map}, {transform_indices = #map1}, {transform_indices = #map}, {transform_indices = #map1}]} {
    %broadcast_in_dim3A = arith.constant 0.000000e+00 : bf16
    %broadcast_in_dim3A_0 = vector.broadcast %broadcast_in_dim3A : bf16 to vector<32xbf16>
    %swap3A = arith.constant 0 : i32
    %swap3A_1 = arith.index_cast %swap3A : i32 to index
    %swap3A_2 = arith.constant 0 : index
    %swap3A_3 = tpu.vector_load %arg9[%swap3A_1, %swap3A_2] {strides = array<i32>} : memref<64x64xbf16, #tpu.memory_space<vmem>>, vector<1x32xbf16>,
    %swap3A_4 = vector.shape_cast %swap3A_3 : vector<1x32xbf16> to vector<32xbf16>
    %swap3A_5 = vector.shape_cast %broadcast_in_dim3A_0 : vector<32xbf16> to vector<1x32xbf16>
    tpu.vector_store %arg9[%swap3A_1, %swap3A_2], %swap3A_5 {strides = array<i32>} : memref<64x64xbf16, #tpu.memory_space<vmem>>, vector<1x32xbf16>,
    %swap3A_6 = arith.constant 0 : i32
    %swap3A_7 = arith.index_cast %swap3A_6 : i32 to index
    %swap3A_8 = arith.constant 32 : index
    %swap3A_9 = tpu.vector_load %arg9[%swap3A_7, %swap3A_8] {strides = array<i32>} : memref<64x64xbf16, #tpu.memory_space<vmem>>, vector<1x32xbf16>,
    %swap3A_10 = vector.shape_cast %swap3A_9 : vector<1x32xbf16> to vector<32xbf16>
    %swap3A_11 = vector.shape_cast %broadcast_in_dim3A_0 : vector<32xbf16> to vector<1x32xbf16>
    tpu.vector_store %arg9[%swap3A_7, %swap3A_8], %swap3A_11 {strides = array<i32>} : memref<64x64xbf16, #tpu.memory_space<vmem>>, vector<1x32xbf16>,
    %swap3A_12 = arith.constant 1 : i32
    %swap3A_13 = arith.index_cast %swap3A_12 : i32 to index
    %swap3A_14 = arith.constant 0 : index
    %swap3A_15 = tpu.vector_load %arg9[%swap3A_13, %swap3A_14] {strides = array<i32>} : memref<64x64xbf16, #tpu.memory_space<vmem>>, vector<1x32xbf16>,
    %swap3A_16 = vector.shape_cast %swap3A_15 : vector<1x32xbf16> to vector<32xbf16>
    %swap3A_17 = vector.shape_cast %broadcast_in_dim3A_0 : vector<32xbf16> to vector<1x32xbf16>
    tpu.vector_store %arg9[%swap3A_13, %swap3A_14], %swap3A_17 {strides = array<i32>} : memref<64x64xbf16, #tpu.memory_space<vmem>>, vector<1x32xbf16>,
    %swap3A_18 = arith.constant 1 : i32
    %swap3A_19 = arith.index_cast %swap3A_18 : i32 to index
    %swap3A_20 = arith.constant 32 : index
    %swap3A_21 = tpu.vector_load %arg9[%swap3A_19, %swap3A_20] {strides = array<i32>} : memref<64x64xbf16, #tpu.memory_space<vmem>>, vector<1x32xbf16>,
    %swap3A_22 = vector.shape_cast %swap3A_21 : vector<1x32xbf16> to vector<32xbf16>
    %swap3A_23 = vector.shape_cast %broadcast_in_dim3A_0 : vector<32xbf16> to vector<1x32xbf16>
    tpu.vector_store %arg9[%swap3A_19, %swap3A_20], %swap3A_23 {strides = array<i32>} : memref<64x64xbf16, #tpu.memory_space<vmem>>, vector<1x32xbf16>,
    %swap3A_24 = arith.constant 2 : i32
    %swap3A_25 = arith.index_cast %swap3A_24 : i32 to index
    %swap3A_26 = arith.constant 0 : index
    %swap3A_27 = tpu.vector_load %arg9[%swap3A_25, %swap3A_26] {strides = array<i32>} : memref<64x64xbf16, #tpu.memory_space<vmem>>, vector<1x32xbf16>,
    %swap3A_28 = vector.shape_cast %swap3A_27 : vector<1x32xbf16> to vector<32xbf16>
    %swap3A_29 = vector.shape_cast %broadcast_in_dim3A_0 : vector<32xbf16> to vector<1x32xbf16>
    tpu.vector_store %arg9[%swap3A_25, %swap3A_26], %swap3A_29 {strides = array<i32>} : memref<64x64xbf16, #tpu.memory_space<vmem>>, vector<1x32xbf16>,
    %swap3A_30 = arith.constant 2 : i32
    %swap3A_31 = arith.index_cast %swap3A_30 : i32 to index
    %swap3A_32 = arith.constant 32 : index
    %swap3A_33 = tpu.vector_load %arg9[%swap3A_31, %swap3A_32] {strides = array<i32>} : memref<64x64xbf16, #tpu.memory_space<vmem>>, vector<1x32xbf16>,
    %swap3A_34 = vector.shape_cast %swap3A_33 : vector<1x32xbf16> to vector<32xbf16>
    %swap3A_35 = vector.shape_cast %broadcast_in_dim3A_0 : vector<32xbf16> to vector<1x32xbf16>
    tpu.vector_store %arg9[%swap3A_31, %swap3A_32], %swap3A_35 {strides = array<i32>} : memref<64x64xbf16, #tpu.memory_space<vmem>>, vector<1x32xbf16>,
    %swap3A_36 = arith.constant 3 : i32
    %swap3A_37 = arith.index_cast %swap3A_36 : i32 to index
    %swap3A_38 = arith.constant 0 : index
    %swap3A_39 = tpu.vector_load %arg9[%swap3A_37, %swap3A_38] {strides = array<i32>} : memref<64x64xbf16, #tpu.memory_space<vmem>>, vector<1x32xbf16>,
    %swap3A_40 = vector.shape_cast %swap3A_39 : vector<1x32xbf16> to vector<32xbf16>
    %swap3A_41 = vector.shape_cast %broadcast_in_dim3A_0 : vector<32xbf16> to vector<1x32xbf16>
    tpu.vector_store %arg9[%swap3A_37, %swap3A_38], %swap3A_41 {strides = array<i32>} : memref<64x64xbf16, #tpu.memory_space<vmem>>, vector<1x32xbf16>,
    %swap3A_42 = arith.constant 3 : i32
    %swap3A_43 = arith.index_cast %swap3A_42 : i32 to index
    %swap3A_44 = arith.constant 32 : index
    %swap3A_45 = tpu.vector_load %arg9[%swap3A_43, %swap3A_44] {strides = array<i32>} : memref<64x64xbf16, #tpu.memory_space<vmem>>, vector<1x32xbf16>,
    %swap3A_46 = vector.shape_cast %swap3A_45 : vector<1x32xbf16> to vector<32xbf16>
    %swap3A_47 = vector.shape_cast %broadcast_in_dim3A_0 : vector<32xbf16> to vector<1x32xbf16>
    tpu.vector_store %arg9[%swap3A_43, %swap3A_44], %swap3A_47 {strides = array<i32>} : memref<64x64xbf16, #tpu.memory_space<vmem>>, vector<1x32xbf16>,
    %swap3A_48 = arith.constant 4 : i32
    %swap3A_49 = arith.index_cast %swap3A_48 : i32 to index
    %swap3A_50 = arith.constant 0 : index
    %swap3A_51 = tpu.vector_load %arg9[%swap3A_49, %swap3A_50] {strides = array<i32>} : memref<64x64xbf16, #tpu.memory_space<vmem>>, vector<1x32xbf16>,
    %swap3A_52 = vector.shape_cast %swap3A_51 : vector<1x32xbf16> to vector<32xbf16>
    %swap3A_53 = vector.shape_cast %broadcast_in_dim3A_0 : vector<32xbf16> to vector<1x32xbf16>
    tpu.vector_store %arg9[%swap3A_49, %swap3A_50], %swap3A_53 {strides = array<i32>} : memref<64x64xbf16, #tpu.memory_space<vmem>>, vector<1x32xbf16>,
    %swap3A_54 = arith.constant 4 : i32
    %swap3A_55 = arith.index_cast %swap3A_54 : i32 to index
    %swap3A_56 = arith.constant 32 : index
    %swap3A_57 = tpu.vector_load %arg9[%swap3A_55, %swap3A_56] {strides = array<i32>} : memref<64x64xbf16, #tpu.memory_space<vmem>>, vector<1x32xbf16>,
    %swap3A_58 = vector.shape_cast %swap3A_57 : vector<1x32xbf16> to vector<32xbf16>
    %swap3A_59 = vector.shape_cast %broadcast_in_dim3A_0 : vector<32xbf16> to vector<1x32xbf16>
    tpu.vector_store %arg9[%swap3A_55, %swap3A_56], %swap3A_59 {strides = array<i32>} : memref<64x64xbf16, #tpu.memory_space<vmem>>, vector<1x32xbf16>,
    %swap3A_60 = arith.constant 5 : i32
    %swap3A_61 = arith.index_cast %swap3A_60 : i32 to index
    %swap3A_62 = arith.constant 0 : index
    %swap3A_63 = tpu.vector_load %arg9[%swap3A_61, %swap3A_62] {strides = array<i32>} : memref<64x64xbf16, #tpu.memory_space<vmem>>, vector<1x32xbf16>,
    %swap3A_64 = vector.shape_cast %swap3A_63 : vector<1x32xbf16> to vector<32xbf16>
    %swap3A_65 = vector.shape_cast %broadcast_in_dim3A_0 : vector<32xbf16> to vector<1x32xbf16>
    tpu.vector_store %arg9[%swap3A_61, %swap3A_62], %swap3A_65 {strides = array<i32>} : memref<64x64xbf16, #tpu.memory_space<vmem>>, vector<1x32xbf16>,
    %swap3A_66 = arith.constant 5 : i32
    %swap3A_67 = arith.index_cast %swap3A_66 : i32 to index
    %swap3A_68 = arith.constant 32 : index
    %swap3A_69 = tpu.vector_load %arg9[%swap3A_67, %swap3A_68] {strides = array<i32>} : memref<64x64xbf16, #tpu.memory_space<vmem>>, vector<1x32xbf16>,
    %swap3A_70 = vector.shape_cast %swap3A_69 : vector<1x32xbf16> to vector<32xbf16>
    %swap3A_71 = vector.shape_cast %broadcast_in_dim3A_0 : vector<32xbf16> to vector<1x32xbf16>
    tpu.vector_store %arg9[%swap3A_67, %swap3A_68], %swap3A_71 {strides = array<i32>} : memref<64x64xbf16, #tpu.memory_space<vmem>>, vector<1x32xbf16>,
    %swap3A_72 = arith.constant 6 : i32
    %swap3A_73 = arith.index_cast %swap3A_72 : i32 to index
    %swap3A_74 = arith.constant 0 : index
    %swap3A_75 = tpu.vector_load %arg9[%swap3A_73, %swap3A_74] {strides = array<i32>} : memref<64x64xbf16, #tpu.memory_space<vmem>>, vector<1x32xbf16>,
    %swap3A_76 = vector.shape_cast %swap3A_75 : vector<1x32xbf16> to vector<32xbf16>
    %swap3A_77 = vector.shape_cast %broadcast_in_dim3A_0 : vector<32xbf16> to vector<1x32xbf16>
    tpu.vector_store %arg9[%swap3A_73, %swap3A_74], %swap3A_77 {strides = array<i32>} : memref<64x64xbf16, #tpu.memory_space<vmem>>, vector<1x32xbf16>,
    %swap3A_78 = arith.constant 6 : i32
    %swap3A_79 = arith.index_cast %swap3A_78 : i32 to index
    %swap3A_80 = arith.constant 32 : index
    %swap3A_81 = tpu.vector_load %arg9[%swap3A_79, %swap3A_80] {strides = array<i32>} : memref<64x64xbf16, #tpu.memory_space<vmem>>, vector<1x32xbf16>,
    %swap3A_82 = vector.shape_cast %swap3A_81 : vector<1x32xbf16> to vector<32xbf16>
    %swap3A_83 = vector.shape_cast %broadcast_in_dim3A_0 : vector<32xbf16> to vector<1x32xbf16>
    tpu.vector_store %arg9[%swap3A_79, %swap3A_80], %swap3A_83 {strides = array<i32>} : memref<64x64xbf16, #tpu.memory_space<vmem>>, vector<1x32xbf16>,
    %swap3A_84 = arith.constant 7 : i32
    %swap3A_85 = arith.index_cast %swap3A_84 : i32 to index
    %swap3A_86 = arith.constant 0 : index
    %swap3A_87 = tpu.vector_load %arg9[%swap3A_85, %swap3A_86] {strides = array<i32>} : memref<64x64xbf16, #tpu.memory_space<vmem>>, vector<1x32xbf16>,
    %swap3A_88 = vector.shape_cast %swap3A_87 : vector<1x32xbf16> to vector<32xbf16>
    %swap3A_89 = vector.shape_cast %broadcast_in_dim3A_0 : vector<32xbf16> to vector<1x32xbf16>
    tpu.vector_store %arg9[%swap3A_85, %swap3A_86], %swap3A_89 {strides = array<i32>} : memref<64x64xbf16, #tpu.memory_space<vmem>>, vector<1x32xbf16>,
    %swap3A_90 = arith.constant 7 : i32
    %swap3A_91 = arith.index_cast %swap3A_90 : i32 to index
    %swap3A_92 = arith.constant 32 : index
    %swap3A_93 = tpu.vector_load %arg9[%swap3A_91, %swap3A_92] {strides = array<i32>} : memref<64x64xbf16, #tpu.memory_space<vmem>>, vector<1x32xbf16>,
    %swap3A_94 = vector.shape_cast %swap3A_93 : vector<1x32xbf16> to vector<32xbf16>
    %swap3A_95 = vector.shape_cast %broadcast_in_dim3A_0 : vector<32xbf16> to vector<1x32xbf16>
    tpu.vector_store %arg9[%swap3A_91, %swap3A_92], %swap3A_95 {strides = array<i32>} : memref<64x64xbf16, #tpu.memory_space<vmem>>, vector<1x32xbf16>,
    %swap3A_96 = arith.constant 8 : i32
    %swap3A_97 = arith.index_cast %swap3A_96 : i32 to index
    %swap3A_98 = arith.constant 0 : index
    %swap3A_99 = tpu.vector_load %arg9[%swap3A_97, %swap3A_98] {strides = array<i32>} : memref<64x64xbf16, #tpu.memory_space<vmem>>, vector<1x32xbf16>,
    %swap3A_100 = vector.shape_cast %swap3A_99 : vector<1x32xbf16> to vector<32xbf16>
    %swap3A_101 = vector.shape_cast %broadcast_in_dim3A_0 : vector<32xbf16> to vector<1x32xbf16>
    tpu.vector_store %arg9[%swap3A_97, %swap3A_98], %swap3A_101 {strides = array<i32>} : memref<64x64xbf16, #tpu.memory_space<vmem>>, vector<1x32xbf16>,
    %swap3A_102 = arith.constant 8 : i32
    %swap3A_103 = arith.index_cast %swap3A_102 : i32 to index
    %swap3A_104 = arith.constant 32 : index
    %swap3A_105 = tpu.vector_load %arg9[%swap3A_103, %swap3A_104] {strides = array<i32>} : memref<64x64xbf16, #tpu.memory_space<vmem>>, vector<1x32xbf16>,
    %swap3A_106 = vector.shape_cast %swap3A_105 : vector<1x32xbf16> to vector<32xbf16>
    %swap3A_107 = vector.shape_cast %broadcast_in_dim3A_0 : vector<32xbf16> to vector<1x32xbf16>
    tpu.vector_store %arg9[%swap3A_103, %swap3A_104], %swap3A_107 {strides = array<i32>} : memref<64x64xbf16, #tpu.memory_space<vmem>>, vector<1x32xbf16>,
    %swap3A_108 = arith.constant 9 : i32
    %swap3A_109 = arith.index_cast %swap3A_108 : i32 to index
    %swap3A_110 = arith.constant 0 : index
    %swap3A_111 = tpu.vector_load %arg9[%swap3A_109, %swap3A_110] {strides = array<i32>} : memref<64x64xbf16, #tpu.memory_space<vmem>>, vector<1x32xbf16>,
    %swap3A_112 = vector.shape_cast %swap3A_111 : vector<1x32xbf16> to vector<32xbf16>
    %swap3A_113 = vector.shape_cast %broadcast_in_dim3A_0 : vector<32xbf16> to vector<1x32xbf16>
    tpu.vector_store %arg9[%swap3A_109, %swap3A_110], %swap3A_113 {strides = array<i32>} : memref<64x64xbf16, #tpu.memory_space<vmem>>, vector<1x32xbf16>,
    %swap3A_114 = arith.constant 9 : i32
    %swap3A_115 = arith.index_cast %swap3A_114 : i32 to index
    %swap3A_116 = arith.constant 32 : index
    %swap3A_117 = tpu.vector_load %arg9[%swap3A_115, %swap3A_116] {strides = array<i32>} : memref<64x64xbf16, #tpu.memory_space<vmem>>, vector<1x32xbf16>,
    %swap3A_118 = vector.shape_cast %swap3A_117 : vector<1x32xbf16> to vector<32xbf16>
    %swap3A_119 = vector.shape_cast %broadcast_in_dim3A_0 : vector<32xbf16> to vector<1x32xbf16>
    tpu.vector_store %arg9[%swap3A_115, %swap3A_116], %swap3A_119 {strides = array<i32>} : memref<64x64xbf16, #tpu.memory_space<vmem>>, vector<1x32xbf16>,
    %swap3A_120 = arith.constant 10 : i32
    %swap3A_121 = arith.index_cast %swap3A_120 : i32 to index
    %swap3A_122 = arith.constant 0 : index
    %swap3A_123 = tpu.vector_load %arg9[%swap3A_121, %swap3A_122] {strides = array<i32>} : memref<64x64xbf16, #tpu.memory_space<vmem>>, vector<1x32xbf16>,
    %swap3A_124 = vector.shape_cast %swap3A_123 : vector<1x32xbf16> to vector<32xbf16>
    %swap3A_125 = vector.shape_cast %broadcast_in_dim3A_0 : vector<32xbf16> to vector<1x32xbf16>
    tpu.vector_store %arg9[%swap3A_121, %swap3A_122], %swap3A_125 {strides = array<i32>} : memref<64x64xbf16, #tpu.memory_space<vmem>>, vector<1x32xbf16>,
    %swap3A_126 = arith.constant 10 : i32
    %swap3A_127 = arith.index_cast %swap3A_126 : i32 to index
    %swap3A_128 = arith.constant 32 : index
    %swap3A_129 = tpu.vector_load %arg9[%swap3A_127, %swap3A_128] {strides = array<i32>} : memref<64x64xbf16, #tpu.memory_space<vmem>>, vector<1x32xbf16>,
    %swap3A_130 = vector.shape_cast %swap3A_129 : vector<1x32xbf16> to vector<32xbf16>
    %swap3A_131 = vector.shape_cast %broadcast_in_dim3A_0 : vector<32xbf16> to vector<1x32xbf16>
    tpu.vector_store %arg9[%swap3A_127, %swap3A_128], %swap3A_131 {strides = array<i32>} : memref<64x64xbf16, #tpu.memory_space<vmem>>, vector<1x32xbf16>,
    %swap3A_132 = arith.constant 11 : i32
    %swap3A_133 = arith.index_cast %swap3A_132 : i32 to index
    %swap3A_134 = arith.constant 0 : index
    %swap3A_135 = tpu.vector_load %arg9[%swap3A_133, %swap3A_134] {strides = array<i32>} : memref<64x64xbf16, #tpu.memory_space<vmem>>, vector<1x32xbf16>,
    %swap3A_136 = vector.shape_cast %swap3A_135 : vector<1x32xbf16> to vector<32xbf16>
    %swap3A_137 = vector.shape_cast %broadcast_in_dim3A_0 : vector<32xbf16> to vector<1x32xbf16>
    tpu.vector_store %arg9[%swap3A_133, %swap3A_134], %swap3A_137 {strides = array<i32>} : memref<64x64xbf16, #tpu.memory_space<vmem>>, vector<1x32xbf16>,
    %swap3A_138 = arith.constant 11 : i32
    %swap3A_139 = arith.index_cast %swap3A_138 : i32 to index
    %swap3A_140 = arith.constant 32 : index
    %swap3A_141 = tpu.vector_load %arg9[%swap3A_139, %swap3A_140] {strides = array<i32>} : memref<64x64xbf16, #tpu.memory_space<vmem>>, vector<1x32xbf16>,
    %swap3A_142 = vector.shape_cast %swap3A_141 : vector<1x32xbf16> to vector<32xbf16>
    %swap3A_143 = vector.shape_cast %broadcast_in_dim3A_0 : vector<32xbf16> to vector<1x32xbf16>
    tpu.vector_store %arg9[%swap3A_139, %swap3A_140], %swap3A_143 {strides = array<i32>} : memref<64x64xbf16, #tpu.memory_space<vmem>>, vector<1x32xbf16>,
    %swap3A_144 = arith.constant 12 : i32
    %swap3A_145 = arith.index_cast %swap3A_144 : i32 to index
    %swap3A_146 = arith.constant 0 : index
    %swap3A_147 = tpu.vector_load %arg9[%swap3A_145, %swap3A_146] {strides = array<i32>} : memref<64x64xbf16, #tpu.memory_space<vmem>>, vector<1x32xbf16>,
    %swap3A_148 = vector.shape_cast %swap3A_147 : vector<1x32xbf16> to vector<32xbf16>
    %swap3A_149 = vector.shape_cast %broadcast_in_dim3A_0 : vector<32xbf16> to vector<1x32xbf16>
    tpu.vector_store %arg9[%swap3A_145, %swap3A_146], %swap3A_149 {strides = array<i32>} : memref<64x64xbf16, #tpu.memory_space<vmem>>, vector<1x32xbf16>,
    %swap3A_150 = arith.constant 12 : i32
    %swap3A_151 = arith.index_cast %swap3A_150 : i32 to index
    %swap3A_152 = arith.constant 32 : index
    %swap3A_153 = tpu.vector_load %arg9[%swap3A_151, %swap3A_152] {strides = array<i32>} : memref<64x64xbf16, #tpu.memory_space<vmem>>, vector<1x32xbf16>,
    %swap3A_154 = vector.shape_cast %swap3A_153 : vector<1x32xbf16> to vector<32xbf16>
    %swap3A_155 = vector.shape_cast %broadcast_in_dim3A_0 : vector<32xbf16> to vector<1x32xbf16>
    tpu.vector_store %arg9[%swap3A_151, %swap3A_152], %swap3A_155 {strides = array<i32>} : memref<64x64xbf16, #tpu.memory_space<vmem>>, vector<1x32xbf16>,
    %swap3A_156 = arith.constant 13 : i32
    %swap3A_157 = arith.index_cast %swap3A_156 : i32 to index
    %swap3A_158 = arith.constant 0 : index
    %swap3A_159 = tpu.vector_load %arg9[%swap3A_157, %swap3A_158] {strides = array<i32>} : memref<64x64xbf16, #tpu.memory_space<vmem>>, vector<1x32xbf16>,
    %swap3A_160 = vector.shape_cast %swap3A_159 : vector<1x32xbf16> to vector<32xbf16>
    %swap3A_161 = vector.shape_cast %broadcast_in_dim3A_0 : vector<32xbf16> to vector<1x32xbf16>
    tpu.vector_store %arg9[%swap3A_157, %swap3A_158], %swap3A_161 {strides = array<i32>} : memref<64x64xbf16, #tpu.memory_space<vmem>>, vector<1x32xbf16>,
    %swap3A_162 = arith.constant 13 : i32
    %swap3A_163 = arith.index_cast %swap3A_162 : i32 to index
    %swap3A_164 = arith.constant 32 : index
    %swap3A_165 = tpu.vector_load %arg9[%swap3A_163, %swap3A_164] {strides = array<i32>} : memref<64x64xbf16, #tpu.memory_space<vmem>>, vector<1x32xbf16>,
    %swap3A_166 = vector.shape_cast %swap3A_165 : vector<1x32xbf16> to vector<32xbf16>
    %swap3A_167 = vector.shape_cast %broadcast_in_dim3A_0 : vector<32xbf16> to vector<1x32xbf16>
    tpu.vector_store %arg9[%swap3A_163, %swap3A_164], %swap3A_167 {strides = array<i32>} : memref<64x64xbf16, #tpu.memory_space<vmem>>, vector<1x32xbf16>,
    %swap3A_168 = arith.constant 14 : i32
    %swap3A_169 = arith.index_cast %swap3A_168 : i32 to index
    %swap3A_170 = arith.constant 0 : index
    %swap3A_171 = tpu.vector_load %arg9[%swap3A_169, %swap3A_170] {strides = array<i32>} : memref<64x64xbf16, #tpu.memory_space<vmem>>, vector<1x32xbf16>,
    %swap3A_172 = vector.shape_cast %swap3A_171 : vector<1x32xbf16> to vector<32xbf16>
    %swap3A_173 = vector.shape_cast %broadcast_in_dim3A_0 : vector<32xbf16> to vector<1x32xbf16>
    tpu.vector_store %arg9[%swap3A_169, %swap3A_170], %swap3A_173 {strides = array<i32>} : memref<64x64xbf16, #tpu.memory_space<vmem>>, vector<1x32xbf16>,
    %swap3A_174 = arith.constant 14 : i32
    %swap3A_175 = arith.index_cast %swap3A_174 : i32 to index
    %swap3A_176 = arith.constant 32 : index
    %swap3A_177 = tpu.vector_load %arg9[%swap3A_175, %swap3A_176] {strides = array<i32>} : memref<64x64xbf16, #tpu.memory_space<vmem>>, vector<1x32xbf16>,
    %swap3A_178 = vector.shape_cast %swap3A_177 : vector<1x32xbf16> to vector<32xbf16>
    %swap3A_179 = vector.shape_cast %broadcast_in_dim3A_0 : vector<32xbf16> to vector<1x32xbf16>
    tpu.vector_store %arg9[%swap3A_175, %swap3A_176], %swap3A_179 {strides = array<i32>} : memref<64x64xbf16, #tpu.memory_space<vmem>>, vector<1x32xbf16>,
    %swap3A_180 = arith.constant 15 : i32
    %swap3A_181 = arith.index_cast %swap3A_180 : i32 to index
    %swap3A_182 = arith.constant 0 : index
    %swap3A_183 = tpu.vector_load %arg9[%swap3A_181, %swap3A_182] {strides = array<i32>} : memref<64x64xbf16, #tpu.memory_space<vmem>>, vector<1x32xbf16>,
    %swap3A_184 = vector.shape_cast %swap3A_183 : vector<1x32xbf16> to vector<32xbf16>
    %swap3A_185 = vector.shape_cast %broadcast_in_dim3A_0 : vector<32xbf16> to vector<1x32xbf16>
    tpu.vector_store %arg9[%swap3A_181, %swap3A_182], %swap3A_185 {strides = array<i32>} : memref<64x64xbf16, #tpu.memory_space<vmem>>, vector<1x32xbf16>,
    %swap3A_186 = arith.constant 15 : i32
    %swap3A_187 = arith.index_cast %swap3A_186 : i32 to index
    %swap3A_188 = arith.constant 32 : index
    %swap3A_189 = tpu.vector_load %arg9[%swap3A_187, %swap3A_188] {strides = array<i32>} : memref<64x64xbf16, #tpu.memory_space<vmem>>, vector<1x32xbf16>,
    %swap3A_190 = vector.shape_cast %swap3A_189 : vector<1x32xbf16> to vector<32xbf16>
    %swap3A_191 = vector.shape_cast %broadcast_in_dim3A_0 : vector<32xbf16> to vector<1x32xbf16>
    tpu.vector_store %arg9[%swap3A_187, %swap3A_188], %swap3A_191 {strides = array<i32>} : memref<64x64xbf16, #tpu.memory_space<vmem>>, vector<1x32xbf16>,
    %swap3A_192 = arith.constant 16 : i32
    %swap3A_193 = arith.index_cast %swap3A_192 : i32 to index
    %swap3A_194 = arith.constant 0 : index
    %swap3A_195 = tpu.vector_load %arg9[%swap3A_193, %swap3A_194] {strides = array<i32>} : memref<64x64xbf16, #tpu.memory_space<vmem>>, vector<1x32xbf16>,
    %swap3A_196 = vector.shape_cast %swap3A_195 : vector<1x32xbf16> to vector<32xbf16>
    %swap3A_197 = vector.shape_cast %broadcast_in_dim3A_0 : vector<32xbf16> to vector<1x32xbf16>
    tpu.vector_store %arg9[%swap3A_193, %swap3A_194], %swap3A_197 {strides = array<i32>} : memref<64x64xbf16, #tpu.memory_space<vmem>>, vector<1x32xbf16>,
    %swap3A_198 = arith.constant 16 : i32
    %swap3A_199 = arith.index_cast %swap3A_198 : i32 to index
    %swap3A_200 = arith.constant 32 : index
    %swap3A_201 = tpu.vector_load %arg9[%swap3A_199, %swap3A_200] {strides = array<i32>} : memref<64x64xbf16, #tpu.memory_space<vmem>>, vector<1x32xbf16>,
    %swap3A_202 = vector.shape_cast %swap3A_201 : vector<1x32xbf16> to vector<32xbf16>
    %swap3A_203 = vector.shape_cast %broadcast_in_dim3A_0 : vector<32xbf16> to vector<1x32xbf16>
    tpu.vector_store %arg9[%swap3A_199, %swap3A_200], %swap3A_203 {strides = array<i32>} : memref<64x64xbf16, #tpu.memory_space<vmem>>, vector<1x32xbf16>,
    %swap3A_204 = arith.constant 17 : i32
    %swap3A_205 = arith.index_cast %swap3A_204 : i32 to index
    %swap3A_206 = arith.constant 0 : index
    %swap3A_207 = tpu.vector_load %arg9[%swap3A_205, %swap3A_206] {strides = array<i32>} : memref<64x64xbf16, #tpu.memory_space<vmem>>, vector<1x32xbf16>,
    %swap3A_208 = vector.shape_cast %swap3A_207 : vector<1x32xbf16> to vector<32xbf16>
    %swap3A_209 = vector.shape_cast %broadcast_in_dim3A_0 : vector<32xbf16> to vector<1x32xbf16>
    tpu.vector_store %arg9[%swap3A_205, %swap3A_206], %swap3A_209 {strides = array<i32>} : memref<64x64xbf16, #tpu.memory_space<vmem>>, vector<1x32xbf16>,
    %swap3A_210 = arith.constant 17 : i32
    %swap3A_211 = arith.index_cast %swap3A_210 : i32 to index
    %swap3A_212 = arith.constant 32 : index
    %swap3A_213 = tpu.vector_load %arg9[%swap3A_211, %swap3A_212] {strides = array<i32>} : memref<64x64xbf16, #tpu.memory_space<vmem>>, vector<1x32xbf16>,
    %swap3A_214 = vector.shape_cast %swap3A_213 : vector<1x32xbf16> to vector<32xbf16>
    %swap3A_215 = vector.shape_cast %broadcast_in_dim3A_0 : vector<32xbf16> to vector<1x32xbf16>
    tpu.vector_store %arg9[%swap3A_211, %swap3A_212], %swap3A_215 {strides = array<i32>} : memref<64x64xbf16, #tpu.memory_space<vmem>>, vector<1x32xbf16>,
    %swap3A_216 = arith.constant 18 : i32
    %swap3A_217 = arith.index_cast %swap3A_216 : i32 to index
    %swap3A_218 = arith.constant 0 : index
    %swap3A_219 = tpu.vector_load %arg9[%swap3A_217, %swap3A_218] {strides = array<i32>} : memref<64x64xbf16, #tpu.memory_space<vmem>>, vector<1x32xbf16>,
    %swap3A_220 = vector.shape_cast %swap3A_219 : vector<1x32xbf16> to vector<32xbf16>
    %swap3A_221 = vector.shape_cast %broadcast_in_dim3A_0 : vector<32xbf16> to vector<1x32xbf16>
    tpu.vector_store %arg9[%swap3A_217, %swap3A_218], %swap3A_221 {strides = array<i32>} : memref<64x64xbf16, #tpu.memory_space<vmem>>, vector<1x32xbf16>,
    %swap3A_222 = arith.constant 18 : i32
    %swap3A_223 = arith.index_cast %swap3A_222 : i32 to index
    %swap3A_224 = arith.constant 32 : index
    %swap3A_225 = tpu.vector_load %arg9[%swap3A_223, %swap3A_224] {strides = array<i32>} : memref<64x64xbf16, #tpu.memory_space<vmem>>, vector<1x32xbf16>,
    %swap3A_226 = vector.shape_cast %swap3A_225 : vector<1x32xbf16> to vector<32xbf16>
    %swap3A_227 = vector.shape_cast %broadcast_in_dim3A_0 : vector<32xbf16> to vector<1x32xbf16>
    tpu.vector_store %arg9[%swap3A_223, %swap3A_224], %swap3A_227 {strides = array<i32>} : memref<64x64xbf16, #tpu.memory_space<vmem>>, vector<1x32xbf16>,
    %swap3A_228 = arith.constant 19 : i32
    %swap3A_229 = arith.index_cast %swap3A_228 : i32 to index
    %swap3A_230 = arith.constant 0 : index
    %swap3A_231 = tpu.vector_load %arg9[%swap3A_229, %swap3A_230] {strides = array<i32>} : memref<64x64xbf16, #tpu.memory_space<vmem>>, vector<1x32xbf16>,
    %swap3A_232 = vector.shape_cast %swap3A_231 : vector<1x32xbf16> to vector<32xbf16>
    %swap3A_233 = vector.shape_cast %broadcast_in_dim3A_0 : vector<32xbf16> to vector<1x32xbf16>
    tpu.vector_store %arg9[%swap3A_229, %swap3A_230], %swap3A_233 {strides = array<i32>} : memref<64x64xbf16, #tpu.memory_space<vmem>>, vector<1x32xbf16>,
    %swap3A_234 = arith.constant 19 : i32
    %swap3A_235 = arith.index_cast %swap3A_234 : i32 to index
    %swap3A_236 = arith.constant 32 : index
    %swap3A_237 = tpu.vector_load %arg9[%swap3A_235, %swap3A_236] {strides = array<i32>} : memref<64x64xbf16, #tpu.memory_space<vmem>>, vector<1x32xbf16>,
    %swap3A_238 = vector.shape_cast %swap3A_237 : vector<1x32xbf16> to vector<32xbf16>
    %swap3A_239 = vector.shape_cast %broadcast_in_dim3A_0 : vector<32xbf16> to vector<1x32xbf16>
    tpu.vector_store %arg9[%swap3A_235, %swap3A_236], %swap3A_239 {strides = array<i32>} : memref<64x64xbf16, #tpu.memory_space<vmem>>, vector<1x32xbf16>,
    %swap3A_240 = arith.constant 20 : i32
    %swap3A_241 = arith.index_cast %swap3A_240 : i32 to index
    %swap3A_242 = arith.constant 0 : index
    %swap3A_243 = tpu.vector_load %arg9[%swap3A_241, %swap3A_242] {strides = array<i32>} : memref<64x64xbf16, #tpu.memory_space<vmem>>, vector<1x32xbf16>,
    %swap3A_244 = vector.shape_cast %swap3A_243 : vector<1x32xbf16> to vector<32xbf16>
    %swap3A_245 = vector.shape_cast %broadcast_in_dim3A_0 : vector<32xbf16> to vector<1x32xbf16>
    tpu.vector_store %arg9[%swap3A_241, %swap3A_242], %swap3A_245 {strides = array<i32>} : memref<64x64xbf16, #tpu.memory_space<vmem>>, vector<1x32xbf16>,
    %swap3A_246 = arith.constant 20 : i32
    %swap3A_247 = arith.index_cast %swap3A_246 : i32 to index
    %swap3A_248 = arith.constant 32 : index
    %swap3A_249 = tpu.vector_load %arg9[%swap3A_247, %swap3A_248] {strides = array<i32>} : memref<64x64xbf16, #tpu.memory_space<vmem>>, vector<1x32xbf16>,
    %swap3A_250 = vector.shape_cast %swap3A_249 : vector<1x32xbf16> to vector<32xbf16>
    %swap3A_251 = vector.shape_cast %broadcast_in_dim3A_0 : vector<32xbf16> to vector<1x32xbf16>
    tpu.vector_store %arg9[%swap3A_247, %swap3A_248], %swap3A_251 {strides = array<i32>} : memref<64x64xbf16, #tpu.memory_space<vmem>>, vector<1x32xbf16>,
    %swap3A_252 = arith.constant 21 : i32
    %swap3A_253 = arith.index_cast %swap3A_252 : i32 to index
    %swap3A_254 = arith.constant 0 : index
    %swap3A_255 = tpu.vector_load %arg9[%swap3A_253, %swap3A_254] {strides = array<i32>} : memref<64x64xbf16, #tpu.memory_space<vmem>>, vector<1x32xbf16>,
    %swap3A_256 = vector.shape_cast %swap3A_255 : vector<1x32xbf16> to vector<32xbf16>
    %swap3A_257 = vector.shape_cast %broadcast_in_dim3A_0 : vector<32xbf16> to vector<1x32xbf16>
    tpu.vector_store %arg9[%swap3A_253, %swap3A_254], %swap3A_257 {strides = array<i32>} : memref<64x64xbf16, #tpu.memory_space<vmem>>, vector<1x32xbf16>,
    %swap3A_258 = arith.constant 21 : i32
    %swap3A_259 = arith.index_cast %swap3A_258 : i32 to index
    %swap3A_260 = arith.constant 32 : index
    %swap3A_261 = tpu.vector_load %arg9[%swap3A_259, %swap3A_260] {strides = array<i32>} : memref<64x64xbf16, #tpu.memory_space<vmem>>, vector<1x32xbf16>,
    %swap3A_262 = vector.shape_cast %swap3A_261 : vector<1x32xbf16> to vector<32xbf16>
    %swap3A_263 = vector.shape_cast %broadcast_in_dim3A_0 : vector<32xbf16> to vector<1x32xbf16>
    tpu.vector_store %arg9[%swap3A_259, %swap3A_260], %swap3A_263 {strides = array<i32>} : memref<64x64xbf16, #tpu.memory_space<vmem>>, vector<1x32xbf16>,
    %swap3A_264 = arith.constant 22 : i32
    %swap3A_265 = arith.index_cast %swap3A_264 : i32 to index
    %swap3A_266 = arith.constant 0 : index
    %swap3A_267 = tpu.vector_load %arg9[%swap3A_265, %swap3A_266] {strides = array<i32>} : memref<64x64xbf16, #tpu.memory_space<vmem>>, vector<1x32xbf16>,
    %swap3A_268 = vector.shape_cast %swap3A_267 : vector<1x32xbf16> to vector<32xbf16>
    %swap3A_269 = vector.shape_cast %broadcast_in_dim3A_0 : vector<32xbf16> to vector<1x32xbf16>
    tpu.vector_store %arg9[%swap3A_265, %swap3A_266], %swap3A_269 {strides = array<i32>} : memref<64x64xbf16, #tpu.memory_space<vmem>>, vector<1x32xbf16>,
    %swap3A_270 = arith.constant 22 : i32
    %swap3A_271 = arith.index_cast %swap3A_270 : i32 to index
    %swap3A_272 = arith.constant 32 : index
    %swap3A_273 = tpu.vector_load %arg9[%swap3A_271, %swap3A_272] {strides = array<i32>} : memref<64x64xbf16, #tpu.memory_space<vmem>>, vector<1x32xbf16>,
    %swap3A_274 = vector.shape_cast %swap3A_273 : vector<1x32xbf16> to vector<32xbf16>
    %swap3A_275 = vector.shape_cast %broadcast_in_dim3A_0 : vector<32xbf16> to vector<1x32xbf16>
    tpu.vector_store %arg9[%swap3A_271, %swap3A_272], %swap3A_275 {strides = array<i32>} : memref<64x64xbf16, #tpu.memory_space<vmem>>, vector<1x32xbf16>,
    %swap3A_276 = arith.constant 23 : i32
    %swap3A_277 = arith.index_cast %swap3A_276 : i32 to index
    %swap3A_278 = arith.constant 0 : index
    %swap3A_279 = tpu.vector_load %arg9[%swap3A_277, %swap3A_278] {strides = array<i32>} : memref<64x64xbf16, #tpu.memory_space<vmem>>, vector<1x32xbf16>,
    %swap3A_280 = vector.shape_cast %swap3A_279 : vector<1x32xbf16> to vector<32xbf16>
    %swap3A_281 = vector.shape_cast %broadcast_in_dim3A_0 : vector<32xbf16> to vector<1x32xbf16>
    tpu.vector_store %arg9[%swap3A_277, %swap3A_278], %swap3A_281 {strides = array<i32>} : memref<64x64xbf16, #tpu.memory_space<vmem>>, vector<1x32xbf16>,
    %swap3A_282 = arith.constant 23 : i32
    %swap3A_283 = arith.index_cast %swap3A_282 : i32 to index
    %swap3A_284 = arith.constant 32 : index
    %swap3A_285 = tpu.vector_load %arg9[%swap3A_283, %swap3A_284] {strides = array<i32>} : memref<64x64xbf16, #tpu.memory_space<vmem>>, vector<1x32xbf16>,
    %swap3A_286 = vector.shape_cast %swap3A_285 : vector<1x32xbf16> to vector<32xbf16>
    %swap3A_287 = vector.shape_cast %broadcast_in_dim3A_0 : vector<32xbf16> to vector<1x32xbf16>
    tpu.vector_store %arg9[%swap3A_283, %swap3A_284], %swap3A_287 {strides = array<i32>} : memref<64x64xbf16, #tpu.memory_space<vmem>>, vector<1x32xbf16>,
    %swap3A_288 = arith.constant 24 : i32
    %swap3A_289 = arith.index_cast %swap3A_288 : i32 to index
    %swap3A_290 = arith.constant 0 : index
    %swap3A_291 = tpu.vector_load %arg9[%swap3A_289, %swap3A_290] {strides = array<i32>} : memref<64x64xbf16, #tpu.memory_space<vmem>>, vector<1x32xbf16>,
    %swap3A_292 = vector.shape_cast %swap3A_291 : vector<1x32xbf16> to vector<32xbf16>
    %swap3A_293 = vector.shape_cast %broadcast_in_dim3A_0 : vector<32xbf16> to vector<1x32xbf16>
    tpu.vector_store %arg9[%swap3A_289, %swap3A_290], %swap3A_293 {strides = array<i32>} : memref<64x64xbf16, #tpu.memory_space<vmem>>, vector<1x32xbf16>,
    %swap3A_294 = arith.constant 24 : i32
    %swap3A_295 = arith.index_cast %swap3A_294 : i32 to index
    %swap3A_296 = arith.constant 32 : index
    %swap3A_297 = tpu.vector_load %arg9[%swap3A_295, %swap3A_296] {strides = array<i32>} : memref<64x64xbf16, #tpu.memory_space<vmem>>, vector<1x32xbf16>,
    %swap3A_298 = vector.shape_cast %swap3A_297 : vector<1x32xbf16> to vector<32xbf16>
    %swap3A_299 = vector.shape_cast %broadcast_in_dim3A_0 : vector<32xbf16> to vector<1x32xbf16>
    tpu.vector_store %arg9[%swap3A_295, %swap3A_296], %swap3A_299 {strides = array<i32>} : memref<64x64xbf16, #tpu.memory_space<vmem>>, vector<1x32xbf16>,
    %swap3A_300 = arith.constant 25 : i32
    %swap3A_301 = arith.index_cast %swap3A_300 : i32 to index
    %swap3A_302 = arith.constant 0 : index
    %swap3A_303 = tpu.vector_load %arg9[%swap3A_301, %swap3A_302] {strides = array<i32>} : memref<64x64xbf16, #tpu.memory_space<vmem>>, vector<1x32xbf16>,
    %swap3A_304 = vector.shape_cast %swap3A_303 : vector<1x32xbf16> to vector<32xbf16>
    %swap3A_305 = vector.shape_cast %broadcast_in_dim3A_0 : vector<32xbf16> to vector<1x32xbf16>
    tpu.vector_store %arg9[%swap3A_301, %swap3A_302], %swap3A_305 {strides = array<i32>} : memref<64x64xbf16, #tpu.memory_space<vmem>>, vector<1x32xbf16>,
    %swap3A_306 = arith.constant 25 : i32
    %swap3A_307 = arith.index_cast %swap3A_306 : i32 to index
    %swap3A_308 = arith.constant 32 : index
    %swap3A_309 = tpu.vector_load %arg9[%swap3A_307, %swap3A_308] {strides = array<i32>} : memref<64x64xbf16, #tpu.memory_space<vmem>>, vector<1x32xbf16>,
    %swap3A_310 = vector.shape_cast %swap3A_309 : vector<1x32xbf16> to vector<32xbf16>
    %swap3A_311 = vector.shape_cast %broadcast_in_dim3A_0 : vector<32xbf16> to vector<1x32xbf16>
    tpu.vector_store %arg9[%swap3A_307, %swap3A_308], %swap3A_311 {strides = array<i32>} : memref<64x64xbf16, #tpu.memory_space<vmem>>, vector<1x32xbf16>,
    %swap3A_312 = arith.constant 26 : i32
    %swap3A_313 = arith.index_cast %swap3A_312 : i32 to index
    %swap3A_314 = arith.constant 0 : index
    %swap3A_315 = tpu.vector_load %arg9[%swap3A_313, %swap3A_314] {strides = array<i32>} : memref<64x64xbf16, #tpu.memory_space<vmem>>, vector<1x32xbf16>,
    %swap3A_316 = vector.shape_cast %swap3A_315 : vector<1x32xbf16> to vector<32xbf16>
    %swap3A_317 = vector.shape_cast %broadcast_in_dim3A_0 : vector<32xbf16> to vector<1x32xbf16>
    tpu.vector_store %arg9[%swap3A_313, %swap3A_314], %swap3A_317 {strides = array<i32>} : memref<64x64xbf16, #tpu.memory_space<vmem>>, vector<1x32xbf16>,
    %swap3A_318 = arith.constant 26 : i32
    %swap3A_319 = arith.index_cast %swap3A_318 : i32 to index
    %swap3A_320 = arith.constant 32 : index
    %swap3A_321 = tpu.vector_load %arg9[%swap3A_319, %swap3A_320] {strides = array<i32>} : memref<64x64xbf16, #tpu.memory_space<vmem>>, vector<1x32xbf16>,
    %swap3A_322 = vector.shape_cast %swap3A_321 : vector<1x32xbf16> to vector<32xbf16>
    %swap3A_323 = vector.shape_cast %broadcast_in_dim3A_0 : vector<32xbf16> to vector<1x32xbf16>
    tpu.vector_store %arg9[%swap3A_319, %swap3A_320], %swap3A_323 {strides = array<i32>} : memref<64x64xbf16, #tpu.memory_space<vmem>>, vector<1x32xbf16>,
    %swap3A_324 = arith.constant 27 : i32
    %swap3A_325 = arith.index_cast %swap3A_324 : i32 to index
    %swap3A_326 = arith.constant 0 : index
    %swap3A_327 = tpu.vector_load %arg9[%swap3A_325, %swap3A_326] {strides = array<i32>} : memref<64x64xbf16, #tpu.memory_space<vmem>>, vector<1x32xbf16>,
    %swap3A_328 = vector.shape_cast %swap3A_327 : vector<1x32xbf16> to vector<32xbf16>
    %swap3A_329 = vector.shape_cast %broadcast_in_dim3A_0 : vector<32xbf16> to vector<1x32xbf16>
    tpu.vector_store %arg9[%swap3A_325, %swap3A_326], %swap3A_329 {strides = array<i32>} : memref<64x64xbf16, #tpu.memory_space<vmem>>, vector<1x32xbf16>,
    %swap3A_330 = arith.constant 27 : i32
    %swap3A_331 = arith.index_cast %swap3A_330 : i32 to index
    %swap3A_332 = arith.constant 32 : index
    %swap3A_333 = tpu.vector_load %arg9[%swap3A_331, %swap3A_332] {strides = array<i32>} : memref<64x64xbf16, #tpu.memory_space<vmem>>, vector<1x32xbf16>,
    %swap3A_334 = vector.shape_cast %swap3A_333 : vector<1x32xbf16> to vector<32xbf16>
    %swap3A_335 = vector.shape_cast %broadcast_in_dim3A_0 : vector<32xbf16> to vector<1x32xbf16>
    tpu.vector_store %arg9[%swap3A_331, %swap3A_332], %swap3A_335 {strides = array<i32>} : memref<64x64xbf16, #tpu.memory_space<vmem>>, vector<1x32xbf16>,
    %swap3A_336 = arith.constant 28 : i32
    %swap3A_337 = arith.index_cast %swap3A_336 : i32 to index
    %swap3A_338 = arith.constant 0 : index
    %swap3A_339 = tpu.vector_load %arg9[%swap3A_337, %swap3A_338] {strides = array<i32>} : memref<64x64xbf16, #tpu.memory_space<vmem>>, vector<1x32xbf16>,
    %swap3A_340 = vector.shape_cast %swap3A_339 : vector<1x32xbf16> to vector<32xbf16>
    %swap3A_341 = vector.shape_cast %broadcast_in_dim3A_0 : vector<32xbf16> to vector<1x32xbf16>
    tpu.vector_store %arg9[%swap3A_337, %swap3A_338], %swap3A_341 {strides = array<i32>} : memref<64x64xbf16, #tpu.memory_space<vmem>>, vector<1x32xbf16>,
    %swap3A_342 = arith.constant 28 : i32
    %swap3A_343 = arith.index_cast %swap3A_342 : i32 to index
    %swap3A_344 = arith.constant 32 : index
    %swap3A_345 = tpu.vector_load %arg9[%swap3A_343, %swap3A_344] {strides = array<i32>} : memref<64x64xbf16, #tpu.memory_space<vmem>>, vector<1x32xbf16>,
    %swap3A_346 = vector.shape_cast %swap3A_345 : vector<1x32xbf16> to vector<32xbf16>
    %swap3A_347 = vector.shape_cast %broadcast_in_dim3A_0 : vector<32xbf16> to vector<1x32xbf16>
    tpu.vector_store %arg9[%swap3A_343, %swap3A_344], %swap3A_347 {strides = array<i32>} : memref<64x64xbf16, #tpu.memory_space<vmem>>, vector<1x32xbf16>,
    %swap3A_348 = arith.constant 29 : i32
    %swap3A_349 = arith.index_cast %swap3A_348 : i32 to index
    %swap3A_350 = arith.constant 0 : index
    %swap3A_351 = tpu.vector_load %arg9[%swap3A_349, %swap3A_350] {strides = array<i32>} : memref<64x64xbf16, #tpu.memory_space<vmem>>, vector<1x32xbf16>,
    %swap3A_352 = vector.shape_cast %swap3A_351 : vector<1x32xbf16> to vector<32xbf16>
    %swap3A_353 = vector.shape_cast %broadcast_in_dim3A_0 : vector<32xbf16> to vector<1x32xbf16>
    tpu.vector_store %arg9[%swap3A_349, %swap3A_350], %swap3A_353 {strides = array<i32>} : memref<64x64xbf16, #tpu.memory_space<vmem>>, vector<1x32xbf16>,
    %swap3A_354 = arith.constant 29 : i32
    %swap3A_355 = arith.index_cast %swap3A_354 : i32 to index
    %swap3A_356 = arith.constant 32 : index
    %swap3A_357 = tpu.vector_load %arg9[%swap3A_355, %swap3A_356] {strides = array<i32>} : memref<64x64xbf16, #tpu.memory_space<vmem>>, vector<1x32xbf16>,
    %swap3A_358 = vector.shape_cast %swap3A_357 : vector<1x32xbf16> to vector<32xbf16>
    %swap3A_359 = vector.shape_cast %broadcast_in_dim3A_0 : vector<32xbf16> to vector<1x32xbf16>
    tpu.vector_store %arg9[%swap3A_355, %swap3A_356], %swap3A_359 {strides = array<i32>} : memref<64x64xbf16, #tpu.memory_space<vmem>>, vector<1x32xbf16>,
    %swap3A_360 = arith.constant 30 : i32
    %swap3A_361 = arith.index_cast %swap3A_360 : i32 to index
    %swap3A_362 = arith.constant 0 : index
    %swap3A_363 = tpu.vector_load %arg9[%swap3A_361, %swap3A_362] {strides = array<i32>} : memref<64x64xbf16, #tpu.memory_space<vmem>>, vector<1x32xbf16>,
    %swap3A_364 = vector.shape_cast %swap3A_363 : vector<1x32xbf16> to vector<32xbf16>
    %swap3A_365 = vector.shape_cast %broadcast_in_dim3A_0 : vector<32xbf16> to vector<1x32xbf16>
    tpu.vector_store %arg9[%swap3A_361, %swap3A_362], %swap3A_365 {strides = array<i32>} : memref<64x64xbf16, #tpu.memory_space<vmem>>, vector<1x32xbf16>,
    %swap3A_366 = arith.constant 30 : i32
    %swap3A_367 = arith.index_cast %swap3A_366 : i32 to index
    %swap3A_368 = arith.constant 32 : index
    %swap3A_369 = tpu.vector_load %arg9[%swap3A_367, %swap3A_368] {strides = array<i32>} : memref<64x64xbf16, #tpu.memory_space<vmem>>, vector<1x32xbf16>,
    %swap3A_370 = vector.shape_cast %swap3A_369 : vector<1x32xbf16> to vector<32xbf16>
    %swap3A_371 = vector.shape_cast %broadcast_in_dim3A_0 : vector<32xbf16> to vector<1x32xbf16>
    tpu.vector_store %arg9[%swap3A_367, %swap3A_368], %swap3A_371 {strides = array<i32>} : memref<64x64xbf16, #tpu.memory_space<vmem>>, vector<1x32xbf16>,
    %swap3A_372 = arith.constant 31 : i32
    %swap3A_373 = arith.index_cast %swap3A_372 : i32 to index
    %swap3A_374 = arith.constant 0 : index
    %swap3A_375 = tpu.vector_load %arg9[%swap3A_373, %swap3A_374] {strides = array<i32>} : memref<64x64xbf16, #tpu.memory_space<vmem>>, vector<1x32xbf16>,
    %swap3A_376 = vector.shape_cast %swap3A_375 : vector<1x32xbf16> to vector<32xbf16>
    %swap3A_377 = vector.shape_cast %broadcast_in_dim3A_0 : vector<32xbf16> to vector<1x32xbf16>
    tpu.vector_store %arg9[%swap3A_373, %swap3A_374], %swap3A_377 {strides = array<i32>} : memref<64x64xbf16, #tpu.memory_space<vmem>>, vector<1x32xbf16>,
    %swap3A_378 = arith.constant 31 : i32
    %swap3A_379 = arith.index_cast %swap3A_378 : i32 to index
    %swap3A_380 = arith.constant 32 : index
    %swap3A_381 = tpu.vector_load %arg9[%swap3A_379, %swap3A_380] {strides = array<i32>} : memref<64x64xbf16, #tpu.memory_space<vmem>>, vector<1x32xbf16>,
    %swap3A_382 = vector.shape_cast %swap3A_381 : vector<1x32xbf16> to vector<32xbf16>
    %swap3A_383 = vector.shape_cast %broadcast_in_dim3A_0 : vector<32xbf16> to vector<1x32xbf16>
    tpu.vector_store %arg9[%swap3A_379, %swap3A_380], %swap3A_383 {strides = array<i32>} : memref<64x64xbf16, #tpu.memory_space<vmem>>, vector<1x32xbf16>,
    %swap3A_384 = arith.constant 32 : i32
    %swap3A_385 = arith.index_cast %swap3A_384 : i32 to index
    %swap3A_386 = arith.constant 0 : index
    %swap3A_387 = tpu.vector_load %arg9[%swap3A_385, %swap3A_386] {strides = array<i32>} : memref<64x64xbf16, #tpu.memory_space<vmem>>, vector<1x32xbf16>,
    %swap3A_388 = vector.shape_cast %swap3A_387 : vector<1x32xbf16> to vector<32xbf16>
    %swap3A_389 = vector.shape_cast %broadcast_in_dim3A_0 : vector<32xbf16> to vector<1x32xbf16>
    tpu.vector_store %arg9[%swap3A_385, %swap3A_386], %swap3A_389 {strides = array<i32>} : memref<64x64xbf16, #tpu.memory_space<vmem>>, vector<1x32xbf16>,
    %swap3A_390 = arith.constant 32 : i32
    %swap3A_391 = arith.index_cast %swap3A_390 : i32 to index
    %swap3A_392 = arith.constant 32 : index
    %swap3A_393 = tpu.vector_load %arg9[%swap3A_391, %swap3A_392] {strides = array<i32>} : memref<64x64xbf16, #tpu.memory_space<vmem>>, vector<1x32xbf16>,
    %swap3A_394 = vector.shape_cast %swap3A_393 : vector<1x32xbf16> to vector<32xbf16>
    %swap3A_395 = vector.shape_cast %broadcast_in_dim3A_0 : vector<32xbf16> to vector<1x32xbf16>
    tpu.vector_store %arg9[%swap3A_391, %swap3A_392], %swap3A_395 {strides = array<i32>} : memref<64x64xbf16, #tpu.memory_space<vmem>>, vector<1x32xbf16>,
    %swap3A_396 = arith.constant 33 : i32
    %swap3A_397 = arith.index_cast %swap3A_396 : i32 to index
    %swap3A_398 = arith.constant 0 : index
    %swap3A_399 = tpu.vector_load %arg9[%swap3A_397, %swap3A_398] {strides = array<i32>} : memref<64x64xbf16, #tpu.memory_space<vmem>>, vector<1x32xbf16>,
    %swap3A_400 = vector.shape_cast %swap3A_399 : vector<1x32xbf16> to vector<32xbf16>
    %swap3A_401 = vector.shape_cast %broadcast_in_dim3A_0 : vector<32xbf16> to vector<1x32xbf16>
    tpu.vector_store %arg9[%swap3A_397, %swap3A_398], %swap3A_401 {strides = array<i32>} : memref<64x64xbf16, #tpu.memory_space<vmem>>, vector<1x32xbf16>,
    %swap3A_402 = arith.constant 33 : i32
    %swap3A_403 = arith.index_cast %swap3A_402 : i32 to index
    %swap3A_404 = arith.constant 32 : index
    %swap3A_405 = tpu.vector_load %arg9[%swap3A_403, %swap3A_404] {strides = array<i32>} : memref<64x64xbf16, #tpu.memory_space<vmem>>, vector<1x32xbf16>,
    %swap3A_406 = vector.shape_cast %swap3A_405 : vector<1x32xbf16> to vector<32xbf16>
    %swap3A_407 = vector.shape_cast %broadcast_in_dim3A_0 : vector<32xbf16> to vector<1x32xbf16>
    tpu.vector_store %arg9[%swap3A_403, %swap3A_404], %swap3A_407 {strides = array<i32>} : memref<64x64xbf16, #tpu.memory_space<vmem>>, vector<1x32xbf16>,
    %swap3A_408 = arith.constant 34 : i32
    %swap3A_409 = arith.index_cast %swap3A_408 : i32 to index
    %swap3A_410 = arith.constant 0 : index
    %swap3A_411 = tpu.vector_load %arg9[%swap3A_409, %swap3A_410] {strides = array<i32>} : memref<64x64xbf16, #tpu.memory_space<vmem>>, vector<1x32xbf16>,
    %swap3A_412 = vector.shape_cast %swap3A_411 : vector<1x32xbf16> to vector<32xbf16>
    %swap3A_413 = vector.shape_cast %broadcast_in_dim3A_0 : vector<32xbf16> to vector<1x32xbf16>
    tpu.vector_store %arg9[%swap3A_409, %swap3A_410], %swap3A_413 {strides = array<i32>} : memref<64x64xbf16, #tpu.memory_space<vmem>>, vector<1x32xbf16>,
    %swap3A_414 = arith.constant 34 : i32
    %swap3A_415 = arith.index_cast %swap3A_414 : i32 to index
    %swap3A_416 = arith.constant 32 : index
    %swap3A_417 = tpu.vector_load %arg9[%swap3A_415, %swap3A_416] {strides = array<i32>} : memref<64x64xbf16, #tpu.memory_space<vmem>>, vector<1x32xbf16>,
    %swap3A_418 = vector.shape_cast %swap3A_417 : vector<1x32xbf16> to vector<32xbf16>
    %swap3A_419 = vector.shape_cast %broadcast_in_dim3A_0 : vector<32xbf16> to vector<1x32xbf16>
    tpu.vector_store %arg9[%swap3A_415, %swap3A_416], %swap3A_419 {strides = array<i32>} : memref<64x64xbf16, #tpu.memory_space<vmem>>, vector<1x32xbf16>,
    %swap3A_420 = arith.constant 35 : i32
    %swap3A_421 = arith.index_cast %swap3A_420 : i32 to index
    %swap3A_422 = arith.constant 0 : index
    %swap3A_423 = tpu.vector_load %arg9[%swap3A_421, %swap3A_422] {strides = array<i32>} : memref<64x64xbf16, #tpu.memory_space<vmem>>, vector<1x32xbf16>,
    %swap3A_424 = vector.shape_cast %swap3A_423 : vector<1x32xbf16> to vector<32xbf16>
    %swap3A_425 = vector.shape_cast %broadcast_in_dim3A_0 : vector<32xbf16> to vector<1x32xbf16>
    tpu.vector_store %arg9[%swap3A_421, %swap3A_422], %swap3A_425 {strides = array<i32>} : memref<64x64xbf16, #tpu.memory_space<vmem>>, vector<1x32xbf16>,
    %swap3A_426 = arith.constant 35 : i32
    %swap3A_427 = arith.index_cast %swap3A_426 : i32 to index
    %swap3A_428 = arith.constant 32 : index
    %swap3A_429 = tpu.vector_load %arg9[%swap3A_427, %swap3A_428] {strides = array<i32>} : memref<64x64xbf16, #tpu.memory_space<vmem>>, vector<1x32xbf16>,
    %swap3A_430 = vector.shape_cast %swap3A_429 : vector<1x32xbf16> to vector<32xbf16>
    %swap3A_431 = vector.shape_cast %broadcast_in_dim3A_0 : vector<32xbf16> to vector<1x32xbf16>
    tpu.vector_store %arg9[%swap3A_427, %swap3A_428], %swap3A_431 {strides = array<i32>} : memref<64x64xbf16, #tpu.memory_space<vmem>>, vector<1x32xbf16>,
    %swap3A_432 = arith.constant 36 : i32
    %swap3A_433 = arith.index_cast %swap3A_432 : i32 to index
    %swap3A_434 = arith.constant 0 : index
    %swap3A_435 = tpu.vector_load %arg9[%swap3A_433, %swap3A_434] {strides = array<i32>} : memref<64x64xbf16, #tpu.memory_space<vmem>>, vector<1x32xbf16>,
    %swap3A_436 = vector.shape_cast %swap3A_435 : vector<1x32xbf16> to vector<32xbf16>
    %swap3A_437 = vector.shape_cast %broadcast_in_dim3A_0 : vector<32xbf16> to vector<1x32xbf16>
    tpu.vector_store %arg9[%swap3A_433, %swap3A_434], %swap3A_437 {strides = array<i32>} : memref<64x64xbf16, #tpu.memory_space<vmem>>, vector<1x32xbf16>,
    %swap3A_438 = arith.constant 36 : i32
    %swap3A_439 = arith.index_cast %swap3A_438 : i32 to index
    %swap3A_440 = arith.constant 32 : index
    %swap3A_441 = tpu.vector_load %arg9[%swap3A_439, %swap3A_440] {strides = array<i32>} : memref<64x64xbf16, #tpu.memory_space<vmem>>, vector<1x32xbf16>,
    %swap3A_442 = vector.shape_cast %swap3A_441 : vector<1x32xbf16> to vector<32xbf16>
    %swap3A_443 = vector.shape_cast %broadcast_in_dim3A_0 : vector<32xbf16> to vector<1x32xbf16>
    tpu.vector_store %arg9[%swap3A_439, %swap3A_440], %swap3A_443 {strides = array<i32>} : memref<64x64xbf16, #tpu.memory_space<vmem>>, vector<1x32xbf16>,
    %swap3A_444 = arith.constant 37 : i32
    %swap3A_445 = arith.index_cast %swap3A_444 : i32 to index
    %swap3A_446 = arith.constant 0 : index
    %swap3A_447 = tpu.vector_load %arg9[%swap3A_445, %swap3A_446] {strides = array<i32>} : memref<64x64xbf16, #tpu.memory_space<vmem>>, vector<1x32xbf16>,
    %swap3A_448 = vector.shape_cast %swap3A_447 : vector<1x32xbf16> to vector<32xbf16>
    %swap3A_449 = vector.shape_cast %broadcast_in_dim3A_0 : vector<32xbf16> to vector<1x32xbf16>
    tpu.vector_store %arg9[%swap3A_445, %swap3A_446], %swap3A_449 {strides = array<i32>} : memref<64x64xbf16, #tpu.memory_space<vmem>>, vector<1x32xbf16>,
    %swap3A_450 = arith.constant 37 : i32
    %swap3A_451 = arith.index_cast %swap3A_450 : i32 to index
    %swap3A_452 = arith.constant 32 : index
    %swap3A_453 = tpu.vector_load %arg9[%swap3A_451, %swap3A_452] {strides = array<i32>} : memref<64x64xbf16, #tpu.memory_space<vmem>>, vector<1x32xbf16>,
    %swap3A_454 = vector.shape_cast %swap3A_453 : vector<1x32xbf16> to vector<32xbf16>
    %swap3A_455 = vector.shape_cast %broadcast_in_dim3A_0 : vector<32xbf16> to vector<1x32xbf16>
    tpu.vector_store %arg9[%swap3A_451, %swap3A_452], %swap3A_455 {strides = array<i32>} : memref<64x64xbf16, #tpu.memory_space<vmem>>, vector<1x32xbf16>,
    %swap3A_456 = arith.constant 38 : i32
    %swap3A_457 = arith.index_cast %swap3A_456 : i32 to index
    %swap3A_458 = arith.constant 0 : index
    %swap3A_459 = tpu.vector_load %arg9[%swap3A_457, %swap3A_458] {strides = array<i32>} : memref<64x64xbf16, #tpu.memory_space<vmem>>, vector<1x32xbf16>,
    %swap3A_460 = vector.shape_cast %swap3A_459 : vector<1x32xbf16> to vector<32xbf16>
    %swap3A_461 = vector.shape_cast %broadcast_in_dim3A_0 : vector<32xbf16> to vector<1x32xbf16>
    tpu.vector_store %arg9[%swap3A_457, %swap3A_458], %swap3A_461 {strides = array<i32>} : memref<64x64xbf16, #tpu.memory_space<vmem>>, vector<1x32xbf16>,
    %swap3A_462 = arith.constant 38 : i32
    %swap3A_463 = arith.index_cast %swap3A_462 : i32 to index
    %swap3A_464 = arith.constant 32 : index
    %swap3A_465 = tpu.vector_load %arg9[%swap3A_463, %swap3A_464] {strides = array<i32>} : memref<64x64xbf16, #tpu.memory_space<vmem>>, vector<1x32xbf16>,
    %swap3A_466 = vector.shape_cast %swap3A_465 : vector<1x32xbf16> to vector<32xbf16>
    %swap3A_467 = vector.shape_cast %broadcast_in_dim3A_0 : vector<32xbf16> to vector<1x32xbf16>
    tpu.vector_store %arg9[%swap3A_463, %swap3A_464], %swap3A_467 {strides = array<i32>} : memref<64x64xbf16, #tpu.memory_space<vmem>>, vector<1x32xbf16>,
    %swap3A_468 = arith.constant 39 : i32
    %swap3A_469 = arith.index_cast %swap3A_468 : i32 to index
    %swap3A_470 = arith.constant 0 : index
    %swap3A_471 = tpu.vector_load %arg9[%swap3A_469, %swap3A_470] {strides = array<i32>} : memref<64x64xbf16, #tpu.memory_space<vmem>>, vector<1x32xbf16>,
    %swap3A_472 = vector.shape_cast %swap3A_471 : vector<1x32xbf16> to vector<32xbf16>
    %swap3A_473 = vector.shape_cast %broadcast_in_dim3A_0 : vector<32xbf16> to vector<1x32xbf16>
    tpu.vector_store %arg9[%swap3A_469, %swap3A_470], %swap3A_473 {strides = array<i32>} : memref<64x64xbf16, #tpu.memory_space<vmem>>, vector<1x32xbf16>,
    %swap3A_474 = arith.constant 39 : i32
    %swap3A_475 = arith.index_cast %swap3A_474 : i32 to index
    %swap3A_476 = arith.constant 32 : index
    %swap3A_477 = tpu.vector_load %arg9[%swap3A_475, %swap3A_476] {strides = array<i32>} : memref<64x64xbf16, #tpu.memory_space<vmem>>, vector<1x32xbf16>,
    %swap3A_478 = vector.shape_cast %swap3A_477 : vector<1x32xbf16> to vector<32xbf16>
    %swap3A_479 = vector.shape_cast %broadcast_in_dim3A_0 : vector<32xbf16> to vector<1x32xbf16>
    tpu.vector_store %arg9[%swap3A_475, %swap3A_476], %swap3A_479 {strides = array<i32>} : memref<64x64xbf16, #tpu.memory_space<vmem>>, vector<1x32xbf16>,
    %swap3A_480 = arith.constant 40 : i32
    %swap3A_481 = arith.index_cast %swap3A_480 : i32 to index
    %swap3A_482 = arith.constant 0 : index
    %swap3A_483 = tpu.vector_load %arg9[%swap3A_481, %swap3A_482] {strides = array<i32>} : memref<64x64xbf16, #tpu.memory_space<vmem>>, vector<1x32xbf16>,
    %swap3A_484 = vector.shape_cast %swap3A_483 : vector<1x32xbf16> to vector<32xbf16>
    %swap3A_485 = vector.shape_cast %broadcast_in_dim3A_0 : vector<32xbf16> to vector<1x32xbf16>
    tpu.vector_store %arg9[%swap3A_481, %swap3A_482], %swap3A_485 {strides = array<i32>} : memref<64x64xbf16, #tpu.memory_space<vmem>>, vector<1x32xbf16>,
    %swap3A_486 = arith.constant 40 : i32
    %swap3A_487 = arith.index_cast %swap3A_486 : i32 to index
    %swap3A_488 = arith.constant 32 : index
    %swap3A_489 = tpu.vector_load %arg9[%swap3A_487, %swap3A_488] {strides = array<i32>} : memref<64x64xbf16, #tpu.memory_space<vmem>>, vector<1x32xbf16>,
    %swap3A_490 = vector.shape_cast %swap3A_489 : vector<1x32xbf16> to vector<32xbf16>
    %swap3A_491 = vector.shape_cast %broadcast_in_dim3A_0 : vector<32xbf16> to vector<1x32xbf16>
    tpu.vector_store %arg9[%swap3A_487, %swap3A_488], %swap3A_491 {strides = array<i32>} : memref<64x64xbf16, #tpu.memory_space<vmem>>, vector<1x32xbf16>,
    %swap3A_492 = arith.constant 41 : i32
    %swap3A_493 = arith.index_cast %swap3A_492 : i32 to index
    %swap3A_494 = arith.constant 0 : index
    %swap3A_495 = tpu.vector_load %arg9[%swap3A_493, %swap3A_494] {strides = array<i32>} : memref<64x64xbf16, #tpu.memory_space<vmem>>, vector<1x32xbf16>,
    %swap3A_496 = vector.shape_cast %swap3A_495 : vector<1x32xbf16> to vector<32xbf16>
    %swap3A_497 = vector.shape_cast %broadcast_in_dim3A_0 : vector<32xbf16> to vector<1x32xbf16>
    tpu.vector_store %arg9[%swap3A_493, %swap3A_494], %swap3A_497 {strides = array<i32>} : memref<64x64xbf16, #tpu.memory_space<vmem>>, vector<1x32xbf16>,
    %swap3A_498 = arith.constant 41 : i32
    %swap3A_499 = arith.index_cast %swap3A_498 : i32 to index
    %swap3A_500 = arith.constant 32 : index
    %swap3A_501 = tpu.vector_load %arg9[%swap3A_499, %swap3A_500] {strides = array<i32>} : memref<64x64xbf16, #tpu.memory_space<vmem>>, vector<1x32xbf16>,
    %swap3A_502 = vector.shape_cast %swap3A_501 : vector<1x32xbf16> to vector<32xbf16>
    %swap3A_503 = vector.shape_cast %broadcast_in_dim3A_0 : vector<32xbf16> to vector<1x32xbf16>
    tpu.vector_store %arg9[%swap3A_499, %swap3A_500], %swap3A_503 {strides = array<i32>} : memref<64x64xbf16, #tpu.memory_space<vmem>>, vector<1x32xbf16>,
    %swap3A_504 = arith.constant 42 : i32
    %swap3A_505 = arith.index_cast %swap3A_504 : i32 to index
    %swap3A_506 = arith.constant 0 : index
    %swap3A_507 = tpu.vector_load %arg9[%swap3A_505, %swap3A_506] {strides = array<i32>} : memref<64x64xbf16, #tpu.memory_space<vmem>>, vector<1x32xbf16>,
    %swap3A_508 = vector.shape_cast %swap3A_507 : vector<1x32xbf16> to vector<32xbf16>
    %swap3A_509 = vector.shape_cast %broadcast_in_dim3A_0 : vector<32xbf16> to vector<1x32xbf16>
    tpu.vector_store %arg9[%swap3A_505, %swap3A_506], %swap3A_509 {strides = array<i32>} : memref<64x64xbf16, #tpu.memory_space<vmem>>, vector<1x32xbf16>,
    %swap3A_510 = arith.constant 42 : i32
    %swap3A_511 = arith.index_cast %swap3A_510 : i32 to index
    %swap3A_512 = arith.constant 32 : index
    %swap3A_513 = tpu.vector_load %arg9[%swap3A_511, %swap3A_512] {strides = array<i32>} : memref<64x64xbf16, #tpu.memory_space<vmem>>, vector<1x32xbf16>,
    %swap3A_514 = vector.shape_cast %swap3A_513 : vector<1x32xbf16> to vector<32xbf16>
    %swap3A_515 = vector.shape_cast %broadcast_in_dim3A_0 : vector<32xbf16> to vector<1x32xbf16>
    tpu.vector_store %arg9[%swap3A_511, %swap3A_512], %swap3A_515 {strides = array<i32>} : memref<64x64xbf16, #tpu.memory_space<vmem>>, vector<1x32xbf16>,
    %swap3A_516 = arith.constant 43 : i32
    %swap3A_517 = arith.index_cast %swap3A_516 : i32 to index
    %swap3A_518 = arith.constant 0 : index
    %swap3A_519 = tpu.vector_load %arg9[%swap3A_517, %swap3A_518] {strides = array<i32>} : memref<64x64xbf16, #tpu.memory_space<vmem>>, vector<1x32xbf16>,
    %swap3A_520 = vector.shape_cast %swap3A_519 : vector<1x32xbf16> to vector<32xbf16>
    %swap3A_521 = vector.shape_cast %broadcast_in_dim3A_0 : vector<32xbf16> to vector<1x32xbf16>
    tpu.vector_store %arg9[%swap3A_517, %swap3A_518], %swap3A_521 {strides = array<i32>} : memref<64x64xbf16, #tpu.memory_space<vmem>>, vector<1x32xbf16>,
    %swap3A_522 = arith.constant 43 : i32
    %swap3A_523 = arith.index_cast %swap3A_522 : i32 to index
    %swap3A_524 = arith.constant 32 : index
    %swap3A_525 = tpu.vector_load %arg9[%swap3A_523, %swap3A_524] {strides = array<i32>} : memref<64x64xbf16, #tpu.memory_space<vmem>>, vector<1x32xbf16>,
    %swap3A_526 = vector.shape_cast %swap3A_525 : vector<1x32xbf16> to vector<32xbf16>
    %swap3A_527 = vector.shape_cast %broadcast_in_dim3A_0 : vector<32xbf16> to vector<1x32xbf16>
    tpu.vector_store %arg9[%swap3A_523, %swap3A_524], %swap3A_527 {strides = array<i32>} : memref<64x64xbf16, #tpu.memory_space<vmem>>, vector<1x32xbf16>,
    %swap3A_528 = arith.constant 44 : i32
    %swap3A_529 = arith.index_cast %swap3A_528 : i32 to index
    %swap3A_530 = arith.constant 0 : index
    %swap3A_531 = tpu.vector_load %arg9[%swap3A_529, %swap3A_530] {strides = array<i32>} : memref<64x64xbf16, #tpu.memory_space<vmem>>, vector<1x32xbf16>,
    %swap3A_532 = vector.shape_cast %swap3A_531 : vector<1x32xbf16> to vector<32xbf16>
    %swap3A_533 = vector.shape_cast %broadcast_in_dim3A_0 : vector<32xbf16> to vector<1x32xbf16>
    tpu.vector_store %arg9[%swap3A_529, %swap3A_530], %swap3A_533 {strides = array<i32>} : memref<64x64xbf16, #tpu.memory_space<vmem>>, vector<1x32xbf16>,
    %swap3A_534 = arith.constant 44 : i32
    %swap3A_535 = arith.index_cast %swap3A_534 : i32 to index
    %swap3A_536 = arith.constant 32 : index
    %swap3A_537 = tpu.vector_load %arg9[%swap3A_535, %swap3A_536] {strides = array<i32>} : memref<64x64xbf16, #tpu.memory_space<vmem>>, vector<1x32xbf16>,
    %swap3A_538 = vector.shape_cast %swap3A_537 : vector<1x32xbf16> to vector<32xbf16>
    %swap3A_539 = vector.shape_cast %broadcast_in_dim3A_0 : vector<32xbf16> to vector<1x32xbf16>
    tpu.vector_store %arg9[%swap3A_535, %swap3A_536], %swap3A_539 {strides = array<i32>} : memref<64x64xbf16, #tpu.memory_space<vmem>>, vector<1x32xbf16>,
    %swap3A_540 = arith.constant 45 : i32
    %swap3A_541 = arith.index_cast %swap3A_540 : i32 to index
    %swap3A_542 = arith.constant 0 : index
    %swap3A_543 = tpu.vector_load %arg9[%swap3A_541, %swap3A_542] {strides = array<i32>} : memref<64x64xbf16, #tpu.memory_space<vmem>>, vector<1x32xbf16>,
    %swap3A_544 = vector.shape_cast %swap3A_543 : vector<1x32xbf16> to vector<32xbf16>
    %swap3A_545 = vector.shape_cast %broadcast_in_dim3A_0 : vector<32xbf16> to vector<1x32xbf16>
    tpu.vector_store %arg9[%swap3A_541, %swap3A_542], %swap3A_545 {strides = array<i32>} : memref<64x64xbf16, #tpu.memory_space<vmem>>, vector<1x32xbf16>,
    %swap3A_546 = arith.constant 45 : i32
    %swap3A_547 = arith.index_cast %swap3A_546 : i32 to index
    %swap3A_548 = arith.constant 32 : index
    %swap3A_549 = tpu.vector_load %arg9[%swap3A_547, %swap3A_548] {strides = array<i32>} : memref<64x64xbf16, #tpu.memory_space<vmem>>, vector<1x32xbf16>,
    %swap3A_550 = vector.shape_cast %swap3A_549 : vector<1x32xbf16> to vector<32xbf16>
    %swap3A_551 = vector.shape_cast %broadcast_in_dim3A_0 : vector<32xbf16> to vector<1x32xbf16>
    tpu.vector_store %arg9[%swap3A_547, %swap3A_548], %swap3A_551 {strides = array<i32>} : memref<64x64xbf16, #tpu.memory_space<vmem>>, vector<1x32xbf16>,
    %swap3A_552 = arith.constant 46 : i32
    %swap3A_553 = arith.index_cast %swap3A_552 : i32 to index
    %swap3A_554 = arith.constant 0 : index
    %swap3A_555 = tpu.vector_load %arg9[%swap3A_553, %swap3A_554] {strides = array<i32>} : memref<64x64xbf16, #tpu.memory_space<vmem>>, vector<1x32xbf16>,
    %swap3A_556 = vector.shape_cast %swap3A_555 : vector<1x32xbf16> to vector<32xbf16>
    %swap3A_557 = vector.shape_cast %broadcast_in_dim3A_0 : vector<32xbf16> to vector<1x32xbf16>
    tpu.vector_store %arg9[%swap3A_553, %swap3A_554], %swap3A_557 {strides = array<i32>} : memref<64x64xbf16, #tpu.memory_space<vmem>>, vector<1x32xbf16>,
    %swap3A_558 = arith.constant 46 : i32
    %swap3A_559 = arith.index_cast %swap3A_558 : i32 to index
    %swap3A_560 = arith.constant 32 : index
    %swap3A_561 = tpu.vector_load %arg9[%swap3A_559, %swap3A_560] {strides = array<i32>} : memref<64x64xbf16, #tpu.memory_space<vmem>>, vector<1x32xbf16>,
    %swap3A_562 = vector.shape_cast %swap3A_561 : vector<1x32xbf16> to vector<32xbf16>
    %swap3A_563 = vector.shape_cast %broadcast_in_dim3A_0 : vector<32xbf16> to vector<1x32xbf16>
    tpu.vector_store %arg9[%swap3A_559, %swap3A_560], %swap3A_563 {strides = array<i32>} : memref<64x64xbf16, #tpu.memory_space<vmem>>, vector<1x32xbf16>,
    %swap3A_564 = arith.constant 47 : i32
    %swap3A_565 = arith.index_cast %swap3A_564 : i32 to index
    %swap3A_566 = arith.constant 0 : index
    %swap3A_567 = tpu.vector_load %arg9[%swap3A_565, %swap3A_566] {strides = array<i32>} : memref<64x64xbf16, #tpu.memory_space<vmem>>, vector<1x32xbf16>,
    %swap3A_568 = vector.shape_cast %swap3A_567 : vector<1x32xbf16> to vector<32xbf16>
    %swap3A_569 = vector.shape_cast %broadcast_in_dim3A_0 : vector<32xbf16> to vector<1x32xbf16>
    tpu.vector_store %arg9[%swap3A_565, %swap3A_566], %swap3A_569 {strides = array<i32>} : memref<64x64xbf16, #tpu.memory_space<vmem>>, vector<1x32xbf16>,
    %swap3A_570 = arith.constant 47 : i32
    %swap3A_571 = arith.index_cast %swap3A_570 : i32 to index
    %swap3A_572 = arith.constant 32 : index
    %swap3A_573 = tpu.vector_load %arg9[%swap3A_571, %swap3A_572] {strides = array<i32>} : memref<64x64xbf16, #tpu.memory_space<vmem>>, vector<1x32xbf16>,
    %swap3A_574 = vector.shape_cast %swap3A_573 : vector<1x32xbf16> to vector<32xbf16>
    %swap3A_575 = vector.shape_cast %broadcast_in_dim3A_0 : vector<32xbf16> to vector<1x32xbf16>
    tpu.vector_store %arg9[%swap3A_571, %swap3A_572], %swap3A_575 {strides = array<i32>} : memref<64x64xbf16, #tpu.memory_space<vmem>>, vector<1x32xbf16>,
    %swap3A_576 = arith.constant 48 : i32
    %swap3A_577 = arith.index_cast %swap3A_576 : i32 to index
    %swap3A_578 = arith.constant 0 : index
    %swap3A_579 = tpu.vector_load %arg9[%swap3A_577, %swap3A_578] {strides = array<i32>} : memref<64x64xbf16, #tpu.memory_space<vmem>>, vector<1x32xbf16>,
    %swap3A_580 = vector.shape_cast %swap3A_579 : vector<1x32xbf16> to vector<32xbf16>
    %swap3A_581 = vector.shape_cast %broadcast_in_dim3A_0 : vector<32xbf16> to vector<1x32xbf16>
    tpu.vector_store %arg9[%swap3A_577, %swap3A_578], %swap3A_581 {strides = array<i32>} : memref<64x64xbf16, #tpu.memory_space<vmem>>, vector<1x32xbf16>,
    %swap3A_582 = arith.constant 48 : i32
    %swap3A_583 = arith.index_cast %swap3A_582 : i32 to index
    %swap3A_584 = arith.constant 32 : index
    %swap3A_585 = tpu.vector_load %arg9[%swap3A_583, %swap3A_584] {strides = array<i32>} : memref<64x64xbf16, #tpu.memory_space<vmem>>, vector<1x32xbf16>,
    %swap3A_586 = vector.shape_cast %swap3A_585 : vector<1x32xbf16> to vector<32xbf16>
    %swap3A_587 = vector.shape_cast %broadcast_in_dim3A_0 : vector<32xbf16> to vector<1x32xbf16>
    tpu.vector_store %arg9[%swap3A_583, %swap3A_584], %swap3A_587 {strides = array<i32>} : memref<64x64xbf16, #tpu.memory_space<vmem>>, vector<1x32xbf16>,
    %swap3A_588 = arith.constant 49 : i32
    %swap3A_589 = arith.index_cast %swap3A_588 : i32 to index
    %swap3A_590 = arith.constant 0 : index
    %swap3A_591 = tpu.vector_load %arg9[%swap3A_589, %swap3A_590] {strides = array<i32>} : memref<64x64xbf16, #tpu.memory_space<vmem>>, vector<1x32xbf16>,
    %swap3A_592 = vector.shape_cast %swap3A_591 : vector<1x32xbf16> to vector<32xbf16>
    %swap3A_593 = vector.shape_cast %broadcast_in_dim3A_0 : vector<32xbf16> to vector<1x32xbf16>
    tpu.vector_store %arg9[%swap3A_589, %swap3A_590], %swap3A_593 {strides = array<i32>} : memref<64x64xbf16, #tpu.memory_space<vmem>>, vector<1x32xbf16>,
    %swap3A_594 = arith.constant 49 : i32
    %swap3A_595 = arith.index_cast %swap3A_594 : i32 to index
    %swap3A_596 = arith.constant 32 : index
    %swap3A_597 = tpu.vector_load %arg9[%swap3A_595, %swap3A_596] {strides = array<i32>} : memref<64x64xbf16, #tpu.memory_space<vmem>>, vector<1x32xbf16>,
    %swap3A_598 = vector.shape_cast %swap3A_597 : vector<1x32xbf16> to vector<32xbf16>
    %swap3A_599 = vector.shape_cast %broadcast_in_dim3A_0 : vector<32xbf16> to vector<1x32xbf16>
    tpu.vector_store %arg9[%swap3A_595, %swap3A_596], %swap3A_599 {strides = array<i32>} : memref<64x64xbf16, #tpu.memory_space<vmem>>, vector<1x32xbf16>,
    %swap3A_600 = arith.constant 50 : i32
    %swap3A_601 = arith.index_cast %swap3A_600 : i32 to index
    %swap3A_602 = arith.constant 0 : index
    %swap3A_603 = tpu.vector_load %arg9[%swap3A_601, %swap3A_602] {strides = array<i32>} : memref<64x64xbf16, #tpu.memory_space<vmem>>, vector<1x32xbf16>,
    %swap3A_604 = vector.shape_cast %swap3A_603 : vector<1x32xbf16> to vector<32xbf16>
    %swap3A_605 = vector.shape_cast %broadcast_in_dim3A_0 : vector<32xbf16> to vector<1x32xbf16>
    tpu.vector_store %arg9[%swap3A_601, %swap3A_602], %swap3A_605 {strides = array<i32>} : memref<64x64xbf16, #tpu.memory_space<vmem>>, vector<1x32xbf16>,
    %swap3A_606 = arith.constant 50 : i32
    %swap3A_607 = arith.index_cast %swap3A_606 : i32 to index
    %swap3A_608 = arith.constant 32 : index
    %swap3A_609 = tpu.vector_load %arg9[%swap3A_607, %swap3A_608] {strides = array<i32>} : memref<64x64xbf16, #tpu.memory_space<vmem>>, vector<1x32xbf16>,
    %swap3A_610 = vector.shape_cast %swap3A_609 : vector<1x32xbf16> to vector<32xbf16>
    %swap3A_611 = vector.shape_cast %broadcast_in_dim3A_0 : vector<32xbf16> to vector<1x32xbf16>
    tpu.vector_store %arg9[%swap3A_607, %swap3A_608], %swap3A_611 {strides = array<i32>} : memref<64x64xbf16, #tpu.memory_space<vmem>>, vector<1x32xbf16>,
    %swap3A_612 = arith.constant 51 : i32
    %swap3A_613 = arith.index_cast %swap3A_612 : i32 to index
    %swap3A_614 = arith.constant 0 : index
    %swap3A_615 = tpu.vector_load %arg9[%swap3A_613, %swap3A_614] {strides = array<i32>} : memref<64x64xbf16, #tpu.memory_space<vmem>>, vector<1x32xbf16>,
    %swap3A_616 = vector.shape_cast %swap3A_615 : vector<1x32xbf16> to vector<32xbf16>
    %swap3A_617 = vector.shape_cast %broadcast_in_dim3A_0 : vector<32xbf16> to vector<1x32xbf16>
    tpu.vector_store %arg9[%swap3A_613, %swap3A_614], %swap3A_617 {strides = array<i32>} : memref<64x64xbf16, #tpu.memory_space<vmem>>, vector<1x32xbf16>,
    %swap3A_618 = arith.constant 51 : i32
    %swap3A_619 = arith.index_cast %swap3A_618 : i32 to index
    %swap3A_620 = arith.constant 32 : index
    %swap3A_621 = tpu.vector_load %arg9[%swap3A_619, %swap3A_620] {strides = array<i32>} : memref<64x64xbf16, #tpu.memory_space<vmem>>, vector<1x32xbf16>,
    %swap3A_622 = vector.shape_cast %swap3A_621 : vector<1x32xbf16> to vector<32xbf16>
    %swap3A_623 = vector.shape_cast %broadcast_in_dim3A_0 : vector<32xbf16> to vector<1x32xbf16>
    tpu.vector_store %arg9[%swap3A_619, %swap3A_620], %swap3A_623 {strides = array<i32>} : memref<64x64xbf16, #tpu.memory_space<vmem>>, vector<1x32xbf16>,
    %swap3A_624 = arith.constant 52 : i32
    %swap3A_625 = arith.index_cast %swap3A_624 : i32 to index
    %swap3A_626 = arith.constant 0 : index
    %swap3A_627 = tpu.vector_load %arg9[%swap3A_625, %swap3A_626] {strides = array<i32>} : memref<64x64xbf16, #tpu.memory_space<vmem>>, vector<1x32xbf16>,
    %swap3A_628 = vector.shape_cast %swap3A_627 : vector<1x32xbf16> to vector<32xbf16>
    %swap3A_629 = vector.shape_cast %broadcast_in_dim3A_0 : vector<32xbf16> to vector<1x32xbf16>
    tpu.vector_store %arg9[%swap3A_625, %swap3A_626], %swap3A_629 {strides = array<i32>} : memref<64x64xbf16, #tpu.memory_space<vmem>>, vector<1x32xbf16>,
    %swap3A_630 = arith.constant 52 : i32
    %swap3A_631 = arith.index_cast %swap3A_630 : i32 to index
    %swap3A_632 = arith.constant 32 : index
    %swap3A_633 = tpu.vector_load %arg9[%swap3A_631, %swap3A_632] {strides = array<i32>} : memref<64x64xbf16, #tpu.memory_space<vmem>>, vector<1x32xbf16>,
    %swap3A_634 = vector.shape_cast %swap3A_633 : vector<1x32xbf16> to vector<32xbf16>
    %swap3A_635 = vector.shape_cast %broadcast_in_dim3A_0 : vector<32xbf16> to vector<1x32xbf16>
    tpu.vector_store %arg9[%swap3A_631, %swap3A_632], %swap3A_635 {strides = array<i32>} : memref<64x64xbf16, #tpu.memory_space<vmem>>, vector<1x32xbf16>,
    %swap3A_636 = arith.constant 53 : i32
    %swap3A_637 = arith.index_cast %swap3A_636 : i32 to index
    %swap3A_638 = arith.constant 0 : index
    %swap3A_639 = tpu.vector_load %arg9[%swap3A_637, %swap3A_638] {strides = array<i32>} : memref<64x64xbf16, #tpu.memory_space<vmem>>, vector<1x32xbf16>,
    %swap3A_640 = vector.shape_cast %swap3A_639 : vector<1x32xbf16> to vector<32xbf16>
    %swap3A_641 = vector.shape_cast %broadcast_in_dim3A_0 : vector<32xbf16> to vector<1x32xbf16>
    tpu.vector_store %arg9[%swap3A_637, %swap3A_638], %swap3A_641 {strides = array<i32>} : memref<64x64xbf16, #tpu.memory_space<vmem>>, vector<1x32xbf16>,
    %swap3A_642 = arith.constant 53 : i32
    %swap3A_643 = arith.index_cast %swap3A_642 : i32 to index
    %swap3A_644 = arith.constant 32 : index
    %swap3A_645 = tpu.vector_load %arg9[%swap3A_643, %swap3A_644] {strides = array<i32>} : memref<64x64xbf16, #tpu.memory_space<vmem>>, vector<1x32xbf16>,
    %swap3A_646 = vector.shape_cast %swap3A_645 : vector<1x32xbf16> to vector<32xbf16>
    %swap3A_647 = vector.shape_cast %broadcast_in_dim3A_0 : vector<32xbf16> to vector<1x32xbf16>
    tpu.vector_store %arg9[%swap3A_643, %swap3A_644], %swap3A_647 {strides = array<i32>} : memref<64x64xbf16, #tpu.memory_space<vmem>>, vector<1x32xbf16>,
    %swap3A_648 = arith.constant 54 : i32
    %swap3A_649 = arith.index_cast %swap3A_648 : i32 to index
    %swap3A_650 = arith.constant 0 : index
    %swap3A_651 = tpu.vector_load %arg9[%swap3A_649, %swap3A_650] {strides = array<i32>} : memref<64x64xbf16, #tpu.memory_space<vmem>>, vector<1x32xbf16>,
    %swap3A_652 = vector.shape_cast %swap3A_651 : vector<1x32xbf16> to vector<32xbf16>
    %swap3A_653 = vector.shape_cast %broadcast_in_dim3A_0 : vector<32xbf16> to vector<1x32xbf16>
    tpu.vector_store %arg9[%swap3A_649, %swap3A_650], %swap3A_653 {strides = array<i32>} : memref<64x64xbf16, #tpu.memory_space<vmem>>, vector<1x32xbf16>,
    %swap3A_654 = arith.constant 54 : i32
    %swap3A_655 = arith.index_cast %swap3A_654 : i32 to index
    %swap3A_656 = arith.constant 32 : index
    %swap3A_657 = tpu.vector_load %arg9[%swap3A_655, %swap3A_656] {strides = array<i32>} : memref<64x64xbf16, #tpu.memory_space<vmem>>, vector<1x32xbf16>,
    %swap3A_658 = vector.shape_cast %swap3A_657 : vector<1x32xbf16> to vector<32xbf16>
    %swap3A_659 = vector.shape_cast %broadcast_in_dim3A_0 : vector<32xbf16> to vector<1x32xbf16>
    tpu.vector_store %arg9[%swap3A_655, %swap3A_656], %swap3A_659 {strides = array<i32>} : memref<64x64xbf16, #tpu.memory_space<vmem>>, vector<1x32xbf16>,
    %swap3A_660 = arith.constant 55 : i32
    %swap3A_661 = arith.index_cast %swap3A_660 : i32 to index
    %swap3A_662 = arith.constant 0 : index
    %swap3A_663 = tpu.vector_load %arg9[%swap3A_661, %swap3A_662] {strides = array<i32>} : memref<64x64xbf16, #tpu.memory_space<vmem>>, vector<1x32xbf16>,
    %swap3A_664 = vector.shape_cast %swap3A_663 : vector<1x32xbf16> to vector<32xbf16>
    %swap3A_665 = vector.shape_cast %broadcast_in_dim3A_0 : vector<32xbf16> to vector<1x32xbf16>
    tpu.vector_store %arg9[%swap3A_661, %swap3A_662], %swap3A_665 {strides = array<i32>} : memref<64x64xbf16, #tpu.memory_space<vmem>>, vector<1x32xbf16>,
    %swap3A_666 = arith.constant 55 : i32
    %swap3A_667 = arith.index_cast %swap3A_666 : i32 to index
    %swap3A_668 = arith.constant 32 : index
    %swap3A_669 = tpu.vector_load %arg9[%swap3A_667, %swap3A_668] {strides = array<i32>} : memref<64x64xbf16, #tpu.memory_space<vmem>>, vector<1x32xbf16>,
    %swap3A_670 = vector.shape_cast %swap3A_669 : vector<1x32xbf16> to vector<32xbf16>
    %swap3A_671 = vector.shape_cast %broadcast_in_dim3A_0 : vector<32xbf16> to vector<1x32xbf16>
    tpu.vector_store %arg9[%swap3A_667, %swap3A_668], %swap3A_671 {strides = array<i32>} : memref<64x64xbf16, #tpu.memory_space<vmem>>, vector<1x32xbf16>,
    %swap3A_672 = arith.constant 56 : i32
    %swap3A_673 = arith.index_cast %swap3A_672 : i32 to index
    %swap3A_674 = arith.constant 0 : index
    %swap3A_675 = tpu.vector_load %arg9[%swap3A_673, %swap3A_674] {strides = array<i32>} : memref<64x64xbf16, #tpu.memory_space<vmem>>, vector<1x32xbf16>,
    %swap3A_676 = vector.shape_cast %swap3A_675 : vector<1x32xbf16> to vector<32xbf16>
    %swap3A_677 = vector.shape_cast %broadcast_in_dim3A_0 : vector<32xbf16> to vector<1x32xbf16>
    tpu.vector_store %arg9[%swap3A_673, %swap3A_674], %swap3A_677 {strides = array<i32>} : memref<64x64xbf16, #tpu.memory_space<vmem>>, vector<1x32xbf16>,
    %swap3A_678 = arith.constant 56 : i32
    %swap3A_679 = arith.index_cast %swap3A_678 : i32 to index
    %swap3A_680 = arith.constant 32 : index
    %swap3A_681 = tpu.vector_load %arg9[%swap3A_679, %swap3A_680] {strides = array<i32>} : memref<64x64xbf16, #tpu.memory_space<vmem>>, vector<1x32xbf16>,
    %swap3A_682 = vector.shape_cast %swap3A_681 : vector<1x32xbf16> to vector<32xbf16>
    %swap3A_683 = vector.shape_cast %broadcast_in_dim3A_0 : vector<32xbf16> to vector<1x32xbf16>
    tpu.vector_store %arg9[%swap3A_679, %swap3A_680], %swap3A_683 {strides = array<i32>} : memref<64x64xbf16, #tpu.memory_space<vmem>>, vector<1x32xbf16>,
    %swap3A_684 = arith.constant 57 : i32
    %swap3A_685 = arith.index_cast %swap3A_684 : i32 to index
    %swap3A_686 = arith.constant 0 : index
    %swap3A_687 = tpu.vector_load %arg9[%swap3A_685, %swap3A_686] {strides = array<i32>} : memref<64x64xbf16, #tpu.memory_space<vmem>>, vector<1x32xbf16>,
    %swap3A_688 = vector.shape_cast %swap3A_687 : vector<1x32xbf16> to vector<32xbf16>
    %swap3A_689 = vector.shape_cast %broadcast_in_dim3A_0 : vector<32xbf16> to vector<1x32xbf16>
    tpu.vector_store %arg9[%swap3A_685, %swap3A_686], %swap3A_689 {strides = array<i32>} : memref<64x64xbf16, #tpu.memory_space<vmem>>, vector<1x32xbf16>,
    %swap3A_690 = arith.constant 57 : i32
    %swap3A_691 = arith.index_cast %swap3A_690 : i32 to index
    %swap3A_692 = arith.constant 32 : index
    %swap3A_693 = tpu.vector_load %arg9[%swap3A_691, %swap3A_692] {strides = array<i32>} : memref<64x64xbf16, #tpu.memory_space<vmem>>, vector<1x32xbf16>,
    %swap3A_694 = vector.shape_cast %swap3A_693 : vector<1x32xbf16> to vector<32xbf16>
    %swap3A_695 = vector.shape_cast %broadcast_in_dim3A_0 : vector<32xbf16> to vector<1x32xbf16>
    tpu.vector_store %arg9[%swap3A_691, %swap3A_692], %swap3A_695 {strides = array<i32>} : memref<64x64xbf16, #tpu.memory_space<vmem>>, vector<1x32xbf16>,
    %swap3A_696 = arith.constant 58 : i32
    %swap3A_697 = arith.index_cast %swap3A_696 : i32 to index
    %swap3A_698 = arith.constant 0 : index
    %swap3A_699 = tpu.vector_load %arg9[%swap3A_697, %swap3A_698] {strides = array<i32>} : memref<64x64xbf16, #tpu.memory_space<vmem>>, vector<1x32xbf16>,
    %swap3A_700 = vector.shape_cast %swap3A_699 : vector<1x32xbf16> to vector<32xbf16>
    %swap3A_701 = vector.shape_cast %broadcast_in_dim3A_0 : vector<32xbf16> to vector<1x32xbf16>
    tpu.vector_store %arg9[%swap3A_697, %swap3A_698], %swap3A_701 {strides = array<i32>} : memref<64x64xbf16, #tpu.memory_space<vmem>>, vector<1x32xbf16>,
    %swap3A_702 = arith.constant 58 : i32
    %swap3A_703 = arith.index_cast %swap3A_702 : i32 to index
    %swap3A_704 = arith.constant 32 : index
    %swap3A_705 = tpu.vector_load %arg9[%swap3A_703, %swap3A_704] {strides = array<i32>} : memref<64x64xbf16, #tpu.memory_space<vmem>>, vector<1x32xbf16>,
    %swap3A_706 = vector.shape_cast %swap3A_705 : vector<1x32xbf16> to vector<32xbf16>
    %swap3A_707 = vector.shape_cast %broadcast_in_dim3A_0 : vector<32xbf16> to vector<1x32xbf16>
    tpu.vector_store %arg9[%swap3A_703, %swap3A_704], %swap3A_707 {strides = array<i32>} : memref<64x64xbf16, #tpu.memory_space<vmem>>, vector<1x32xbf16>,
    %swap3A_708 = arith.constant 59 : i32
    %swap3A_709 = arith.index_cast %swap3A_708 : i32 to index
    %swap3A_710 = arith.constant 0 : index
    %swap3A_711 = tpu.vector_load %arg9[%swap3A_709, %swap3A_710] {strides = array<i32>} : memref<64x64xbf16, #tpu.memory_space<vmem>>, vector<1x32xbf16>,
    %swap3A_712 = vector.shape_cast %swap3A_711 : vector<1x32xbf16> to vector<32xbf16>
    %swap3A_713 = vector.shape_cast %broadcast_in_dim3A_0 : vector<32xbf16> to vector<1x32xbf16>
    tpu.vector_store %arg9[%swap3A_709, %swap3A_710], %swap3A_713 {strides = array<i32>} : memref<64x64xbf16, #tpu.memory_space<vmem>>, vector<1x32xbf16>,
    %swap3A_714 = arith.constant 59 : i32
    %swap3A_715 = arith.index_cast %swap3A_714 : i32 to index
    %swap3A_716 = arith.constant 32 : index
    %swap3A_717 = tpu.vector_load %arg9[%swap3A_715, %swap3A_716] {strides = array<i32>} : memref<64x64xbf16, #tpu.memory_space<vmem>>, vector<1x32xbf16>,
    %swap3A_718 = vector.shape_cast %swap3A_717 : vector<1x32xbf16> to vector<32xbf16>
    %swap3A_719 = vector.shape_cast %broadcast_in_dim3A_0 : vector<32xbf16> to vector<1x32xbf16>
    tpu.vector_store %arg9[%swap3A_715, %swap3A_716], %swap3A_719 {strides = array<i32>} : memref<64x64xbf16, #tpu.memory_space<vmem>>, vector<1x32xbf16>,
    %swap3A_720 = arith.constant 60 : i32
    %swap3A_721 = arith.index_cast %swap3A_720 : i32 to index
    %swap3A_722 = arith.constant 0 : index
    %swap3A_723 = tpu.vector_load %arg9[%swap3A_721, %swap3A_722] {strides = array<i32>} : memref<64x64xbf16, #tpu.memory_space<vmem>>, vector<1x32xbf16>,
    %swap3A_724 = vector.shape_cast %swap3A_723 : vector<1x32xbf16> to vector<32xbf16>
    %swap3A_725 = vector.shape_cast %broadcast_in_dim3A_0 : vector<32xbf16> to vector<1x32xbf16>
    tpu.vector_store %arg9[%swap3A_721, %swap3A_722], %swap3A_725 {strides = array<i32>} : memref<64x64xbf16, #tpu.memory_space<vmem>>, vector<1x32xbf16>,
    %swap3A_726 = arith.constant 60 : i32
    %swap3A_727 = arith.index_cast %swap3A_726 : i32 to index
    %swap3A_728 = arith.constant 32 : index
    %swap3A_729 = tpu.vector_load %arg9[%swap3A_727, %swap3A_728] {strides = array<i32>} : memref<64x64xbf16, #tpu.memory_space<vmem>>, vector<1x32xbf16>,
    %swap3A_730 = vector.shape_cast %swap3A_729 : vector<1x32xbf16> to vector<32xbf16>
    %swap3A_731 = vector.shape_cast %broadcast_in_dim3A_0 : vector<32xbf16> to vector<1x32xbf16>
    tpu.vector_store %arg9[%swap3A_727, %swap3A_728], %swap3A_731 {strides = array<i32>} : memref<64x64xbf16, #tpu.memory_space<vmem>>, vector<1x32xbf16>,
    %swap3A_732 = arith.constant 61 : i32
    %swap3A_733 = arith.index_cast %swap3A_732 : i32 to index
    %swap3A_734 = arith.constant 0 : index
    %swap3A_735 = tpu.vector_load %arg9[%swap3A_733, %swap3A_734] {strides = array<i32>} : memref<64x64xbf16, #tpu.memory_space<vmem>>, vector<1x32xbf16>,
    %swap3A_736 = vector.shape_cast %swap3A_735 : vector<1x32xbf16> to vector<32xbf16>
    %swap3A_737 = vector.shape_cast %broadcast_in_dim3A_0 : vector<32xbf16> to vector<1x32xbf16>
    tpu.vector_store %arg9[%swap3A_733, %swap3A_734], %swap3A_737 {strides = array<i32>} : memref<64x64xbf16, #tpu.memory_space<vmem>>, vector<1x32xbf16>,
    %swap3A_738 = arith.constant 61 : i32
    %swap3A_739 = arith.index_cast %swap3A_738 : i32 to index
    %swap3A_740 = arith.constant 32 : index
    %swap3A_741 = tpu.vector_load %arg9[%swap3A_739, %swap3A_740] {strides = array<i32>} : memref<64x64xbf16, #tpu.memory_space<vmem>>, vector<1x32xbf16>,
    %swap3A_742 = vector.shape_cast %swap3A_741 : vector<1x32xbf16> to vector<32xbf16>
    %swap3A_743 = vector.shape_cast %broadcast_in_dim3A_0 : vector<32xbf16> to vector<1x32xbf16>
    tpu.vector_store %arg9[%swap3A_739, %swap3A_740], %swap3A_743 {strides = array<i32>} : memref<64x64xbf16, #tpu.memory_space<vmem>>, vector<1x32xbf16>,
    %swap3A_744 = arith.constant 62 : i32
    %swap3A_745 = arith.index_cast %swap3A_744 : i32 to index
    %swap3A_746 = arith.constant 0 : index
    %swap3A_747 = tpu.vector_load %arg9[%swap3A_745, %swap3A_746] {strides = array<i32>} : memref<64x64xbf16, #tpu.memory_space<vmem>>, vector<1x32xbf16>,
    %swap3A_748 = vector.shape_cast %swap3A_747 : vector<1x32xbf16> to vector<32xbf16>
    %swap3A_749 = vector.shape_cast %broadcast_in_dim3A_0 : vector<32xbf16> to vector<1x32xbf16>
    tpu.vector_store %arg9[%swap3A_745, %swap3A_746], %swap3A_749 {strides = array<i32>} : memref<64x64xbf16, #tpu.memory_space<vmem>>, vector<1x32xbf16>,
    %swap3A_750 = arith.constant 62 : i32
    %swap3A_751 = arith.index_cast %swap3A_750 : i32 to index
    %swap3A_752 = arith.constant 32 : index
    %swap3A_753 = tpu.vector_load %arg9[%swap3A_751, %swap3A_752] {strides = array<i32>} : memref<64x64xbf16, #tpu.memory_space<vmem>>, vector<1x32xbf16>,
    %swap3A_754 = vector.shape_cast %swap3A_753 : vector<1x32xbf16> to vector<32xbf16>
    %swap3A_755 = vector.shape_cast %broadcast_in_dim3A_0 : vector<32xbf16> to vector<1x32xbf16>
    tpu.vector_store %arg9[%swap3A_751, %swap3A_752], %swap3A_755 {strides = array<i32>} : memref<64x64xbf16, #tpu.memory_space<vmem>>, vector<1x32xbf16>,
    %swap3A_756 = arith.constant 63 : i32
    %swap3A_757 = arith.index_cast %swap3A_756 : i32 to index
    %swap3A_758 = arith.constant 0 : index
    %swap3A_759 = tpu.vector_load %arg9[%swap3A_757, %swap3A_758] {strides = array<i32>} : memref<64x64xbf16, #tpu.memory_space<vmem>>, vector<1x32xbf16>,
    %swap3A_760 = vector.shape_cast %swap3A_759 : vector<1x32xbf16> to vector<32xbf16>
    %swap3A_761 = vector.shape_cast %broadcast_in_dim3A_0 : vector<32xbf16> to vector<1x32xbf16>
    tpu.vector_store %arg9[%swap3A_757, %swap3A_758], %swap3A_761 {strides = array<i32>} : memref<64x64xbf16, #tpu.memory_space<vmem>>, vector<1x32xbf16>,
    %swap3A_762 = arith.constant 63 : i32
    %swap3A_763 = arith.index_cast %swap3A_762 : i32 to index
    %swap3A_764 = arith.constant 32 : index
    %swap3A_765 = tpu.vector_load %arg9[%swap3A_763, %swap3A_764] {strides = array<i32>} : memref<64x64xbf16, #tpu.memory_space<vmem>>, vector<1x32xbf16>,
    %swap3A_766 = vector.shape_cast %swap3A_765 : vector<1x32xbf16> to vector<32xbf16>
    %swap3A_767 = vector.shape_cast %broadcast_in_dim3A_0 : vector<32xbf16> to vector<1x32xbf16>
    tpu.vector_store %arg9[%swap3A_763, %swap3A_764], %swap3A_767 {strides = array<i32>} : memref<64x64xbf16, #tpu.memory_space<vmem>>, vector<1x32xbf16>,
    %broadcast_in_dim3A_768 = arith.constant 0.000000e+00 : f32
    %broadcast_in_dim3A_769 = vector.broadcast %broadcast_in_dim3A_768 : f32 to vector<16xf32>
    %swap3A_770 = arith.constant 0 : i32
    %swap3A_771 = arith.index_cast %swap3A_770 : i32 to index
    %swap3A_772 = arith.constant 0 : index
    %swap3A_773 = tpu.vector_load %arg10[%swap3A_771, %swap3A_772] {strides = array<i32>} : memref<64x16xf32, #tpu.memory_space<vmem>>, vector<1x16xf32>,
    %swap3A_774 = vector.shape_cast %swap3A_773 : vector<1x16xf32> to vector<16xf32>
    %swap3A_775 = vector.shape_cast %broadcast_in_dim3A_769 : vector<16xf32> to vector<1x16xf32>
    tpu.vector_store %arg10[%swap3A_771, %swap3A_772], %swap3A_775 {strides = array<i32>} : memref<64x16xf32, #tpu.memory_space<vmem>>, vector<1x16xf32>,
    %swap3A_776 = arith.constant 1 : i32
    %swap3A_777 = arith.index_cast %swap3A_776 : i32 to index
    %swap3A_778 = arith.constant 0 : index
    %swap3A_779 = tpu.vector_load %arg10[%swap3A_777, %swap3A_778] {strides = array<i32>} : memref<64x16xf32, #tpu.memory_space<vmem>>, vector<1x16xf32>,
    %swap3A_780 = vector.shape_cast %swap3A_779 : vector<1x16xf32> to vector<16xf32>
    %swap3A_781 = vector.shape_cast %broadcast_in_dim3A_769 : vector<16xf32> to vector<1x16xf32>
    tpu.vector_store %arg10[%swap3A_777, %swap3A_778], %swap3A_781 {strides = array<i32>} : memref<64x16xf32, #tpu.memory_space<vmem>>, vector<1x16xf32>,
    %swap3A_782 = arith.constant 2 : i32
    %swap3A_783 = arith.index_cast %swap3A_782 : i32 to index
    %swap3A_784 = arith.constant 0 : index
    %swap3A_785 = tpu.vector_load %arg10[%swap3A_783, %swap3A_784] {strides = array<i32>} : memref<64x16xf32, #tpu.memory_space<vmem>>, vector<1x16xf32>,
    %swap3A_786 = vector.shape_cast %swap3A_785 : vector<1x16xf32> to vector<16xf32>
    %swap3A_787 = vector.shape_cast %broadcast_in_dim3A_769 : vector<16xf32> to vector<1x16xf32>
    tpu.vector_store %arg10[%swap3A_783, %swap3A_784], %swap3A_787 {strides = array<i32>} : memref<64x16xf32, #tpu.memory_space<vmem>>, vector<1x16xf32>,
    %swap3A_788 = arith.constant 3 : i32
    %swap3A_789 = arith.index_cast %swap3A_788 : i32 to index
    %swap3A_790 = arith.constant 0 : index
    %swap3A_791 = tpu.vector_load %arg10[%swap3A_789, %swap3A_790] {strides = array<i32>} : memref<64x16xf32, #tpu.memory_space<vmem>>, vector<1x16xf32>,
    %swap3A_792 = vector.shape_cast %swap3A_791 : vector<1x16xf32> to vector<16xf32>
    %swap3A_793 = vector.shape_cast %broadcast_in_dim3A_769 : vector<16xf32> to vector<1x16xf32>
    tpu.vector_store %arg10[%swap3A_789, %swap3A_790], %swap3A_793 {strides = array<i32>} : memref<64x16xf32, #tpu.memory_space<vmem>>, vector<1x16xf32>,
    %swap3A_794 = arith.constant 4 : i32
    %swap3A_795 = arith.index_cast %swap3A_794 : i32 to index
    %swap3A_796 = arith.constant 0 : index
    %swap3A_797 = tpu.vector_load %arg10[%swap3A_795, %swap3A_796] {strides = array<i32>} : memref<64x16xf32, #tpu.memory_space<vmem>>, vector<1x16xf32>,
    %swap3A_798 = vector.shape_cast %swap3A_797 : vector<1x16xf32> to vector<16xf32>
    %swap3A_799 = vector.shape_cast %broadcast_in_dim3A_769 : vector<16xf32> to vector<1x16xf32>
    tpu.vector_store %arg10[%swap3A_795, %swap3A_796], %swap3A_799 {strides = array<i32>} : memref<64x16xf32, #tpu.memory_space<vmem>>, vector<1x16xf32>,
    %swap3A_800 = arith.constant 5 : i32
    %swap3A_801 = arith.index_cast %swap3A_800 : i32 to index
    %swap3A_802 = arith.constant 0 : index
    %swap3A_803 = tpu.vector_load %arg10[%swap3A_801, %swap3A_802] {strides = array<i32>} : memref<64x16xf32, #tpu.memory_space<vmem>>, vector<1x16xf32>,
    %swap3A_804 = vector.shape_cast %swap3A_803 : vector<1x16xf32> to vector<16xf32>
    %swap3A_805 = vector.shape_cast %broadcast_in_dim3A_769 : vector<16xf32> to vector<1x16xf32>
    tpu.vector_store %arg10[%swap3A_801, %swap3A_802], %swap3A_805 {strides = array<i32>} : memref<64x16xf32, #tpu.memory_space<vmem>>, vector<1x16xf32>,
    %swap3A_806 = arith.constant 6 : i32
    %swap3A_807 = arith.index_cast %swap3A_806 : i32 to index
    %swap3A_808 = arith.constant 0 : index
    %swap3A_809 = tpu.vector_load %arg10[%swap3A_807, %swap3A_808] {strides = array<i32>} : memref<64x16xf32, #tpu.memory_space<vmem>>, vector<1x16xf32>,
    %swap3A_810 = vector.shape_cast %swap3A_809 : vector<1x16xf32> to vector<16xf32>
    %swap3A_811 = vector.shape_cast %broadcast_in_dim3A_769 : vector<16xf32> to vector<1x16xf32>
    tpu.vector_store %arg10[%swap3A_807, %swap3A_808], %swap3A_811 {strides = array<i32>} : memref<64x16xf32, #tpu.memory_space<vmem>>, vector<1x16xf32>,
    %swap3A_812 = arith.constant 7 : i32
    %swap3A_813 = arith.index_cast %swap3A_812 : i32 to index
    %swap3A_814 = arith.constant 0 : index
    %swap3A_815 = tpu.vector_load %arg10[%swap3A_813, %swap3A_814] {strides = array<i32>} : memref<64x16xf32, #tpu.memory_space<vmem>>, vector<1x16xf32>,
    %swap3A_816 = vector.shape_cast %swap3A_815 : vector<1x16xf32> to vector<16xf32>
    %swap3A_817 = vector.shape_cast %broadcast_in_dim3A_769 : vector<16xf32> to vector<1x16xf32>
    tpu.vector_store %arg10[%swap3A_813, %swap3A_814], %swap3A_817 {strides = array<i32>} : memref<64x16xf32, #tpu.memory_space<vmem>>, vector<1x16xf32>,
    %swap3A_818 = arith.constant 8 : i32
    %swap3A_819 = arith.index_cast %swap3A_818 : i32 to index
    %swap3A_820 = arith.constant 0 : index
    %swap3A_821 = tpu.vector_load %arg10[%swap3A_819, %swap3A_820] {strides = array<i32>} : memref<64x16xf32, #tpu.memory_space<vmem>>, vector<1x16xf32>,
    %swap3A_822 = vector.shape_cast %swap3A_821 : vector<1x16xf32> to vector<16xf32>
    %swap3A_823 = vector.shape_cast %broadcast_in_dim3A_769 : vector<16xf32> to vector<1x16xf32>
    tpu.vector_store %arg10[%swap3A_819, %swap3A_820], %swap3A_823 {strides = array<i32>} : memref<64x16xf32, #tpu.memory_space<vmem>>, vector<1x16xf32>,
    %swap3A_824 = arith.constant 9 : i32
    %swap3A_825 = arith.index_cast %swap3A_824 : i32 to index
    %swap3A_826 = arith.constant 0 : index
    %swap3A_827 = tpu.vector_load %arg10[%swap3A_825, %swap3A_826] {strides = array<i32>} : memref<64x16xf32, #tpu.memory_space<vmem>>, vector<1x16xf32>,
    %swap3A_828 = vector.shape_cast %swap3A_827 : vector<1x16xf32> to vector<16xf32>
    %swap3A_829 = vector.shape_cast %broadcast_in_dim3A_769 : vector<16xf32> to vector<1x16xf32>
    tpu.vector_store %arg10[%swap3A_825, %swap3A_826], %swap3A_829 {strides = array<i32>} : memref<64x16xf32, #tpu.memory_space<vmem>>, vector<1x16xf32>,
    %swap3A_830 = arith.constant 10 : i32
    %swap3A_831 = arith.index_cast %swap3A_830 : i32 to index
    %swap3A_832 = arith.constant 0 : index
    %swap3A_833 = tpu.vector_load %arg10[%swap3A_831, %swap3A_832] {strides = array<i32>} : memref<64x16xf32, #tpu.memory_space<vmem>>, vector<1x16xf32>,
    %swap3A_834 = vector.shape_cast %swap3A_833 : vector<1x16xf32> to vector<16xf32>
    %swap3A_835 = vector.shape_cast %broadcast_in_dim3A_769 : vector<16xf32> to vector<1x16xf32>
    tpu.vector_store %arg10[%swap3A_831, %swap3A_832], %swap3A_835 {strides = array<i32>} : memref<64x16xf32, #tpu.memory_space<vmem>>, vector<1x16xf32>,
    %swap3A_836 = arith.constant 11 : i32
    %swap3A_837 = arith.index_cast %swap3A_836 : i32 to index
    %swap3A_838 = arith.constant 0 : index
    %swap3A_839 = tpu.vector_load %arg10[%swap3A_837, %swap3A_838] {strides = array<i32>} : memref<64x16xf32, #tpu.memory_space<vmem>>, vector<1x16xf32>,
    %swap3A_840 = vector.shape_cast %swap3A_839 : vector<1x16xf32> to vector<16xf32>
    %swap3A_841 = vector.shape_cast %broadcast_in_dim3A_769 : vector<16xf32> to vector<1x16xf32>
    tpu.vector_store %arg10[%swap3A_837, %swap3A_838], %swap3A_841 {strides = array<i32>} : memref<64x16xf32, #tpu.memory_space<vmem>>, vector<1x16xf32>,
    %swap3A_842 = arith.constant 12 : i32
    %swap3A_843 = arith.index_cast %swap3A_842 : i32 to index
    %swap3A_844 = arith.constant 0 : index
    %swap3A_845 = tpu.vector_load %arg10[%swap3A_843, %swap3A_844] {strides = array<i32>} : memref<64x16xf32, #tpu.memory_space<vmem>>, vector<1x16xf32>,
    %swap3A_846 = vector.shape_cast %swap3A_845 : vector<1x16xf32> to vector<16xf32>
    %swap3A_847 = vector.shape_cast %broadcast_in_dim3A_769 : vector<16xf32> to vector<1x16xf32>
    tpu.vector_store %arg10[%swap3A_843, %swap3A_844], %swap3A_847 {strides = array<i32>} : memref<64x16xf32, #tpu.memory_space<vmem>>, vector<1x16xf32>,
    %swap3A_848 = arith.constant 13 : i32
    %swap3A_849 = arith.index_cast %swap3A_848 : i32 to index
    %swap3A_850 = arith.constant 0 : index
    %swap3A_851 = tpu.vector_load %arg10[%swap3A_849, %swap3A_850] {strides = array<i32>} : memref<64x16xf32, #tpu.memory_space<vmem>>, vector<1x16xf32>,
    %swap3A_852 = vector.shape_cast %swap3A_851 : vector<1x16xf32> to vector<16xf32>
    %swap3A_853 = vector.shape_cast %broadcast_in_dim3A_769 : vector<16xf32> to vector<1x16xf32>
    tpu.vector_store %arg10[%swap3A_849, %swap3A_850], %swap3A_853 {strides = array<i32>} : memref<64x16xf32, #tpu.memory_space<vmem>>, vector<1x16xf32>,
    %swap3A_854 = arith.constant 14 : i32
    %swap3A_855 = arith.index_cast %swap3A_854 : i32 to index
    %swap3A_856 = arith.constant 0 : index
    %swap3A_857 = tpu.vector_load %arg10[%swap3A_855, %swap3A_856] {strides = array<i32>} : memref<64x16xf32, #tpu.memory_space<vmem>>, vector<1x16xf32>,
    %swap3A_858 = vector.shape_cast %swap3A_857 : vector<1x16xf32> to vector<16xf32>
    %swap3A_859 = vector.shape_cast %broadcast_in_dim3A_769 : vector<16xf32> to vector<1x16xf32>
    tpu.vector_store %arg10[%swap3A_855, %swap3A_856], %swap3A_859 {strides = array<i32>} : memref<64x16xf32, #tpu.memory_space<vmem>>, vector<1x16xf32>,
    %swap3A_860 = arith.constant 15 : i32
    %swap3A_861 = arith.index_cast %swap3A_860 : i32 to index
    %swap3A_862 = arith.constant 0 : index
    %swap3A_863 = tpu.vector_load %arg10[%swap3A_861, %swap3A_862] {strides = array<i32>} : memref<64x16xf32, #tpu.memory_space<vmem>>, vector<1x16xf32>,
    %swap3A_864 = vector.shape_cast %swap3A_863 : vector<1x16xf32> to vector<16xf32>
    %swap3A_865 = vector.shape_cast %broadcast_in_dim3A_769 : vector<16xf32> to vector<1x16xf32>
    tpu.vector_store %arg10[%swap3A_861, %swap3A_862], %swap3A_865 {strides = array<i32>} : memref<64x16xf32, #tpu.memory_space<vmem>>, vector<1x16xf32>,
    %swap3A_866 = arith.constant 16 : i32
    %swap3A_867 = arith.index_cast %swap3A_866 : i32 to index
    %swap3A_868 = arith.constant 0 : index
    %swap3A_869 = tpu.vector_load %arg10[%swap3A_867, %swap3A_868] {strides = array<i32>} : memref<64x16xf32, #tpu.memory_space<vmem>>, vector<1x16xf32>,
    %swap3A_870 = vector.shape_cast %swap3A_869 : vector<1x16xf32> to vector<16xf32>
    %swap3A_871 = vector.shape_cast %broadcast_in_dim3A_769 : vector<16xf32> to vector<1x16xf32>
    tpu.vector_store %arg10[%swap3A_867, %swap3A_868], %swap3A_871 {strides = array<i32>} : memref<64x16xf32, #tpu.memory_space<vmem>>, vector<1x16xf32>,
    %swap3A_872 = arith.constant 17 : i32
    %swap3A_873 = arith.index_cast %swap3A_872 : i32 to index
    %swap3A_874 = arith.constant 0 : index
    %swap3A_875 = tpu.vector_load %arg10[%swap3A_873, %swap3A_874] {strides = array<i32>} : memref<64x16xf32, #tpu.memory_space<vmem>>, vector<1x16xf32>,
    %swap3A_876 = vector.shape_cast %swap3A_875 : vector<1x16xf32> to vector<16xf32>
    %swap3A_877 = vector.shape_cast %broadcast_in_dim3A_769 : vector<16xf32> to vector<1x16xf32>
    tpu.vector_store %arg10[%swap3A_873, %swap3A_874], %swap3A_877 {strides = array<i32>} : memref<64x16xf32, #tpu.memory_space<vmem>>, vector<1x16xf32>,
    %swap3A_878 = arith.constant 18 : i32
    %swap3A_879 = arith.index_cast %swap3A_878 : i32 to index
    %swap3A_880 = arith.constant 0 : index
    %swap3A_881 = tpu.vector_load %arg10[%swap3A_879, %swap3A_880] {strides = array<i32>} : memref<64x16xf32, #tpu.memory_space<vmem>>, vector<1x16xf32>,
    %swap3A_882 = vector.shape_cast %swap3A_881 : vector<1x16xf32> to vector<16xf32>
    %swap3A_883 = vector.shape_cast %broadcast_in_dim3A_769 : vector<16xf32> to vector<1x16xf32>
    tpu.vector_store %arg10[%swap3A_879, %swap3A_880], %swap3A_883 {strides = array<i32>} : memref<64x16xf32, #tpu.memory_space<vmem>>, vector<1x16xf32>,
    %swap3A_884 = arith.constant 19 : i32
    %swap3A_885 = arith.index_cast %swap3A_884 : i32 to index
    %swap3A_886 = arith.constant 0 : index
    %swap3A_887 = tpu.vector_load %arg10[%swap3A_885, %swap3A_886] {strides = array<i32>} : memref<64x16xf32, #tpu.memory_space<vmem>>, vector<1x16xf32>,
    %swap3A_888 = vector.shape_cast %swap3A_887 : vector<1x16xf32> to vector<16xf32>
    %swap3A_889 = vector.shape_cast %broadcast_in_dim3A_769 : vector<16xf32> to vector<1x16xf32>
    tpu.vector_store %arg10[%swap3A_885, %swap3A_886], %swap3A_889 {strides = array<i32>} : memref<64x16xf32, #tpu.memory_space<vmem>>, vector<1x16xf32>,
    %swap3A_890 = arith.constant 20 : i32
    %swap3A_891 = arith.index_cast %swap3A_890 : i32 to index
    %swap3A_892 = arith.constant 0 : index
    %swap3A_893 = tpu.vector_load %arg10[%swap3A_891, %swap3A_892] {strides = array<i32>} : memref<64x16xf32, #tpu.memory_space<vmem>>, vector<1x16xf32>,
    %swap3A_894 = vector.shape_cast %swap3A_893 : vector<1x16xf32> to vector<16xf32>
    %swap3A_895 = vector.shape_cast %broadcast_in_dim3A_769 : vector<16xf32> to vector<1x16xf32>
    tpu.vector_store %arg10[%swap3A_891, %swap3A_892], %swap3A_895 {strides = array<i32>} : memref<64x16xf32, #tpu.memory_space<vmem>>, vector<1x16xf32>,
    %swap3A_896 = arith.constant 21 : i32
    %swap3A_897 = arith.index_cast %swap3A_896 : i32 to index
    %swap3A_898 = arith.constant 0 : index
    %swap3A_899 = tpu.vector_load %arg10[%swap3A_897, %swap3A_898] {strides = array<i32>} : memref<64x16xf32, #tpu.memory_space<vmem>>, vector<1x16xf32>,
    %swap3A_900 = vector.shape_cast %swap3A_899 : vector<1x16xf32> to vector<16xf32>
    %swap3A_901 = vector.shape_cast %broadcast_in_dim3A_769 : vector<16xf32> to vector<1x16xf32>
    tpu.vector_store %arg10[%swap3A_897, %swap3A_898], %swap3A_901 {strides = array<i32>} : memref<64x16xf32, #tpu.memory_space<vmem>>, vector<1x16xf32>,
    %swap3A_902 = arith.constant 22 : i32
    %swap3A_903 = arith.index_cast %swap3A_902 : i32 to index
    %swap3A_904 = arith.constant 0 : index
    %swap3A_905 = tpu.vector_load %arg10[%swap3A_903, %swap3A_904] {strides = array<i32>} : memref<64x16xf32, #tpu.memory_space<vmem>>, vector<1x16xf32>,
    %swap3A_906 = vector.shape_cast %swap3A_905 : vector<1x16xf32> to vector<16xf32>
    %swap3A_907 = vector.shape_cast %broadcast_in_dim3A_769 : vector<16xf32> to vector<1x16xf32>
    tpu.vector_store %arg10[%swap3A_903, %swap3A_904], %swap3A_907 {strides = array<i32>} : memref<64x16xf32, #tpu.memory_space<vmem>>, vector<1x16xf32>,
    %swap3A_908 = arith.constant 23 : i32
    %swap3A_909 = arith.index_cast %swap3A_908 : i32 to index
    %swap3A_910 = arith.constant 0 : index
    %swap3A_911 = tpu.vector_load %arg10[%swap3A_909, %swap3A_910] {strides = array<i32>} : memref<64x16xf32, #tpu.memory_space<vmem>>, vector<1x16xf32>,
    %swap3A_912 = vector.shape_cast %swap3A_911 : vector<1x16xf32> to vector<16xf32>
    %swap3A_913 = vector.shape_cast %broadcast_in_dim3A_769 : vector<16xf32> to vector<1x16xf32>
    tpu.vector_store %arg10[%swap3A_909, %swap3A_910], %swap3A_913 {strides = array<i32>} : memref<64x16xf32, #tpu.memory_space<vmem>>, vector<1x16xf32>,
    %swap3A_914 = arith.constant 24 : i32
    %swap3A_915 = arith.index_cast %swap3A_914 : i32 to index
    %swap3A_916 = arith.constant 0 : index
    %swap3A_917 = tpu.vector_load %arg10[%swap3A_915, %swap3A_916] {strides = array<i32>} : memref<64x16xf32, #tpu.memory_space<vmem>>, vector<1x16xf32>,
    %swap3A_918 = vector.shape_cast %swap3A_917 : vector<1x16xf32> to vector<16xf32>
    %swap3A_919 = vector.shape_cast %broadcast_in_dim3A_769 : vector<16xf32> to vector<1x16xf32>
    tpu.vector_store %arg10[%swap3A_915, %swap3A_916], %swap3A_919 {strides = array<i32>} : memref<64x16xf32, #tpu.memory_space<vmem>>, vector<1x16xf32>,
    %swap3A_920 = arith.constant 25 : i32
    %swap3A_921 = arith.index_cast %swap3A_920 : i32 to index
    %swap3A_922 = arith.constant 0 : index
    %swap3A_923 = tpu.vector_load %arg10[%swap3A_921, %swap3A_922] {strides = array<i32>} : memref<64x16xf32, #tpu.memory_space<vmem>>, vector<1x16xf32>,
    %swap3A_924 = vector.shape_cast %swap3A_923 : vector<1x16xf32> to vector<16xf32>
    %swap3A_925 = vector.shape_cast %broadcast_in_dim3A_769 : vector<16xf32> to vector<1x16xf32>
    tpu.vector_store %arg10[%swap3A_921, %swap3A_922], %swap3A_925 {strides = array<i32>} : memref<64x16xf32, #tpu.memory_space<vmem>>, vector<1x16xf32>,
    %swap3A_926 = arith.constant 26 : i32
    %swap3A_927 = arith.index_cast %swap3A_926 : i32 to index
    %swap3A_928 = arith.constant 0 : index
    %swap3A_929 = tpu.vector_load %arg10[%swap3A_927, %swap3A_928] {strides = array<i32>} : memref<64x16xf32, #tpu.memory_space<vmem>>, vector<1x16xf32>,
    %swap3A_930 = vector.shape_cast %swap3A_929 : vector<1x16xf32> to vector<16xf32>
    %swap3A_931 = vector.shape_cast %broadcast_in_dim3A_769 : vector<16xf32> to vector<1x16xf32>
    tpu.vector_store %arg10[%swap3A_927, %swap3A_928], %swap3A_931 {strides = array<i32>} : memref<64x16xf32, #tpu.memory_space<vmem>>, vector<1x16xf32>,
    %swap3A_932 = arith.constant 27 : i32
    %swap3A_933 = arith.index_cast %swap3A_932 : i32 to index
    %swap3A_934 = arith.constant 0 : index
    %swap3A_935 = tpu.vector_load %arg10[%swap3A_933, %swap3A_934] {strides = array<i32>} : memref<64x16xf32, #tpu.memory_space<vmem>>, vector<1x16xf32>,
    %swap3A_936 = vector.shape_cast %swap3A_935 : vector<1x16xf32> to vector<16xf32>
    %swap3A_937 = vector.shape_cast %broadcast_in_dim3A_769 : vector<16xf32> to vector<1x16xf32>
    tpu.vector_store %arg10[%swap3A_933, %swap3A_934], %swap3A_937 {strides = array<i32>} : memref<64x16xf32, #tpu.memory_space<vmem>>, vector<1x16xf32>,
    %swap3A_938 = arith.constant 28 : i32
    %swap3A_939 = arith.index_cast %swap3A_938 : i32 to index
    %swap3A_940 = arith.constant 0 : index
    %swap3A_941 = tpu.vector_load %arg10[%swap3A_939, %swap3A_940] {strides = array<i32>} : memref<64x16xf32, #tpu.memory_space<vmem>>, vector<1x16xf32>,
    %swap3A_942 = vector.shape_cast %swap3A_941 : vector<1x16xf32> to vector<16xf32>
    %swap3A_943 = vector.shape_cast %broadcast_in_dim3A_769 : vector<16xf32> to vector<1x16xf32>
    tpu.vector_store %arg10[%swap3A_939, %swap3A_940], %swap3A_943 {strides = array<i32>} : memref<64x16xf32, #tpu.memory_space<vmem>>, vector<1x16xf32>,
    %swap3A_944 = arith.constant 29 : i32
    %swap3A_945 = arith.index_cast %swap3A_944 : i32 to index
    %swap3A_946 = arith.constant 0 : index
    %swap3A_947 = tpu.vector_load %arg10[%swap3A_945, %swap3A_946] {strides = array<i32>} : memref<64x16xf32, #tpu.memory_space<vmem>>, vector<1x16xf32>,
    %swap3A_948 = vector.shape_cast %swap3A_947 : vector<1x16xf32> to vector<16xf32>
    %swap3A_949 = vector.shape_cast %broadcast_in_dim3A_769 : vector<16xf32> to vector<1x16xf32>
    tpu.vector_store %arg10[%swap3A_945, %swap3A_946], %swap3A_949 {strides = array<i32>} : memref<64x16xf32, #tpu.memory_space<vmem>>, vector<1x16xf32>,
    %swap3A_950 = arith.constant 30 : i32
    %swap3A_951 = arith.index_cast %swap3A_950 : i32 to index
    %swap3A_952 = arith.constant 0 : index
    %swap3A_953 = tpu.vector_load %arg10[%swap3A_951, %swap3A_952] {strides = array<i32>} : memref<64x16xf32, #tpu.memory_space<vmem>>, vector<1x16xf32>,
    %swap3A_954 = vector.shape_cast %swap3A_953 : vector<1x16xf32> to vector<16xf32>
    %swap3A_955 = vector.shape_cast %broadcast_in_dim3A_769 : vector<16xf32> to vector<1x16xf32>
    tpu.vector_store %arg10[%swap3A_951, %swap3A_952], %swap3A_955 {strides = array<i32>} : memref<64x16xf32, #tpu.memory_space<vmem>>, vector<1x16xf32>,
    %swap3A_956 = arith.constant 31 : i32
    %swap3A_957 = arith.index_cast %swap3A_956 : i32 to index
    %swap3A_958 = arith.constant 0 : index
    %swap3A_959 = tpu.vector_load %arg10[%swap3A_957, %swap3A_958] {strides = array<i32>} : memref<64x16xf32, #tpu.memory_space<vmem>>, vector<1x16xf32>,
    %swap3A_960 = vector.shape_cast %swap3A_959 : vector<1x16xf32> to vector<16xf32>
    %swap3A_961 = vector.shape_cast %broadcast_in_dim3A_769 : vector<16xf32> to vector<1x16xf32>
    tpu.vector_store %arg10[%swap3A_957, %swap3A_958], %swap3A_961 {strides = array<i32>} : memref<64x16xf32, #tpu.memory_space<vmem>>, vector<1x16xf32>,
    %swap3A_962 = arith.constant 32 : i32
    %swap3A_963 = arith.index_cast %swap3A_962 : i32 to index
    %swap3A_964 = arith.constant 0 : index
    %swap3A_965 = tpu.vector_load %arg10[%swap3A_963, %swap3A_964] {strides = array<i32>} : memref<64x16xf32, #tpu.memory_space<vmem>>, vector<1x16xf32>,
    %swap3A_966 = vector.shape_cast %swap3A_965 : vector<1x16xf32> to vector<16xf32>
    %swap3A_967 = vector.shape_cast %broadcast_in_dim3A_769 : vector<16xf32> to vector<1x16xf32>
    tpu.vector_store %arg10[%swap3A_963, %swap3A_964], %swap3A_967 {strides = array<i32>} : memref<64x16xf32, #tpu.memory_space<vmem>>, vector<1x16xf32>,
    %swap3A_968 = arith.constant 33 : i32
    %swap3A_969 = arith.index_cast %swap3A_968 : i32 to index
    %swap3A_970 = arith.constant 0 : index
    %swap3A_971 = tpu.vector_load %arg10[%swap3A_969, %swap3A_970] {strides = array<i32>} : memref<64x16xf32, #tpu.memory_space<vmem>>, vector<1x16xf32>,
    %swap3A_972 = vector.shape_cast %swap3A_971 : vector<1x16xf32> to vector<16xf32>
    %swap3A_973 = vector.shape_cast %broadcast_in_dim3A_769 : vector<16xf32> to vector<1x16xf32>
    tpu.vector_store %arg10[%swap3A_969, %swap3A_970], %swap3A_973 {strides = array<i32>} : memref<64x16xf32, #tpu.memory_space<vmem>>, vector<1x16xf32>,
    %swap3A_974 = arith.constant 34 : i32
    %swap3A_975 = arith.index_cast %swap3A_974 : i32 to index
    %swap3A_976 = arith.constant 0 : index
    %swap3A_977 = tpu.vector_load %arg10[%swap3A_975, %swap3A_976] {strides = array<i32>} : memref<64x16xf32, #tpu.memory_space<vmem>>, vector<1x16xf32>,
    %swap3A_978 = vector.shape_cast %swap3A_977 : vector<1x16xf32> to vector<16xf32>
    %swap3A_979 = vector.shape_cast %broadcast_in_dim3A_769 : vector<16xf32> to vector<1x16xf32>
    tpu.vector_store %arg10[%swap3A_975, %swap3A_976], %swap3A_979 {strides = array<i32>} : memref<64x16xf32, #tpu.memory_space<vmem>>, vector<1x16xf32>,
    %swap3A_980 = arith.constant 35 : i32
    %swap3A_981 = arith.index_cast %swap3A_980 : i32 to index
    %swap3A_982 = arith.constant 0 : index
    %swap3A_983 = tpu.vector_load %arg10[%swap3A_981, %swap3A_982] {strides = array<i32>} : memref<64x16xf32, #tpu.memory_space<vmem>>, vector<1x16xf32>,
    %swap3A_984 = vector.shape_cast %swap3A_983 : vector<1x16xf32> to vector<16xf32>
    %swap3A_985 = vector.shape_cast %broadcast_in_dim3A_769 : vector<16xf32> to vector<1x16xf32>
    tpu.vector_store %arg10[%swap3A_981, %swap3A_982], %swap3A_985 {strides = array<i32>} : memref<64x16xf32, #tpu.memory_space<vmem>>, vector<1x16xf32>,
    %swap3A_986 = arith.constant 36 : i32
    %swap3A_987 = arith.index_cast %swap3A_986 : i32 to index
    %swap3A_988 = arith.constant 0 : index
    %swap3A_989 = tpu.vector_load %arg10[%swap3A_987, %swap3A_988] {strides = array<i32>} : memref<64x16xf32, #tpu.memory_space<vmem>>, vector<1x16xf32>,
    %swap3A_990 = vector.shape_cast %swap3A_989 : vector<1x16xf32> to vector<16xf32>
    %swap3A_991 = vector.shape_cast %broadcast_in_dim3A_769 : vector<16xf32> to vector<1x16xf32>
    tpu.vector_store %arg10[%swap3A_987, %swap3A_988], %swap3A_991 {strides = array<i32>} : memref<64x16xf32, #tpu.memory_space<vmem>>, vector<1x16xf32>,
    %swap3A_992 = arith.constant 37 : i32
    %swap3A_993 = arith.index_cast %swap3A_992 : i32 to index
    %swap3A_994 = arith.constant 0 : index
    %swap3A_995 = tpu.vector_load %arg10[%swap3A_993, %swap3A_994] {strides = array<i32>} : memref<64x16xf32, #tpu.memory_space<vmem>>, vector<1x16xf32>,
    %swap3A_996 = vector.shape_cast %swap3A_995 : vector<1x16xf32> to vector<16xf32>
    %swap3A_997 = vector.shape_cast %broadcast_in_dim3A_769 : vector<16xf32> to vector<1x16xf32>
    tpu.vector_store %arg10[%swap3A_993, %swap3A_994], %swap3A_997 {strides = array<i32>} : memref<64x16xf32, #tpu.memory_space<vmem>>, vector<1x16xf32>,
    %swap3A_998 = arith.constant 38 : i32
    %swap3A_999 = arith.index_cast %swap3A_998 : i32 to index
    %swap3A_1000 = arith.constant 0 : index
    %swap3A_1001 = tpu.vector_load %arg10[%swap3A_999, %swap3A_1000] {strides = array<i32>} : memref<64x16xf32, #tpu.memory_space<vmem>>, vector<1x16xf32>,
    %swap3A_1002 = vector.shape_cast %swap3A_1001 : vector<1x16xf32> to vector<16xf32>
    %swap3A_1003 = vector.shape_cast %broadcast_in_dim3A_769 : vector<16xf32> to vector<1x16xf32>
    tpu.vector_store %arg10[%swap3A_999, %swap3A_1000], %swap3A_1003 {strides = array<i32>} : memref<64x16xf32, #tpu.memory_space<vmem>>, vector<1x16xf32>,
    %swap3A_1004 = arith.constant 39 : i32
    %swap3A_1005 = arith.index_cast %swap3A_1004 : i32 to index
    %swap3A_1006 = arith.constant 0 : index
    %swap3A_1007 = tpu.vector_load %arg10[%swap3A_1005, %swap3A_1006] {strides = array<i32>} : memref<64x16xf32, #tpu.memory_space<vmem>>, vector<1x16xf32>,
    %swap3A_1008 = vector.shape_cast %swap3A_1007 : vector<1x16xf32> to vector<16xf32>
    %swap3A_1009 = vector.shape_cast %broadcast_in_dim3A_769 : vector<16xf32> to vector<1x16xf32>
    tpu.vector_store %arg10[%swap3A_1005, %swap3A_1006], %swap3A_1009 {strides = array<i32>} : memref<64x16xf32, #tpu.memory_space<vmem>>, vector<1x16xf32>,
    %swap3A_1010 = arith.constant 40 : i32
    %swap3A_1011 = arith.index_cast %swap3A_1010 : i32 to index
    %swap3A_1012 = arith.constant 0 : index
    %swap3A_1013 = tpu.vector_load %arg10[%swap3A_1011, %swap3A_1012] {strides = array<i32>} : memref<64x16xf32, #tpu.memory_space<vmem>>, vector<1x16xf32>,
    %swap3A_1014 = vector.shape_cast %swap3A_1013 : vector<1x16xf32> to vector<16xf32>
    %swap3A_1015 = vector.shape_cast %broadcast_in_dim3A_769 : vector<16xf32> to vector<1x16xf32>
    tpu.vector_store %arg10[%swap3A_1011, %swap3A_1012], %swap3A_1015 {strides = array<i32>} : memref<64x16xf32, #tpu.memory_space<vmem>>, vector<1x16xf32>,
    %swap3A_1016 = arith.constant 41 : i32
    %swap3A_1017 = arith.index_cast %swap3A_1016 : i32 to index
    %swap3A_1018 = arith.constant 0 : index
    %swap3A_1019 = tpu.vector_load %arg10[%swap3A_1017, %swap3A_1018] {strides = array<i32>} : memref<64x16xf32, #tpu.memory_space<vmem>>, vector<1x16xf32>,
    %swap3A_1020 = vector.shape_cast %swap3A_1019 : vector<1x16xf32> to vector<16xf32>
    %swap3A_1021 = vector.shape_cast %broadcast_in_dim3A_769 : vector<16xf32> to vector<1x16xf32>
    tpu.vector_store %arg10[%swap3A_1017, %swap3A_1018], %swap3A_1021 {strides = array<i32>} : memref<64x16xf32, #tpu.memory_space<vmem>>, vector<1x16xf32>,
    %swap3A_1022 = arith.constant 42 : i32
    %swap3A_1023 = arith.index_cast %swap3A_1022 : i32 to index
    %swap3A_1024 = arith.constant 0 : index
    %swap3A_1025 = tpu.vector_load %arg10[%swap3A_1023, %swap3A_1024] {strides = array<i32>} : memref<64x16xf32, #tpu.memory_space<vmem>>, vector<1x16xf32>,
    %swap3A_1026 = vector.shape_cast %swap3A_1025 : vector<1x16xf32> to vector<16xf32>
    %swap3A_1027 = vector.shape_cast %broadcast_in_dim3A_769 : vector<16xf32> to vector<1x16xf32>
    tpu.vector_store %arg10[%swap3A_1023, %swap3A_1024], %swap3A_1027 {strides = array<i32>} : memref<64x16xf32, #tpu.memory_space<vmem>>, vector<1x16xf32>,
    %swap3A_1028 = arith.constant 43 : i32
    %swap3A_1029 = arith.index_cast %swap3A_1028 : i32 to index
    %swap3A_1030 = arith.constant 0 : index
    %swap3A_1031 = tpu.vector_load %arg10[%swap3A_1029, %swap3A_1030] {strides = array<i32>} : memref<64x16xf32, #tpu.memory_space<vmem>>, vector<1x16xf32>,
    %swap3A_1032 = vector.shape_cast %swap3A_1031 : vector<1x16xf32> to vector<16xf32>
    %swap3A_1033 = vector.shape_cast %broadcast_in_dim3A_769 : vector<16xf32> to vector<1x16xf32>
    tpu.vector_store %arg10[%swap3A_1029, %swap3A_1030], %swap3A_1033 {strides = array<i32>} : memref<64x16xf32, #tpu.memory_space<vmem>>, vector<1x16xf32>,
    %swap3A_1034 = arith.constant 44 : i32
    %swap3A_1035 = arith.index_cast %swap3A_1034 : i32 to index
    %swap3A_1036 = arith.constant 0 : index
    %swap3A_1037 = tpu.vector_load %arg10[%swap3A_1035, %swap3A_1036] {strides = array<i32>} : memref<64x16xf32, #tpu.memory_space<vmem>>, vector<1x16xf32>,
    %swap3A_1038 = vector.shape_cast %swap3A_1037 : vector<1x16xf32> to vector<16xf32>
    %swap3A_1039 = vector.shape_cast %broadcast_in_dim3A_769 : vector<16xf32> to vector<1x16xf32>
    tpu.vector_store %arg10[%swap3A_1035, %swap3A_1036], %swap3A_1039 {strides = array<i32>} : memref<64x16xf32, #tpu.memory_space<vmem>>, vector<1x16xf32>,
    %swap3A_1040 = arith.constant 45 : i32
    %swap3A_1041 = arith.index_cast %swap3A_1040 : i32 to index
    %swap3A_1042 = arith.constant 0 : index
    %swap3A_1043 = tpu.vector_load %arg10[%swap3A_1041, %swap3A_1042] {strides = array<i32>} : memref<64x16xf32, #tpu.memory_space<vmem>>, vector<1x16xf32>,
    %swap3A_1044 = vector.shape_cast %swap3A_1043 : vector<1x16xf32> to vector<16xf32>
    %swap3A_1045 = vector.shape_cast %broadcast_in_dim3A_769 : vector<16xf32> to vector<1x16xf32>
    tpu.vector_store %arg10[%swap3A_1041, %swap3A_1042], %swap3A_1045 {strides = array<i32>} : memref<64x16xf32, #tpu.memory_space<vmem>>, vector<1x16xf32>,
    %swap3A_1046 = arith.constant 46 : i32
    %swap3A_1047 = arith.index_cast %swap3A_1046 : i32 to index
    %swap3A_1048 = arith.constant 0 : index
    %swap3A_1049 = tpu.vector_load %arg10[%swap3A_1047, %swap3A_1048] {strides = array<i32>} : memref<64x16xf32, #tpu.memory_space<vmem>>, vector<1x16xf32>,
    %swap3A_1050 = vector.shape_cast %swap3A_1049 : vector<1x16xf32> to vector<16xf32>
    %swap3A_1051 = vector.shape_cast %broadcast_in_dim3A_769 : vector<16xf32> to vector<1x16xf32>
    tpu.vector_store %arg10[%swap3A_1047, %swap3A_1048], %swap3A_1051 {strides = array<i32>} : memref<64x16xf32, #tpu.memory_space<vmem>>, vector<1x16xf32>,
    %swap3A_1052 = arith.constant 47 : i32
    %swap3A_1053 = arith.index_cast %swap3A_1052 : i32 to index
    %swap3A_1054 = arith.constant 0 : index
    %swap3A_1055 = tpu.vector_load %arg10[%swap3A_1053, %swap3A_1054] {strides = array<i32>} : memref<64x16xf32, #tpu.memory_space<vmem>>, vector<1x16xf32>,
    %swap3A_1056 = vector.shape_cast %swap3A_1055 : vector<1x16xf32> to vector<16xf32>
    %swap3A_1057 = vector.shape_cast %broadcast_in_dim3A_769 : vector<16xf32> to vector<1x16xf32>
    tpu.vector_store %arg10[%swap3A_1053, %swap3A_1054], %swap3A_1057 {strides = array<i32>} : memref<64x16xf32, #tpu.memory_space<vmem>>, vector<1x16xf32>,
    %swap3A_1058 = arith.constant 48 : i32
    %swap3A_1059 = arith.index_cast %swap3A_1058 : i32 to index
    %swap3A_1060 = arith.constant 0 : index
    %swap3A_1061 = tpu.vector_load %arg10[%swap3A_1059, %swap3A_1060] {strides = array<i32>} : memref<64x16xf32, #tpu.memory_space<vmem>>, vector<1x16xf32>,
    %swap3A_1062 = vector.shape_cast %swap3A_1061 : vector<1x16xf32> to vector<16xf32>
    %swap3A_1063 = vector.shape_cast %broadcast_in_dim3A_769 : vector<16xf32> to vector<1x16xf32>
    tpu.vector_store %arg10[%swap3A_1059, %swap3A_1060], %swap3A_1063 {strides = array<i32>} : memref<64x16xf32, #tpu.memory_space<vmem>>, vector<1x16xf32>,
    %swap3A_1064 = arith.constant 49 : i32
    %swap3A_1065 = arith.index_cast %swap3A_1064 : i32 to index
    %swap3A_1066 = arith.constant 0 : index
    %swap3A_1067 = tpu.vector_load %arg10[%swap3A_1065, %swap3A_1066] {strides = array<i32>} : memref<64x16xf32, #tpu.memory_space<vmem>>, vector<1x16xf32>,
    %swap3A_1068 = vector.shape_cast %swap3A_1067 : vector<1x16xf32> to vector<16xf32>
    %swap3A_1069 = vector.shape_cast %broadcast_in_dim3A_769 : vector<16xf32> to vector<1x16xf32>
    tpu.vector_store %arg10[%swap3A_1065, %swap3A_1066], %swap3A_1069 {strides = array<i32>} : memref<64x16xf32, #tpu.memory_space<vmem>>, vector<1x16xf32>,
    %swap3A_1070 = arith.constant 50 : i32
    %swap3A_1071 = arith.index_cast %swap3A_1070 : i32 to index
    %swap3A_1072 = arith.constant 0 : index
    %swap3A_1073 = tpu.vector_load %arg10[%swap3A_1071, %swap3A_1072] {strides = array<i32>} : memref<64x16xf32, #tpu.memory_space<vmem>>, vector<1x16xf32>,
    %swap3A_1074 = vector.shape_cast %swap3A_1073 : vector<1x16xf32> to vector<16xf32>
    %swap3A_1075 = vector.shape_cast %broadcast_in_dim3A_769 : vector<16xf32> to vector<1x16xf32>
    tpu.vector_store %arg10[%swap3A_1071, %swap3A_1072], %swap3A_1075 {strides = array<i32>} : memref<64x16xf32, #tpu.memory_space<vmem>>, vector<1x16xf32>,
    %swap3A_1076 = arith.constant 51 : i32
    %swap3A_1077 = arith.index_cast %swap3A_1076 : i32 to index
    %swap3A_1078 = arith.constant 0 : index
    %swap3A_1079 = tpu.vector_load %arg10[%swap3A_1077, %swap3A_1078] {strides = array<i32>} : memref<64x16xf32, #tpu.memory_space<vmem>>, vector<1x16xf32>,
    %swap3A_1080 = vector.shape_cast %swap3A_1079 : vector<1x16xf32> to vector<16xf32>
    %swap3A_1081 = vector.shape_cast %broadcast_in_dim3A_769 : vector<16xf32> to vector<1x16xf32>
    tpu.vector_store %arg10[%swap3A_1077, %swap3A_1078], %swap3A_1081 {strides = array<i32>} : memref<64x16xf32, #tpu.memory_space<vmem>>, vector<1x16xf32>,
    %swap3A_1082 = arith.constant 52 : i32
    %swap3A_1083 = arith.index_cast %swap3A_1082 : i32 to index
    %swap3A_1084 = arith.constant 0 : index
    %swap3A_1085 = tpu.vector_load %arg10[%swap3A_1083, %swap3A_1084] {strides = array<i32>} : memref<64x16xf32, #tpu.memory_space<vmem>>, vector<1x16xf32>,
    %swap3A_1086 = vector.shape_cast %swap3A_1085 : vector<1x16xf32> to vector<16xf32>
    %swap3A_1087 = vector.shape_cast %broadcast_in_dim3A_769 : vector<16xf32> to vector<1x16xf32>
    tpu.vector_store %arg10[%swap3A_1083, %swap3A_1084], %swap3A_1087 {strides = array<i32>} : memref<64x16xf32, #tpu.memory_space<vmem>>, vector<1x16xf32>,
    %swap3A_1088 = arith.constant 53 : i32
    %swap3A_1089 = arith.index_cast %swap3A_1088 : i32 to index
    %swap3A_1090 = arith.constant 0 : index
    %swap3A_1091 = tpu.vector_load %arg10[%swap3A_1089, %swap3A_1090] {strides = array<i32>} : memref<64x16xf32, #tpu.memory_space<vmem>>, vector<1x16xf32>,
    %swap3A_1092 = vector.shape_cast %swap3A_1091 : vector<1x16xf32> to vector<16xf32>
    %swap3A_1093 = vector.shape_cast %broadcast_in_dim3A_769 : vector<16xf32> to vector<1x16xf32>
    tpu.vector_store %arg10[%swap3A_1089, %swap3A_1090], %swap3A_1093 {strides = array<i32>} : memref<64x16xf32, #tpu.memory_space<vmem>>, vector<1x16xf32>,
    %swap3A_1094 = arith.constant 54 : i32
    %swap3A_1095 = arith.index_cast %swap3A_1094 : i32 to index
    %swap3A_1096 = arith.constant 0 : index
    %swap3A_1097 = tpu.vector_load %arg10[%swap3A_1095, %swap3A_1096] {strides = array<i32>} : memref<64x16xf32, #tpu.memory_space<vmem>>, vector<1x16xf32>,
    %swap3A_1098 = vector.shape_cast %swap3A_1097 : vector<1x16xf32> to vector<16xf32>
    %swap3A_1099 = vector.shape_cast %broadcast_in_dim3A_769 : vector<16xf32> to vector<1x16xf32>
    tpu.vector_store %arg10[%swap3A_1095, %swap3A_1096], %swap3A_1099 {strides = array<i32>} : memref<64x16xf32, #tpu.memory_space<vmem>>, vector<1x16xf32>,
    %swap3A_1100 = arith.constant 55 : i32
    %swap3A_1101 = arith.index_cast %swap3A_1100 : i32 to index
    %swap3A_1102 = arith.constant 0 : index
    %swap3A_1103 = tpu.vector_load %arg10[%swap3A_1101, %swap3A_1102] {strides = array<i32>} : memref<64x16xf32, #tpu.memory_space<vmem>>, vector<1x16xf32>,
    %swap3A_1104 = vector.shape_cast %swap3A_1103 : vector<1x16xf32> to vector<16xf32>
    %swap3A_1105 = vector.shape_cast %broadcast_in_dim3A_769 : vector<16xf32> to vector<1x16xf32>
    tpu.vector_store %arg10[%swap3A_1101, %swap3A_1102], %swap3A_1105 {strides = array<i32>} : memref<64x16xf32, #tpu.memory_space<vmem>>, vector<1x16xf32>,
    %swap3A_1106 = arith.constant 56 : i32
    %swap3A_1107 = arith.index_cast %swap3A_1106 : i32 to index
    %swap3A_1108 = arith.constant 0 : index
    %swap3A_1109 = tpu.vector_load %arg10[%swap3A_1107, %swap3A_1108] {strides = array<i32>} : memref<64x16xf32, #tpu.memory_space<vmem>>, vector<1x16xf32>,
    %swap3A_1110 = vector.shape_cast %swap3A_1109 : vector<1x16xf32> to vector<16xf32>
    %swap3A_1111 = vector.shape_cast %broadcast_in_dim3A_769 : vector<16xf32> to vector<1x16xf32>
    tpu.vector_store %arg10[%swap3A_1107, %swap3A_1108], %swap3A_1111 {strides = array<i32>} : memref<64x16xf32, #tpu.memory_space<vmem>>, vector<1x16xf32>,
    %swap3A_1112 = arith.constant 57 : i32
    %swap3A_1113 = arith.index_cast %swap3A_1112 : i32 to index
    %swap3A_1114 = arith.constant 0 : index
    %swap3A_1115 = tpu.vector_load %arg10[%swap3A_1113, %swap3A_1114] {strides = array<i32>} : memref<64x16xf32, #tpu.memory_space<vmem>>, vector<1x16xf32>,
    %swap3A_1116 = vector.shape_cast %swap3A_1115 : vector<1x16xf32> to vector<16xf32>
    %swap3A_1117 = vector.shape_cast %broadcast_in_dim3A_769 : vector<16xf32> to vector<1x16xf32>
    tpu.vector_store %arg10[%swap3A_1113, %swap3A_1114], %swap3A_1117 {strides = array<i32>} : memref<64x16xf32, #tpu.memory_space<vmem>>, vector<1x16xf32>,
    %swap3A_1118 = arith.constant 58 : i32
    %swap3A_1119 = arith.index_cast %swap3A_1118 : i32 to index
    %swap3A_1120 = arith.constant 0 : index
    %swap3A_1121 = tpu.vector_load %arg10[%swap3A_1119, %swap3A_1120] {strides = array<i32>} : memref<64x16xf32, #tpu.memory_space<vmem>>, vector<1x16xf32>,
    %swap3A_1122 = vector.shape_cast %swap3A_1121 : vector<1x16xf32> to vector<16xf32>
    %swap3A_1123 = vector.shape_cast %broadcast_in_dim3A_769 : vector<16xf32> to vector<1x16xf32>
    tpu.vector_store %arg10[%swap3A_1119, %swap3A_1120], %swap3A_1123 {strides = array<i32>} : memref<64x16xf32, #tpu.memory_space<vmem>>, vector<1x16xf32>,
    %swap3A_1124 = arith.constant 59 : i32
    %swap3A_1125 = arith.index_cast %swap3A_1124 : i32 to index
    %swap3A_1126 = arith.constant 0 : index
    %swap3A_1127 = tpu.vector_load %arg10[%swap3A_1125, %swap3A_1126] {strides = array<i32>} : memref<64x16xf32, #tpu.memory_space<vmem>>, vector<1x16xf32>,
    %swap3A_1128 = vector.shape_cast %swap3A_1127 : vector<1x16xf32> to vector<16xf32>
    %swap3A_1129 = vector.shape_cast %broadcast_in_dim3A_769 : vector<16xf32> to vector<1x16xf32>
    tpu.vector_store %arg10[%swap3A_1125, %swap3A_1126], %swap3A_1129 {strides = array<i32>} : memref<64x16xf32, #tpu.memory_space<vmem>>, vector<1x16xf32>,
    %swap3A_1130 = arith.constant 60 : i32
    %swap3A_1131 = arith.index_cast %swap3A_1130 : i32 to index
    %swap3A_1132 = arith.constant 0 : index
    %swap3A_1133 = tpu.vector_load %arg10[%swap3A_1131, %swap3A_1132] {strides = array<i32>} : memref<64x16xf32, #tpu.memory_space<vmem>>, vector<1x16xf32>,
    %swap3A_1134 = vector.shape_cast %swap3A_1133 : vector<1x16xf32> to vector<16xf32>
    %swap3A_1135 = vector.shape_cast %broadcast_in_dim3A_769 : vector<16xf32> to vector<1x16xf32>
    tpu.vector_store %arg10[%swap3A_1131, %swap3A_1132], %swap3A_1135 {strides = array<i32>} : memref<64x16xf32, #tpu.memory_space<vmem>>, vector<1x16xf32>,
    %swap3A_1136 = arith.constant 61 : i32
    %swap3A_1137 = arith.index_cast %swap3A_1136 : i32 to index
    %swap3A_1138 = arith.constant 0 : index
    %swap3A_1139 = tpu.vector_load %arg10[%swap3A_1137, %swap3A_1138] {strides = array<i32>} : memref<64x16xf32, #tpu.memory_space<vmem>>, vector<1x16xf32>,
    %swap3A_1140 = vector.shape_cast %swap3A_1139 : vector<1x16xf32> to vector<16xf32>
    %swap3A_1141 = vector.shape_cast %broadcast_in_dim3A_769 : vector<16xf32> to vector<1x16xf32>
    tpu.vector_store %arg10[%swap3A_1137, %swap3A_1138], %swap3A_1141 {strides = array<i32>} : memref<64x16xf32, #tpu.memory_space<vmem>>, vector<1x16xf32>,
    %swap3A_1142 = arith.constant 62 : i32
    %swap3A_1143 = arith.index_cast %swap3A_1142 : i32 to index
    %swap3A_1144 = arith.constant 0 : index
    %swap3A_1145 = tpu.vector_load %arg10[%swap3A_1143, %swap3A_1144] {strides = array<i32>} : memref<64x16xf32, #tpu.memory_space<vmem>>, vector<1x16xf32>,
    %swap3A_1146 = vector.shape_cast %swap3A_1145 : vector<1x16xf32> to vector<16xf32>
    %swap3A_1147 = vector.shape_cast %broadcast_in_dim3A_769 : vector<16xf32> to vector<1x16xf32>
    tpu.vector_store %arg10[%swap3A_1143, %swap3A_1144], %swap3A_1147 {strides = array<i32>} : memref<64x16xf32, #tpu.memory_space<vmem>>, vector<1x16xf32>,
    %swap3A_1148 = arith.constant 63 : i32
    %swap3A_1149 = arith.index_cast %swap3A_1148 : i32 to index
    %swap3A_1150 = arith.constant 0 : index
    %swap3A_1151 = tpu.vector_load %arg10[%swap3A_1149, %swap3A_1150] {strides = array<i32>} : memref<64x16xf32, #tpu.memory_space<vmem>>, vector<1x16xf32>,
    %swap3A_1152 = vector.shape_cast %swap3A_1151 : vector<1x16xf32> to vector<16xf32>
    %swap3A_1153 = vector.shape_cast %broadcast_in_dim3A_769 : vector<16xf32> to vector<1x16xf32>
    tpu.vector_store %arg10[%swap3A_1149, %swap3A_1150], %swap3A_1153 {strides = array<i32>} : memref<64x16xf32, #tpu.memory_space<vmem>>, vector<1x16xf32>,
    %broadcast_in_dim3A_1154 = arith.constant 1.000000e+00 : f32
    %broadcast_in_dim3A_1155 = vector.broadcast %broadcast_in_dim3A_1154 : f32 to vector<16xf32>
    %swap3A_1156 = arith.constant 0 : i32
    %swap3A_1157 = arith.index_cast %swap3A_1156 : i32 to index
    %swap3A_1158 = arith.constant 0 : index
    %swap3A_1159 = tpu.vector_load %arg11[%swap3A_1157, %swap3A_1158] {strides = array<i32>} : memref<128x16xf32, #tpu.memory_space<vmem>>, vector<1x16xf32>,
    %swap3A_1160 = vector.shape_cast %swap3A_1159 : vector<1x16xf32> to vector<16xf32>
    %swap3A_1161 = vector.shape_cast %broadcast_in_dim3A_1155 : vector<16xf32> to vector<1x16xf32>
    tpu.vector_store %arg11[%swap3A_1157, %swap3A_1158], %swap3A_1161 {strides = array<i32>} : memref<128x16xf32, #tpu.memory_space<vmem>>, vector<1x16xf32>,
    %swap3A_1162 = arith.constant 1 : i32
    %swap3A_1163 = arith.index_cast %swap3A_1162 : i32 to index
    %swap3A_1164 = arith.constant 0 : index
    %swap3A_1165 = tpu.vector_load %arg11[%swap3A_1163, %swap3A_1164] {strides = array<i32>} : memref<128x16xf32, #tpu.memory_space<vmem>>, vector<1x16xf32>,
    %swap3A_1166 = vector.shape_cast %swap3A_1165 : vector<1x16xf32> to vector<16xf32>
    %swap3A_1167 = vector.shape_cast %broadcast_in_dim3A_1155 : vector<16xf32> to vector<1x16xf32>
    tpu.vector_store %arg11[%swap3A_1163, %swap3A_1164], %swap3A_1167 {strides = array<i32>} : memref<128x16xf32, #tpu.memory_space<vmem>>, vector<1x16xf32>,
    %swap3A_1168 = arith.constant 2 : i32
    %swap3A_1169 = arith.index_cast %swap3A_1168 : i32 to index
    %swap3A_1170 = arith.constant 0 : index
    %swap3A_1171 = tpu.vector_load %arg11[%swap3A_1169, %swap3A_1170] {strides = array<i32>} : memref<128x16xf32, #tpu.memory_space<vmem>>, vector<1x16xf32>,
    %swap3A_1172 = vector.shape_cast %swap3A_1171 : vector<1x16xf32> to vector<16xf32>
    %swap3A_1173 = vector.shape_cast %broadcast_in_dim3A_1155 : vector<16xf32> to vector<1x16xf32>
    tpu.vector_store %arg11[%swap3A_1169, %swap3A_1170], %swap3A_1173 {strides = array<i32>} : memref<128x16xf32, #tpu.memory_space<vmem>>, vector<1x16xf32>,
    %swap3A_1174 = arith.constant 3 : i32
    %swap3A_1175 = arith.index_cast %swap3A_1174 : i32 to index
    %swap3A_1176 = arith.constant 0 : index
    %swap3A_1177 = tpu.vector_load %arg11[%swap3A_1175, %swap3A_1176] {strides = array<i32>} : memref<128x16xf32, #tpu.memory_space<vmem>>, vector<1x16xf32>,
    %swap3A_1178 = vector.shape_cast %swap3A_1177 : vector<1x16xf32> to vector<16xf32>
    %swap3A_1179 = vector.shape_cast %broadcast_in_dim3A_1155 : vector<16xf32> to vector<1x16xf32>
    tpu.vector_store %arg11[%swap3A_1175, %swap3A_1176], %swap3A_1179 {strides = array<i32>} : memref<128x16xf32, #tpu.memory_space<vmem>>, vector<1x16xf32>,
    %swap3A_1180 = arith.constant 4 : i32
    %swap3A_1181 = arith.index_cast %swap3A_1180 : i32 to index
    %swap3A_1182 = arith.constant 0 : index
    %swap3A_1183 = tpu.vector_load %arg11[%swap3A_1181, %swap3A_1182] {strides = array<i32>} : memref<128x16xf32, #tpu.memory_space<vmem>>, vector<1x16xf32>,
    %swap3A_1184 = vector.shape_cast %swap3A_1183 : vector<1x16xf32> to vector<16xf32>
    %swap3A_1185 = vector.shape_cast %broadcast_in_dim3A_1155 : vector<16xf32> to vector<1x16xf32>
    tpu.vector_store %arg11[%swap3A_1181, %swap3A_1182], %swap3A_1185 {strides = array<i32>} : memref<128x16xf32, #tpu.memory_space<vmem>>, vector<1x16xf32>,
    %swap3A_1186 = arith.constant 5 : i32
    %swap3A_1187 = arith.index_cast %swap3A_1186 : i32 to index
    %swap3A_1188 = arith.constant 0 : index
    %swap3A_1189 = tpu.vector_load %arg11[%swap3A_1187, %swap3A_1188] {strides = array<i32>} : memref<128x16xf32, #tpu.memory_space<vmem>>, vector<1x16xf32>,
    %swap3A_1190 = vector.shape_cast %swap3A_1189 : vector<1x16xf32> to vector<16xf32>
    %swap3A_1191 = vector.shape_cast %broadcast_in_dim3A_1155 : vector<16xf32> to vector<1x16xf32>
    tpu.vector_store %arg11[%swap3A_1187, %swap3A_1188], %swap3A_1191 {strides = array<i32>} : memref<128x16xf32, #tpu.memory_space<vmem>>, vector<1x16xf32>,
    %swap3A_1192 = arith.constant 6 : i32
    %swap3A_1193 = arith.index_cast %swap3A_1192 : i32 to index
    %swap3A_1194 = arith.constant 0 : index
    %swap3A_1195 = tpu.vector_load %arg11[%swap3A_1193, %swap3A_1194] {strides = array<i32>} : memref<128x16xf32, #tpu.memory_space<vmem>>, vector<1x16xf32>,
    %swap3A_1196 = vector.shape_cast %swap3A_1195 : vector<1x16xf32> to vector<16xf32>
    %swap3A_1197 = vector.shape_cast %broadcast_in_dim3A_1155 : vector<16xf32> to vector<1x16xf32>
    tpu.vector_store %arg11[%swap3A_1193, %swap3A_1194], %swap3A_1197 {strides = array<i32>} : memref<128x16xf32, #tpu.memory_space<vmem>>, vector<1x16xf32>,
    %swap3A_1198 = arith.constant 7 : i32
    %swap3A_1199 = arith.index_cast %swap3A_1198 : i32 to index
    %swap3A_1200 = arith.constant 0 : index
    %swap3A_1201 = tpu.vector_load %arg11[%swap3A_1199, %swap3A_1200] {strides = array<i32>} : memref<128x16xf32, #tpu.memory_space<vmem>>, vector<1x16xf32>,
    %swap3A_1202 = vector.shape_cast %swap3A_1201 : vector<1x16xf32> to vector<16xf32>
    %swap3A_1203 = vector.shape_cast %broadcast_in_dim3A_1155 : vector<16xf32> to vector<1x16xf32>
    tpu.vector_store %arg11[%swap3A_1199, %swap3A_1200], %swap3A_1203 {strides = array<i32>} : memref<128x16xf32, #tpu.memory_space<vmem>>, vector<1x16xf32>,
    %swap3A_1204 = arith.constant 8 : i32
    %swap3A_1205 = arith.index_cast %swap3A_1204 : i32 to index
    %swap3A_1206 = arith.constant 0 : index
    %swap3A_1207 = tpu.vector_load %arg11[%swap3A_1205, %swap3A_1206] {strides = array<i32>} : memref<128x16xf32, #tpu.memory_space<vmem>>, vector<1x16xf32>,
    %swap3A_1208 = vector.shape_cast %swap3A_1207 : vector<1x16xf32> to vector<16xf32>
    %swap3A_1209 = vector.shape_cast %broadcast_in_dim3A_1155 : vector<16xf32> to vector<1x16xf32>
    tpu.vector_store %arg11[%swap3A_1205, %swap3A_1206], %swap3A_1209 {strides = array<i32>} : memref<128x16xf32, #tpu.memory_space<vmem>>, vector<1x16xf32>,
    %swap3A_1210 = arith.constant 9 : i32
    %swap3A_1211 = arith.index_cast %swap3A_1210 : i32 to index
    %swap3A_1212 = arith.constant 0 : index
    %swap3A_1213 = tpu.vector_load %arg11[%swap3A_1211, %swap3A_1212] {strides = array<i32>} : memref<128x16xf32, #tpu.memory_space<vmem>>, vector<1x16xf32>,
    %swap3A_1214 = vector.shape_cast %swap3A_1213 : vector<1x16xf32> to vector<16xf32>
    %swap3A_1215 = vector.shape_cast %broadcast_in_dim3A_1155 : vector<16xf32> to vector<1x16xf32>
    tpu.vector_store %arg11[%swap3A_1211, %swap3A_1212], %swap3A_1215 {strides = array<i32>} : memref<128x16xf32, #tpu.memory_space<vmem>>, vector<1x16xf32>,
    %swap3A_1216 = arith.constant 10 : i32
    %swap3A_1217 = arith.index_cast %swap3A_1216 : i32 to index
    %swap3A_1218 = arith.constant 0 : index
    %swap3A_1219 = tpu.vector_load %arg11[%swap3A_1217, %swap3A_1218] {strides = array<i32>} : memref<128x16xf32, #tpu.memory_space<vmem>>, vector<1x16xf32>,
    %swap3A_1220 = vector.shape_cast %swap3A_1219 : vector<1x16xf32> to vector<16xf32>
    %swap3A_1221 = vector.shape_cast %broadcast_in_dim3A_1155 : vector<16xf32> to vector<1x16xf32>
    tpu.vector_store %arg11[%swap3A_1217, %swap3A_1218], %swap3A_1221 {strides = array<i32>} : memref<128x16xf32, #tpu.memory_space<vmem>>, vector<1x16xf32>,
    %swap3A_1222 = arith.constant 11 : i32
    %swap3A_1223 = arith.index_cast %swap3A_1222 : i32 to index
    %swap3A_1224 = arith.constant 0 : index
    %swap3A_1225 = tpu.vector_load %arg11[%swap3A_1223, %swap3A_1224] {strides = array<i32>} : memref<128x16xf32, #tpu.memory_space<vmem>>, vector<1x16xf32>,
    %swap3A_1226 = vector.shape_cast %swap3A_1225 : vector<1x16xf32> to vector<16xf32>
    %swap3A_1227 = vector.shape_cast %broadcast_in_dim3A_1155 : vector<16xf32> to vector<1x16xf32>
    tpu.vector_store %arg11[%swap3A_1223, %swap3A_1224], %swap3A_1227 {strides = array<i32>} : memref<128x16xf32, #tpu.memory_space<vmem>>, vector<1x16xf32>,
    %swap3A_1228 = arith.constant 12 : i32
    %swap3A_1229 = arith.index_cast %swap3A_1228 : i32 to index
    %swap3A_1230 = arith.constant 0 : index
    %swap3A_1231 = tpu.vector_load %arg11[%swap3A_1229, %swap3A_1230] {strides = array<i32>} : memref<128x16xf32, #tpu.memory_space<vmem>>, vector<1x16xf32>,
    %swap3A_1232 = vector.shape_cast %swap3A_1231 : vector<1x16xf32> to vector<16xf32>
    %swap3A_1233 = vector.shape_cast %broadcast_in_dim3A_1155 : vector<16xf32> to vector<1x16xf32>
    tpu.vector_store %arg11[%swap3A_1229, %swap3A_1230], %swap3A_1233 {strides = array<i32>} : memref<128x16xf32, #tpu.memory_space<vmem>>, vector<1x16xf32>,
    %swap3A_1234 = arith.constant 13 : i32
    %swap3A_1235 = arith.index_cast %swap3A_1234 : i32 to index
    %swap3A_1236 = arith.constant 0 : index
    %swap3A_1237 = tpu.vector_load %arg11[%swap3A_1235, %swap3A_1236] {strides = array<i32>} : memref<128x16xf32, #tpu.memory_space<vmem>>, vector<1x16xf32>,
    %swap3A_1238 = vector.shape_cast %swap3A_1237 : vector<1x16xf32> to vector<16xf32>
    %swap3A_1239 = vector.shape_cast %broadcast_in_dim3A_1155 : vector<16xf32> to vector<1x16xf32>
    tpu.vector_store %arg11[%swap3A_1235, %swap3A_1236], %swap3A_1239 {strides = array<i32>} : memref<128x16xf32, #tpu.memory_space<vmem>>, vector<1x16xf32>,
    %swap3A_1240 = arith.constant 14 : i32
    %swap3A_1241 = arith.index_cast %swap3A_1240 : i32 to index
    %swap3A_1242 = arith.constant 0 : index
    %swap3A_1243 = tpu.vector_load %arg11[%swap3A_1241, %swap3A_1242] {strides = array<i32>} : memref<128x16xf32, #tpu.memory_space<vmem>>, vector<1x16xf32>,
    %swap3A_1244 = vector.shape_cast %swap3A_1243 : vector<1x16xf32> to vector<16xf32>
    %swap3A_1245 = vector.shape_cast %broadcast_in_dim3A_1155 : vector<16xf32> to vector<1x16xf32>
    tpu.vector_store %arg11[%swap3A_1241, %swap3A_1242], %swap3A_1245 {strides = array<i32>} : memref<128x16xf32, #tpu.memory_space<vmem>>, vector<1x16xf32>,
    %swap3A_1246 = arith.constant 15 : i32
    %swap3A_1247 = arith.index_cast %swap3A_1246 : i32 to index
    %swap3A_1248 = arith.constant 0 : index
    %swap3A_1249 = tpu.vector_load %arg11[%swap3A_1247, %swap3A_1248] {strides = array<i32>} : memref<128x16xf32, #tpu.memory_space<vmem>>, vector<1x16xf32>,
    %swap3A_1250 = vector.shape_cast %swap3A_1249 : vector<1x16xf32> to vector<16xf32>
    %swap3A_1251 = vector.shape_cast %broadcast_in_dim3A_1155 : vector<16xf32> to vector<1x16xf32>
    tpu.vector_store %arg11[%swap3A_1247, %swap3A_1248], %swap3A_1251 {strides = array<i32>} : memref<128x16xf32, #tpu.memory_space<vmem>>, vector<1x16xf32>,
    %swap3A_1252 = arith.constant 16 : i32
    %swap3A_1253 = arith.index_cast %swap3A_1252 : i32 to index
    %swap3A_1254 = arith.constant 0 : index
    %swap3A_1255 = tpu.vector_load %arg11[%swap3A_1253, %swap3A_1254] {strides = array<i32>} : memref<128x16xf32, #tpu.memory_space<vmem>>, vector<1x16xf32>,
    %swap3A_1256 = vector.shape_cast %swap3A_1255 : vector<1x16xf32> to vector<16xf32>
    %swap3A_1257 = vector.shape_cast %broadcast_in_dim3A_1155 : vector<16xf32> to vector<1x16xf32>
    tpu.vector_store %arg11[%swap3A_1253, %swap3A_1254], %swap3A_1257 {strides = array<i32>} : memref<128x16xf32, #tpu.memory_space<vmem>>, vector<1x16xf32>,
    %swap3A_1258 = arith.constant 17 : i32
    %swap3A_1259 = arith.index_cast %swap3A_1258 : i32 to index
    %swap3A_1260 = arith.constant 0 : index
    %swap3A_1261 = tpu.vector_load %arg11[%swap3A_1259, %swap3A_1260] {strides = array<i32>} : memref<128x16xf32, #tpu.memory_space<vmem>>, vector<1x16xf32>,
    %swap3A_1262 = vector.shape_cast %swap3A_1261 : vector<1x16xf32> to vector<16xf32>
    %swap3A_1263 = vector.shape_cast %broadcast_in_dim3A_1155 : vector<16xf32> to vector<1x16xf32>
    tpu.vector_store %arg11[%swap3A_1259, %swap3A_1260], %swap3A_1263 {strides = array<i32>} : memref<128x16xf32, #tpu.memory_space<vmem>>, vector<1x16xf32>,
    %swap3A_1264 = arith.constant 18 : i32
    %swap3A_1265 = arith.index_cast %swap3A_1264 : i32 to index
    %swap3A_1266 = arith.constant 0 : index
    %swap3A_1267 = tpu.vector_load %arg11[%swap3A_1265, %swap3A_1266] {strides = array<i32>} : memref<128x16xf32, #tpu.memory_space<vmem>>, vector<1x16xf32>,
    %swap3A_1268 = vector.shape_cast %swap3A_1267 : vector<1x16xf32> to vector<16xf32>
    %swap3A_1269 = vector.shape_cast %broadcast_in_dim3A_1155 : vector<16xf32> to vector<1x16xf32>
    tpu.vector_store %arg11[%swap3A_1265, %swap3A_1266], %swap3A_1269 {strides = array<i32>} : memref<128x16xf32, #tpu.memory_space<vmem>>, vector<1x16xf32>,
    %swap3A_1270 = arith.constant 19 : i32
    %swap3A_1271 = arith.index_cast %swap3A_1270 : i32 to index
    %swap3A_1272 = arith.constant 0 : index
    %swap3A_1273 = tpu.vector_load %arg11[%swap3A_1271, %swap3A_1272] {strides = array<i32>} : memref<128x16xf32, #tpu.memory_space<vmem>>, vector<1x16xf32>,
    %swap3A_1274 = vector.shape_cast %swap3A_1273 : vector<1x16xf32> to vector<16xf32>
    %swap3A_1275 = vector.shape_cast %broadcast_in_dim3A_1155 : vector<16xf32> to vector<1x16xf32>
    tpu.vector_store %arg11[%swap3A_1271, %swap3A_1272], %swap3A_1275 {strides = array<i32>} : memref<128x16xf32, #tpu.memory_space<vmem>>, vector<1x16xf32>,
    %swap3A_1276 = arith.constant 20 : i32
    %swap3A_1277 = arith.index_cast %swap3A_1276 : i32 to index
    %swap3A_1278 = arith.constant 0 : index
    %swap3A_1279 = tpu.vector_load %arg11[%swap3A_1277, %swap3A_1278] {strides = array<i32>} : memref<128x16xf32, #tpu.memory_space<vmem>>, vector<1x16xf32>,
    %swap3A_1280 = vector.shape_cast %swap3A_1279 : vector<1x16xf32> to vector<16xf32>
    %swap3A_1281 = vector.shape_cast %broadcast_in_dim3A_1155 : vector<16xf32> to vector<1x16xf32>
    tpu.vector_store %arg11[%swap3A_1277, %swap3A_1278], %swap3A_1281 {strides = array<i32>} : memref<128x16xf32, #tpu.memory_space<vmem>>, vector<1x16xf32>,
    %swap3A_1282 = arith.constant 21 : i32
    %swap3A_1283 = arith.index_cast %swap3A_1282 : i32 to index
    %swap3A_1284 = arith.constant 0 : index
    %swap3A_1285 = tpu.vector_load %arg11[%swap3A_1283, %swap3A_1284] {strides = array<i32>} : memref<128x16xf32, #tpu.memory_space<vmem>>, vector<1x16xf32>,
    %swap3A_1286 = vector.shape_cast %swap3A_1285 : vector<1x16xf32> to vector<16xf32>
    %swap3A_1287 = vector.shape_cast %broadcast_in_dim3A_1155 : vector<16xf32> to vector<1x16xf32>
    tpu.vector_store %arg11[%swap3A_1283, %swap3A_1284], %swap3A_1287 {strides = array<i32>} : memref<128x16xf32, #tpu.memory_space<vmem>>, vector<1x16xf32>,
    %swap3A_1288 = arith.constant 22 : i32
    %swap3A_1289 = arith.index_cast %swap3A_1288 : i32 to index
    %swap3A_1290 = arith.constant 0 : index
    %swap3A_1291 = tpu.vector_load %arg11[%swap3A_1289, %swap3A_1290] {strides = array<i32>} : memref<128x16xf32, #tpu.memory_space<vmem>>, vector<1x16xf32>,
    %swap3A_1292 = vector.shape_cast %swap3A_1291 : vector<1x16xf32> to vector<16xf32>
    %swap3A_1293 = vector.shape_cast %broadcast_in_dim3A_1155 : vector<16xf32> to vector<1x16xf32>
    tpu.vector_store %arg11[%swap3A_1289, %swap3A_1290], %swap3A_1293 {strides = array<i32>} : memref<128x16xf32, #tpu.memory_space<vmem>>, vector<1x16xf32>,
    %swap3A_1294 = arith.constant 23 : i32
    %swap3A_1295 = arith.index_cast %swap3A_1294 : i32 to index
    %swap3A_1296 = arith.constant 0 : index
    %swap3A_1297 = tpu.vector_load %arg11[%swap3A_1295, %swap3A_1296] {strides = array<i32>} : memref<128x16xf32, #tpu.memory_space<vmem>>, vector<1x16xf32>,
    %swap3A_1298 = vector.shape_cast %swap3A_1297 : vector<1x16xf32> to vector<16xf32>
    %swap3A_1299 = vector.shape_cast %broadcast_in_dim3A_1155 : vector<16xf32> to vector<1x16xf32>
    tpu.vector_store %arg11[%swap3A_1295, %swap3A_1296], %swap3A_1299 {strides = array<i32>} : memref<128x16xf32, #tpu.memory_space<vmem>>, vector<1x16xf32>,
    %swap3A_1300 = arith.constant 24 : i32
    %swap3A_1301 = arith.index_cast %swap3A_1300 : i32 to index
    %swap3A_1302 = arith.constant 0 : index
    %swap3A_1303 = tpu.vector_load %arg11[%swap3A_1301, %swap3A_1302] {strides = array<i32>} : memref<128x16xf32, #tpu.memory_space<vmem>>, vector<1x16xf32>,
    %swap3A_1304 = vector.shape_cast %swap3A_1303 : vector<1x16xf32> to vector<16xf32>
    %swap3A_1305 = vector.shape_cast %broadcast_in_dim3A_1155 : vector<16xf32> to vector<1x16xf32>
    tpu.vector_store %arg11[%swap3A_1301, %swap3A_1302], %swap3A_1305 {strides = array<i32>} : memref<128x16xf32, #tpu.memory_space<vmem>>, vector<1x16xf32>,
    %swap3A_1306 = arith.constant 25 : i32
    %swap3A_1307 = arith.index_cast %swap3A_1306 : i32 to index
    %swap3A_1308 = arith.constant 0 : index
    %swap3A_1309 = tpu.vector_load %arg11[%swap3A_1307, %swap3A_1308] {strides = array<i32>} : memref<128x16xf32, #tpu.memory_space<vmem>>, vector<1x16xf32>,
    %swap3A_1310 = vector.shape_cast %swap3A_1309 : vector<1x16xf32> to vector<16xf32>
    %swap3A_1311 = vector.shape_cast %broadcast_in_dim3A_1155 : vector<16xf32> to vector<1x16xf32>
    tpu.vector_store %arg11[%swap3A_1307, %swap3A_1308], %swap3A_1311 {strides = array<i32>} : memref<128x16xf32, #tpu.memory_space<vmem>>, vector<1x16xf32>,
    %swap3A_1312 = arith.constant 26 : i32
    %swap3A_1313 = arith.index_cast %swap3A_1312 : i32 to index
    %swap3A_1314 = arith.constant 0 : index
    %swap3A_1315 = tpu.vector_load %arg11[%swap3A_1313, %swap3A_1314] {strides = array<i32>} : memref<128x16xf32, #tpu.memory_space<vmem>>, vector<1x16xf32>,
    %swap3A_1316 = vector.shape_cast %swap3A_1315 : vector<1x16xf32> to vector<16xf32>
    %swap3A_1317 = vector.shape_cast %broadcast_in_dim3A_1155 : vector<16xf32> to vector<1x16xf32>
    tpu.vector_store %arg11[%swap3A_1313, %swap3A_1314], %swap3A_1317 {strides = array<i32>} : memref<128x16xf32, #tpu.memory_space<vmem>>, vector<1x16xf32>,
    %swap3A_1318 = arith.constant 27 : i32
    %swap3A_1319 = arith.index_cast %swap3A_1318 : i32 to index
    %swap3A_1320 = arith.constant 0 : index
    %swap3A_1321 = tpu.vector_load %arg11[%swap3A_1319, %swap3A_1320] {strides = array<i32>} : memref<128x16xf32, #tpu.memory_space<vmem>>, vector<1x16xf32>,
    %swap3A_1322 = vector.shape_cast %swap3A_1321 : vector<1x16xf32> to vector<16xf32>
    %swap3A_1323 = vector.shape_cast %broadcast_in_dim3A_1155 : vector<16xf32> to vector<1x16xf32>
    tpu.vector_store %arg11[%swap3A_1319, %swap3A_1320], %swap3A_1323 {strides = array<i32>} : memref<128x16xf32, #tpu.memory_space<vmem>>, vector<1x16xf32>,
    %swap3A_1324 = arith.constant 28 : i32
    %swap3A_1325 = arith.index_cast %swap3A_1324 : i32 to index
    %swap3A_1326 = arith.constant 0 : index
    %swap3A_1327 = tpu.vector_load %arg11[%swap3A_1325, %swap3A_1326] {strides = array<i32>} : memref<128x16xf32, #tpu.memory_space<vmem>>, vector<1x16xf32>,
    %swap3A_1328 = vector.shape_cast %swap3A_1327 : vector<1x16xf32> to vector<16xf32>
    %swap3A_1329 = vector.shape_cast %broadcast_in_dim3A_1155 : vector<16xf32> to vector<1x16xf32>
    tpu.vector_store %arg11[%swap3A_1325, %swap3A_1326], %swap3A_1329 {strides = array<i32>} : memref<128x16xf32, #tpu.memory_space<vmem>>, vector<1x16xf32>,
    %swap3A_1330 = arith.constant 29 : i32
    %swap3A_1331 = arith.index_cast %swap3A_1330 : i32 to index
    %swap3A_1332 = arith.constant 0 : index
    %swap3A_1333 = tpu.vector_load %arg11[%swap3A_1331, %swap3A_1332] {strides = array<i32>} : memref<128x16xf32, #tpu.memory_space<vmem>>, vector<1x16xf32>,
    %swap3A_1334 = vector.shape_cast %swap3A_1333 : vector<1x16xf32> to vector<16xf32>
    %swap3A_1335 = vector.shape_cast %broadcast_in_dim3A_1155 : vector<16xf32> to vector<1x16xf32>
    tpu.vector_store %arg11[%swap3A_1331, %swap3A_1332], %swap3A_1335 {strides = array<i32>} : memref<128x16xf32, #tpu.memory_space<vmem>>, vector<1x16xf32>,
    %swap3A_1336 = arith.constant 30 : i32
    %swap3A_1337 = arith.index_cast %swap3A_1336 : i32 to index
    %swap3A_1338 = arith.constant 0 : index
    %swap3A_1339 = tpu.vector_load %arg11[%swap3A_1337, %swap3A_1338] {strides = array<i32>} : memref<128x16xf32, #tpu.memory_space<vmem>>, vector<1x16xf32>,
    %swap3A_1340 = vector.shape_cast %swap3A_1339 : vector<1x16xf32> to vector<16xf32>
    %swap3A_1341 = vector.shape_cast %broadcast_in_dim3A_1155 : vector<16xf32> to vector<1x16xf32>
    tpu.vector_store %arg11[%swap3A_1337, %swap3A_1338], %swap3A_1341 {strides = array<i32>} : memref<128x16xf32, #tpu.memory_space<vmem>>, vector<1x16xf32>,
    %swap3A_1342 = arith.constant 31 : i32
    %swap3A_1343 = arith.index_cast %swap3A_1342 : i32 to index
    %swap3A_1344 = arith.constant 0 : index
    %swap3A_1345 = tpu.vector_load %arg11[%swap3A_1343, %swap3A_1344] {strides = array<i32>} : memref<128x16xf32, #tpu.memory_space<vmem>>, vector<1x16xf32>,
    %swap3A_1346 = vector.shape_cast %swap3A_1345 : vector<1x16xf32> to vector<16xf32>
    %swap3A_1347 = vector.shape_cast %broadcast_in_dim3A_1155 : vector<16xf32> to vector<1x16xf32>
    tpu.vector_store %arg11[%swap3A_1343, %swap3A_1344], %swap3A_1347 {strides = array<i32>} : memref<128x16xf32, #tpu.memory_space<vmem>>, vector<1x16xf32>,
    %swap3A_1348 = arith.constant 32 : i32
    %swap3A_1349 = arith.index_cast %swap3A_1348 : i32 to index
    %swap3A_1350 = arith.constant 0 : index
    %swap3A_1351 = tpu.vector_load %arg11[%swap3A_1349, %swap3A_1350] {strides = array<i32>} : memref<128x16xf32, #tpu.memory_space<vmem>>, vector<1x16xf32>,
    %swap3A_1352 = vector.shape_cast %swap3A_1351 : vector<1x16xf32> to vector<16xf32>
    %swap3A_1353 = vector.shape_cast %broadcast_in_dim3A_1155 : vector<16xf32> to vector<1x16xf32>
    tpu.vector_store %arg11[%swap3A_1349, %swap3A_1350], %swap3A_1353 {strides = array<i32>} : memref<128x16xf32, #tpu.memory_space<vmem>>, vector<1x16xf32>,
    %swap3A_1354 = arith.constant 33 : i32
    %swap3A_1355 = arith.index_cast %swap3A_1354 : i32 to index
    %swap3A_1356 = arith.constant 0 : index
    %swap3A_1357 = tpu.vector_load %arg11[%swap3A_1355, %swap3A_1356] {strides = array<i32>} : memref<128x16xf32, #tpu.memory_space<vmem>>, vector<1x16xf32>,
    %swap3A_1358 = vector.shape_cast %swap3A_1357 : vector<1x16xf32> to vector<16xf32>
    %swap3A_1359 = vector.shape_cast %broadcast_in_dim3A_1155 : vector<16xf32> to vector<1x16xf32>
    tpu.vector_store %arg11[%swap3A_1355, %swap3A_1356], %swap3A_1359 {strides = array<i32>} : memref<128x16xf32, #tpu.memory_space<vmem>>, vector<1x16xf32>,
    %swap3A_1360 = arith.constant 34 : i32
    %swap3A_1361 = arith.index_cast %swap3A_1360 : i32 to index
    %swap3A_1362 = arith.constant 0 : index
    %swap3A_1363 = tpu.vector_load %arg11[%swap3A_1361, %swap3A_1362] {strides = array<i32>} : memref<128x16xf32, #tpu.memory_space<vmem>>, vector<1x16xf32>,
    %swap3A_1364 = vector.shape_cast %swap3A_1363 : vector<1x16xf32> to vector<16xf32>
    %swap3A_1365 = vector.shape_cast %broadcast_in_dim3A_1155 : vector<16xf32> to vector<1x16xf32>
    tpu.vector_store %arg11[%swap3A_1361, %swap3A_1362], %swap3A_1365 {strides = array<i32>} : memref<128x16xf32, #tpu.memory_space<vmem>>, vector<1x16xf32>,
    %swap3A_1366 = arith.constant 35 : i32
    %swap3A_1367 = arith.index_cast %swap3A_1366 : i32 to index
    %swap3A_1368 = arith.constant 0 : index
    %swap3A_1369 = tpu.vector_load %arg11[%swap3A_1367, %swap3A_1368] {strides = array<i32>} : memref<128x16xf32, #tpu.memory_space<vmem>>, vector<1x16xf32>,
    %swap3A_1370 = vector.shape_cast %swap3A_1369 : vector<1x16xf32> to vector<16xf32>
    %swap3A_1371 = vector.shape_cast %broadcast_in_dim3A_1155 : vector<16xf32> to vector<1x16xf32>
    tpu.vector_store %arg11[%swap3A_1367, %swap3A_1368], %swap3A_1371 {strides = array<i32>} : memref<128x16xf32, #tpu.memory_space<vmem>>, vector<1x16xf32>,
    %swap3A_1372 = arith.constant 36 : i32
    %swap3A_1373 = arith.index_cast %swap3A_1372 : i32 to index
    %swap3A_1374 = arith.constant 0 : index
    %swap3A_1375 = tpu.vector_load %arg11[%swap3A_1373, %swap3A_1374] {strides = array<i32>} : memref<128x16xf32, #tpu.memory_space<vmem>>, vector<1x16xf32>,
    %swap3A_1376 = vector.shape_cast %swap3A_1375 : vector<1x16xf32> to vector<16xf32>
    %swap3A_1377 = vector.shape_cast %broadcast_in_dim3A_1155 : vector<16xf32> to vector<1x16xf32>
    tpu.vector_store %arg11[%swap3A_1373, %swap3A_1374], %swap3A_1377 {strides = array<i32>} : memref<128x16xf32, #tpu.memory_space<vmem>>, vector<1x16xf32>,
    %swap3A_1378 = arith.constant 37 : i32
    %swap3A_1379 = arith.index_cast %swap3A_1378 : i32 to index
    %swap3A_1380 = arith.constant 0 : index
    %swap3A_1381 = tpu.vector_load %arg11[%swap3A_1379, %swap3A_1380] {strides = array<i32>} : memref<128x16xf32, #tpu.memory_space<vmem>>, vector<1x16xf32>,
    %swap3A_1382 = vector.shape_cast %swap3A_1381 : vector<1x16xf32> to vector<16xf32>
    %swap3A_1383 = vector.shape_cast %broadcast_in_dim3A_1155 : vector<16xf32> to vector<1x16xf32>
    tpu.vector_store %arg11[%swap3A_1379, %swap3A_1380], %swap3A_1383 {strides = array<i32>} : memref<128x16xf32, #tpu.memory_space<vmem>>, vector<1x16xf32>,
    %swap3A_1384 = arith.constant 38 : i32
    %swap3A_1385 = arith.index_cast %swap3A_1384 : i32 to index
    %swap3A_1386 = arith.constant 0 : index
    %swap3A_1387 = tpu.vector_load %arg11[%swap3A_1385, %swap3A_1386] {strides = array<i32>} : memref<128x16xf32, #tpu.memory_space<vmem>>, vector<1x16xf32>,
    %swap3A_1388 = vector.shape_cast %swap3A_1387 : vector<1x16xf32> to vector<16xf32>
    %swap3A_1389 = vector.shape_cast %broadcast_in_dim3A_1155 : vector<16xf32> to vector<1x16xf32>
    tpu.vector_store %arg11[%swap3A_1385, %swap3A_1386], %swap3A_1389 {strides = array<i32>} : memref<128x16xf32, #tpu.memory_space<vmem>>, vector<1x16xf32>,
    %swap3A_1390 = arith.constant 39 : i32
    %swap3A_1391 = arith.index_cast %swap3A_1390 : i32 to index
    %swap3A_1392 = arith.constant 0 : index
    %swap3A_1393 = tpu.vector_load %arg11[%swap3A_1391, %swap3A_1392] {strides = array<i32>} : memref<128x16xf32, #tpu.memory_space<vmem>>, vector<1x16xf32>,
    %swap3A_1394 = vector.shape_cast %swap3A_1393 : vector<1x16xf32> to vector<16xf32>
    %swap3A_1395 = vector.shape_cast %broadcast_in_dim3A_1155 : vector<16xf32> to vector<1x16xf32>
    tpu.vector_store %arg11[%swap3A_1391, %swap3A_1392], %swap3A_1395 {strides = array<i32>} : memref<128x16xf32, #tpu.memory_space<vmem>>, vector<1x16xf32>,
    %swap3A_1396 = arith.constant 40 : i32
    %swap3A_1397 = arith.index_cast %swap3A_1396 : i32 to index
    %swap3A_1398 = arith.constant 0 : index
    %swap3A_1399 = tpu.vector_load %arg11[%swap3A_1397, %swap3A_1398] {strides = array<i32>} : memref<128x16xf32, #tpu.memory_space<vmem>>, vector<1x16xf32>,
    %swap3A_1400 = vector.shape_cast %swap3A_1399 : vector<1x16xf32> to vector<16xf32>
    %swap3A_1401 = vector.shape_cast %broadcast_in_dim3A_1155 : vector<16xf32> to vector<1x16xf32>
    tpu.vector_store %arg11[%swap3A_1397, %swap3A_1398], %swap3A_1401 {strides = array<i32>} : memref<128x16xf32, #tpu.memory_space<vmem>>, vector<1x16xf32>,
    %swap3A_1402 = arith.constant 41 : i32
    %swap3A_1403 = arith.index_cast %swap3A_1402 : i32 to index
    %swap3A_1404 = arith.constant 0 : index
    %swap3A_1405 = tpu.vector_load %arg11[%swap3A_1403, %swap3A_1404] {strides = array<i32>} : memref<128x16xf32, #tpu.memory_space<vmem>>, vector<1x16xf32>,
    %swap3A_1406 = vector.shape_cast %swap3A_1405 : vector<1x16xf32> to vector<16xf32>
    %swap3A_1407 = vector.shape_cast %broadcast_in_dim3A_1155 : vector<16xf32> to vector<1x16xf32>
    tpu.vector_store %arg11[%swap3A_1403, %swap3A_1404], %swap3A_1407 {strides = array<i32>} : memref<128x16xf32, #tpu.memory_space<vmem>>, vector<1x16xf32>,
    %swap3A_1408 = arith.constant 42 : i32
    %swap3A_1409 = arith.index_cast %swap3A_1408 : i32 to index
    %swap3A_1410 = arith.constant 0 : index
    %swap3A_1411 = tpu.vector_load %arg11[%swap3A_1409, %swap3A_1410] {strides = array<i32>} : memref<128x16xf32, #tpu.memory_space<vmem>>, vector<1x16xf32>,
    %swap3A_1412 = vector.shape_cast %swap3A_1411 : vector<1x16xf32> to vector<16xf32>
    %swap3A_1413 = vector.shape_cast %broadcast_in_dim3A_1155 : vector<16xf32> to vector<1x16xf32>
    tpu.vector_store %arg11[%swap3A_1409, %swap3A_1410], %swap3A_1413 {strides = array<i32>} : memref<128x16xf32, #tpu.memory_space<vmem>>, vector<1x16xf32>,
    %swap3A_1414 = arith.constant 43 : i32
    %swap3A_1415 = arith.index_cast %swap3A_1414 : i32 to index
    %swap3A_1416 = arith.constant 0 : index
    %swap3A_1417 = tpu.vector_load %arg11[%swap3A_1415, %swap3A_1416] {strides = array<i32>} : memref<128x16xf32, #tpu.memory_space<vmem>>, vector<1x16xf32>,
    %swap3A_1418 = vector.shape_cast %swap3A_1417 : vector<1x16xf32> to vector<16xf32>
    %swap3A_1419 = vector.shape_cast %broadcast_in_dim3A_1155 : vector<16xf32> to vector<1x16xf32>
    tpu.vector_store %arg11[%swap3A_1415, %swap3A_1416], %swap3A_1419 {strides = array<i32>} : memref<128x16xf32, #tpu.memory_space<vmem>>, vector<1x16xf32>,
    %swap3A_1420 = arith.constant 44 : i32
    %swap3A_1421 = arith.index_cast %swap3A_1420 : i32 to index
    %swap3A_1422 = arith.constant 0 : index
    %swap3A_1423 = tpu.vector_load %arg11[%swap3A_1421, %swap3A_1422] {strides = array<i32>} : memref<128x16xf32, #tpu.memory_space<vmem>>, vector<1x16xf32>,
    %swap3A_1424 = vector.shape_cast %swap3A_1423 : vector<1x16xf32> to vector<16xf32>
    %swap3A_1425 = vector.shape_cast %broadcast_in_dim3A_1155 : vector<16xf32> to vector<1x16xf32>
    tpu.vector_store %arg11[%swap3A_1421, %swap3A_1422], %swap3A_1425 {strides = array<i32>} : memref<128x16xf32, #tpu.memory_space<vmem>>, vector<1x16xf32>,
    %swap3A_1426 = arith.constant 45 : i32
    %swap3A_1427 = arith.index_cast %swap3A_1426 : i32 to index
    %swap3A_1428 = arith.constant 0 : index
    %swap3A_1429 = tpu.vector_load %arg11[%swap3A_1427, %swap3A_1428] {strides = array<i32>} : memref<128x16xf32, #tpu.memory_space<vmem>>, vector<1x16xf32>,
    %swap3A_1430 = vector.shape_cast %swap3A_1429 : vector<1x16xf32> to vector<16xf32>
    %swap3A_1431 = vector.shape_cast %broadcast_in_dim3A_1155 : vector<16xf32> to vector<1x16xf32>
    tpu.vector_store %arg11[%swap3A_1427, %swap3A_1428], %swap3A_1431 {strides = array<i32>} : memref<128x16xf32, #tpu.memory_space<vmem>>, vector<1x16xf32>,
    %swap3A_1432 = arith.constant 46 : i32
    %swap3A_1433 = arith.index_cast %swap3A_1432 : i32 to index
    %swap3A_1434 = arith.constant 0 : index
    %swap3A_1435 = tpu.vector_load %arg11[%swap3A_1433, %swap3A_1434] {strides = array<i32>} : memref<128x16xf32, #tpu.memory_space<vmem>>, vector<1x16xf32>,
    %swap3A_1436 = vector.shape_cast %swap3A_1435 : vector<1x16xf32> to vector<16xf32>
    %swap3A_1437 = vector.shape_cast %broadcast_in_dim3A_1155 : vector<16xf32> to vector<1x16xf32>
    tpu.vector_store %arg11[%swap3A_1433, %swap3A_1434], %swap3A_1437 {strides = array<i32>} : memref<128x16xf32, #tpu.memory_space<vmem>>, vector<1x16xf32>,
    %swap3A_1438 = arith.constant 47 : i32
    %swap3A_1439 = arith.index_cast %swap3A_1438 : i32 to index
    %swap3A_1440 = arith.constant 0 : index
    %swap3A_1441 = tpu.vector_load %arg11[%swap3A_1439, %swap3A_1440] {strides = array<i32>} : memref<128x16xf32, #tpu.memory_space<vmem>>, vector<1x16xf32>,
    %swap3A_1442 = vector.shape_cast %swap3A_1441 : vector<1x16xf32> to vector<16xf32>
    %swap3A_1443 = vector.shape_cast %broadcast_in_dim3A_1155 : vector<16xf32> to vector<1x16xf32>
    tpu.vector_store %arg11[%swap3A_1439, %swap3A_1440], %swap3A_1443 {strides = array<i32>} : memref<128x16xf32, #tpu.memory_space<vmem>>, vector<1x16xf32>,
    %swap3A_1444 = arith.constant 48 : i32
    %swap3A_1445 = arith.index_cast %swap3A_1444 : i32 to index
    %swap3A_1446 = arith.constant 0 : index
    %swap3A_1447 = tpu.vector_load %arg11[%swap3A_1445, %swap3A_1446] {strides = array<i32>} : memref<128x16xf32, #tpu.memory_space<vmem>>, vector<1x16xf32>,
    %swap3A_1448 = vector.shape_cast %swap3A_1447 : vector<1x16xf32> to vector<16xf32>
    %swap3A_1449 = vector.shape_cast %broadcast_in_dim3A_1155 : vector<16xf32> to vector<1x16xf32>
    tpu.vector_store %arg11[%swap3A_1445, %swap3A_1446], %swap3A_1449 {strides = array<i32>} : memref<128x16xf32, #tpu.memory_space<vmem>>, vector<1x16xf32>,
    %swap3A_1450 = arith.constant 49 : i32
    %swap3A_1451 = arith.index_cast %swap3A_1450 : i32 to index
    %swap3A_1452 = arith.constant 0 : index
    %swap3A_1453 = tpu.vector_load %arg11[%swap3A_1451, %swap3A_1452] {strides = array<i32>} : memref<128x16xf32, #tpu.memory_space<vmem>>, vector<1x16xf32>,
    %swap3A_1454 = vector.shape_cast %swap3A_1453 : vector<1x16xf32> to vector<16xf32>
    %swap3A_1455 = vector.shape_cast %broadcast_in_dim3A_1155 : vector<16xf32> to vector<1x16xf32>
    tpu.vector_store %arg11[%swap3A_1451, %swap3A_1452], %swap3A_1455 {strides = array<i32>} : memref<128x16xf32, #tpu.memory_space<vmem>>, vector<1x16xf32>,
    %swap3A_1456 = arith.constant 50 : i32
    %swap3A_1457 = arith.index_cast %swap3A_1456 : i32 to index
    %swap3A_1458 = arith.constant 0 : index
    %swap3A_1459 = tpu.vector_load %arg11[%swap3A_1457, %swap3A_1458] {strides = array<i32>} : memref<128x16xf32, #tpu.memory_space<vmem>>, vector<1x16xf32>,
    %swap3A_1460 = vector.shape_cast %swap3A_1459 : vector<1x16xf32> to vector<16xf32>
    %swap3A_1461 = vector.shape_cast %broadcast_in_dim3A_1155 : vector<16xf32> to vector<1x16xf32>
    tpu.vector_store %arg11[%swap3A_1457, %swap3A_1458], %swap3A_1461 {strides = array<i32>} : memref<128x16xf32, #tpu.memory_space<vmem>>, vector<1x16xf32>,
    %swap3A_1462 = arith.constant 51 : i32
    %swap3A_1463 = arith.index_cast %swap3A_1462 : i32 to index
    %swap3A_1464 = arith.constant 0 : index
    %swap3A_1465 = tpu.vector_load %arg11[%swap3A_1463, %swap3A_1464] {strides = array<i32>} : memref<128x16xf32, #tpu.memory_space<vmem>>, vector<1x16xf32>,
    %swap3A_1466 = vector.shape_cast %swap3A_1465 : vector<1x16xf32> to vector<16xf32>
    %swap3A_1467 = vector.shape_cast %broadcast_in_dim3A_1155 : vector<16xf32> to vector<1x16xf32>
    tpu.vector_store %arg11[%swap3A_1463, %swap3A_1464], %swap3A_1467 {strides = array<i32>} : memref<128x16xf32, #tpu.memory_space<vmem>>, vector<1x16xf32>,
    %swap3A_1468 = arith.constant 52 : i32
    %swap3A_1469 = arith.index_cast %swap3A_1468 : i32 to index
    %swap3A_1470 = arith.constant 0 : index
    %swap3A_1471 = tpu.vector_load %arg11[%swap3A_1469, %swap3A_1470] {strides = array<i32>} : memref<128x16xf32, #tpu.memory_space<vmem>>, vector<1x16xf32>,
    %swap3A_1472 = vector.shape_cast %swap3A_1471 : vector<1x16xf32> to vector<16xf32>
    %swap3A_1473 = vector.shape_cast %broadcast_in_dim3A_1155 : vector<16xf32> to vector<1x16xf32>
    tpu.vector_store %arg11[%swap3A_1469, %swap3A_1470], %swap3A_1473 {strides = array<i32>} : memref<128x16xf32, #tpu.memory_space<vmem>>, vector<1x16xf32>,
    %swap3A_1474 = arith.constant 53 : i32
    %swap3A_1475 = arith.index_cast %swap3A_1474 : i32 to index
    %swap3A_1476 = arith.constant 0 : index
    %swap3A_1477 = tpu.vector_load %arg11[%swap3A_1475, %swap3A_1476] {strides = array<i32>} : memref<128x16xf32, #tpu.memory_space<vmem>>, vector<1x16xf32>,
    %swap3A_1478 = vector.shape_cast %swap3A_1477 : vector<1x16xf32> to vector<16xf32>
    %swap3A_1479 = vector.shape_cast %broadcast_in_dim3A_1155 : vector<16xf32> to vector<1x16xf32>
    tpu.vector_store %arg11[%swap3A_1475, %swap3A_1476], %swap3A_1479 {strides = array<i32>} : memref<128x16xf32, #tpu.memory_space<vmem>>, vector<1x16xf32>,
    %swap3A_1480 = arith.constant 54 : i32
    %swap3A_1481 = arith.index_cast %swap3A_1480 : i32 to index
    %swap3A_1482 = arith.constant 0 : index
    %swap3A_1483 = tpu.vector_load %arg11[%swap3A_1481, %swap3A_1482] {strides = array<i32>} : memref<128x16xf32, #tpu.memory_space<vmem>>, vector<1x16xf32>,
    %swap3A_1484 = vector.shape_cast %swap3A_1483 : vector<1x16xf32> to vector<16xf32>
    %swap3A_1485 = vector.shape_cast %broadcast_in_dim3A_1155 : vector<16xf32> to vector<1x16xf32>
    tpu.vector_store %arg11[%swap3A_1481, %swap3A_1482], %swap3A_1485 {strides = array<i32>} : memref<128x16xf32, #tpu.memory_space<vmem>>, vector<1x16xf32>,
    %swap3A_1486 = arith.constant 55 : i32
    %swap3A_1487 = arith.index_cast %swap3A_1486 : i32 to index
    %swap3A_1488 = arith.constant 0 : index
    %swap3A_1489 = tpu.vector_load %arg11[%swap3A_1487, %swap3A_1488] {strides = array<i32>} : memref<128x16xf32, #tpu.memory_space<vmem>>, vector<1x16xf32>,
    %swap3A_1490 = vector.shape_cast %swap3A_1489 : vector<1x16xf32> to vector<16xf32>
    %swap3A_1491 = vector.shape_cast %broadcast_in_dim3A_1155 : vector<16xf32> to vector<1x16xf32>
    tpu.vector_store %arg11[%swap3A_1487, %swap3A_1488], %swap3A_1491 {strides = array<i32>} : memref<128x16xf32, #tpu.memory_space<vmem>>, vector<1x16xf32>,
    %swap3A_1492 = arith.constant 56 : i32
    %swap3A_1493 = arith.index_cast %swap3A_1492 : i32 to index
    %swap3A_1494 = arith.constant 0 : index
    %swap3A_1495 = tpu.vector_load %arg11[%swap3A_1493, %swap3A_1494] {strides = array<i32>} : memref<128x16xf32, #tpu.memory_space<vmem>>, vector<1x16xf32>,
    %swap3A_1496 = vector.shape_cast %swap3A_1495 : vector<1x16xf32> to vector<16xf32>
    %swap3A_1497 = vector.shape_cast %broadcast_in_dim3A_1155 : vector<16xf32> to vector<1x16xf32>
    tpu.vector_store %arg11[%swap3A_1493, %swap3A_1494], %swap3A_1497 {strides = array<i32>} : memref<128x16xf32, #tpu.memory_space<vmem>>, vector<1x16xf32>,
    %swap3A_1498 = arith.constant 57 : i32
    %swap3A_1499 = arith.index_cast %swap3A_1498 : i32 to index
    %swap3A_1500 = arith.constant 0 : index
    %swap3A_1501 = tpu.vector_load %arg11[%swap3A_1499, %swap3A_1500] {strides = array<i32>} : memref<128x16xf32, #tpu.memory_space<vmem>>, vector<1x16xf32>,
    %swap3A_1502 = vector.shape_cast %swap3A_1501 : vector<1x16xf32> to vector<16xf32>
    %swap3A_1503 = vector.shape_cast %broadcast_in_dim3A_1155 : vector<16xf32> to vector<1x16xf32>
    tpu.vector_store %arg11[%swap3A_1499, %swap3A_1500], %swap3A_1503 {strides = array<i32>} : memref<128x16xf32, #tpu.memory_space<vmem>>, vector<1x16xf32>,
    %swap3A_1504 = arith.constant 58 : i32
    %swap3A_1505 = arith.index_cast %swap3A_1504 : i32 to index
    %swap3A_1506 = arith.constant 0 : index
    %swap3A_1507 = tpu.vector_load %arg11[%swap3A_1505, %swap3A_1506] {strides = array<i32>} : memref<128x16xf32, #tpu.memory_space<vmem>>, vector<1x16xf32>,
    %swap3A_1508 = vector.shape_cast %swap3A_1507 : vector<1x16xf32> to vector<16xf32>
    %swap3A_1509 = vector.shape_cast %broadcast_in_dim3A_1155 : vector<16xf32> to vector<1x16xf32>
    tpu.vector_store %arg11[%swap3A_1505, %swap3A_1506], %swap3A_1509 {strides = array<i32>} : memref<128x16xf32, #tpu.memory_space<vmem>>, vector<1x16xf32>,
    %swap3A_1510 = arith.constant 59 : i32
    %swap3A_1511 = arith.index_cast %swap3A_1510 : i32 to index
    %swap3A_1512 = arith.constant 0 : index
    %swap3A_1513 = tpu.vector_load %arg11[%swap3A_1511, %swap3A_1512] {strides = array<i32>} : memref<128x16xf32, #tpu.memory_space<vmem>>, vector<1x16xf32>,
    %swap3A_1514 = vector.shape_cast %swap3A_1513 : vector<1x16xf32> to vector<16xf32>
    %swap3A_1515 = vector.shape_cast %broadcast_in_dim3A_1155 : vector<16xf32> to vector<1x16xf32>
    tpu.vector_store %arg11[%swap3A_1511, %swap3A_1512], %swap3A_1515 {strides = array<i32>} : memref<128x16xf32, #tpu.memory_space<vmem>>, vector<1x16xf32>,
    %swap3A_1516 = arith.constant 60 : i32
    %swap3A_1517 = arith.index_cast %swap3A_1516 : i32 to index
    %swap3A_1518 = arith.constant 0 : index
    %swap3A_1519 = tpu.vector_load %arg11[%swap3A_1517, %swap3A_1518] {strides = array<i32>} : memref<128x16xf32, #tpu.memory_space<vmem>>, vector<1x16xf32>,
    %swap3A_1520 = vector.shape_cast %swap3A_1519 : vector<1x16xf32> to vector<16xf32>
    %swap3A_1521 = vector.shape_cast %broadcast_in_dim3A_1155 : vector<16xf32> to vector<1x16xf32>
    tpu.vector_store %arg11[%swap3A_1517, %swap3A_1518], %swap3A_1521 {strides = array<i32>} : memref<128x16xf32, #tpu.memory_space<vmem>>, vector<1x16xf32>,
    %swap3A_1522 = arith.constant 61 : i32
    %swap3A_1523 = arith.index_cast %swap3A_1522 : i32 to index
    %swap3A_1524 = arith.constant 0 : index
    %swap3A_1525 = tpu.vector_load %arg11[%swap3A_1523, %swap3A_1524] {strides = array<i32>} : memref<128x16xf32, #tpu.memory_space<vmem>>, vector<1x16xf32>,
    %swap3A_1526 = vector.shape_cast %swap3A_1525 : vector<1x16xf32> to vector<16xf32>
    %swap3A_1527 = vector.shape_cast %broadcast_in_dim3A_1155 : vector<16xf32> to vector<1x16xf32>
    tpu.vector_store %arg11[%swap3A_1523, %swap3A_1524], %swap3A_1527 {strides = array<i32>} : memref<128x16xf32, #tpu.memory_space<vmem>>, vector<1x16xf32>,
    %swap3A_1528 = arith.constant 62 : i32
    %swap3A_1529 = arith.index_cast %swap3A_1528 : i32 to index
    %swap3A_1530 = arith.constant 0 : index
    %swap3A_1531 = tpu.vector_load %arg11[%swap3A_1529, %swap3A_1530] {strides = array<i32>} : memref<128x16xf32, #tpu.memory_space<vmem>>, vector<1x16xf32>,
    %swap3A_1532 = vector.shape_cast %swap3A_1531 : vector<1x16xf32> to vector<16xf32>
    %swap3A_1533 = vector.shape_cast %broadcast_in_dim3A_1155 : vector<16xf32> to vector<1x16xf32>
    tpu.vector_store %arg11[%swap3A_1529, %swap3A_1530], %swap3A_1533 {strides = array<i32>} : memref<128x16xf32, #tpu.memory_space<vmem>>, vector<1x16xf32>,
    %swap3A_1534 = arith.constant 63 : i32
    %swap3A_1535 = arith.index_cast %swap3A_1534 : i32 to index
    %swap3A_1536 = arith.constant 0 : index
    %swap3A_1537 = tpu.vector_load %arg11[%swap3A_1535, %swap3A_1536] {strides = array<i32>} : memref<128x16xf32, #tpu.memory_space<vmem>>, vector<1x16xf32>,
    %swap3A_1538 = vector.shape_cast %swap3A_1537 : vector<1x16xf32> to vector<16xf32>
    %swap3A_1539 = vector.shape_cast %broadcast_in_dim3A_1155 : vector<16xf32> to vector<1x16xf32>
    tpu.vector_store %arg11[%swap3A_1535, %swap3A_1536], %swap3A_1539 {strides = array<i32>} : memref<128x16xf32, #tpu.memory_space<vmem>>, vector<1x16xf32>,
    %swap3A_1540 = arith.constant 64 : i32
    %swap3A_1541 = arith.index_cast %swap3A_1540 : i32 to index
    %swap3A_1542 = arith.constant 0 : index
    %swap3A_1543 = tpu.vector_load %arg11[%swap3A_1541, %swap3A_1542] {strides = array<i32>} : memref<128x16xf32, #tpu.memory_space<vmem>>, vector<1x16xf32>,
    %swap3A_1544 = vector.shape_cast %swap3A_1543 : vector<1x16xf32> to vector<16xf32>
    %swap3A_1545 = vector.shape_cast %broadcast_in_dim3A_1155 : vector<16xf32> to vector<1x16xf32>
    tpu.vector_store %arg11[%swap3A_1541, %swap3A_1542], %swap3A_1545 {strides = array<i32>} : memref<128x16xf32, #tpu.memory_space<vmem>>, vector<1x16xf32>,
    %swap3A_1546 = arith.constant 65 : i32
    %swap3A_1547 = arith.index_cast %swap3A_1546 : i32 to index
    %swap3A_1548 = arith.constant 0 : index
    %swap3A_1549 = tpu.vector_load %arg11[%swap3A_1547, %swap3A_1548] {strides = array<i32>} : memref<128x16xf32, #tpu.memory_space<vmem>>, vector<1x16xf32>,
    %swap3A_1550 = vector.shape_cast %swap3A_1549 : vector<1x16xf32> to vector<16xf32>
    %swap3A_1551 = vector.shape_cast %broadcast_in_dim3A_1155 : vector<16xf32> to vector<1x16xf32>
    tpu.vector_store %arg11[%swap3A_1547, %swap3A_1548], %swap3A_1551 {strides = array<i32>} : memref<128x16xf32, #tpu.memory_space<vmem>>, vector<1x16xf32>,
    %swap3A_1552 = arith.constant 66 : i32
    %swap3A_1553 = arith.index_cast %swap3A_1552 : i32 to index
    %swap3A_1554 = arith.constant 0 : index
    %swap3A_1555 = tpu.vector_load %arg11[%swap3A_1553, %swap3A_1554] {strides = array<i32>} : memref<128x16xf32, #tpu.memory_space<vmem>>, vector<1x16xf32>,
    %swap3A_1556 = vector.shape_cast %swap3A_1555 : vector<1x16xf32> to vector<16xf32>
    %swap3A_1557 = vector.shape_cast %broadcast_in_dim3A_1155 : vector<16xf32> to vector<1x16xf32>
    tpu.vector_store %arg11[%swap3A_1553, %swap3A_1554], %swap3A_1557 {strides = array<i32>} : memref<128x16xf32, #tpu.memory_space<vmem>>, vector<1x16xf32>,
    %swap3A_1558 = arith.constant 67 : i32
    %swap3A_1559 = arith.index_cast %swap3A_1558 : i32 to index
    %swap3A_1560 = arith.constant 0 : index
    %swap3A_1561 = tpu.vector_load %arg11[%swap3A_1559, %swap3A_1560] {strides = array<i32>} : memref<128x16xf32, #tpu.memory_space<vmem>>, vector<1x16xf32>,
    %swap3A_1562 = vector.shape_cast %swap3A_1561 : vector<1x16xf32> to vector<16xf32>
    %swap3A_1563 = vector.shape_cast %broadcast_in_dim3A_1155 : vector<16xf32> to vector<1x16xf32>
    tpu.vector_store %arg11[%swap3A_1559, %swap3A_1560], %swap3A_1563 {strides = array<i32>} : memref<128x16xf32, #tpu.memory_space<vmem>>, vector<1x16xf32>,
    %swap3A_1564 = arith.constant 68 : i32
    %swap3A_1565 = arith.index_cast %swap3A_1564 : i32 to index
    %swap3A_1566 = arith.constant 0 : index
    %swap3A_1567 = tpu.vector_load %arg11[%swap3A_1565, %swap3A_1566] {strides = array<i32>} : memref<128x16xf32, #tpu.memory_space<vmem>>, vector<1x16xf32>,
    %swap3A_1568 = vector.shape_cast %swap3A_1567 : vector<1x16xf32> to vector<16xf32>
    %swap3A_1569 = vector.shape_cast %broadcast_in_dim3A_1155 : vector<16xf32> to vector<1x16xf32>
    tpu.vector_store %arg11[%swap3A_1565, %swap3A_1566], %swap3A_1569 {strides = array<i32>} : memref<128x16xf32, #tpu.memory_space<vmem>>, vector<1x16xf32>,
    %swap3A_1570 = arith.constant 69 : i32
    %swap3A_1571 = arith.index_cast %swap3A_1570 : i32 to index
    %swap3A_1572 = arith.constant 0 : index
    %swap3A_1573 = tpu.vector_load %arg11[%swap3A_1571, %swap3A_1572] {strides = array<i32>} : memref<128x16xf32, #tpu.memory_space<vmem>>, vector<1x16xf32>,
    %swap3A_1574 = vector.shape_cast %swap3A_1573 : vector<1x16xf32> to vector<16xf32>
    %swap3A_1575 = vector.shape_cast %broadcast_in_dim3A_1155 : vector<16xf32> to vector<1x16xf32>
    tpu.vector_store %arg11[%swap3A_1571, %swap3A_1572], %swap3A_1575 {strides = array<i32>} : memref<128x16xf32, #tpu.memory_space<vmem>>, vector<1x16xf32>,
    %swap3A_1576 = arith.constant 70 : i32
    %swap3A_1577 = arith.index_cast %swap3A_1576 : i32 to index
    %swap3A_1578 = arith.constant 0 : index
    %swap3A_1579 = tpu.vector_load %arg11[%swap3A_1577, %swap3A_1578] {strides = array<i32>} : memref<128x16xf32, #tpu.memory_space<vmem>>, vector<1x16xf32>,
    %swap3A_1580 = vector.shape_cast %swap3A_1579 : vector<1x16xf32> to vector<16xf32>
    %swap3A_1581 = vector.shape_cast %broadcast_in_dim3A_1155 : vector<16xf32> to vector<1x16xf32>
    tpu.vector_store %arg11[%swap3A_1577, %swap3A_1578], %swap3A_1581 {strides = array<i32>} : memref<128x16xf32, #tpu.memory_space<vmem>>, vector<1x16xf32>,
    %swap3A_1582 = arith.constant 71 : i32
    %swap3A_1583 = arith.index_cast %swap3A_1582 : i32 to index
    %swap3A_1584 = arith.constant 0 : index
    %swap3A_1585 = tpu.vector_load %arg11[%swap3A_1583, %swap3A_1584] {strides = array<i32>} : memref<128x16xf32, #tpu.memory_space<vmem>>, vector<1x16xf32>,
    %swap3A_1586 = vector.shape_cast %swap3A_1585 : vector<1x16xf32> to vector<16xf32>
    %swap3A_1587 = vector.shape_cast %broadcast_in_dim3A_1155 : vector<16xf32> to vector<1x16xf32>
    tpu.vector_store %arg11[%swap3A_1583, %swap3A_1584], %swap3A_1587 {strides = array<i32>} : memref<128x16xf32, #tpu.memory_space<vmem>>, vector<1x16xf32>,
    %swap3A_1588 = arith.constant 72 : i32
    %swap3A_1589 = arith.index_cast %swap3A_1588 : i32 to index
    %swap3A_1590 = arith.constant 0 : index
    %swap3A_1591 = tpu.vector_load %arg11[%swap3A_1589, %swap3A_1590] {strides = array<i32>} : memref<128x16xf32, #tpu.memory_space<vmem>>, vector<1x16xf32>,
    %swap3A_1592 = vector.shape_cast %swap3A_1591 : vector<1x16xf32> to vector<16xf32>
    %swap3A_1593 = vector.shape_cast %broadcast_in_dim3A_1155 : vector<16xf32> to vector<1x16xf32>
    tpu.vector_store %arg11[%swap3A_1589, %swap3A_1590], %swap3A_1593 {strides = array<i32>} : memref<128x16xf32, #tpu.memory_space<vmem>>, vector<1x16xf32>,
    %swap3A_1594 = arith.constant 73 : i32
    %swap3A_1595 = arith.index_cast %swap3A_1594 : i32 to index
    %swap3A_1596 = arith.constant 0 : index
    %swap3A_1597 = tpu.vector_load %arg11[%swap3A_1595, %swap3A_1596] {strides = array<i32>} : memref<128x16xf32, #tpu.memory_space<vmem>>, vector<1x16xf32>,
    %swap3A_1598 = vector.shape_cast %swap3A_1597 : vector<1x16xf32> to vector<16xf32>
    %swap3A_1599 = vector.shape_cast %broadcast_in_dim3A_1155 : vector<16xf32> to vector<1x16xf32>
    tpu.vector_store %arg11[%swap3A_1595, %swap3A_1596], %swap3A_1599 {strides = array<i32>} : memref<128x16xf32, #tpu.memory_space<vmem>>, vector<1x16xf32>,
    %swap3A_1600 = arith.constant 74 : i32
    %swap3A_1601 = arith.index_cast %swap3A_1600 : i32 to index
    %swap3A_1602 = arith.constant 0 : index
    %swap3A_1603 = tpu.vector_load %arg11[%swap3A_1601, %swap3A_1602] {strides = array<i32>} : memref<128x16xf32, #tpu.memory_space<vmem>>, vector<1x16xf32>,
    %swap3A_1604 = vector.shape_cast %swap3A_1603 : vector<1x16xf32> to vector<16xf32>
    %swap3A_1605 = vector.shape_cast %broadcast_in_dim3A_1155 : vector<16xf32> to vector<1x16xf32>
    tpu.vector_store %arg11[%swap3A_1601, %swap3A_1602], %swap3A_1605 {strides = array<i32>} : memref<128x16xf32, #tpu.memory_space<vmem>>, vector<1x16xf32>,
    %swap3A_1606 = arith.constant 75 : i32
    %swap3A_1607 = arith.index_cast %swap3A_1606 : i32 to index
    %swap3A_1608 = arith.constant 0 : index
    %swap3A_1609 = tpu.vector_load %arg11[%swap3A_1607, %swap3A_1608] {strides = array<i32>} : memref<128x16xf32, #tpu.memory_space<vmem>>, vector<1x16xf32>,
    %swap3A_1610 = vector.shape_cast %swap3A_1609 : vector<1x16xf32> to vector<16xf32>
    %swap3A_1611 = vector.shape_cast %broadcast_in_dim3A_1155 : vector<16xf32> to vector<1x16xf32>
    tpu.vector_store %arg11[%swap3A_1607, %swap3A_1608], %swap3A_1611 {strides = array<i32>} : memref<128x16xf32, #tpu.memory_space<vmem>>, vector<1x16xf32>,
    %swap3A_1612 = arith.constant 76 : i32
    %swap3A_1613 = arith.index_cast %swap3A_1612 : i32 to index
    %swap3A_1614 = arith.constant 0 : index
    %swap3A_1615 = tpu.vector_load %arg11[%swap3A_1613, %swap3A_1614] {strides = array<i32>} : memref<128x16xf32, #tpu.memory_space<vmem>>, vector<1x16xf32>,
    %swap3A_1616 = vector.shape_cast %swap3A_1615 : vector<1x16xf32> to vector<16xf32>
    %swap3A_1617 = vector.shape_cast %broadcast_in_dim3A_1155 : vector<16xf32> to vector<1x16xf32>
    tpu.vector_store %arg11[%swap3A_1613, %swap3A_1614], %swap3A_1617 {strides = array<i32>} : memref<128x16xf32, #tpu.memory_space<vmem>>, vector<1x16xf32>,
    %swap3A_1618 = arith.constant 77 : i32
    %swap3A_1619 = arith.index_cast %swap3A_1618 : i32 to index
    %swap3A_1620 = arith.constant 0 : index
    %swap3A_1621 = tpu.vector_load %arg11[%swap3A_1619, %swap3A_1620] {strides = array<i32>} : memref<128x16xf32, #tpu.memory_space<vmem>>, vector<1x16xf32>,
    %swap3A_1622 = vector.shape_cast %swap3A_1621 : vector<1x16xf32> to vector<16xf32>
    %swap3A_1623 = vector.shape_cast %broadcast_in_dim3A_1155 : vector<16xf32> to vector<1x16xf32>
    tpu.vector_store %arg11[%swap3A_1619, %swap3A_1620], %swap3A_1623 {strides = array<i32>} : memref<128x16xf32, #tpu.memory_space<vmem>>, vector<1x16xf32>,
    %swap3A_1624 = arith.constant 78 : i32
    %swap3A_1625 = arith.index_cast %swap3A_1624 : i32 to index
    %swap3A_1626 = arith.constant 0 : index
    %swap3A_1627 = tpu.vector_load %arg11[%swap3A_1625, %swap3A_1626] {strides = array<i32>} : memref<128x16xf32, #tpu.memory_space<vmem>>, vector<1x16xf32>,
    %swap3A_1628 = vector.shape_cast %swap3A_1627 : vector<1x16xf32> to vector<16xf32>
    %swap3A_1629 = vector.shape_cast %broadcast_in_dim3A_1155 : vector<16xf32> to vector<1x16xf32>
    tpu.vector_store %arg11[%swap3A_1625, %swap3A_1626], %swap3A_1629 {strides = array<i32>} : memref<128x16xf32, #tpu.memory_space<vmem>>, vector<1x16xf32>,
    %swap3A_1630 = arith.constant 79 : i32
    %swap3A_1631 = arith.index_cast %swap3A_1630 : i32 to index
    %swap3A_1632 = arith.constant 0 : index
    %swap3A_1633 = tpu.vector_load %arg11[%swap3A_1631, %swap3A_1632] {strides = array<i32>} : memref<128x16xf32, #tpu.memory_space<vmem>>, vector<1x16xf32>,
    %swap3A_1634 = vector.shape_cast %swap3A_1633 : vector<1x16xf32> to vector<16xf32>
    %swap3A_1635 = vector.shape_cast %broadcast_in_dim3A_1155 : vector<16xf32> to vector<1x16xf32>
    tpu.vector_store %arg11[%swap3A_1631, %swap3A_1632], %swap3A_1635 {strides = array<i32>} : memref<128x16xf32, #tpu.memory_space<vmem>>, vector<1x16xf32>,
    %swap3A_1636 = arith.constant 80 : i32
    %swap3A_1637 = arith.index_cast %swap3A_1636 : i32 to index
    %swap3A_1638 = arith.constant 0 : index
    %swap3A_1639 = tpu.vector_load %arg11[%swap3A_1637, %swap3A_1638] {strides = array<i32>} : memref<128x16xf32, #tpu.memory_space<vmem>>, vector<1x16xf32>,
    %swap3A_1640 = vector.shape_cast %swap3A_1639 : vector<1x16xf32> to vector<16xf32>
    %swap3A_1641 = vector.shape_cast %broadcast_in_dim3A_1155 : vector<16xf32> to vector<1x16xf32>
    tpu.vector_store %arg11[%swap3A_1637, %swap3A_1638], %swap3A_1641 {strides = array<i32>} : memref<128x16xf32, #tpu.memory_space<vmem>>, vector<1x16xf32>,
    %swap3A_1642 = arith.constant 81 : i32
    %swap3A_1643 = arith.index_cast %swap3A_1642 : i32 to index
    %swap3A_1644 = arith.constant 0 : index
    %swap3A_1645 = tpu.vector_load %arg11[%swap3A_1643, %swap3A_1644] {strides = array<i32>} : memref<128x16xf32, #tpu.memory_space<vmem>>, vector<1x16xf32>,
    %swap3A_1646 = vector.shape_cast %swap3A_1645 : vector<1x16xf32> to vector<16xf32>
    %swap3A_1647 = vector.shape_cast %broadcast_in_dim3A_1155 : vector<16xf32> to vector<1x16xf32>
    tpu.vector_store %arg11[%swap3A_1643, %swap3A_1644], %swap3A_1647 {strides = array<i32>} : memref<128x16xf32, #tpu.memory_space<vmem>>, vector<1x16xf32>,
    %swap3A_1648 = arith.constant 82 : i32
    %swap3A_1649 = arith.index_cast %swap3A_1648 : i32 to index
    %swap3A_1650 = arith.constant 0 : index
    %swap3A_1651 = tpu.vector_load %arg11[%swap3A_1649, %swap3A_1650] {strides = array<i32>} : memref<128x16xf32, #tpu.memory_space<vmem>>, vector<1x16xf32>,
    %swap3A_1652 = vector.shape_cast %swap3A_1651 : vector<1x16xf32> to vector<16xf32>
    %swap3A_1653 = vector.shape_cast %broadcast_in_dim3A_1155 : vector<16xf32> to vector<1x16xf32>
    tpu.vector_store %arg11[%swap3A_1649, %swap3A_1650], %swap3A_1653 {strides = array<i32>} : memref<128x16xf32, #tpu.memory_space<vmem>>, vector<1x16xf32>,
    %swap3A_1654 = arith.constant 83 : i32
    %swap3A_1655 = arith.index_cast %swap3A_1654 : i32 to index
    %swap3A_1656 = arith.constant 0 : index
    %swap3A_1657 = tpu.vector_load %arg11[%swap3A_1655, %swap3A_1656] {strides = array<i32>} : memref<128x16xf32, #tpu.memory_space<vmem>>, vector<1x16xf32>,
    %swap3A_1658 = vector.shape_cast %swap3A_1657 : vector<1x16xf32> to vector<16xf32>
    %swap3A_1659 = vector.shape_cast %broadcast_in_dim3A_1155 : vector<16xf32> to vector<1x16xf32>
    tpu.vector_store %arg11[%swap3A_1655, %swap3A_1656], %swap3A_1659 {strides = array<i32>} : memref<128x16xf32, #tpu.memory_space<vmem>>, vector<1x16xf32>,
    %swap3A_1660 = arith.constant 84 : i32
    %swap3A_1661 = arith.index_cast %swap3A_1660 : i32 to index
    %swap3A_1662 = arith.constant 0 : index
    %swap3A_1663 = tpu.vector_load %arg11[%swap3A_1661, %swap3A_1662] {strides = array<i32>} : memref<128x16xf32, #tpu.memory_space<vmem>>, vector<1x16xf32>,
    %swap3A_1664 = vector.shape_cast %swap3A_1663 : vector<1x16xf32> to vector<16xf32>
    %swap3A_1665 = vector.shape_cast %broadcast_in_dim3A_1155 : vector<16xf32> to vector<1x16xf32>
    tpu.vector_store %arg11[%swap3A_1661, %swap3A_1662], %swap3A_1665 {strides = array<i32>} : memref<128x16xf32, #tpu.memory_space<vmem>>, vector<1x16xf32>,
    %swap3A_1666 = arith.constant 85 : i32
    %swap3A_1667 = arith.index_cast %swap3A_1666 : i32 to index
    %swap3A_1668 = arith.constant 0 : index
    %swap3A_1669 = tpu.vector_load %arg11[%swap3A_1667, %swap3A_1668] {strides = array<i32>} : memref<128x16xf32, #tpu.memory_space<vmem>>, vector<1x16xf32>,
    %swap3A_1670 = vector.shape_cast %swap3A_1669 : vector<1x16xf32> to vector<16xf32>
    %swap3A_1671 = vector.shape_cast %broadcast_in_dim3A_1155 : vector<16xf32> to vector<1x16xf32>
    tpu.vector_store %arg11[%swap3A_1667, %swap3A_1668], %swap3A_1671 {strides = array<i32>} : memref<128x16xf32, #tpu.memory_space<vmem>>, vector<1x16xf32>,
    %swap3A_1672 = arith.constant 86 : i32
    %swap3A_1673 = arith.index_cast %swap3A_1672 : i32 to index
    %swap3A_1674 = arith.constant 0 : index
    %swap3A_1675 = tpu.vector_load %arg11[%swap3A_1673, %swap3A_1674] {strides = array<i32>} : memref<128x16xf32, #tpu.memory_space<vmem>>, vector<1x16xf32>,
    %swap3A_1676 = vector.shape_cast %swap3A_1675 : vector<1x16xf32> to vector<16xf32>
    %swap3A_1677 = vector.shape_cast %broadcast_in_dim3A_1155 : vector<16xf32> to vector<1x16xf32>
    tpu.vector_store %arg11[%swap3A_1673, %swap3A_1674], %swap3A_1677 {strides = array<i32>} : memref<128x16xf32, #tpu.memory_space<vmem>>, vector<1x16xf32>,
    %swap3A_1678 = arith.constant 87 : i32
    %swap3A_1679 = arith.index_cast %swap3A_1678 : i32 to index
    %swap3A_1680 = arith.constant 0 : index
    %swap3A_1681 = tpu.vector_load %arg11[%swap3A_1679, %swap3A_1680] {strides = array<i32>} : memref<128x16xf32, #tpu.memory_space<vmem>>, vector<1x16xf32>,
    %swap3A_1682 = vector.shape_cast %swap3A_1681 : vector<1x16xf32> to vector<16xf32>
    %swap3A_1683 = vector.shape_cast %broadcast_in_dim3A_1155 : vector<16xf32> to vector<1x16xf32>
    tpu.vector_store %arg11[%swap3A_1679, %swap3A_1680], %swap3A_1683 {strides = array<i32>} : memref<128x16xf32, #tpu.memory_space<vmem>>, vector<1x16xf32>,
    %swap3A_1684 = arith.constant 88 : i32
    %swap3A_1685 = arith.index_cast %swap3A_1684 : i32 to index
    %swap3A_1686 = arith.constant 0 : index
    %swap3A_1687 = tpu.vector_load %arg11[%swap3A_1685, %swap3A_1686] {strides = array<i32>} : memref<128x16xf32, #tpu.memory_space<vmem>>, vector<1x16xf32>,
    %swap3A_1688 = vector.shape_cast %swap3A_1687 : vector<1x16xf32> to vector<16xf32>
    %swap3A_1689 = vector.shape_cast %broadcast_in_dim3A_1155 : vector<16xf32> to vector<1x16xf32>
    tpu.vector_store %arg11[%swap3A_1685, %swap3A_1686], %swap3A_1689 {strides = array<i32>} : memref<128x16xf32, #tpu.memory_space<vmem>>, vector<1x16xf32>,
    %swap3A_1690 = arith.constant 89 : i32
    %swap3A_1691 = arith.index_cast %swap3A_1690 : i32 to index
    %swap3A_1692 = arith.constant 0 : index
    %swap3A_1693 = tpu.vector_load %arg11[%swap3A_1691, %swap3A_1692] {strides = array<i32>} : memref<128x16xf32, #tpu.memory_space<vmem>>, vector<1x16xf32>,
    %swap3A_1694 = vector.shape_cast %swap3A_1693 : vector<1x16xf32> to vector<16xf32>
    %swap3A_1695 = vector.shape_cast %broadcast_in_dim3A_1155 : vector<16xf32> to vector<1x16xf32>
    tpu.vector_store %arg11[%swap3A_1691, %swap3A_1692], %swap3A_1695 {strides = array<i32>} : memref<128x16xf32, #tpu.memory_space<vmem>>, vector<1x16xf32>,
    %swap3A_1696 = arith.constant 90 : i32
    %swap3A_1697 = arith.index_cast %swap3A_1696 : i32 to index
    %swap3A_1698 = arith.constant 0 : index
    %swap3A_1699 = tpu.vector_load %arg11[%swap3A_1697, %swap3A_1698] {strides = array<i32>} : memref<128x16xf32, #tpu.memory_space<vmem>>, vector<1x16xf32>,
    %swap3A_1700 = vector.shape_cast %swap3A_1699 : vector<1x16xf32> to vector<16xf32>
    %swap3A_1701 = vector.shape_cast %broadcast_in_dim3A_1155 : vector<16xf32> to vector<1x16xf32>
    tpu.vector_store %arg11[%swap3A_1697, %swap3A_1698], %swap3A_1701 {strides = array<i32>} : memref<128x16xf32, #tpu.memory_space<vmem>>, vector<1x16xf32>,
    %swap3A_1702 = arith.constant 91 : i32
    %swap3A_1703 = arith.index_cast %swap3A_1702 : i32 to index
    %swap3A_1704 = arith.constant 0 : index
    %swap3A_1705 = tpu.vector_load %arg11[%swap3A_1703, %swap3A_1704] {strides = array<i32>} : memref<128x16xf32, #tpu.memory_space<vmem>>, vector<1x16xf32>,
    %swap3A_1706 = vector.shape_cast %swap3A_1705 : vector<1x16xf32> to vector<16xf32>
    %swap3A_1707 = vector.shape_cast %broadcast_in_dim3A_1155 : vector<16xf32> to vector<1x16xf32>
    tpu.vector_store %arg11[%swap3A_1703, %swap3A_1704], %swap3A_1707 {strides = array<i32>} : memref<128x16xf32, #tpu.memory_space<vmem>>, vector<1x16xf32>,
    %swap3A_1708 = arith.constant 92 : i32
    %swap3A_1709 = arith.index_cast %swap3A_1708 : i32 to index
    %swap3A_1710 = arith.constant 0 : index
    %swap3A_1711 = tpu.vector_load %arg11[%swap3A_1709, %swap3A_1710] {strides = array<i32>} : memref<128x16xf32, #tpu.memory_space<vmem>>, vector<1x16xf32>,
    %swap3A_1712 = vector.shape_cast %swap3A_1711 : vector<1x16xf32> to vector<16xf32>
    %swap3A_1713 = vector.shape_cast %broadcast_in_dim3A_1155 : vector<16xf32> to vector<1x16xf32>
    tpu.vector_store %arg11[%swap3A_1709, %swap3A_1710], %swap3A_1713 {strides = array<i32>} : memref<128x16xf32, #tpu.memory_space<vmem>>, vector<1x16xf32>,
    %swap3A_1714 = arith.constant 93 : i32
    %swap3A_1715 = arith.index_cast %swap3A_1714 : i32 to index
    %swap3A_1716 = arith.constant 0 : index
    %swap3A_1717 = tpu.vector_load %arg11[%swap3A_1715, %swap3A_1716] {strides = array<i32>} : memref<128x16xf32, #tpu.memory_space<vmem>>, vector<1x16xf32>,
    %swap3A_1718 = vector.shape_cast %swap3A_1717 : vector<1x16xf32> to vector<16xf32>
    %swap3A_1719 = vector.shape_cast %broadcast_in_dim3A_1155 : vector<16xf32> to vector<1x16xf32>
    tpu.vector_store %arg11[%swap3A_1715, %swap3A_1716], %swap3A_1719 {strides = array<i32>} : memref<128x16xf32, #tpu.memory_space<vmem>>, vector<1x16xf32>,
    %swap3A_1720 = arith.constant 94 : i32
    %swap3A_1721 = arith.index_cast %swap3A_1720 : i32 to index
    %swap3A_1722 = arith.constant 0 : index
    %swap3A_1723 = tpu.vector_load %arg11[%swap3A_1721, %swap3A_1722] {strides = array<i32>} : memref<128x16xf32, #tpu.memory_space<vmem>>, vector<1x16xf32>,
    %swap3A_1724 = vector.shape_cast %swap3A_1723 : vector<1x16xf32> to vector<16xf32>
    %swap3A_1725 = vector.shape_cast %broadcast_in_dim3A_1155 : vector<16xf32> to vector<1x16xf32>
    tpu.vector_store %arg11[%swap3A_1721, %swap3A_1722], %swap3A_1725 {strides = array<i32>} : memref<128x16xf32, #tpu.memory_space<vmem>>, vector<1x16xf32>,
    %swap3A_1726 = arith.constant 95 : i32
    %swap3A_1727 = arith.index_cast %swap3A_1726 : i32 to index
    %swap3A_1728 = arith.constant 0 : index
    %swap3A_1729 = tpu.vector_load %arg11[%swap3A_1727, %swap3A_1728] {strides = array<i32>} : memref<128x16xf32, #tpu.memory_space<vmem>>, vector<1x16xf32>,
    %swap3A_1730 = vector.shape_cast %swap3A_1729 : vector<1x16xf32> to vector<16xf32>
    %swap3A_1731 = vector.shape_cast %broadcast_in_dim3A_1155 : vector<16xf32> to vector<1x16xf32>
    tpu.vector_store %arg11[%swap3A_1727, %swap3A_1728], %swap3A_1731 {strides = array<i32>} : memref<128x16xf32, #tpu.memory_space<vmem>>, vector<1x16xf32>,
    %swap3A_1732 = arith.constant 96 : i32
    %swap3A_1733 = arith.index_cast %swap3A_1732 : i32 to index
    %swap3A_1734 = arith.constant 0 : index
    %swap3A_1735 = tpu.vector_load %arg11[%swap3A_1733, %swap3A_1734] {strides = array<i32>} : memref<128x16xf32, #tpu.memory_space<vmem>>, vector<1x16xf32>,
    %swap3A_1736 = vector.shape_cast %swap3A_1735 : vector<1x16xf32> to vector<16xf32>
    %swap3A_1737 = vector.shape_cast %broadcast_in_dim3A_1155 : vector<16xf32> to vector<1x16xf32>
    tpu.vector_store %arg11[%swap3A_1733, %swap3A_1734], %swap3A_1737 {strides = array<i32>} : memref<128x16xf32, #tpu.memory_space<vmem>>, vector<1x16xf32>,
    %swap3A_1738 = arith.constant 97 : i32
    %swap3A_1739 = arith.index_cast %swap3A_1738 : i32 to index
    %swap3A_1740 = arith.constant 0 : index
    %swap3A_1741 = tpu.vector_load %arg11[%swap3A_1739, %swap3A_1740] {strides = array<i32>} : memref<128x16xf32, #tpu.memory_space<vmem>>, vector<1x16xf32>,
    %swap3A_1742 = vector.shape_cast %swap3A_1741 : vector<1x16xf32> to vector<16xf32>
    %swap3A_1743 = vector.shape_cast %broadcast_in_dim3A_1155 : vector<16xf32> to vector<1x16xf32>
    tpu.vector_store %arg11[%swap3A_1739, %swap3A_1740], %swap3A_1743 {strides = array<i32>} : memref<128x16xf32, #tpu.memory_space<vmem>>, vector<1x16xf32>,
    %swap3A_1744 = arith.constant 98 : i32
    %swap3A_1745 = arith.index_cast %swap3A_1744 : i32 to index
    %swap3A_1746 = arith.constant 0 : index
    %swap3A_1747 = tpu.vector_load %arg11[%swap3A_1745, %swap3A_1746] {strides = array<i32>} : memref<128x16xf32, #tpu.memory_space<vmem>>, vector<1x16xf32>,
    %swap3A_1748 = vector.shape_cast %swap3A_1747 : vector<1x16xf32> to vector<16xf32>
    %swap3A_1749 = vector.shape_cast %broadcast_in_dim3A_1155 : vector<16xf32> to vector<1x16xf32>
    tpu.vector_store %arg11[%swap3A_1745, %swap3A_1746], %swap3A_1749 {strides = array<i32>} : memref<128x16xf32, #tpu.memory_space<vmem>>, vector<1x16xf32>,
    %swap3A_1750 = arith.constant 99 : i32
    %swap3A_1751 = arith.index_cast %swap3A_1750 : i32 to index
    %swap3A_1752 = arith.constant 0 : index
    %swap3A_1753 = tpu.vector_load %arg11[%swap3A_1751, %swap3A_1752] {strides = array<i32>} : memref<128x16xf32, #tpu.memory_space<vmem>>, vector<1x16xf32>,
    %swap3A_1754 = vector.shape_cast %swap3A_1753 : vector<1x16xf32> to vector<16xf32>
    %swap3A_1755 = vector.shape_cast %broadcast_in_dim3A_1155 : vector<16xf32> to vector<1x16xf32>
    tpu.vector_store %arg11[%swap3A_1751, %swap3A_1752], %swap3A_1755 {strides = array<i32>} : memref<128x16xf32, #tpu.memory_space<vmem>>, vector<1x16xf32>,
    %swap3A_1756 = arith.constant 100 : i32
    %swap3A_1757 = arith.index_cast %swap3A_1756 : i32 to index
    %swap3A_1758 = arith.constant 0 : index
    %swap3A_1759 = tpu.vector_load %arg11[%swap3A_1757, %swap3A_1758] {strides = array<i32>} : memref<128x16xf32, #tpu.memory_space<vmem>>, vector<1x16xf32>,
    %swap3A_1760 = vector.shape_cast %swap3A_1759 : vector<1x16xf32> to vector<16xf32>
    %swap3A_1761 = vector.shape_cast %broadcast_in_dim3A_1155 : vector<16xf32> to vector<1x16xf32>
    tpu.vector_store %arg11[%swap3A_1757, %swap3A_1758], %swap3A_1761 {strides = array<i32>} : memref<128x16xf32, #tpu.memory_space<vmem>>, vector<1x16xf32>,
    %swap3A_1762 = arith.constant 101 : i32
    %swap3A_1763 = arith.index_cast %swap3A_1762 : i32 to index
    %swap3A_1764 = arith.constant 0 : index
    %swap3A_1765 = tpu.vector_load %arg11[%swap3A_1763, %swap3A_1764] {strides = array<i32>} : memref<128x16xf32, #tpu.memory_space<vmem>>, vector<1x16xf32>,
    %swap3A_1766 = vector.shape_cast %swap3A_1765 : vector<1x16xf32> to vector<16xf32>
    %swap3A_1767 = vector.shape_cast %broadcast_in_dim3A_1155 : vector<16xf32> to vector<1x16xf32>
    tpu.vector_store %arg11[%swap3A_1763, %swap3A_1764], %swap3A_1767 {strides = array<i32>} : memref<128x16xf32, #tpu.memory_space<vmem>>, vector<1x16xf32>,
    %swap3A_1768 = arith.constant 102 : i32
    %swap3A_1769 = arith.index_cast %swap3A_1768 : i32 to index
    %swap3A_1770 = arith.constant 0 : index
    %swap3A_1771 = tpu.vector_load %arg11[%swap3A_1769, %swap3A_1770] {strides = array<i32>} : memref<128x16xf32, #tpu.memory_space<vmem>>, vector<1x16xf32>,
    %swap3A_1772 = vector.shape_cast %swap3A_1771 : vector<1x16xf32> to vector<16xf32>
    %swap3A_1773 = vector.shape_cast %broadcast_in_dim3A_1155 : vector<16xf32> to vector<1x16xf32>
    tpu.vector_store %arg11[%swap3A_1769, %swap3A_1770], %swap3A_1773 {strides = array<i32>} : memref<128x16xf32, #tpu.memory_space<vmem>>, vector<1x16xf32>,
    %swap3A_1774 = arith.constant 103 : i32
    %swap3A_1775 = arith.index_cast %swap3A_1774 : i32 to index
    %swap3A_1776 = arith.constant 0 : index
    %swap3A_1777 = tpu.vector_load %arg11[%swap3A_1775, %swap3A_1776] {strides = array<i32>} : memref<128x16xf32, #tpu.memory_space<vmem>>, vector<1x16xf32>,
    %swap3A_1778 = vector.shape_cast %swap3A_1777 : vector<1x16xf32> to vector<16xf32>
    %swap3A_1779 = vector.shape_cast %broadcast_in_dim3A_1155 : vector<16xf32> to vector<1x16xf32>
    tpu.vector_store %arg11[%swap3A_1775, %swap3A_1776], %swap3A_1779 {strides = array<i32>} : memref<128x16xf32, #tpu.memory_space<vmem>>, vector<1x16xf32>,
    %swap3A_1780 = arith.constant 104 : i32
    %swap3A_1781 = arith.index_cast %swap3A_1780 : i32 to index
    %swap3A_1782 = arith.constant 0 : index
    %swap3A_1783 = tpu.vector_load %arg11[%swap3A_1781, %swap3A_1782] {strides = array<i32>} : memref<128x16xf32, #tpu.memory_space<vmem>>, vector<1x16xf32>,
    %swap3A_1784 = vector.shape_cast %swap3A_1783 : vector<1x16xf32> to vector<16xf32>
    %swap3A_1785 = vector.shape_cast %broadcast_in_dim3A_1155 : vector<16xf32> to vector<1x16xf32>
    tpu.vector_store %arg11[%swap3A_1781, %swap3A_1782], %swap3A_1785 {strides = array<i32>} : memref<128x16xf32, #tpu.memory_space<vmem>>, vector<1x16xf32>,
    %swap3A_1786 = arith.constant 105 : i32
    %swap3A_1787 = arith.index_cast %swap3A_1786 : i32 to index
    %swap3A_1788 = arith.constant 0 : index
    %swap3A_1789 = tpu.vector_load %arg11[%swap3A_1787, %swap3A_1788] {strides = array<i32>} : memref<128x16xf32, #tpu.memory_space<vmem>>, vector<1x16xf32>,
    %swap3A_1790 = vector.shape_cast %swap3A_1789 : vector<1x16xf32> to vector<16xf32>
    %swap3A_1791 = vector.shape_cast %broadcast_in_dim3A_1155 : vector<16xf32> to vector<1x16xf32>
    tpu.vector_store %arg11[%swap3A_1787, %swap3A_1788], %swap3A_1791 {strides = array<i32>} : memref<128x16xf32, #tpu.memory_space<vmem>>, vector<1x16xf32>,
    %swap3A_1792 = arith.constant 106 : i32
    %swap3A_1793 = arith.index_cast %swap3A_1792 : i32 to index
    %swap3A_1794 = arith.constant 0 : index
    %swap3A_1795 = tpu.vector_load %arg11[%swap3A_1793, %swap3A_1794] {strides = array<i32>} : memref<128x16xf32, #tpu.memory_space<vmem>>, vector<1x16xf32>,
    %swap3A_1796 = vector.shape_cast %swap3A_1795 : vector<1x16xf32> to vector<16xf32>
    %swap3A_1797 = vector.shape_cast %broadcast_in_dim3A_1155 : vector<16xf32> to vector<1x16xf32>
    tpu.vector_store %arg11[%swap3A_1793, %swap3A_1794], %swap3A_1797 {strides = array<i32>} : memref<128x16xf32, #tpu.memory_space<vmem>>, vector<1x16xf32>,
    %swap3A_1798 = arith.constant 107 : i32
    %swap3A_1799 = arith.index_cast %swap3A_1798 : i32 to index
    %swap3A_1800 = arith.constant 0 : index
    %swap3A_1801 = tpu.vector_load %arg11[%swap3A_1799, %swap3A_1800] {strides = array<i32>} : memref<128x16xf32, #tpu.memory_space<vmem>>, vector<1x16xf32>,
    %swap3A_1802 = vector.shape_cast %swap3A_1801 : vector<1x16xf32> to vector<16xf32>
    %swap3A_1803 = vector.shape_cast %broadcast_in_dim3A_1155 : vector<16xf32> to vector<1x16xf32>
    tpu.vector_store %arg11[%swap3A_1799, %swap3A_1800], %swap3A_1803 {strides = array<i32>} : memref<128x16xf32, #tpu.memory_space<vmem>>, vector<1x16xf32>,
    %swap3A_1804 = arith.constant 108 : i32
    %swap3A_1805 = arith.index_cast %swap3A_1804 : i32 to index
    %swap3A_1806 = arith.constant 0 : index
    %swap3A_1807 = tpu.vector_load %arg11[%swap3A_1805, %swap3A_1806] {strides = array<i32>} : memref<128x16xf32, #tpu.memory_space<vmem>>, vector<1x16xf32>,
    %swap3A_1808 = vector.shape_cast %swap3A_1807 : vector<1x16xf32> to vector<16xf32>
    %swap3A_1809 = vector.shape_cast %broadcast_in_dim3A_1155 : vector<16xf32> to vector<1x16xf32>
    tpu.vector_store %arg11[%swap3A_1805, %swap3A_1806], %swap3A_1809 {strides = array<i32>} : memref<128x16xf32, #tpu.memory_space<vmem>>, vector<1x16xf32>,
    %swap3A_1810 = arith.constant 109 : i32
    %swap3A_1811 = arith.index_cast %swap3A_1810 : i32 to index
    %swap3A_1812 = arith.constant 0 : index
    %swap3A_1813 = tpu.vector_load %arg11[%swap3A_1811, %swap3A_1812] {strides = array<i32>} : memref<128x16xf32, #tpu.memory_space<vmem>>, vector<1x16xf32>,
    %swap3A_1814 = vector.shape_cast %swap3A_1813 : vector<1x16xf32> to vector<16xf32>
    %swap3A_1815 = vector.shape_cast %broadcast_in_dim3A_1155 : vector<16xf32> to vector<1x16xf32>
    tpu.vector_store %arg11[%swap3A_1811, %swap3A_1812], %swap3A_1815 {strides = array<i32>} : memref<128x16xf32, #tpu.memory_space<vmem>>, vector<1x16xf32>,
    %swap3A_1816 = arith.constant 110 : i32
    %swap3A_1817 = arith.index_cast %swap3A_1816 : i32 to index
    %swap3A_1818 = arith.constant 0 : index
    %swap3A_1819 = tpu.vector_load %arg11[%swap3A_1817, %swap3A_1818] {strides = array<i32>} : memref<128x16xf32, #tpu.memory_space<vmem>>, vector<1x16xf32>,
    %swap3A_1820 = vector.shape_cast %swap3A_1819 : vector<1x16xf32> to vector<16xf32>
    %swap3A_1821 = vector.shape_cast %broadcast_in_dim3A_1155 : vector<16xf32> to vector<1x16xf32>
    tpu.vector_store %arg11[%swap3A_1817, %swap3A_1818], %swap3A_1821 {strides = array<i32>} : memref<128x16xf32, #tpu.memory_space<vmem>>, vector<1x16xf32>,
    %swap3A_1822 = arith.constant 111 : i32
    %swap3A_1823 = arith.index_cast %swap3A_1822 : i32 to index
    %swap3A_1824 = arith.constant 0 : index
    %swap3A_1825 = tpu.vector_load %arg11[%swap3A_1823, %swap3A_1824] {strides = array<i32>} : memref<128x16xf32, #tpu.memory_space<vmem>>, vector<1x16xf32>,
    %swap3A_1826 = vector.shape_cast %swap3A_1825 : vector<1x16xf32> to vector<16xf32>
    %swap3A_1827 = vector.shape_cast %broadcast_in_dim3A_1155 : vector<16xf32> to vector<1x16xf32>
    tpu.vector_store %arg11[%swap3A_1823, %swap3A_1824], %swap3A_1827 {strides = array<i32>} : memref<128x16xf32, #tpu.memory_space<vmem>>, vector<1x16xf32>,
    %swap3A_1828 = arith.constant 112 : i32
    %swap3A_1829 = arith.index_cast %swap3A_1828 : i32 to index
    %swap3A_1830 = arith.constant 0 : index
    %swap3A_1831 = tpu.vector_load %arg11[%swap3A_1829, %swap3A_1830] {strides = array<i32>} : memref<128x16xf32, #tpu.memory_space<vmem>>, vector<1x16xf32>,
    %swap3A_1832 = vector.shape_cast %swap3A_1831 : vector<1x16xf32> to vector<16xf32>
    %swap3A_1833 = vector.shape_cast %broadcast_in_dim3A_1155 : vector<16xf32> to vector<1x16xf32>
    tpu.vector_store %arg11[%swap3A_1829, %swap3A_1830], %swap3A_1833 {strides = array<i32>} : memref<128x16xf32, #tpu.memory_space<vmem>>, vector<1x16xf32>,
    %swap3A_1834 = arith.constant 113 : i32
    %swap3A_1835 = arith.index_cast %swap3A_1834 : i32 to index
    %swap3A_1836 = arith.constant 0 : index
    %swap3A_1837 = tpu.vector_load %arg11[%swap3A_1835, %swap3A_1836] {strides = array<i32>} : memref<128x16xf32, #tpu.memory_space<vmem>>, vector<1x16xf32>,
    %swap3A_1838 = vector.shape_cast %swap3A_1837 : vector<1x16xf32> to vector<16xf32>
    %swap3A_1839 = vector.shape_cast %broadcast_in_dim3A_1155 : vector<16xf32> to vector<1x16xf32>
    tpu.vector_store %arg11[%swap3A_1835, %swap3A_1836], %swap3A_1839 {strides = array<i32>} : memref<128x16xf32, #tpu.memory_space<vmem>>, vector<1x16xf32>,
    %swap3A_1840 = arith.constant 114 : i32
    %swap3A_1841 = arith.index_cast %swap3A_1840 : i32 to index
    %swap3A_1842 = arith.constant 0 : index
    %swap3A_1843 = tpu.vector_load %arg11[%swap3A_1841, %swap3A_1842] {strides = array<i32>} : memref<128x16xf32, #tpu.memory_space<vmem>>, vector<1x16xf32>,
    %swap3A_1844 = vector.shape_cast %swap3A_1843 : vector<1x16xf32> to vector<16xf32>
    %swap3A_1845 = vector.shape_cast %broadcast_in_dim3A_1155 : vector<16xf32> to vector<1x16xf32>
    tpu.vector_store %arg11[%swap3A_1841, %swap3A_1842], %swap3A_1845 {strides = array<i32>} : memref<128x16xf32, #tpu.memory_space<vmem>>, vector<1x16xf32>,
    %swap3A_1846 = arith.constant 115 : i32
    %swap3A_1847 = arith.index_cast %swap3A_1846 : i32 to index
    %swap3A_1848 = arith.constant 0 : index
    %swap3A_1849 = tpu.vector_load %arg11[%swap3A_1847, %swap3A_1848] {strides = array<i32>} : memref<128x16xf32, #tpu.memory_space<vmem>>, vector<1x16xf32>,
    %swap3A_1850 = vector.shape_cast %swap3A_1849 : vector<1x16xf32> to vector<16xf32>
    %swap3A_1851 = vector.shape_cast %broadcast_in_dim3A_1155 : vector<16xf32> to vector<1x16xf32>
    tpu.vector_store %arg11[%swap3A_1847, %swap3A_1848], %swap3A_1851 {strides = array<i32>} : memref<128x16xf32, #tpu.memory_space<vmem>>, vector<1x16xf32>,
    %swap3A_1852 = arith.constant 116 : i32
    %swap3A_1853 = arith.index_cast %swap3A_1852 : i32 to index
    %swap3A_1854 = arith.constant 0 : index
    %swap3A_1855 = tpu.vector_load %arg11[%swap3A_1853, %swap3A_1854] {strides = array<i32>} : memref<128x16xf32, #tpu.memory_space<vmem>>, vector<1x16xf32>,
    %swap3A_1856 = vector.shape_cast %swap3A_1855 : vector<1x16xf32> to vector<16xf32>
    %swap3A_1857 = vector.shape_cast %broadcast_in_dim3A_1155 : vector<16xf32> to vector<1x16xf32>
    tpu.vector_store %arg11[%swap3A_1853, %swap3A_1854], %swap3A_1857 {strides = array<i32>} : memref<128x16xf32, #tpu.memory_space<vmem>>, vector<1x16xf32>,
    %swap3A_1858 = arith.constant 117 : i32
    %swap3A_1859 = arith.index_cast %swap3A_1858 : i32 to index
    %swap3A_1860 = arith.constant 0 : index
    %swap3A_1861 = tpu.vector_load %arg11[%swap3A_1859, %swap3A_1860] {strides = array<i32>} : memref<128x16xf32, #tpu.memory_space<vmem>>, vector<1x16xf32>,
    %swap3A_1862 = vector.shape_cast %swap3A_1861 : vector<1x16xf32> to vector<16xf32>
    %swap3A_1863 = vector.shape_cast %broadcast_in_dim3A_1155 : vector<16xf32> to vector<1x16xf32>
    tpu.vector_store %arg11[%swap3A_1859, %swap3A_1860], %swap3A_1863 {strides = array<i32>} : memref<128x16xf32, #tpu.memory_space<vmem>>, vector<1x16xf32>,
    %swap3A_1864 = arith.constant 118 : i32
    %swap3A_1865 = arith.index_cast %swap3A_1864 : i32 to index
    %swap3A_1866 = arith.constant 0 : index
    %swap3A_1867 = tpu.vector_load %arg11[%swap3A_1865, %swap3A_1866] {strides = array<i32>} : memref<128x16xf32, #tpu.memory_space<vmem>>, vector<1x16xf32>,
    %swap3A_1868 = vector.shape_cast %swap3A_1867 : vector<1x16xf32> to vector<16xf32>
    %swap3A_1869 = vector.shape_cast %broadcast_in_dim3A_1155 : vector<16xf32> to vector<1x16xf32>
    tpu.vector_store %arg11[%swap3A_1865, %swap3A_1866], %swap3A_1869 {strides = array<i32>} : memref<128x16xf32, #tpu.memory_space<vmem>>, vector<1x16xf32>,
    %swap3A_1870 = arith.constant 119 : i32
    %swap3A_1871 = arith.index_cast %swap3A_1870 : i32 to index
    %swap3A_1872 = arith.constant 0 : index
    %swap3A_1873 = tpu.vector_load %arg11[%swap3A_1871, %swap3A_1872] {strides = array<i32>} : memref<128x16xf32, #tpu.memory_space<vmem>>, vector<1x16xf32>,
    %swap3A_1874 = vector.shape_cast %swap3A_1873 : vector<1x16xf32> to vector<16xf32>
    %swap3A_1875 = vector.shape_cast %broadcast_in_dim3A_1155 : vector<16xf32> to vector<1x16xf32>
    tpu.vector_store %arg11[%swap3A_1871, %swap3A_1872], %swap3A_1875 {strides = array<i32>} : memref<128x16xf32, #tpu.memory_space<vmem>>, vector<1x16xf32>,
    %swap3A_1876 = arith.constant 120 : i32
    %swap3A_1877 = arith.index_cast %swap3A_1876 : i32 to index
    %swap3A_1878 = arith.constant 0 : index
    %swap3A_1879 = tpu.vector_load %arg11[%swap3A_1877, %swap3A_1878] {strides = array<i32>} : memref<128x16xf32, #tpu.memory_space<vmem>>, vector<1x16xf32>,
    %swap3A_1880 = vector.shape_cast %swap3A_1879 : vector<1x16xf32> to vector<16xf32>
    %swap3A_1881 = vector.shape_cast %broadcast_in_dim3A_1155 : vector<16xf32> to vector<1x16xf32>
    tpu.vector_store %arg11[%swap3A_1877, %swap3A_1878], %swap3A_1881 {strides = array<i32>} : memref<128x16xf32, #tpu.memory_space<vmem>>, vector<1x16xf32>,
    %swap3A_1882 = arith.constant 121 : i32
    %swap3A_1883 = arith.index_cast %swap3A_1882 : i32 to index
    %swap3A_1884 = arith.constant 0 : index
    %swap3A_1885 = tpu.vector_load %arg11[%swap3A_1883, %swap3A_1884] {strides = array<i32>} : memref<128x16xf32, #tpu.memory_space<vmem>>, vector<1x16xf32>,
    %swap3A_1886 = vector.shape_cast %swap3A_1885 : vector<1x16xf32> to vector<16xf32>
    %swap3A_1887 = vector.shape_cast %broadcast_in_dim3A_1155 : vector<16xf32> to vector<1x16xf32>
    tpu.vector_store %arg11[%swap3A_1883, %swap3A_1884], %swap3A_1887 {strides = array<i32>} : memref<128x16xf32, #tpu.memory_space<vmem>>, vector<1x16xf32>,
    %swap3A_1888 = arith.constant 122 : i32
    %swap3A_1889 = arith.index_cast %swap3A_1888 : i32 to index
    %swap3A_1890 = arith.constant 0 : index
    %swap3A_1891 = tpu.vector_load %arg11[%swap3A_1889, %swap3A_1890] {strides = array<i32>} : memref<128x16xf32, #tpu.memory_space<vmem>>, vector<1x16xf32>,
    %swap3A_1892 = vector.shape_cast %swap3A_1891 : vector<1x16xf32> to vector<16xf32>
    %swap3A_1893 = vector.shape_cast %broadcast_in_dim3A_1155 : vector<16xf32> to vector<1x16xf32>
    tpu.vector_store %arg11[%swap3A_1889, %swap3A_1890], %swap3A_1893 {strides = array<i32>} : memref<128x16xf32, #tpu.memory_space<vmem>>, vector<1x16xf32>,
    %swap3A_1894 = arith.constant 123 : i32
    %swap3A_1895 = arith.index_cast %swap3A_1894 : i32 to index
    %swap3A_1896 = arith.constant 0 : index
    %swap3A_1897 = tpu.vector_load %arg11[%swap3A_1895, %swap3A_1896] {strides = array<i32>} : memref<128x16xf32, #tpu.memory_space<vmem>>, vector<1x16xf32>,
    %swap3A_1898 = vector.shape_cast %swap3A_1897 : vector<1x16xf32> to vector<16xf32>
    %swap3A_1899 = vector.shape_cast %broadcast_in_dim3A_1155 : vector<16xf32> to vector<1x16xf32>
    tpu.vector_store %arg11[%swap3A_1895, %swap3A_1896], %swap3A_1899 {strides = array<i32>} : memref<128x16xf32, #tpu.memory_space<vmem>>, vector<1x16xf32>,
    %swap3A_1900 = arith.constant 124 : i32
    %swap3A_1901 = arith.index_cast %swap3A_1900 : i32 to index
    %swap3A_1902 = arith.constant 0 : index
    %swap3A_1903 = tpu.vector_load %arg11[%swap3A_1901, %swap3A_1902] {strides = array<i32>} : memref<128x16xf32, #tpu.memory_space<vmem>>, vector<1x16xf32>,
    %swap3A_1904 = vector.shape_cast %swap3A_1903 : vector<1x16xf32> to vector<16xf32>
    %swap3A_1905 = vector.shape_cast %broadcast_in_dim3A_1155 : vector<16xf32> to vector<1x16xf32>
    tpu.vector_store %arg11[%swap3A_1901, %swap3A_1902], %swap3A_1905 {strides = array<i32>} : memref<128x16xf32, #tpu.memory_space<vmem>>, vector<1x16xf32>,
    %swap3A_1906 = arith.constant 125 : i32
    %swap3A_1907 = arith.index_cast %swap3A_1906 : i32 to index
    %swap3A_1908 = arith.constant 0 : index
    %swap3A_1909 = tpu.vector_load %arg11[%swap3A_1907, %swap3A_1908] {strides = array<i32>} : memref<128x16xf32, #tpu.memory_space<vmem>>, vector<1x16xf32>,
    %swap3A_1910 = vector.shape_cast %swap3A_1909 : vector<1x16xf32> to vector<16xf32>
    %swap3A_1911 = vector.shape_cast %broadcast_in_dim3A_1155 : vector<16xf32> to vector<1x16xf32>
    tpu.vector_store %arg11[%swap3A_1907, %swap3A_1908], %swap3A_1911 {strides = array<i32>} : memref<128x16xf32, #tpu.memory_space<vmem>>, vector<1x16xf32>,
    %swap3A_1912 = arith.constant 126 : i32
    %swap3A_1913 = arith.index_cast %swap3A_1912 : i32 to index
    %swap3A_1914 = arith.constant 0 : index
    %swap3A_1915 = tpu.vector_load %arg11[%swap3A_1913, %swap3A_1914] {strides = array<i32>} : memref<128x16xf32, #tpu.memory_space<vmem>>, vector<1x16xf32>,
    %swap3A_1916 = vector.shape_cast %swap3A_1915 : vector<1x16xf32> to vector<16xf32>
    %swap3A_1917 = vector.shape_cast %broadcast_in_dim3A_1155 : vector<16xf32> to vector<1x16xf32>
    tpu.vector_store %arg11[%swap3A_1913, %swap3A_1914], %swap3A_1917 {strides = array<i32>} : memref<128x16xf32, #tpu.memory_space<vmem>>, vector<1x16xf32>,
    %swap3A_1918 = arith.constant 127 : i32
    %swap3A_1919 = arith.index_cast %swap3A_1918 : i32 to index
    %swap3A_1920 = arith.constant 0 : index
    %swap3A_1921 = tpu.vector_load %arg11[%swap3A_1919, %swap3A_1920] {strides = array<i32>} : memref<128x16xf32, #tpu.memory_space<vmem>>, vector<1x16xf32>,
    %swap3A_1922 = vector.shape_cast %swap3A_1921 : vector<1x16xf32> to vector<16xf32>
    %swap3A_1923 = vector.shape_cast %broadcast_in_dim3A_1155 : vector<16xf32> to vector<1x16xf32>
    tpu.vector_store %arg11[%swap3A_1919, %swap3A_1920], %swap3A_1923 {strides = array<i32>} : memref<128x16xf32, #tpu.memory_space<vmem>>, vector<1x16xf32>,
    %mul3A = arith.constant 640 : i32
    %mul3A_1924 = arith.muli %arg1, %mul3A : i32
    %add3A = arith.constant 0 : i32
    %add3A_1925 = arith.addi %mul3A_1924, %add3A : i32
    %dma_start3A = arith.constant 0 : i32
    %dma_start3A_1926 = tpu.memref_slice %arg12[%add3A_1925, %dma_start3A] : memref<10240x64xbf16, #tpu.memory_space<vmem_shared>> -> memref<64x64xbf16, #tpu.memory_space<vmem_shared>>
    %dma_start3A_1927 = arith.constant 0 : i32
    %dma_start3A_1928 = tpu.memref_slice %arg12[%add3A_1925, %dma_start3A_1927] : memref<10240x64xbf16, #tpu.memory_space<vmem_shared>> -> memref<64x64xbf16, #tpu.memory_space<vmem_shared>>
    tpu.enqueue_dma source(%arg9 : memref<64x64xbf16, #tpu.memory_space<vmem>>) target(%dma_start3A_1928 : memref<64x64xbf16, #tpu.memory_space<vmem_shared>>) target_semaphore(%arg15 : memref<!tpu.dma_semaphore, #tpu.memory_space<semaphore_mem>>)
    %add3A_1929 = arith.constant 0 : i32
    %add3A_1930 = arith.addi %mul3A_1924, %add3A_1929 : i32
    %dma_start3A_1931 = arith.constant 0 : i32
    %dma_start3A_1932 = tpu.memref_slice %arg13[%add3A_1930, %dma_start3A_1931] : memref<10240x16xf32, #tpu.memory_space<vmem_shared>> -> memref<64x16xf32, #tpu.memory_space<vmem_shared>>
    %dma_start3A_1933 = arith.constant 0 : i32
    %dma_start3A_1934 = tpu.memref_slice %arg13[%add3A_1930, %dma_start3A_1933] : memref<10240x16xf32, #tpu.memory_space<vmem_shared>> -> memref<64x16xf32, #tpu.memory_space<vmem_shared>>
    tpu.enqueue_dma source(%arg10 : memref<64x16xf32, #tpu.memory_space<vmem>>) target(%dma_start3A_1934 : memref<64x16xf32, #tpu.memory_space<vmem_shared>>) target_semaphore(%arg15 : memref<!tpu.dma_semaphore, #tpu.memory_space<semaphore_mem>>)
    %add3A_1935 = arith.constant 64 : i32
    %add3A_1936 = arith.addi %mul3A_1924, %add3A_1935 : i32
    %dma_start3A_1937 = arith.constant 0 : i32
    %dma_start3A_1938 = tpu.memref_slice %arg12[%add3A_1936, %dma_start3A_1937] : memref<10240x64xbf16, #tpu.memory_space<vmem_shared>> -> memref<64x64xbf16, #tpu.memory_space<vmem_shared>>
    %dma_start3A_1939 = arith.constant 0 : i32
    %dma_start3A_1940 = tpu.memref_slice %arg12[%add3A_1936, %dma_start3A_1939] : memref<10240x64xbf16, #tpu.memory_space<vmem_shared>> -> memref<64x64xbf16, #tpu.memory_space<vmem_shared>>
    tpu.enqueue_dma source(%arg9 : memref<64x64xbf16, #tpu.memory_space<vmem>>) target(%dma_start3A_1940 : memref<64x64xbf16, #tpu.memory_space<vmem_shared>>) target_semaphore(%arg15 : memref<!tpu.dma_semaphore, #tpu.memory_space<semaphore_mem>>)
    %add3A_1941 = arith.constant 64 : i32
    %add3A_1942 = arith.addi %mul3A_1924, %add3A_1941 : i32
    %dma_start3A_1943 = arith.constant 0 : i32
    %dma_start3A_1944 = tpu.memref_slice %arg13[%add3A_1942, %dma_start3A_1943] : memref<10240x16xf32, #tpu.memory_space<vmem_shared>> -> memref<64x16xf32, #tpu.memory_space<vmem_shared>>
    %dma_start3A_1945 = arith.constant 0 : i32
    %dma_start3A_1946 = tpu.memref_slice %arg13[%add3A_1942, %dma_start3A_1945] : memref<10240x16xf32, #tpu.memory_space<vmem_shared>> -> memref<64x16xf32, #tpu.memory_space<vmem_shared>>
    tpu.enqueue_dma source(%arg10 : memref<64x16xf32, #tpu.memory_space<vmem>>) target(%dma_start3A_1946 : memref<64x16xf32, #tpu.memory_space<vmem_shared>>) target_semaphore(%arg15 : memref<!tpu.dma_semaphore, #tpu.memory_space<semaphore_mem>>)
    %add3A_1947 = arith.constant 128 : i32
    %add3A_1948 = arith.addi %mul3A_1924, %add3A_1947 : i32
    %dma_start3A_1949 = arith.constant 0 : i32
    %dma_start3A_1950 = tpu.memref_slice %arg12[%add3A_1948, %dma_start3A_1949] : memref<10240x64xbf16, #tpu.memory_space<vmem_shared>> -> memref<64x64xbf16, #tpu.memory_space<vmem_shared>>
    %dma_start3A_1951 = arith.constant 0 : i32
    %dma_start3A_1952 = tpu.memref_slice %arg12[%add3A_1948, %dma_start3A_1951] : memref<10240x64xbf16, #tpu.memory_space<vmem_shared>> -> memref<64x64xbf16, #tpu.memory_space<vmem_shared>>
    tpu.enqueue_dma source(%arg9 : memref<64x64xbf16, #tpu.memory_space<vmem>>) target(%dma_start3A_1952 : memref<64x64xbf16, #tpu.memory_space<vmem_shared>>) target_semaphore(%arg15 : memref<!tpu.dma_semaphore, #tpu.memory_space<semaphore_mem>>)
    %add3A_1953 = arith.constant 128 : i32
    %add3A_1954 = arith.addi %mul3A_1924, %add3A_1953 : i32
    %dma_start3A_1955 = arith.constant 0 : i32
    %dma_start3A_1956 = tpu.memref_slice %arg13[%add3A_1954, %dma_start3A_1955] : memref<10240x16xf32, #tpu.memory_space<vmem_shared>> -> memref<64x16xf32, #tpu.memory_space<vmem_shared>>
    %dma_start3A_1957 = arith.constant 0 : i32
    %dma_start3A_1958 = tpu.memref_slice %arg13[%add3A_1954, %dma_start3A_1957] : memref<10240x16xf32, #tpu.memory_space<vmem_shared>> -> memref<64x16xf32, #tpu.memory_space<vmem_shared>>
    tpu.enqueue_dma source(%arg10 : memref<64x16xf32, #tpu.memory_space<vmem>>) target(%dma_start3A_1958 : memref<64x16xf32, #tpu.memory_space<vmem_shared>>) target_semaphore(%arg15 : memref<!tpu.dma_semaphore, #tpu.memory_space<semaphore_mem>>)
    %add3A_1959 = arith.constant 192 : i32
    %add3A_1960 = arith.addi %mul3A_1924, %add3A_1959 : i32
    %dma_start3A_1961 = arith.constant 0 : i32
    %dma_start3A_1962 = tpu.memref_slice %arg12[%add3A_1960, %dma_start3A_1961] : memref<10240x64xbf16, #tpu.memory_space<vmem_shared>> -> memref<64x64xbf16, #tpu.memory_space<vmem_shared>>
    %dma_start3A_1963 = arith.constant 0 : i32
    %dma_start3A_1964 = tpu.memref_slice %arg12[%add3A_1960, %dma_start3A_1963] : memref<10240x64xbf16, #tpu.memory_space<vmem_shared>> -> memref<64x64xbf16, #tpu.memory_space<vmem_shared>>
    tpu.enqueue_dma source(%arg9 : memref<64x64xbf16, #tpu.memory_space<vmem>>) target(%dma_start3A_1964 : memref<64x64xbf16, #tpu.memory_space<vmem_shared>>) target_semaphore(%arg15 : memref<!tpu.dma_semaphore, #tpu.memory_space<semaphore_mem>>)
    %add3A_1965 = arith.constant 192 : i32
    %add3A_1966 = arith.addi %mul3A_1924, %add3A_1965 : i32
    %dma_start3A_1967 = arith.constant 0 : i32
    %dma_start3A_1968 = tpu.memref_slice %arg13[%add3A_1966, %dma_start3A_1967] : memref<10240x16xf32, #tpu.memory_space<vmem_shared>> -> memref<64x16xf32, #tpu.memory_space<vmem_shared>>
    %dma_start3A_1969 = arith.constant 0 : i32
    %dma_start3A_1970 = tpu.memref_slice %arg13[%add3A_1966, %dma_start3A_1969] : memref<10240x16xf32, #tpu.memory_space<vmem_shared>> -> memref<64x16xf32, #tpu.memory_space<vmem_shared>>
    tpu.enqueue_dma source(%arg10 : memref<64x16xf32, #tpu.memory_space<vmem>>) target(%dma_start3A_1970 : memref<64x16xf32, #tpu.memory_space<vmem_shared>>) target_semaphore(%arg15 : memref<!tpu.dma_semaphore, #tpu.memory_space<semaphore_mem>>)
    %add3A_1971 = arith.constant 256 : i32
    %add3A_1972 = arith.addi %mul3A_1924, %add3A_1971 : i32
    %dma_start3A_1973 = arith.constant 0 : i32
    %dma_start3A_1974 = tpu.memref_slice %arg12[%add3A_1972, %dma_start3A_1973] : memref<10240x64xbf16, #tpu.memory_space<vmem_shared>> -> memref<64x64xbf16, #tpu.memory_space<vmem_shared>>
    %dma_start3A_1975 = arith.constant 0 : i32
    %dma_start3A_1976 = tpu.memref_slice %arg12[%add3A_1972, %dma_start3A_1975] : memref<10240x64xbf16, #tpu.memory_space<vmem_shared>> -> memref<64x64xbf16, #tpu.memory_space<vmem_shared>>
    tpu.enqueue_dma source(%arg9 : memref<64x64xbf16, #tpu.memory_space<vmem>>) target(%dma_start3A_1976 : memref<64x64xbf16, #tpu.memory_space<vmem_shared>>) target_semaphore(%arg15 : memref<!tpu.dma_semaphore, #tpu.memory_space<semaphore_mem>>)
    %add3A_1977 = arith.constant 256 : i32
    %add3A_1978 = arith.addi %mul3A_1924, %add3A_1977 : i32
    %dma_start3A_1979 = arith.constant 0 : i32
    %dma_start3A_1980 = tpu.memref_slice %arg13[%add3A_1978, %dma_start3A_1979] : memref<10240x16xf32, #tpu.memory_space<vmem_shared>> -> memref<64x16xf32, #tpu.memory_space<vmem_shared>>
    %dma_start3A_1981 = arith.constant 0 : i32
    %dma_start3A_1982 = tpu.memref_slice %arg13[%add3A_1978, %dma_start3A_1981] : memref<10240x16xf32, #tpu.memory_space<vmem_shared>> -> memref<64x16xf32, #tpu.memory_space<vmem_shared>>
    tpu.enqueue_dma source(%arg10 : memref<64x16xf32, #tpu.memory_space<vmem>>) target(%dma_start3A_1982 : memref<64x16xf32, #tpu.memory_space<vmem_shared>>) target_semaphore(%arg15 : memref<!tpu.dma_semaphore, #tpu.memory_space<semaphore_mem>>)
    %add3A_1983 = arith.constant 320 : i32
    %add3A_1984 = arith.addi %mul3A_1924, %add3A_1983 : i32
    %dma_start3A_1985 = arith.constant 0 : i32
    %dma_start3A_1986 = tpu.memref_slice %arg12[%add3A_1984, %dma_start3A_1985] : memref<10240x64xbf16, #tpu.memory_space<vmem_shared>> -> memref<64x64xbf16, #tpu.memory_space<vmem_shared>>
    %dma_start3A_1987 = arith.constant 0 : i32
    %dma_start3A_1988 = tpu.memref_slice %arg12[%add3A_1984, %dma_start3A_1987] : memref<10240x64xbf16, #tpu.memory_space<vmem_shared>> -> memref<64x64xbf16, #tpu.memory_space<vmem_shared>>
    tpu.enqueue_dma source(%arg9 : memref<64x64xbf16, #tpu.memory_space<vmem>>) target(%dma_start3A_1988 : memref<64x64xbf16, #tpu.memory_space<vmem_shared>>) target_semaphore(%arg15 : memref<!tpu.dma_semaphore, #tpu.memory_space<semaphore_mem>>)
    %add3A_1989 = arith.constant 320 : i32
    %add3A_1990 = arith.addi %mul3A_1924, %add3A_1989 : i32
    %dma_start3A_1991 = arith.constant 0 : i32
    %dma_start3A_1992 = tpu.memref_slice %arg13[%add3A_1990, %dma_start3A_1991] : memref<10240x16xf32, #tpu.memory_space<vmem_shared>> -> memref<64x16xf32, #tpu.memory_space<vmem_shared>>
    %dma_start3A_1993 = arith.constant 0 : i32
    %dma_start3A_1994 = tpu.memref_slice %arg13[%add3A_1990, %dma_start3A_1993] : memref<10240x16xf32, #tpu.memory_space<vmem_shared>> -> memref<64x16xf32, #tpu.memory_space<vmem_shared>>
    tpu.enqueue_dma source(%arg10 : memref<64x16xf32, #tpu.memory_space<vmem>>) target(%dma_start3A_1994 : memref<64x16xf32, #tpu.memory_space<vmem_shared>>) target_semaphore(%arg15 : memref<!tpu.dma_semaphore, #tpu.memory_space<semaphore_mem>>)
    %add3A_1995 = arith.constant 384 : i32
    %add3A_1996 = arith.addi %mul3A_1924, %add3A_1995 : i32
    %dma_start3A_1997 = arith.constant 0 : i32
    %dma_start3A_1998 = tpu.memref_slice %arg12[%add3A_1996, %dma_start3A_1997] : memref<10240x64xbf16, #tpu.memory_space<vmem_shared>> -> memref<64x64xbf16, #tpu.memory_space<vmem_shared>>
    %dma_start3A_1999 = arith.constant 0 : i32
    %dma_start3A_2000 = tpu.memref_slice %arg12[%add3A_1996, %dma_start3A_1999] : memref<10240x64xbf16, #tpu.memory_space<vmem_shared>> -> memref<64x64xbf16, #tpu.memory_space<vmem_shared>>
    tpu.enqueue_dma source(%arg9 : memref<64x64xbf16, #tpu.memory_space<vmem>>) target(%dma_start3A_2000 : memref<64x64xbf16, #tpu.memory_space<vmem_shared>>) target_semaphore(%arg15 : memref<!tpu.dma_semaphore, #tpu.memory_space<semaphore_mem>>)
    %add3A_2001 = arith.constant 384 : i32
    %add3A_2002 = arith.addi %mul3A_1924, %add3A_2001 : i32
    %dma_start3A_2003 = arith.constant 0 : i32
    %dma_start3A_2004 = tpu.memref_slice %arg13[%add3A_2002, %dma_start3A_2003] : memref<10240x16xf32, #tpu.memory_space<vmem_shared>> -> memref<64x16xf32, #tpu.memory_space<vmem_shared>>
    %dma_start3A_2005 = arith.constant 0 : i32
    %dma_start3A_2006 = tpu.memref_slice %arg13[%add3A_2002, %dma_start3A_2005] : memref<10240x16xf32, #tpu.memory_space<vmem_shared>> -> memref<64x16xf32, #tpu.memory_space<vmem_shared>>
    tpu.enqueue_dma source(%arg10 : memref<64x16xf32, #tpu.memory_space<vmem>>) target(%dma_start3A_2006 : memref<64x16xf32, #tpu.memory_space<vmem_shared>>) target_semaphore(%arg15 : memref<!tpu.dma_semaphore, #tpu.memory_space<semaphore_mem>>)
    %add3A_2007 = arith.constant 448 : i32
    %add3A_2008 = arith.addi %mul3A_1924, %add3A_2007 : i32
    %dma_start3A_2009 = arith.constant 0 : i32
    %dma_start3A_2010 = tpu.memref_slice %arg12[%add3A_2008, %dma_start3A_2009] : memref<10240x64xbf16, #tpu.memory_space<vmem_shared>> -> memref<64x64xbf16, #tpu.memory_space<vmem_shared>>
    %dma_start3A_2011 = arith.constant 0 : i32
    %dma_start3A_2012 = tpu.memref_slice %arg12[%add3A_2008, %dma_start3A_2011] : memref<10240x64xbf16, #tpu.memory_space<vmem_shared>> -> memref<64x64xbf16, #tpu.memory_space<vmem_shared>>
    tpu.enqueue_dma source(%arg9 : memref<64x64xbf16, #tpu.memory_space<vmem>>) target(%dma_start3A_2012 : memref<64x64xbf16, #tpu.memory_space<vmem_shared>>) target_semaphore(%arg15 : memref<!tpu.dma_semaphore, #tpu.memory_space<semaphore_mem>>)
    %add3A_2013 = arith.constant 448 : i32
    %add3A_2014 = arith.addi %mul3A_1924, %add3A_2013 : i32
    %dma_start3A_2015 = arith.constant 0 : i32
    %dma_start3A_2016 = tpu.memref_slice %arg13[%add3A_2014, %dma_start3A_2015] : memref<10240x16xf32, #tpu.memory_space<vmem_shared>> -> memref<64x16xf32, #tpu.memory_space<vmem_shared>>
    %dma_start3A_2017 = arith.constant 0 : i32
    %dma_start3A_2018 = tpu.memref_slice %arg13[%add3A_2014, %dma_start3A_2017] : memref<10240x16xf32, #tpu.memory_space<vmem_shared>> -> memref<64x16xf32, #tpu.memory_space<vmem_shared>>
    tpu.enqueue_dma source(%arg10 : memref<64x16xf32, #tpu.memory_space<vmem>>) target(%dma_start3A_2018 : memref<64x16xf32, #tpu.memory_space<vmem_shared>>) target_semaphore(%arg15 : memref<!tpu.dma_semaphore, #tpu.memory_space<semaphore_mem>>)
    %add3A_2019 = arith.constant 512 : i32
    %add3A_2020 = arith.addi %mul3A_1924, %add3A_2019 : i32
    %dma_start3A_2021 = arith.constant 0 : i32
    %dma_start3A_2022 = tpu.memref_slice %arg12[%add3A_2020, %dma_start3A_2021] : memref<10240x64xbf16, #tpu.memory_space<vmem_shared>> -> memref<64x64xbf16, #tpu.memory_space<vmem_shared>>
    %dma_start3A_2023 = arith.constant 0 : i32
    %dma_start3A_2024 = tpu.memref_slice %arg12[%add3A_2020, %dma_start3A_2023] : memref<10240x64xbf16, #tpu.memory_space<vmem_shared>> -> memref<64x64xbf16, #tpu.memory_space<vmem_shared>>
    tpu.enqueue_dma source(%arg9 : memref<64x64xbf16, #tpu.memory_space<vmem>>) target(%dma_start3A_2024 : memref<64x64xbf16, #tpu.memory_space<vmem_shared>>) target_semaphore(%arg15 : memref<!tpu.dma_semaphore, #tpu.memory_space<semaphore_mem>>)
    %add3A_2025 = arith.constant 512 : i32
    %add3A_2026 = arith.addi %mul3A_1924, %add3A_2025 : i32
    %dma_start3A_2027 = arith.constant 0 : i32
    %dma_start3A_2028 = tpu.memref_slice %arg13[%add3A_2026, %dma_start3A_2027] : memref<10240x16xf32, #tpu.memory_space<vmem_shared>> -> memref<64x16xf32, #tpu.memory_space<vmem_shared>>
    %dma_start3A_2029 = arith.constant 0 : i32
    %dma_start3A_2030 = tpu.memref_slice %arg13[%add3A_2026, %dma_start3A_2029] : memref<10240x16xf32, #tpu.memory_space<vmem_shared>> -> memref<64x16xf32, #tpu.memory_space<vmem_shared>>
    tpu.enqueue_dma source(%arg10 : memref<64x16xf32, #tpu.memory_space<vmem>>) target(%dma_start3A_2030 : memref<64x16xf32, #tpu.memory_space<vmem_shared>>) target_semaphore(%arg15 : memref<!tpu.dma_semaphore, #tpu.memory_space<semaphore_mem>>)
    %add3A_2031 = arith.constant 576 : i32
    %add3A_2032 = arith.addi %mul3A_1924, %add3A_2031 : i32
    %dma_start3A_2033 = arith.constant 0 : i32
    %dma_start3A_2034 = tpu.memref_slice %arg12[%add3A_2032, %dma_start3A_2033] : memref<10240x64xbf16, #tpu.memory_space<vmem_shared>> -> memref<64x64xbf16, #tpu.memory_space<vmem_shared>>
    %dma_start3A_2035 = arith.constant 0 : i32
    %dma_start3A_2036 = tpu.memref_slice %arg12[%add3A_2032, %dma_start3A_2035] : memref<10240x64xbf16, #tpu.memory_space<vmem_shared>> -> memref<64x64xbf16, #tpu.memory_space<vmem_shared>>
    tpu.enqueue_dma source(%arg9 : memref<64x64xbf16, #tpu.memory_space<vmem>>) target(%dma_start3A_2036 : memref<64x64xbf16, #tpu.memory_space<vmem_shared>>) target_semaphore(%arg15 : memref<!tpu.dma_semaphore, #tpu.memory_space<semaphore_mem>>)
    %add3A_2037 = arith.constant 576 : i32
    %add3A_2038 = arith.addi %mul3A_1924, %add3A_2037 : i32
    %dma_start3A_2039 = arith.constant 0 : i32
    %dma_start3A_2040 = tpu.memref_slice %arg13[%add3A_2038, %dma_start3A_2039] : memref<10240x16xf32, #tpu.memory_space<vmem_shared>> -> memref<64x16xf32, #tpu.memory_space<vmem_shared>>
    %dma_start3A_2041 = arith.constant 0 : i32
    %dma_start3A_2042 = tpu.memref_slice %arg13[%add3A_2038, %dma_start3A_2041] : memref<10240x16xf32, #tpu.memory_space<vmem_shared>> -> memref<64x16xf32, #tpu.memory_space<vmem_shared>>
    tpu.enqueue_dma source(%arg10 : memref<64x16xf32, #tpu.memory_space<vmem>>) target(%dma_start3A_2042 : memref<64x16xf32, #tpu.memory_space<vmem_shared>>) target_semaphore(%arg15 : memref<!tpu.dma_semaphore, #tpu.memory_space<semaphore_mem>>)
    %mul3A_2043 = arith.constant 625 : i32
    %mul3A_2044 = arith.muli %arg1, %mul3A_2043 : i32
    %dma_start3A_2045 = arith.constant 0 : i32
    %dma_start3A_2046 = tpu.memref_slice %arg14[%mul3A_2044, %dma_start3A_2045] : memref<10000x64xbf16, #tpu.memory_space<vmem_shared>> -> memref<625x64xbf16, #tpu.memory_space<vmem_shared>>
    %dma_start3A_2047 = arith.constant 0 : i32
    %dma_start3A_2048 = tpu.memref_slice %arg2[%arg0, %mul3A_2044, %dma_start3A_2047] : memref<2x10000x64xbf16, #tpu.memory_space<hbm>> -> memref<1x625x64xbf16, #tpu.memory_space<hbm>>
    %dma_start3A_2049 = tpu.memref_squeeze %dma_start3A_2048 : memref<1x625x64xbf16, #tpu.memory_space<hbm>> -> memref<625x64xbf16, #tpu.memory_space<hbm>>
    tpu.enqueue_dma source(%dma_start3A_2049 : memref<625x64xbf16, #tpu.memory_space<hbm>>) target(%dma_start3A_2046 : memref<625x64xbf16, #tpu.memory_space<vmem_shared>>) target_semaphore(%arg15 : memref<!tpu.dma_semaphore, #tpu.memory_space<semaphore_mem>>)
    %mul3A_2050 = arith.constant 20480 : i32
    %mul3A_2051 = arith.muli %arg1, %mul3A_2050 : i32
    %lt3A = arith.constant 15 : i32
    %lt3A_2052 = arith.cmpi slt, %arg1, %lt3A : i32
    %convert_element_type3A = arith.extui %lt3A_2052 : i1 to i32
    %cond3A = arith.constant 0 : i32
    %cond3A_2053 = arith.cmpi ne, %convert_element_type3A, %cond3A : i32
    scf.if %cond3A_2053 {
      %run_scoped3A = arith.constant 0 : i32
      "tpu.region"() ({
        %run_scoped3A_2166 = tpu.sem_alloc : memref<!tpu.dma_semaphore, #tpu.memory_space<semaphore_mem>>
        %dma_start3A_2167 = tpu.memref_slice %arg3[%run_scoped3A, %mul3A_2051] : memref<2x320000xi32, #tpu.memory_space<hbm>> -> memref<1x20480xi32, #tpu.memory_space<hbm>>
        %dma_start3A_2168 = tpu.memref_squeeze %dma_start3A_2167 : memref<1x20480xi32, #tpu.memory_space<hbm>> -> memref<20480xi32, #tpu.memory_space<hbm>>
        %dma_start3A_2169 = tpu.memref_slice %arg3[%run_scoped3A, %mul3A_2051] : memref<2x320000xi32, #tpu.memory_space<hbm>> -> memref<1x20480xi32, #tpu.memory_space<hbm>>
        %dma_start3A_2170 = tpu.memref_squeeze %dma_start3A_2169 : memref<1x20480xi32, #tpu.memory_space<hbm>> -> memref<20480xi32, #tpu.memory_space<hbm>>
        tpu.enqueue_dma source(%dma_start3A_2170 : memref<20480xi32, #tpu.memory_space<hbm>>) target(%arg6 : memref<20480xi32, #tpu.memory_space<vmem>>) target_semaphore(%run_scoped3A_2166 : memref<!tpu.dma_semaphore, #tpu.memory_space<semaphore_mem>>)
        %dma_wait3A_2171 = tpu.memref_slice %arg3[%run_scoped3A, %mul3A_2051] : memref<2x320000xi32, #tpu.memory_space<hbm>> -> memref<1x20480xi32, #tpu.memory_space<hbm>>
        %dma_wait3A_2172 = tpu.memref_squeeze %dma_wait3A_2171 : memref<1x20480xi32, #tpu.memory_space<hbm>> -> memref<20480xi32, #tpu.memory_space<hbm>>
        %dma_wait3A_2173 = tpu.memref_slice %arg3[%run_scoped3A, %mul3A_2051] : memref<2x320000xi32, #tpu.memory_space<hbm>> -> memref<1x20480xi32, #tpu.memory_space<hbm>>
        %dma_wait3A_2174 = tpu.memref_squeeze %dma_wait3A_2173 : memref<1x20480xi32, #tpu.memory_space<hbm>> -> memref<20480xi32, #tpu.memory_space<hbm>>
        tpu.wait_dma2 semaphore(%run_scoped3A_2166 : memref<!tpu.dma_semaphore, #tpu.memory_space<semaphore_mem>>) src(%dma_wait3A_2174 : memref<20480xi32, #tpu.memory_space<hbm>>) dst(%arg6 : memref<20480xi32, #tpu.memory_space<vmem>>)
        tpu.yield
      }) : () -> ()
      %run_scoped3A_2165 = arith.constant 1 : i32
      "tpu.region"() ({
        %run_scoped3A_2166 = tpu.sem_alloc : memref<!tpu.dma_semaphore, #tpu.memory_space<semaphore_mem>>
        %dma_start3A_2167 = tpu.memref_slice %arg3[%run_scoped3A_2165, %mul3A_2051] : memref<2x320000xi32, #tpu.memory_space<hbm>> -> memref<1x20480xi32, #tpu.memory_space<hbm>>
        %dma_start3A_2168 = tpu.memref_squeeze %dma_start3A_2167 : memref<1x20480xi32, #tpu.memory_space<hbm>> -> memref<20480xi32, #tpu.memory_space<hbm>>
        %dma_start3A_2169 = tpu.memref_slice %arg3[%run_scoped3A_2165, %mul3A_2051] : memref<2x320000xi32, #tpu.memory_space<hbm>> -> memref<1x20480xi32, #tpu.memory_space<hbm>>
        %dma_start3A_2170 = tpu.memref_squeeze %dma_start3A_2169 : memref<1x20480xi32, #tpu.memory_space<hbm>> -> memref<20480xi32, #tpu.memory_space<hbm>>
        tpu.enqueue_dma source(%dma_start3A_2170 : memref<20480xi32, #tpu.memory_space<hbm>>) target(%arg7 : memref<20480xi32, #tpu.memory_space<vmem>>) target_semaphore(%run_scoped3A_2166 : memref<!tpu.dma_semaphore, #tpu.memory_space<semaphore_mem>>)
        %dma_wait3A_2171 = tpu.memref_slice %arg3[%run_scoped3A_2165, %mul3A_2051] : memref<2x320000xi32, #tpu.memory_space<hbm>> -> memref<1x20480xi32, #tpu.memory_space<hbm>>
        %dma_wait3A_2172 = tpu.memref_squeeze %dma_wait3A_2171 : memref<1x20480xi32, #tpu.memory_space<hbm>> -> memref<20480xi32, #tpu.memory_space<hbm>>
        %dma_wait3A_2173 = tpu.memref_slice %arg3[%run_scoped3A_2165, %mul3A_2051] : memref<2x320000xi32, #tpu.memory_space<hbm>> -> memref<1x20480xi32, #tpu.memory_space<hbm>>
        %dma_wait3A_2174 = tpu.memref_squeeze %dma_wait3A_2173 : memref<1x20480xi32, #tpu.memory_space<hbm>> -> memref<20480xi32, #tpu.memory_space<hbm>>
        tpu.wait_dma2 semaphore(%run_scoped3A_2166 : memref<!tpu.dma_semaphore, #tpu.memory_space<semaphore_mem>>) src(%dma_wait3A_2174 : memref<20480xi32, #tpu.memory_space<hbm>>) dst(%arg7 : memref<20480xi32, #tpu.memory_space<vmem>>)
        tpu.yield
      }) : () -> ()
    } else {
    }
    %eq3A = arith.constant 15 : i32
    %eq3A_2054 = arith.cmpi eq, %arg1, %eq3A : i32
    %convert_element_type3A_2055 = arith.extui %eq3A_2054 : i1 to i32
    %cond3A_2056 = arith.constant 0 : i32
    %cond3A_2057 = arith.cmpi ne, %convert_element_type3A_2055, %cond3A_2056 : i32
    scf.if %cond3A_2057 {
      %run_scoped3A = arith.constant 0 : i32
      "tpu.region"() ({
        %run_scoped3A_2166 = tpu.sem_alloc : memref<!tpu.dma_semaphore, #tpu.memory_space<semaphore_mem>>
        %dma_start3A_2167 = arith.constant 0 : i32
        %dma_start3A_2168 = tpu.memref_slice %arg6[%dma_start3A_2167] : memref<20480xi32, #tpu.memory_space<vmem>> -> memref<12800xi32, #tpu.memory_space<vmem>>
        %dma_start3A_2169 = tpu.memref_slice %arg3[%run_scoped3A, %mul3A_2051] : memref<2x320000xi32, #tpu.memory_space<hbm>> -> memref<1x12800xi32, #tpu.memory_space<hbm>>
        %dma_start3A_2170 = tpu.memref_squeeze %dma_start3A_2169 : memref<1x12800xi32, #tpu.memory_space<hbm>> -> memref<12800xi32, #tpu.memory_space<hbm>>
        %dma_start3A_2171 = arith.constant 0 : i32
        %dma_start3A_2172 = tpu.memref_slice %arg6[%dma_start3A_2171] : memref<20480xi32, #tpu.memory_space<vmem>> -> memref<12800xi32, #tpu.memory_space<vmem>>
        %dma_start3A_2173 = tpu.memref_slice %arg3[%run_scoped3A, %mul3A_2051] : memref<2x320000xi32, #tpu.memory_space<hbm>> -> memref<1x12800xi32, #tpu.memory_space<hbm>>
        %dma_start3A_2174 = tpu.memref_squeeze %dma_start3A_2173 : memref<1x12800xi32, #tpu.memory_space<hbm>> -> memref<12800xi32, #tpu.memory_space<hbm>>
        tpu.enqueue_dma source(%dma_start3A_2174 : memref<12800xi32, #tpu.memory_space<hbm>>) target(%dma_start3A_2172 : memref<12800xi32, #tpu.memory_space<vmem>>) target_semaphore(%run_scoped3A_2166 : memref<!tpu.dma_semaphore, #tpu.memory_space<semaphore_mem>>)
        %dma_wait3A_2175 = arith.constant 0 : i32
        %dma_wait3A_2176 = tpu.memref_slice %arg6[%dma_wait3A_2175] : memref<20480xi32, #tpu.memory_space<vmem>> -> memref<12800xi32, #tpu.memory_space<vmem>>
        %dma_wait3A_2177 = tpu.memref_slice %arg3[%run_scoped3A, %mul3A_2051] : memref<2x320000xi32, #tpu.memory_space<hbm>> -> memref<1x12800xi32, #tpu.memory_space<hbm>>
        %dma_wait3A_2178 = tpu.memref_squeeze %dma_wait3A_2177 : memref<1x12800xi32, #tpu.memory_space<hbm>> -> memref<12800xi32, #tpu.memory_space<hbm>>
        %dma_wait3A_2179 = arith.constant 0 : i32
        %dma_wait3A_2180 = tpu.memref_slice %arg6[%dma_wait3A_2179] : memref<20480xi32, #tpu.memory_space<vmem>> -> memref<12800xi32, #tpu.memory_space<vmem>>
        %dma_wait3A_2181 = tpu.memref_slice %arg3[%run_scoped3A, %mul3A_2051] : memref<2x320000xi32, #tpu.memory_space<hbm>> -> memref<1x12800xi32, #tpu.memory_space<hbm>>
        %dma_wait3A_2182 = tpu.memref_squeeze %dma_wait3A_2181 : memref<1x12800xi32, #tpu.memory_space<hbm>> -> memref<12800xi32, #tpu.memory_space<hbm>>
        tpu.wait_dma2 semaphore(%run_scoped3A_2166 : memref<!tpu.dma_semaphore, #tpu.memory_space<semaphore_mem>>) src(%dma_wait3A_2182 : memref<12800xi32, #tpu.memory_space<hbm>>) dst(%dma_wait3A_2180 : memref<12800xi32, #tpu.memory_space<vmem>>)
        tpu.yield
      }) : () -> ()
      %run_scoped3A_2165 = arith.constant 1 : i32
      "tpu.region"() ({
        %run_scoped3A_2166 = tpu.sem_alloc : memref<!tpu.dma_semaphore, #tpu.memory_space<semaphore_mem>>
        %dma_start3A_2167 = arith.constant 0 : i32
        %dma_start3A_2168 = tpu.memref_slice %arg7[%dma_start3A_2167] : memref<20480xi32, #tpu.memory_space<vmem>> -> memref<12800xi32, #tpu.memory_space<vmem>>
        %dma_start3A_2169 = tpu.memref_slice %arg3[%run_scoped3A_2165, %mul3A_2051] : memref<2x320000xi32, #tpu.memory_space<hbm>> -> memref<1x12800xi32, #tpu.memory_space<hbm>>
        %dma_start3A_2170 = tpu.memref_squeeze %dma_start3A_2169 : memref<1x12800xi32, #tpu.memory_space<hbm>> -> memref<12800xi32, #tpu.memory_space<hbm>>
        %dma_start3A_2171 = arith.constant 0 : i32
        %dma_start3A_2172 = tpu.memref_slice %arg7[%dma_start3A_2171] : memref<20480xi32, #tpu.memory_space<vmem>> -> memref<12800xi32, #tpu.memory_space<vmem>>
        %dma_start3A_2173 = tpu.memref_slice %arg3[%run_scoped3A_2165, %mul3A_2051] : memref<2x320000xi32, #tpu.memory_space<hbm>> -> memref<1x12800xi32, #tpu.memory_space<hbm>>
        %dma_start3A_2174 = tpu.memref_squeeze %dma_start3A_2173 : memref<1x12800xi32, #tpu.memory_space<hbm>> -> memref<12800xi32, #tpu.memory_space<hbm>>
        tpu.enqueue_dma source(%dma_start3A_2174 : memref<12800xi32, #tpu.memory_space<hbm>>) target(%dma_start3A_2172 : memref<12800xi32, #tpu.memory_space<vmem>>) target_semaphore(%run_scoped3A_2166 : memref<!tpu.dma_semaphore, #tpu.memory_space<semaphore_mem>>)
        %dma_wait3A_2175 = arith.constant 0 : i32
        %dma_wait3A_2176 = tpu.memref_slice %arg7[%dma_wait3A_2175] : memref<20480xi32, #tpu.memory_space<vmem>> -> memref<12800xi32, #tpu.memory_space<vmem>>
        %dma_wait3A_2177 = tpu.memref_slice %arg3[%run_scoped3A_2165, %mul3A_2051] : memref<2x320000xi32, #tpu.memory_space<hbm>> -> memref<1x12800xi32, #tpu.memory_space<hbm>>
        %dma_wait3A_2178 = tpu.memref_squeeze %dma_wait3A_2177 : memref<1x12800xi32, #tpu.memory_space<hbm>> -> memref<12800xi32, #tpu.memory_space<hbm>>
        %dma_wait3A_2179 = arith.constant 0 : i32
        %dma_wait3A_2180 = tpu.memref_slice %arg7[%dma_wait3A_2179] : memref<20480xi32, #tpu.memory_space<vmem>> -> memref<12800xi32, #tpu.memory_space<vmem>>
        %dma_wait3A_2181 = tpu.memref_slice %arg3[%run_scoped3A_2165, %mul3A_2051] : memref<2x320000xi32, #tpu.memory_space<hbm>> -> memref<1x12800xi32, #tpu.memory_space<hbm>>
        %dma_wait3A_2182 = tpu.memref_squeeze %dma_wait3A_2181 : memref<1x12800xi32, #tpu.memory_space<hbm>> -> memref<12800xi32, #tpu.memory_space<hbm>>
        tpu.wait_dma2 semaphore(%run_scoped3A_2166 : memref<!tpu.dma_semaphore, #tpu.memory_space<semaphore_mem>>) src(%dma_wait3A_2182 : memref<12800xi32, #tpu.memory_space<hbm>>) dst(%dma_wait3A_2180 : memref<12800xi32, #tpu.memory_space<vmem>>)
        tpu.yield
      }) : () -> ()
    } else {
    }
    %eq3A_2058 = arith.constant 15 : i32
    %eq3A_2059 = arith.cmpi eq, %arg1, %eq3A_2058 : i32
    %jit3A = arith.constant 100 : i32
    %jit3A_2060 = arith.constant 160 : i32
    %select_n3A = arith.select %eq3A_2059, %jit3A, %jit3A_2060 : i32
    %dma_wait3A = arith.constant 0 : i32
    %dma_wait3A_2061 = tpu.memref_slice %arg12[%add3A_1925, %dma_wait3A] : memref<10240x64xbf16, #tpu.memory_space<vmem_shared>> -> memref<64x64xbf16, #tpu.memory_space<vmem_shared>>
    %dma_wait3A_2062 = arith.constant 0 : i32
    %dma_wait3A_2063 = tpu.memref_slice %arg12[%add3A_1925, %dma_wait3A_2062] : memref<10240x64xbf16, #tpu.memory_space<vmem_shared>> -> memref<64x64xbf16, #tpu.memory_space<vmem_shared>>
    tpu.wait_dma2 semaphore(%arg15 : memref<!tpu.dma_semaphore, #tpu.memory_space<semaphore_mem>>) src(%arg9 : memref<64x64xbf16, #tpu.memory_space<vmem>>) dst(%dma_wait3A_2063 : memref<64x64xbf16, #tpu.memory_space<vmem_shared>>)
    %dma_wait3A_2064 = arith.constant 0 : i32
    %dma_wait3A_2065 = tpu.memref_slice %arg13[%add3A_1930, %dma_wait3A_2064] : memref<10240x16xf32, #tpu.memory_space<vmem_shared>> -> memref<64x16xf32, #tpu.memory_space<vmem_shared>>
    %dma_wait3A_2066 = arith.constant 0 : i32
    %dma_wait3A_2067 = tpu.memref_slice %arg13[%add3A_1930, %dma_wait3A_2066] : memref<10240x16xf32, #tpu.memory_space<vmem_shared>> -> memref<64x16xf32, #tpu.memory_space<vmem_shared>>
    tpu.wait_dma2 semaphore(%arg15 : memref<!tpu.dma_semaphore, #tpu.memory_space<semaphore_mem>>) src(%arg10 : memref<64x16xf32, #tpu.memory_space<vmem>>) dst(%dma_wait3A_2067 : memref<64x16xf32, #tpu.memory_space<vmem_shared>>)
    %dma_wait3A_2068 = arith.constant 0 : i32
    %dma_wait3A_2069 = tpu.memref_slice %arg12[%add3A_1936, %dma_wait3A_2068] : memref<10240x64xbf16, #tpu.memory_space<vmem_shared>> -> memref<64x64xbf16, #tpu.memory_space<vmem_shared>>
    %dma_wait3A_2070 = arith.constant 0 : i32
    %dma_wait3A_2071 = tpu.memref_slice %arg12[%add3A_1936, %dma_wait3A_2070] : memref<10240x64xbf16, #tpu.memory_space<vmem_shared>> -> memref<64x64xbf16, #tpu.memory_space<vmem_shared>>
    tpu.wait_dma2 semaphore(%arg15 : memref<!tpu.dma_semaphore, #tpu.memory_space<semaphore_mem>>) src(%arg9 : memref<64x64xbf16, #tpu.memory_space<vmem>>) dst(%dma_wait3A_2071 : memref<64x64xbf16, #tpu.memory_space<vmem_shared>>)
    %dma_wait3A_2072 = arith.constant 0 : i32
    %dma_wait3A_2073 = tpu.memref_slice %arg13[%add3A_1942, %dma_wait3A_2072] : memref<10240x16xf32, #tpu.memory_space<vmem_shared>> -> memref<64x16xf32, #tpu.memory_space<vmem_shared>>
    %dma_wait3A_2074 = arith.constant 0 : i32
    %dma_wait3A_2075 = tpu.memref_slice %arg13[%add3A_1942, %dma_wait3A_2074] : memref<10240x16xf32, #tpu.memory_space<vmem_shared>> -> memref<64x16xf32, #tpu.memory_space<vmem_shared>>
    tpu.wait_dma2 semaphore(%arg15 : memref<!tpu.dma_semaphore, #tpu.memory_space<semaphore_mem>>) src(%arg10 : memref<64x16xf32, #tpu.memory_space<vmem>>) dst(%dma_wait3A_2075 : memref<64x16xf32, #tpu.memory_space<vmem_shared>>)
    %dma_wait3A_2076 = arith.constant 0 : i32
    %dma_wait3A_2077 = tpu.memref_slice %arg12[%add3A_1948, %dma_wait3A_2076] : memref<10240x64xbf16, #tpu.memory_space<vmem_shared>> -> memref<64x64xbf16, #tpu.memory_space<vmem_shared>>
    %dma_wait3A_2078 = arith.constant 0 : i32
    %dma_wait3A_2079 = tpu.memref_slice %arg12[%add3A_1948, %dma_wait3A_2078] : memref<10240x64xbf16, #tpu.memory_space<vmem_shared>> -> memref<64x64xbf16, #tpu.memory_space<vmem_shared>>
    tpu.wait_dma2 semaphore(%arg15 : memref<!tpu.dma_semaphore, #tpu.memory_space<semaphore_mem>>) src(%arg9 : memref<64x64xbf16, #tpu.memory_space<vmem>>) dst(%dma_wait3A_2079 : memref<64x64xbf16, #tpu.memory_space<vmem_shared>>)
    %dma_wait3A_2080 = arith.constant 0 : i32
    %dma_wait3A_2081 = tpu.memref_slice %arg13[%add3A_1954, %dma_wait3A_2080] : memref<10240x16xf32, #tpu.memory_space<vmem_shared>> -> memref<64x16xf32, #tpu.memory_space<vmem_shared>>
    %dma_wait3A_2082 = arith.constant 0 : i32
    %dma_wait3A_2083 = tpu.memref_slice %arg13[%add3A_1954, %dma_wait3A_2082] : memref<10240x16xf32, #tpu.memory_space<vmem_shared>> -> memref<64x16xf32, #tpu.memory_space<vmem_shared>>
    tpu.wait_dma2 semaphore(%arg15 : memref<!tpu.dma_semaphore, #tpu.memory_space<semaphore_mem>>) src(%arg10 : memref<64x16xf32, #tpu.memory_space<vmem>>) dst(%dma_wait3A_2083 : memref<64x16xf32, #tpu.memory_space<vmem_shared>>)
    %dma_wait3A_2084 = arith.constant 0 : i32
    %dma_wait3A_2085 = tpu.memref_slice %arg12[%add3A_1960, %dma_wait3A_2084] : memref<10240x64xbf16, #tpu.memory_space<vmem_shared>> -> memref<64x64xbf16, #tpu.memory_space<vmem_shared>>
    %dma_wait3A_2086 = arith.constant 0 : i32
    %dma_wait3A_2087 = tpu.memref_slice %arg12[%add3A_1960, %dma_wait3A_2086] : memref<10240x64xbf16, #tpu.memory_space<vmem_shared>> -> memref<64x64xbf16, #tpu.memory_space<vmem_shared>>
    tpu.wait_dma2 semaphore(%arg15 : memref<!tpu.dma_semaphore, #tpu.memory_space<semaphore_mem>>) src(%arg9 : memref<64x64xbf16, #tpu.memory_space<vmem>>) dst(%dma_wait3A_2087 : memref<64x64xbf16, #tpu.memory_space<vmem_shared>>)
    %dma_wait3A_2088 = arith.constant 0 : i32
    %dma_wait3A_2089 = tpu.memref_slice %arg13[%add3A_1966, %dma_wait3A_2088] : memref<10240x16xf32, #tpu.memory_space<vmem_shared>> -> memref<64x16xf32, #tpu.memory_space<vmem_shared>>
    %dma_wait3A_2090 = arith.constant 0 : i32
    %dma_wait3A_2091 = tpu.memref_slice %arg13[%add3A_1966, %dma_wait3A_2090] : memref<10240x16xf32, #tpu.memory_space<vmem_shared>> -> memref<64x16xf32, #tpu.memory_space<vmem_shared>>
    tpu.wait_dma2 semaphore(%arg15 : memref<!tpu.dma_semaphore, #tpu.memory_space<semaphore_mem>>) src(%arg10 : memref<64x16xf32, #tpu.memory_space<vmem>>) dst(%dma_wait3A_2091 : memref<64x16xf32, #tpu.memory_space<vmem_shared>>)
    %dma_wait3A_2092 = arith.constant 0 : i32
    %dma_wait3A_2093 = tpu.memref_slice %arg12[%add3A_1972, %dma_wait3A_2092] : memref<10240x64xbf16, #tpu.memory_space<vmem_shared>> -> memref<64x64xbf16, #tpu.memory_space<vmem_shared>>
    %dma_wait3A_2094 = arith.constant 0 : i32
    %dma_wait3A_2095 = tpu.memref_slice %arg12[%add3A_1972, %dma_wait3A_2094] : memref<10240x64xbf16, #tpu.memory_space<vmem_shared>> -> memref<64x64xbf16, #tpu.memory_space<vmem_shared>>
    tpu.wait_dma2 semaphore(%arg15 : memref<!tpu.dma_semaphore, #tpu.memory_space<semaphore_mem>>) src(%arg9 : memref<64x64xbf16, #tpu.memory_space<vmem>>) dst(%dma_wait3A_2095 : memref<64x64xbf16, #tpu.memory_space<vmem_shared>>)
    %dma_wait3A_2096 = arith.constant 0 : i32
    %dma_wait3A_2097 = tpu.memref_slice %arg13[%add3A_1978, %dma_wait3A_2096] : memref<10240x16xf32, #tpu.memory_space<vmem_shared>> -> memref<64x16xf32, #tpu.memory_space<vmem_shared>>
    %dma_wait3A_2098 = arith.constant 0 : i32
    %dma_wait3A_2099 = tpu.memref_slice %arg13[%add3A_1978, %dma_wait3A_2098] : memref<10240x16xf32, #tpu.memory_space<vmem_shared>> -> memref<64x16xf32, #tpu.memory_space<vmem_shared>>
    tpu.wait_dma2 semaphore(%arg15 : memref<!tpu.dma_semaphore, #tpu.memory_space<semaphore_mem>>) src(%arg10 : memref<64x16xf32, #tpu.memory_space<vmem>>) dst(%dma_wait3A_2099 : memref<64x16xf32, #tpu.memory_space<vmem_shared>>)
    %dma_wait3A_2100 = arith.constant 0 : i32
    %dma_wait3A_2101 = tpu.memref_slice %arg12[%add3A_1984, %dma_wait3A_2100] : memref<10240x64xbf16, #tpu.memory_space<vmem_shared>> -> memref<64x64xbf16, #tpu.memory_space<vmem_shared>>
    %dma_wait3A_2102 = arith.constant 0 : i32
    %dma_wait3A_2103 = tpu.memref_slice %arg12[%add3A_1984, %dma_wait3A_2102] : memref<10240x64xbf16, #tpu.memory_space<vmem_shared>> -> memref<64x64xbf16, #tpu.memory_space<vmem_shared>>
    tpu.wait_dma2 semaphore(%arg15 : memref<!tpu.dma_semaphore, #tpu.memory_space<semaphore_mem>>) src(%arg9 : memref<64x64xbf16, #tpu.memory_space<vmem>>) dst(%dma_wait3A_2103 : memref<64x64xbf16, #tpu.memory_space<vmem_shared>>)
    %dma_wait3A_2104 = arith.constant 0 : i32
    %dma_wait3A_2105 = tpu.memref_slice %arg13[%add3A_1990, %dma_wait3A_2104] : memref<10240x16xf32, #tpu.memory_space<vmem_shared>> -> memref<64x16xf32, #tpu.memory_space<vmem_shared>>
    %dma_wait3A_2106 = arith.constant 0 : i32
    %dma_wait3A_2107 = tpu.memref_slice %arg13[%add3A_1990, %dma_wait3A_2106] : memref<10240x16xf32, #tpu.memory_space<vmem_shared>> -> memref<64x16xf32, #tpu.memory_space<vmem_shared>>
    tpu.wait_dma2 semaphore(%arg15 : memref<!tpu.dma_semaphore, #tpu.memory_space<semaphore_mem>>) src(%arg10 : memref<64x16xf32, #tpu.memory_space<vmem>>) dst(%dma_wait3A_2107 : memref<64x16xf32, #tpu.memory_space<vmem_shared>>)
    %dma_wait3A_2108 = arith.constant 0 : i32
    %dma_wait3A_2109 = tpu.memref_slice %arg12[%add3A_1996, %dma_wait3A_2108] : memref<10240x64xbf16, #tpu.memory_space<vmem_shared>> -> memref<64x64xbf16, #tpu.memory_space<vmem_shared>>
    %dma_wait3A_2110 = arith.constant 0 : i32
    %dma_wait3A_2111 = tpu.memref_slice %arg12[%add3A_1996, %dma_wait3A_2110] : memref<10240x64xbf16, #tpu.memory_space<vmem_shared>> -> memref<64x64xbf16, #tpu.memory_space<vmem_shared>>
    tpu.wait_dma2 semaphore(%arg15 : memref<!tpu.dma_semaphore, #tpu.memory_space<semaphore_mem>>) src(%arg9 : memref<64x64xbf16, #tpu.memory_space<vmem>>) dst(%dma_wait3A_2111 : memref<64x64xbf16, #tpu.memory_space<vmem_shared>>)
    %dma_wait3A_2112 = arith.constant 0 : i32
    %dma_wait3A_2113 = tpu.memref_slice %arg13[%add3A_2002, %dma_wait3A_2112] : memref<10240x16xf32, #tpu.memory_space<vmem_shared>> -> memref<64x16xf32, #tpu.memory_space<vmem_shared>>
    %dma_wait3A_2114 = arith.constant 0 : i32
    %dma_wait3A_2115 = tpu.memref_slice %arg13[%add3A_2002, %dma_wait3A_2114] : memref<10240x16xf32, #tpu.memory_space<vmem_shared>> -> memref<64x16xf32, #tpu.memory_space<vmem_shared>>
    tpu.wait_dma2 semaphore(%arg15 : memref<!tpu.dma_semaphore, #tpu.memory_space<semaphore_mem>>) src(%arg10 : memref<64x16xf32, #tpu.memory_space<vmem>>) dst(%dma_wait3A_2115 : memref<64x16xf32, #tpu.memory_space<vmem_shared>>)
    %dma_wait3A_2116 = arith.constant 0 : i32
    %dma_wait3A_2117 = tpu.memref_slice %arg12[%add3A_2008, %dma_wait3A_2116] : memref<10240x64xbf16, #tpu.memory_space<vmem_shared>> -> memref<64x64xbf16, #tpu.memory_space<vmem_shared>>
    %dma_wait3A_2118 = arith.constant 0 : i32
    %dma_wait3A_2119 = tpu.memref_slice %arg12[%add3A_2008, %dma_wait3A_2118] : memref<10240x64xbf16, #tpu.memory_space<vmem_shared>> -> memref<64x64xbf16, #tpu.memory_space<vmem_shared>>
    tpu.wait_dma2 semaphore(%arg15 : memref<!tpu.dma_semaphore, #tpu.memory_space<semaphore_mem>>) src(%arg9 : memref<64x64xbf16, #tpu.memory_space<vmem>>) dst(%dma_wait3A_2119 : memref<64x64xbf16, #tpu.memory_space<vmem_shared>>)
    %dma_wait3A_2120 = arith.constant 0 : i32
    %dma_wait3A_2121 = tpu.memref_slice %arg13[%add3A_2014, %dma_wait3A_2120] : memref<10240x16xf32, #tpu.memory_space<vmem_shared>> -> memref<64x16xf32, #tpu.memory_space<vmem_shared>>
    %dma_wait3A_2122 = arith.constant 0 : i32
    %dma_wait3A_2123 = tpu.memref_slice %arg13[%add3A_2014, %dma_wait3A_2122] : memref<10240x16xf32, #tpu.memory_space<vmem_shared>> -> memref<64x16xf32, #tpu.memory_space<vmem_shared>>
    tpu.wait_dma2 semaphore(%arg15 : memref<!tpu.dma_semaphore, #tpu.memory_space<semaphore_mem>>) src(%arg10 : memref<64x16xf32, #tpu.memory_space<vmem>>) dst(%dma_wait3A_2123 : memref<64x16xf32, #tpu.memory_space<vmem_shared>>)
    %dma_wait3A_2124 = arith.constant 0 : i32
    %dma_wait3A_2125 = tpu.memref_slice %arg12[%add3A_2020, %dma_wait3A_2124] : memref<10240x64xbf16, #tpu.memory_space<vmem_shared>> -> memref<64x64xbf16, #tpu.memory_space<vmem_shared>>
    %dma_wait3A_2126 = arith.constant 0 : i32
    %dma_wait3A_2127 = tpu.memref_slice %arg12[%add3A_2020, %dma_wait3A_2126] : memref<10240x64xbf16, #tpu.memory_space<vmem_shared>> -> memref<64x64xbf16, #tpu.memory_space<vmem_shared>>
    tpu.wait_dma2 semaphore(%arg15 : memref<!tpu.dma_semaphore, #tpu.memory_space<semaphore_mem>>) src(%arg9 : memref<64x64xbf16, #tpu.memory_space<vmem>>) dst(%dma_wait3A_2127 : memref<64x64xbf16, #tpu.memory_space<vmem_shared>>)
    %dma_wait3A_2128 = arith.constant 0 : i32
    %dma_wait3A_2129 = tpu.memref_slice %arg13[%add3A_2026, %dma_wait3A_2128] : memref<10240x16xf32, #tpu.memory_space<vmem_shared>> -> memref<64x16xf32, #tpu.memory_space<vmem_shared>>
    %dma_wait3A_2130 = arith.constant 0 : i32
    %dma_wait3A_2131 = tpu.memref_slice %arg13[%add3A_2026, %dma_wait3A_2130] : memref<10240x16xf32, #tpu.memory_space<vmem_shared>> -> memref<64x16xf32, #tpu.memory_space<vmem_shared>>
    tpu.wait_dma2 semaphore(%arg15 : memref<!tpu.dma_semaphore, #tpu.memory_space<semaphore_mem>>) src(%arg10 : memref<64x16xf32, #tpu.memory_space<vmem>>) dst(%dma_wait3A_2131 : memref<64x16xf32, #tpu.memory_space<vmem_shared>>)
    %dma_wait3A_2132 = arith.constant 0 : i32
    %dma_wait3A_2133 = tpu.memref_slice %arg12[%add3A_2032, %dma_wait3A_2132] : memref<10240x64xbf16, #tpu.memory_space<vmem_shared>> -> memref<64x64xbf16, #tpu.memory_space<vmem_shared>>
    %dma_wait3A_2134 = arith.constant 0 : i32
    %dma_wait3A_2135 = tpu.memref_slice %arg12[%add3A_2032, %dma_wait3A_2134] : memref<10240x64xbf16, #tpu.memory_space<vmem_shared>> -> memref<64x64xbf16, #tpu.memory_space<vmem_shared>>
    tpu.wait_dma2 semaphore(%arg15 : memref<!tpu.dma_semaphore, #tpu.memory_space<semaphore_mem>>) src(%arg9 : memref<64x64xbf16, #tpu.memory_space<vmem>>) dst(%dma_wait3A_2135 : memref<64x64xbf16, #tpu.memory_space<vmem_shared>>)
    %dma_wait3A_2136 = arith.constant 0 : i32
    %dma_wait3A_2137 = tpu.memref_slice %arg13[%add3A_2038, %dma_wait3A_2136] : memref<10240x16xf32, #tpu.memory_space<vmem_shared>> -> memref<64x16xf32, #tpu.memory_space<vmem_shared>>
    %dma_wait3A_2138 = arith.constant 0 : i32
    %dma_wait3A_2139 = tpu.memref_slice %arg13[%add3A_2038, %dma_wait3A_2138] : memref<10240x16xf32, #tpu.memory_space<vmem_shared>> -> memref<64x16xf32, #tpu.memory_space<vmem_shared>>
    tpu.wait_dma2 semaphore(%arg15 : memref<!tpu.dma_semaphore, #tpu.memory_space<semaphore_mem>>) src(%arg10 : memref<64x16xf32, #tpu.memory_space<vmem>>) dst(%dma_wait3A_2139 : memref<64x16xf32, #tpu.memory_space<vmem_shared>>)
    %dma_wait3A_2140 = arith.constant 0 : i32
    %dma_wait3A_2141 = tpu.memref_slice %arg14[%mul3A_2044, %dma_wait3A_2140] : memref<10000x64xbf16, #tpu.memory_space<vmem_shared>> -> memref<625x64xbf16, #tpu.memory_space<vmem_shared>>
    %dma_wait3A_2142 = arith.constant 0 : i32
    %dma_wait3A_2143 = tpu.memref_slice %arg2[%arg0, %mul3A_2044, %dma_wait3A_2142] : memref<2x10000x64xbf16, #tpu.memory_space<hbm>> -> memref<1x625x64xbf16, #tpu.memory_space<hbm>>
    %dma_wait3A_2144 = tpu.memref_squeeze %dma_wait3A_2143 : memref<1x625x64xbf16, #tpu.memory_space<hbm>> -> memref<625x64xbf16, #tpu.memory_space<hbm>>
    tpu.wait_dma2 semaphore(%arg15 : memref<!tpu.dma_semaphore, #tpu.memory_space<semaphore_mem>>) src(%dma_wait3A_2144 : memref<625x64xbf16, #tpu.memory_space<hbm>>) dst(%dma_wait3A_2141 : memref<625x64xbf16, #tpu.memory_space<vmem_shared>>)
    %barrier3A = arith.constant 0 : index
    tpu.barrier barrier_id(%barrier3A)
    %scan3A = arith.constant 0 : i32
    %scan3A_2145 = arith.constant 0 : i32
    %scan3A_2146 = arith.constant 8 : i32
    %scan3A_2147 = arith.addi %scan3A_2145, %scan3A_2146 : i32
    %scan3A_2148 = arith.constant 1 : i32
    scf.for %scan3A_2165 = %scan3A_2145 to %scan3A_2147 step %scan3A_2148  : i32 {
      %mul3A_2166 = arith.constant 128 : i32
      %mul3A_2167 = arith.muli %scan3A_2165, %mul3A_2166 : i32
      %dma_start3A_2168 = arith.constant 0 : i32
      %dma_start3A_2169 = arith.constant 0 : i32
      %dma_start3A_2170 = tpu.memref_slice %arg8[%scan3A_2165, %dma_start3A_2168, %dma_start3A_2169] : memref<8x128x64xbf16, #tpu.memory_space<vmem>> -> memref<1x128x64xbf16, #tpu.memory_space<vmem>>
      %dma_start3A_2171 = tpu.memref_squeeze %dma_start3A_2170 : memref<1x128x64xbf16, #tpu.memory_space<vmem>> -> memref<128x64xbf16, #tpu.memory_space<vmem>>
      %dma_start3A_2172 = tpu.memref_slice %arg6[%mul3A_2167] : memref<20480xi32, #tpu.memory_space<vmem>> -> memref<128xi32, #tpu.memory_space<vmem>>
      %dma_start3A_2173 = arith.constant 0 : i32
      %dma_start3A_2174 = arith.constant 0 : i32
      %dma_start3A_2175 = tpu.memref_slice %arg14[%dma_start3A_2173, %dma_start3A_2174] : memref<10000x64xbf16, #tpu.memory_space<vmem_shared>> -> memref<10000x64xbf16, #tpu.memory_space<vmem_shared>>
      tpu.enqueue_indirect_dma source(%dma_start3A_2175 : memref<10000x64xbf16, #tpu.memory_space<vmem_shared>>) target(%dma_start3A_2171 : memref<128x64xbf16, #tpu.memory_space<vmem>>) offsets(%dma_start3A_2172 : memref<128xi32, #tpu.memory_space<vmem>>) semaphore(%arg15 : memref<!tpu.dma_semaphore, #tpu.memory_space<semaphore_mem>>)
    }
    %scan3A_2149 = arith.constant 8 : i32
    %while3A = arith.constant 0 : i32
    %while3A_2150 = arith.constant 0 : i32
    %while3A_2151 = arith.subi %select_n3A, %while3A_2150 : i32
    %while3A_2152 = arith.addi %while3A_2150, %while3A_2151 : i32
    %while3A_2153 = arith.constant 1 : i32
    %while3A_2154 = arith.divsi %while3A_2151, %while3A_2153 : i32
    %while3A_2155 = arith.muli %while3A_2154, %while3A_2153 : i32
    %while3A_2156 = arith.addi %while3A_2150, %while3A_2155 : i32
    %while3A_2157 = arith.constant 1 : i32
    scf.for %while3A_2165 = %while3A_2150 to %while3A_2156 step %while3A_2157  : i32 {
      %rem3A = arith.constant 8 : i32
      %rem3A_2166 = arith.remsi %while3A_2165, %rem3A : i32
      %mul3A_2167 = arith.constant 128 : i32
      %mul3A_2168 = arith.muli %while3A_2165, %mul3A_2167 : i32
      %dma_wait3A_2169 = arith.constant 0 : i32
      %dma_wait3A_2170 = arith.constant 0 : i32
      %dma_wait3A_2171 = tpu.memref_slice %arg8[%rem3A_2166, %dma_wait3A_2169, %dma_wait3A_2170] : memref<8x128x64xbf16, #tpu.memory_space<vmem>> -> memref<1x128x64xbf16, #tpu.memory_space<vmem>>
      %dma_wait3A_2172 = tpu.memref_squeeze %dma_wait3A_2171 : memref<1x128x64xbf16, #tpu.memory_space<vmem>> -> memref<128x64xbf16, #tpu.memory_space<vmem>>
      %dma_wait3A_2173 = tpu.memref_slice %arg6[%mul3A_2168] : memref<20480xi32, #tpu.memory_space<vmem>> -> memref<128xi32, #tpu.memory_space<vmem>>
      %dma_wait3A_2174 = arith.constant 0 : i32
      %dma_wait3A_2175 = arith.constant 0 : i32
      %dma_wait3A_2176 = tpu.memref_slice %arg14[%dma_wait3A_2174, %dma_wait3A_2175] : memref<10000x64xbf16, #tpu.memory_space<vmem_shared>> -> memref<10000x64xbf16, #tpu.memory_space<vmem_shared>>
      tpu.wait_indirect_dma semaphore(%arg15 : memref<!tpu.dma_semaphore, #tpu.memory_space<semaphore_mem>>) src(%dma_wait3A_2176 : memref<10000x64xbf16, #tpu.memory_space<vmem_shared>>) dst(%dma_wait3A_2172 : memref<128x64xbf16, #tpu.memory_space<vmem>>)
      %mul3A_2177 = arith.constant 128 : i32
      %mul3A_2178 = arith.muli %while3A_2165, %mul3A_2177 : i32
      %dma_start3A_2179 = arith.constant 0 : i32
      %dma_start3A_2180 = arith.constant 0 : i32
      %dma_start3A_2181 = tpu.memref_slice %arg8[%rem3A_2166, %dma_start3A_2179, %dma_start3A_2180] : memref<8x128x64xbf16, #tpu.memory_space<vmem>> -> memref<1x128x64xbf16, #tpu.memory_space<vmem>>
      %dma_start3A_2182 = tpu.memref_squeeze %dma_start3A_2181 : memref<1x128x64xbf16, #tpu.memory_space<vmem>> -> memref<128x64xbf16, #tpu.memory_space<vmem>>
      %dma_start3A_2183 = tpu.memref_slice %arg7[%mul3A_2178] : memref<20480xi32, #tpu.memory_space<vmem>> -> memref<128xi32, #tpu.memory_space<vmem>>
      %dma_start3A_2184 = arith.constant 0 : i32
      %dma_start3A_2185 = arith.constant 0 : i32
      %dma_start3A_2186 = tpu.memref_slice %arg12[%dma_start3A_2184, %dma_start3A_2185] : memref<10240x64xbf16, #tpu.memory_space<vmem_shared>> -> memref<10240x64xbf16, #tpu.memory_space<vmem_shared>>
      tpu.enqueue_indirect_dma source(%dma_start3A_2182 : memref<128x64xbf16, #tpu.memory_space<vmem>>) target(%dma_start3A_2186 : memref<10240x64xbf16, #tpu.memory_space<vmem_shared>>) offsets(%dma_start3A_2183 : memref<128xi32, #tpu.memory_space<vmem>>) semaphore(%arg16 : memref<!tpu.dma_semaphore, #tpu.memory_space<semaphore_mem>>) {add = true}
      %eq3A_2187 = arith.constant 0 : i32
      %eq3A_2188 = arith.cmpi eq, %arg0, %eq3A_2187 : i32
      %convert_element_type3A_2189 = arith.extui %eq3A_2188 : i1 to i32
      %cond3A_2190 = arith.constant 0 : i32
      %cond3A_2191 = arith.cmpi ne, %convert_element_type3A_2189, %cond3A_2190 : i32
      scf.if %cond3A_2191 {
        %mul3A_2213 = arith.constant 128 : i32
        %mul3A_2214 = arith.muli %while3A_2165, %mul3A_2213 : i32
        %dma_start3A_2215 = tpu.memref_slice %arg7[%mul3A_2214] : memref<20480xi32, #tpu.memory_space<vmem>> -> memref<128xi32, #tpu.memory_space<vmem>>
        %dma_start3A_2216 = arith.constant 0 : i32
        %dma_start3A_2217 = arith.constant 0 : i32
        %dma_start3A_2218 = tpu.memref_slice %arg13[%dma_start3A_2216, %dma_start3A_2217] : memref<10240x16xf32, #tpu.memory_space<vmem_shared>> -> memref<10240x16xf32, #tpu.memory_space<vmem_shared>>
        tpu.enqueue_indirect_dma source(%arg11 : memref<128x16xf32, #tpu.memory_space<vmem>>) target(%dma_start3A_2218 : memref<10240x16xf32, #tpu.memory_space<vmem_shared>>) offsets(%dma_start3A_2215 : memref<128xi32, #tpu.memory_space<vmem>>) semaphore(%arg16 : memref<!tpu.dma_semaphore, #tpu.memory_space<semaphore_mem>>) {add = true}
      } else {
      }
      %mul3A_2192 = arith.constant 128 : i32
      %mul3A_2193 = arith.muli %while3A_2165, %mul3A_2192 : i32
      %dma_wait3A_2194 = arith.constant 0 : i32
      %dma_wait3A_2195 = arith.constant 0 : i32
      %dma_wait3A_2196 = tpu.memref_slice %arg8[%rem3A_2166, %dma_wait3A_2194, %dma_wait3A_2195] : memref<8x128x64xbf16, #tpu.memory_space<vmem>> -> memref<1x128x64xbf16, #tpu.memory_space<vmem>>
      %dma_wait3A_2197 = tpu.memref_squeeze %dma_wait3A_2196 : memref<1x128x64xbf16, #tpu.memory_space<vmem>> -> memref<128x64xbf16, #tpu.memory_space<vmem>>
      %dma_wait3A_2198 = tpu.memref_slice %arg7[%mul3A_2193] : memref<20480xi32, #tpu.memory_space<vmem>> -> memref<128xi32, #tpu.memory_space<vmem>>
      %dma_wait3A_2199 = arith.constant 0 : i32
      %dma_wait3A_2200 = arith.constant 0 : i32
      %dma_wait3A_2201 = tpu.memref_slice %arg12[%dma_wait3A_2199, %dma_wait3A_2200] : memref<10240x64xbf16, #tpu.memory_space<vmem_shared>> -> memref<10240x64xbf16, #tpu.memory_space<vmem_shared>>
      tpu.wait_indirect_dma semaphore(%arg16 : memref<!tpu.dma_semaphore, #tpu.memory_space<semaphore_mem>>) src(%dma_wait3A_2197 : memref<128x64xbf16, #tpu.memory_space<vmem>>) dst(%dma_wait3A_2201 : memref<10240x64xbf16, #tpu.memory_space<vmem_shared>>)
      %eq3A_2202 = arith.constant 0 : i32
      %eq3A_2203 = arith.cmpi eq, %arg0, %eq3A_2202 : i32
      %convert_element_type3A_2204 = arith.extui %eq3A_2203 : i1 to i32
      %cond3A_2205 = arith.constant 0 : i32
      %cond3A_2206 = arith.cmpi ne, %convert_element_type3A_2204, %cond3A_2205 : i32
      scf.if %cond3A_2206 {
        %mul3A_2213 = arith.constant 128 : i32
        %mul3A_2214 = arith.muli %while3A_2165, %mul3A_2213 : i32
        %dma_wait3A_2215 = tpu.memref_slice %arg7[%mul3A_2214] : memref<20480xi32, #tpu.memory_space<vmem>> -> memref<128xi32, #tpu.memory_space<vmem>>
        %dma_wait3A_2216 = arith.constant 0 : i32
        %dma_wait3A_2217 = arith.constant 0 : i32
        %dma_wait3A_2218 = tpu.memref_slice %arg13[%dma_wait3A_2216, %dma_wait3A_2217] : memref<10240x16xf32, #tpu.memory_space<vmem_shared>> -> memref<10240x16xf32, #tpu.memory_space<vmem_shared>>
        tpu.wait_indirect_dma semaphore(%arg16 : memref<!tpu.dma_semaphore, #tpu.memory_space<semaphore_mem>>) src(%arg11 : memref<128x16xf32, #tpu.memory_space<vmem>>) dst(%dma_wait3A_2218 : memref<10240x16xf32, #tpu.memory_space<vmem_shared>>)
      } else {
      }
      %add3A_2207 = arith.constant 8 : i32
      %add3A_2208 = arith.addi %while3A_2165, %add3A_2207 : i32
      %lt3A_2209 = arith.cmpi slt, %add3A_2208, %select_n3A : i32
      %convert_element_type3A_2210 = arith.extui %lt3A_2209 : i1 to i32
      %cond3A_2211 = arith.constant 0 : i32
      %cond3A_2212 = arith.cmpi ne, %convert_element_type3A_2210, %cond3A_2211 : i32
      scf.if %cond3A_2212 {
        %mul3A_2213 = arith.constant 128 : i32
        %mul3A_2214 = arith.muli %add3A_2208, %mul3A_2213 : i32
        %dma_start3A_2215 = arith.constant 0 : i32
        %dma_start3A_2216 = arith.constant 0 : i32
        %dma_start3A_2217 = tpu.memref_slice %arg8[%rem3A_2166, %dma_start3A_2215, %dma_start3A_2216] : memref<8x128x64xbf16, #tpu.memory_space<vmem>> -> memref<1x128x64xbf16, #tpu.memory_space<vmem>>
        %dma_start3A_2218 = tpu.memref_squeeze %dma_start3A_2217 : memref<1x128x64xbf16, #tpu.memory_space<vmem>> -> memref<128x64xbf16, #tpu.memory_space<vmem>>
        %dma_start3A_2219 = tpu.memref_slice %arg6[%mul3A_2214] : memref<20480xi32, #tpu.memory_space<vmem>> -> memref<128xi32, #tpu.memory_space<vmem>>
        %dma_start3A_2220 = arith.constant 0 : i32
        %dma_start3A_2221 = arith.constant 0 : i32
        %dma_start3A_2222 = tpu.memref_slice %arg14[%dma_start3A_2220, %dma_start3A_2221] : memref<10000x64xbf16, #tpu.memory_space<vmem_shared>> -> memref<10000x64xbf16, #tpu.memory_space<vmem_shared>>
        tpu.enqueue_indirect_dma source(%dma_start3A_2222 : memref<10000x64xbf16, #tpu.memory_space<vmem_shared>>) target(%dma_start3A_2218 : memref<128x64xbf16, #tpu.memory_space<vmem>>) offsets(%dma_start3A_2219 : memref<128xi32, #tpu.memory_space<vmem>>) semaphore(%arg15 : memref<!tpu.dma_semaphore, #tpu.memory_space<semaphore_mem>>)
      } else {
      }
    }
    %while3A_2158 = arith.constant 1 : i32
    scf.for %while3A_2165 = %while3A_2156 to %while3A_2152 step %while3A_2158  : i32 {
      %rem3A = arith.constant 8 : i32
      %rem3A_2166 = arith.remsi %while3A_2165, %rem3A : i32
      %mul3A_2167 = arith.constant 128 : i32
      %mul3A_2168 = arith.muli %while3A_2165, %mul3A_2167 : i32
      %dma_wait3A_2169 = arith.constant 0 : i32
      %dma_wait3A_2170 = arith.constant 0 : i32
      %dma_wait3A_2171 = tpu.memref_slice %arg8[%rem3A_2166, %dma_wait3A_2169, %dma_wait3A_2170] : memref<8x128x64xbf16, #tpu.memory_space<vmem>> -> memref<1x128x64xbf16, #tpu.memory_space<vmem>>
      %dma_wait3A_2172 = tpu.memref_squeeze %dma_wait3A_2171 : memref<1x128x64xbf16, #tpu.memory_space<vmem>> -> memref<128x64xbf16, #tpu.memory_space<vmem>>
      %dma_wait3A_2173 = tpu.memref_slice %arg6[%mul3A_2168] : memref<20480xi32, #tpu.memory_space<vmem>> -> memref<128xi32, #tpu.memory_space<vmem>>
      %dma_wait3A_2174 = arith.constant 0 : i32
      %dma_wait3A_2175 = arith.constant 0 : i32
      %dma_wait3A_2176 = tpu.memref_slice %arg14[%dma_wait3A_2174, %dma_wait3A_2175] : memref<10000x64xbf16, #tpu.memory_space<vmem_shared>> -> memref<10000x64xbf16, #tpu.memory_space<vmem_shared>>
      tpu.wait_indirect_dma semaphore(%arg15 : memref<!tpu.dma_semaphore, #tpu.memory_space<semaphore_mem>>) src(%dma_wait3A_2176 : memref<10000x64xbf16, #tpu.memory_space<vmem_shared>>) dst(%dma_wait3A_2172 : memref<128x64xbf16, #tpu.memory_space<vmem>>)
      %mul3A_2177 = arith.constant 128 : i32
      %mul3A_2178 = arith.muli %while3A_2165, %mul3A_2177 : i32
      %dma_start3A_2179 = arith.constant 0 : i32
      %dma_start3A_2180 = arith.constant 0 : i32
      %dma_start3A_2181 = tpu.memref_slice %arg8[%rem3A_2166, %dma_start3A_2179, %dma_start3A_2180] : memref<8x128x64xbf16, #tpu.memory_space<vmem>> -> memref<1x128x64xbf16, #tpu.memory_space<vmem>>
      %dma_start3A_2182 = tpu.memref_squeeze %dma_start3A_2181 : memref<1x128x64xbf16, #tpu.memory_space<vmem>> -> memref<128x64xbf16, #tpu.memory_space<vmem>>
      %dma_start3A_2183 = tpu.memref_slice %arg7[%mul3A_2178] : memref<20480xi32, #tpu.memory_space<vmem>> -> memref<128xi32, #tpu.memory_space<vmem>>
      %dma_start3A_2184 = arith.constant 0 : i32
      %dma_start3A_2185 = arith.constant 0 : i32
      %dma_start3A_2186 = tpu.memref_slice %arg12[%dma_start3A_2184, %dma_start3A_2185] : memref<10240x64xbf16, #tpu.memory_space<vmem_shared>> -> memref<10240x64xbf16, #tpu.memory_space<vmem_shared>>
      tpu.enqueue_indirect_dma source(%dma_start3A_2182 : memref<128x64xbf16, #tpu.memory_space<vmem>>) target(%dma_start3A_2186 : memref<10240x64xbf16, #tpu.memory_space<vmem_shared>>) offsets(%dma_start3A_2183 : memref<128xi32, #tpu.memory_space<vmem>>) semaphore(%arg16 : memref<!tpu.dma_semaphore, #tpu.memory_space<semaphore_mem>>) {add = true}
      %eq3A_2187 = arith.constant 0 : i32
      %eq3A_2188 = arith.cmpi eq, %arg0, %eq3A_2187 : i32
      %convert_element_type3A_2189 = arith.extui %eq3A_2188 : i1 to i32
      %cond3A_2190 = arith.constant 0 : i32
      %cond3A_2191 = arith.cmpi ne, %convert_element_type3A_2189, %cond3A_2190 : i32
      scf.if %cond3A_2191 {
        %mul3A_2213 = arith.constant 128 : i32
        %mul3A_2214 = arith.muli %while3A_2165, %mul3A_2213 : i32
        %dma_start3A_2215 = tpu.memref_slice %arg7[%mul3A_2214] : memref<20480xi32, #tpu.memory_space<vmem>> -> memref<128xi32, #tpu.memory_space<vmem>>
        %dma_start3A_2216 = arith.constant 0 : i32
        %dma_start3A_2217 = arith.constant 0 : i32
        %dma_start3A_2218 = tpu.memref_slice %arg13[%dma_start3A_2216, %dma_start3A_2217] : memref<10240x16xf32, #tpu.memory_space<vmem_shared>> -> memref<10240x16xf32, #tpu.memory_space<vmem_shared>>
        tpu.enqueue_indirect_dma source(%arg11 : memref<128x16xf32, #tpu.memory_space<vmem>>) target(%dma_start3A_2218 : memref<10240x16xf32, #tpu.memory_space<vmem_shared>>) offsets(%dma_start3A_2215 : memref<128xi32, #tpu.memory_space<vmem>>) semaphore(%arg16 : memref<!tpu.dma_semaphore, #tpu.memory_space<semaphore_mem>>) {add = true}
      } else {
      }
      %mul3A_2192 = arith.constant 128 : i32
      %mul3A_2193 = arith.muli %while3A_2165, %mul3A_2192 : i32
      %dma_wait3A_2194 = arith.constant 0 : i32
      %dma_wait3A_2195 = arith.constant 0 : i32
      %dma_wait3A_2196 = tpu.memref_slice %arg8[%rem3A_2166, %dma_wait3A_2194, %dma_wait3A_2195] : memref<8x128x64xbf16, #tpu.memory_space<vmem>> -> memref<1x128x64xbf16, #tpu.memory_space<vmem>>
      %dma_wait3A_2197 = tpu.memref_squeeze %dma_wait3A_2196 : memref<1x128x64xbf16, #tpu.memory_space<vmem>> -> memref<128x64xbf16, #tpu.memory_space<vmem>>
      %dma_wait3A_2198 = tpu.memref_slice %arg7[%mul3A_2193] : memref<20480xi32, #tpu.memory_space<vmem>> -> memref<128xi32, #tpu.memory_space<vmem>>
      %dma_wait3A_2199 = arith.constant 0 : i32
      %dma_wait3A_2200 = arith.constant 0 : i32
      %dma_wait3A_2201 = tpu.memref_slice %arg12[%dma_wait3A_2199, %dma_wait3A_2200] : memref<10240x64xbf16, #tpu.memory_space<vmem_shared>> -> memref<10240x64xbf16, #tpu.memory_space<vmem_shared>>
      tpu.wait_indirect_dma semaphore(%arg16 : memref<!tpu.dma_semaphore, #tpu.memory_space<semaphore_mem>>) src(%dma_wait3A_2197 : memref<128x64xbf16, #tpu.memory_space<vmem>>) dst(%dma_wait3A_2201 : memref<10240x64xbf16, #tpu.memory_space<vmem_shared>>)
      %eq3A_2202 = arith.constant 0 : i32
      %eq3A_2203 = arith.cmpi eq, %arg0, %eq3A_2202 : i32
      %convert_element_type3A_2204 = arith.extui %eq3A_2203 : i1 to i32
      %cond3A_2205 = arith.constant 0 : i32
      %cond3A_2206 = arith.cmpi ne, %convert_element_type3A_2204, %cond3A_2205 : i32
      scf.if %cond3A_2206 {
        %mul3A_2213 = arith.constant 128 : i32
        %mul3A_2214 = arith.muli %while3A_2165, %mul3A_2213 : i32
        %dma_wait3A_2215 = tpu.memref_slice %arg7[%mul3A_2214] : memref<20480xi32, #tpu.memory_space<vmem>> -> memref<128xi32, #tpu.memory_space<vmem>>
        %dma_wait3A_2216 = arith.constant 0 : i32
        %dma_wait3A_2217 = arith.constant 0 : i32
        %dma_wait3A_2218 = tpu.memref_slice %arg13[%dma_wait3A_2216, %dma_wait3A_2217] : memref<10240x16xf32, #tpu.memory_space<vmem_shared>> -> memref<10240x16xf32, #tpu.memory_space<vmem_shared>>
        tpu.wait_indirect_dma semaphore(%arg16 : memref<!tpu.dma_semaphore, #tpu.memory_space<semaphore_mem>>) src(%arg11 : memref<128x16xf32, #tpu.memory_space<vmem>>) dst(%dma_wait3A_2218 : memref<10240x16xf32, #tpu.memory_space<vmem_shared>>)
      } else {
      }
      %add3A_2207 = arith.constant 8 : i32
      %add3A_2208 = arith.addi %while3A_2165, %add3A_2207 : i32
      %lt3A_2209 = arith.cmpi slt, %add3A_2208, %select_n3A : i32
      %convert_element_type3A_2210 = arith.extui %lt3A_2209 : i1 to i32
      %cond3A_2211 = arith.constant 0 : i32
      %cond3A_2212 = arith.cmpi ne, %convert_element_type3A_2210, %cond3A_2211 : i32
      scf.if %cond3A_2212 {
        %mul3A_2213 = arith.constant 128 : i32
        %mul3A_2214 = arith.muli %add3A_2208, %mul3A_2213 : i32
        %dma_start3A_2215 = arith.constant 0 : i32
        %dma_start3A_2216 = arith.constant 0 : i32
        %dma_start3A_2217 = tpu.memref_slice %arg8[%rem3A_2166, %dma_start3A_2215, %dma_start3A_2216] : memref<8x128x64xbf16, #tpu.memory_space<vmem>> -> memref<1x128x64xbf16, #tpu.memory_space<vmem>>
        %dma_start3A_2218 = tpu.memref_squeeze %dma_start3A_2217 : memref<1x128x64xbf16, #tpu.memory_space<vmem>> -> memref<128x64xbf16, #tpu.memory_space<vmem>>
        %dma_start3A_2219 = tpu.memref_slice %arg6[%mul3A_2214] : memref<20480xi32, #tpu.memory_space<vmem>> -> memref<128xi32, #tpu.memory_space<vmem>>
        %dma_start3A_2220 = arith.constant 0 : i32
        %dma_start3A_2221 = arith.constant 0 : i32
        %dma_start3A_2222 = tpu.memref_slice %arg14[%dma_start3A_2220, %dma_start3A_2221] : memref<10000x64xbf16, #tpu.memory_space<vmem_shared>> -> memref<10000x64xbf16, #tpu.memory_space<vmem_shared>>
        tpu.enqueue_indirect_dma source(%dma_start3A_2222 : memref<10000x64xbf16, #tpu.memory_space<vmem_shared>>) target(%dma_start3A_2218 : memref<128x64xbf16, #tpu.memory_space<vmem>>) offsets(%dma_start3A_2219 : memref<128xi32, #tpu.memory_space<vmem>>) semaphore(%arg15 : memref<!tpu.dma_semaphore, #tpu.memory_space<semaphore_mem>>)
      } else {
      }
    }
    %barrier3A_2159 = arith.constant 0 : index
    tpu.barrier barrier_id(%barrier3A_2159)
    "tpu.region"() ({
      %run_scoped3A = tpu.sem_alloc : memref<!tpu.dma_semaphore, #tpu.memory_space<semaphore_mem>>
      %dma_start3A_2165 = arith.constant 0 : i32
      %dma_start3A_2166 = tpu.memref_slice %arg4[%arg0, %mul3A_1924, %dma_start3A_2165] : memref<2x10240x64xbf16, #tpu.memory_space<hbm>> -> memref<1x640x64xbf16, #tpu.memory_space<hbm>>
      %dma_start3A_2167 = tpu.memref_squeeze %dma_start3A_2166 : memref<1x640x64xbf16, #tpu.memory_space<hbm>> -> memref<640x64xbf16, #tpu.memory_space<hbm>>
      %dma_start3A_2168 = arith.constant 0 : i32
      %dma_start3A_2169 = tpu.memref_slice %arg12[%mul3A_1924, %dma_start3A_2168] : memref<10240x64xbf16, #tpu.memory_space<vmem_shared>> -> memref<640x64xbf16, #tpu.memory_space<vmem_shared>>
      tpu.enqueue_dma source(%dma_start3A_2169 : memref<640x64xbf16, #tpu.memory_space<vmem_shared>>) target(%dma_start3A_2167 : memref<640x64xbf16, #tpu.memory_space<hbm>>) target_semaphore(%run_scoped3A : memref<!tpu.dma_semaphore, #tpu.memory_space<semaphore_mem>>)
      %dma_wait3A_2170 = arith.constant 0 : i32
      %dma_wait3A_2171 = tpu.memref_slice %arg4[%arg0, %mul3A_1924, %dma_wait3A_2170] : memref<2x10240x64xbf16, #tpu.memory_space<hbm>> -> memref<1x640x64xbf16, #tpu.memory_space<hbm>>
      %dma_wait3A_2172 = tpu.memref_squeeze %dma_wait3A_2171 : memref<1x640x64xbf16, #tpu.memory_space<hbm>> -> memref<640x64xbf16, #tpu.memory_space<hbm>>
      %dma_wait3A_2173 = arith.constant 0 : i32
      %dma_wait3A_2174 = tpu.memref_slice %arg12[%mul3A_1924, %dma_wait3A_2173] : memref<10240x64xbf16, #tpu.memory_space<vmem_shared>> -> memref<640x64xbf16, #tpu.memory_space<vmem_shared>>
      tpu.wait_dma2 semaphore(%run_scoped3A : memref<!tpu.dma_semaphore, #tpu.memory_space<semaphore_mem>>) src(%dma_wait3A_2174 : memref<640x64xbf16, #tpu.memory_space<vmem_shared>>) dst(%dma_wait3A_2172 : memref<640x64xbf16, #tpu.memory_space<hbm>>)
      tpu.yield
    }) : () -> ()
    %eq3A_2160 = arith.constant 0 : i32
    %eq3A_2161 = arith.cmpi eq, %arg0, %eq3A_2160 : i32
    %convert_element_type3A_2162 = arith.extui %eq3A_2161 : i1 to i32
    %cond3A_2163 = arith.constant 0 : i32
    %cond3A_2164 = arith.cmpi ne, %convert_element_type3A_2162, %cond3A_2163 : i32
    scf.if %cond3A_2164 {
      "tpu.region"() ({
        %run_scoped3A = tpu.sem_alloc : memref<!tpu.dma_semaphore, #tpu.memory_space<semaphore_mem>>
        %dma_start3A_2165 = arith.constant 0 : i32
        %dma_start3A_2166 = tpu.memref_slice %arg5[%mul3A_1924, %dma_start3A_2165] : memref<10240x16xf32, #tpu.memory_space<hbm>> -> memref<640x16xf32, #tpu.memory_space<hbm>>
        %dma_start3A_2167 = arith.constant 0 : i32
        %dma_start3A_2168 = tpu.memref_slice %arg13[%mul3A_1924, %dma_start3A_2167] : memref<10240x16xf32, #tpu.memory_space<vmem_shared>> -> memref<640x16xf32, #tpu.memory_space<vmem_shared>>
        tpu.enqueue_dma source(%dma_start3A_2168 : memref<640x16xf32, #tpu.memory_space<vmem_shared>>) target(%dma_start3A_2166 : memref<640x16xf32, #tpu.memory_space<hbm>>) target_semaphore(%run_scoped3A : memref<!tpu.dma_semaphore, #tpu.memory_space<semaphore_mem>>)
        %dma_wait3A_2169 = arith.constant 0 : i32
        %dma_wait3A_2170 = tpu.memref_slice %arg5[%mul3A_1924, %dma_wait3A_2169] : memref<10240x16xf32, #tpu.memory_space<hbm>> -> memref<640x16xf32, #tpu.memory_space<hbm>>
        %dma_wait3A_2171 = arith.constant 0 : i32
        %dma_wait3A_2172 = tpu.memref_slice %arg13[%mul3A_1924, %dma_wait3A_2171] : memref<10240x16xf32, #tpu.memory_space<vmem_shared>> -> memref<640x16xf32, #tpu.memory_space<vmem_shared>>
        tpu.wait_dma2 semaphore(%run_scoped3A : memref<!tpu.dma_semaphore, #tpu.memory_space<semaphore_mem>>) src(%dma_wait3A_2172 : memref<640x16xf32, #tpu.memory_space<vmem_shared>>) dst(%dma_wait3A_2170 : memref<640x16xf32, #tpu.memory_space<hbm>>)
        tpu.yield
      }) : () -> ()
    } else {
    }
    return
  }
}

#map = affine_map<(d0, d1) -> (0, 0, 0)>
#map1 = affine_map<(d0, d1) -> (0, 0)>
module attributes {stable_mosaic.version = 14 : i64} {
  func.func @body(%arg0: i32, %arg1: i32, %arg2: memref<2x10000x64xbf16, #tpu.memory_space<hbm>>, %arg3: memref<2x320000xi32, #tpu.memory_space<hbm>>, %arg4: memref<2x10240x64xbf16, #tpu.memory_space<hbm>>, %arg5: memref<20480xi32, #tpu.memory_space<vmem>>, %arg6: memref<20480xi32, #tpu.memory_space<vmem>>, %arg7: memref<10x128x64xbf16, #tpu.memory_space<vmem>>, %arg8: memref<64x64xbf16, #tpu.memory_space<vmem>>, %arg9: memref<10240x64xbf16, #tpu.memory_space<vmem_shared>>, %arg10: memref<10000x64xbf16, #tpu.memory_space<vmem_shared>>, %arg11: memref<!tpu.dma_semaphore, #tpu.memory_space<semaphore_mem>>, %arg12: memref<!tpu.dma_semaphore, #tpu.memory_space<semaphore_mem>>) attributes {dimension_semantics = [#tpu.dimension_semantics<core_parallel>, #tpu.dimension_semantics<subcore_parallel>], iteration_bounds = array<i64: 2, 16>, scalar_prefetch = 0 : i64, scratch_operands = 8 : i64, tpu.core_type = #tpu.core_type<sc_vector_subcore>, window_params = [{transform_indices = #map}, {transform_indices = #map1}, {transform_indices = #map}]} {
    %broadcast_in_dim3A = arith.constant 0.000000e+00 : bf16
    %broadcast_in_dim3A_0 = vector.broadcast %broadcast_in_dim3A : bf16 to vector<32xbf16>
    %swap3A = arith.constant 0 : i32
    %swap3A_1 = arith.index_cast %swap3A : i32 to index
    %swap3A_2 = arith.constant 0 : index
    %swap3A_3 = tpu.vector_load %arg8[%swap3A_1, %swap3A_2] {strides = array<i32>} : memref<64x64xbf16, #tpu.memory_space<vmem>>, vector<1x32xbf16>,
    %swap3A_4 = vector.shape_cast %swap3A_3 : vector<1x32xbf16> to vector<32xbf16>
    %swap3A_5 = vector.shape_cast %broadcast_in_dim3A_0 : vector<32xbf16> to vector<1x32xbf16>
    tpu.vector_store %arg8[%swap3A_1, %swap3A_2], %swap3A_5 {strides = array<i32>} : memref<64x64xbf16, #tpu.memory_space<vmem>>, vector<1x32xbf16>,
    %swap3A_6 = arith.constant 0 : i32
    %swap3A_7 = arith.index_cast %swap3A_6 : i32 to index
    %swap3A_8 = arith.constant 32 : index
    %swap3A_9 = tpu.vector_load %arg8[%swap3A_7, %swap3A_8] {strides = array<i32>} : memref<64x64xbf16, #tpu.memory_space<vmem>>, vector<1x32xbf16>,
    %swap3A_10 = vector.shape_cast %swap3A_9 : vector<1x32xbf16> to vector<32xbf16>
    %swap3A_11 = vector.shape_cast %broadcast_in_dim3A_0 : vector<32xbf16> to vector<1x32xbf16>
    tpu.vector_store %arg8[%swap3A_7, %swap3A_8], %swap3A_11 {strides = array<i32>} : memref<64x64xbf16, #tpu.memory_space<vmem>>, vector<1x32xbf16>,
    %swap3A_12 = arith.constant 1 : i32
    %swap3A_13 = arith.index_cast %swap3A_12 : i32 to index
    %swap3A_14 = arith.constant 0 : index
    %swap3A_15 = tpu.vector_load %arg8[%swap3A_13, %swap3A_14] {strides = array<i32>} : memref<64x64xbf16, #tpu.memory_space<vmem>>, vector<1x32xbf16>,
    %swap3A_16 = vector.shape_cast %swap3A_15 : vector<1x32xbf16> to vector<32xbf16>
    %swap3A_17 = vector.shape_cast %broadcast_in_dim3A_0 : vector<32xbf16> to vector<1x32xbf16>
    tpu.vector_store %arg8[%swap3A_13, %swap3A_14], %swap3A_17 {strides = array<i32>} : memref<64x64xbf16, #tpu.memory_space<vmem>>, vector<1x32xbf16>,
    %swap3A_18 = arith.constant 1 : i32
    %swap3A_19 = arith.index_cast %swap3A_18 : i32 to index
    %swap3A_20 = arith.constant 32 : index
    %swap3A_21 = tpu.vector_load %arg8[%swap3A_19, %swap3A_20] {strides = array<i32>} : memref<64x64xbf16, #tpu.memory_space<vmem>>, vector<1x32xbf16>,
    %swap3A_22 = vector.shape_cast %swap3A_21 : vector<1x32xbf16> to vector<32xbf16>
    %swap3A_23 = vector.shape_cast %broadcast_in_dim3A_0 : vector<32xbf16> to vector<1x32xbf16>
    tpu.vector_store %arg8[%swap3A_19, %swap3A_20], %swap3A_23 {strides = array<i32>} : memref<64x64xbf16, #tpu.memory_space<vmem>>, vector<1x32xbf16>,
    %swap3A_24 = arith.constant 2 : i32
    %swap3A_25 = arith.index_cast %swap3A_24 : i32 to index
    %swap3A_26 = arith.constant 0 : index
    %swap3A_27 = tpu.vector_load %arg8[%swap3A_25, %swap3A_26] {strides = array<i32>} : memref<64x64xbf16, #tpu.memory_space<vmem>>, vector<1x32xbf16>,
    %swap3A_28 = vector.shape_cast %swap3A_27 : vector<1x32xbf16> to vector<32xbf16>
    %swap3A_29 = vector.shape_cast %broadcast_in_dim3A_0 : vector<32xbf16> to vector<1x32xbf16>
    tpu.vector_store %arg8[%swap3A_25, %swap3A_26], %swap3A_29 {strides = array<i32>} : memref<64x64xbf16, #tpu.memory_space<vmem>>, vector<1x32xbf16>,
    %swap3A_30 = arith.constant 2 : i32
    %swap3A_31 = arith.index_cast %swap3A_30 : i32 to index
    %swap3A_32 = arith.constant 32 : index
    %swap3A_33 = tpu.vector_load %arg8[%swap3A_31, %swap3A_32] {strides = array<i32>} : memref<64x64xbf16, #tpu.memory_space<vmem>>, vector<1x32xbf16>,
    %swap3A_34 = vector.shape_cast %swap3A_33 : vector<1x32xbf16> to vector<32xbf16>
    %swap3A_35 = vector.shape_cast %broadcast_in_dim3A_0 : vector<32xbf16> to vector<1x32xbf16>
    tpu.vector_store %arg8[%swap3A_31, %swap3A_32], %swap3A_35 {strides = array<i32>} : memref<64x64xbf16, #tpu.memory_space<vmem>>, vector<1x32xbf16>,
    %swap3A_36 = arith.constant 3 : i32
    %swap3A_37 = arith.index_cast %swap3A_36 : i32 to index
    %swap3A_38 = arith.constant 0 : index
    %swap3A_39 = tpu.vector_load %arg8[%swap3A_37, %swap3A_38] {strides = array<i32>} : memref<64x64xbf16, #tpu.memory_space<vmem>>, vector<1x32xbf16>,
    %swap3A_40 = vector.shape_cast %swap3A_39 : vector<1x32xbf16> to vector<32xbf16>
    %swap3A_41 = vector.shape_cast %broadcast_in_dim3A_0 : vector<32xbf16> to vector<1x32xbf16>
    tpu.vector_store %arg8[%swap3A_37, %swap3A_38], %swap3A_41 {strides = array<i32>} : memref<64x64xbf16, #tpu.memory_space<vmem>>, vector<1x32xbf16>,
    %swap3A_42 = arith.constant 3 : i32
    %swap3A_43 = arith.index_cast %swap3A_42 : i32 to index
    %swap3A_44 = arith.constant 32 : index
    %swap3A_45 = tpu.vector_load %arg8[%swap3A_43, %swap3A_44] {strides = array<i32>} : memref<64x64xbf16, #tpu.memory_space<vmem>>, vector<1x32xbf16>,
    %swap3A_46 = vector.shape_cast %swap3A_45 : vector<1x32xbf16> to vector<32xbf16>
    %swap3A_47 = vector.shape_cast %broadcast_in_dim3A_0 : vector<32xbf16> to vector<1x32xbf16>
    tpu.vector_store %arg8[%swap3A_43, %swap3A_44], %swap3A_47 {strides = array<i32>} : memref<64x64xbf16, #tpu.memory_space<vmem>>, vector<1x32xbf16>,
    %swap3A_48 = arith.constant 4 : i32
    %swap3A_49 = arith.index_cast %swap3A_48 : i32 to index
    %swap3A_50 = arith.constant 0 : index
    %swap3A_51 = tpu.vector_load %arg8[%swap3A_49, %swap3A_50] {strides = array<i32>} : memref<64x64xbf16, #tpu.memory_space<vmem>>, vector<1x32xbf16>,
    %swap3A_52 = vector.shape_cast %swap3A_51 : vector<1x32xbf16> to vector<32xbf16>
    %swap3A_53 = vector.shape_cast %broadcast_in_dim3A_0 : vector<32xbf16> to vector<1x32xbf16>
    tpu.vector_store %arg8[%swap3A_49, %swap3A_50], %swap3A_53 {strides = array<i32>} : memref<64x64xbf16, #tpu.memory_space<vmem>>, vector<1x32xbf16>,
    %swap3A_54 = arith.constant 4 : i32
    %swap3A_55 = arith.index_cast %swap3A_54 : i32 to index
    %swap3A_56 = arith.constant 32 : index
    %swap3A_57 = tpu.vector_load %arg8[%swap3A_55, %swap3A_56] {strides = array<i32>} : memref<64x64xbf16, #tpu.memory_space<vmem>>, vector<1x32xbf16>,
    %swap3A_58 = vector.shape_cast %swap3A_57 : vector<1x32xbf16> to vector<32xbf16>
    %swap3A_59 = vector.shape_cast %broadcast_in_dim3A_0 : vector<32xbf16> to vector<1x32xbf16>
    tpu.vector_store %arg8[%swap3A_55, %swap3A_56], %swap3A_59 {strides = array<i32>} : memref<64x64xbf16, #tpu.memory_space<vmem>>, vector<1x32xbf16>,
    %swap3A_60 = arith.constant 5 : i32
    %swap3A_61 = arith.index_cast %swap3A_60 : i32 to index
    %swap3A_62 = arith.constant 0 : index
    %swap3A_63 = tpu.vector_load %arg8[%swap3A_61, %swap3A_62] {strides = array<i32>} : memref<64x64xbf16, #tpu.memory_space<vmem>>, vector<1x32xbf16>,
    %swap3A_64 = vector.shape_cast %swap3A_63 : vector<1x32xbf16> to vector<32xbf16>
    %swap3A_65 = vector.shape_cast %broadcast_in_dim3A_0 : vector<32xbf16> to vector<1x32xbf16>
    tpu.vector_store %arg8[%swap3A_61, %swap3A_62], %swap3A_65 {strides = array<i32>} : memref<64x64xbf16, #tpu.memory_space<vmem>>, vector<1x32xbf16>,
    %swap3A_66 = arith.constant 5 : i32
    %swap3A_67 = arith.index_cast %swap3A_66 : i32 to index
    %swap3A_68 = arith.constant 32 : index
    %swap3A_69 = tpu.vector_load %arg8[%swap3A_67, %swap3A_68] {strides = array<i32>} : memref<64x64xbf16, #tpu.memory_space<vmem>>, vector<1x32xbf16>,
    %swap3A_70 = vector.shape_cast %swap3A_69 : vector<1x32xbf16> to vector<32xbf16>
    %swap3A_71 = vector.shape_cast %broadcast_in_dim3A_0 : vector<32xbf16> to vector<1x32xbf16>
    tpu.vector_store %arg8[%swap3A_67, %swap3A_68], %swap3A_71 {strides = array<i32>} : memref<64x64xbf16, #tpu.memory_space<vmem>>, vector<1x32xbf16>,
    %swap3A_72 = arith.constant 6 : i32
    %swap3A_73 = arith.index_cast %swap3A_72 : i32 to index
    %swap3A_74 = arith.constant 0 : index
    %swap3A_75 = tpu.vector_load %arg8[%swap3A_73, %swap3A_74] {strides = array<i32>} : memref<64x64xbf16, #tpu.memory_space<vmem>>, vector<1x32xbf16>,
    %swap3A_76 = vector.shape_cast %swap3A_75 : vector<1x32xbf16> to vector<32xbf16>
    %swap3A_77 = vector.shape_cast %broadcast_in_dim3A_0 : vector<32xbf16> to vector<1x32xbf16>
    tpu.vector_store %arg8[%swap3A_73, %swap3A_74], %swap3A_77 {strides = array<i32>} : memref<64x64xbf16, #tpu.memory_space<vmem>>, vector<1x32xbf16>,
    %swap3A_78 = arith.constant 6 : i32
    %swap3A_79 = arith.index_cast %swap3A_78 : i32 to index
    %swap3A_80 = arith.constant 32 : index
    %swap3A_81 = tpu.vector_load %arg8[%swap3A_79, %swap3A_80] {strides = array<i32>} : memref<64x64xbf16, #tpu.memory_space<vmem>>, vector<1x32xbf16>,
    %swap3A_82 = vector.shape_cast %swap3A_81 : vector<1x32xbf16> to vector<32xbf16>
    %swap3A_83 = vector.shape_cast %broadcast_in_dim3A_0 : vector<32xbf16> to vector<1x32xbf16>
    tpu.vector_store %arg8[%swap3A_79, %swap3A_80], %swap3A_83 {strides = array<i32>} : memref<64x64xbf16, #tpu.memory_space<vmem>>, vector<1x32xbf16>,
    %swap3A_84 = arith.constant 7 : i32
    %swap3A_85 = arith.index_cast %swap3A_84 : i32 to index
    %swap3A_86 = arith.constant 0 : index
    %swap3A_87 = tpu.vector_load %arg8[%swap3A_85, %swap3A_86] {strides = array<i32>} : memref<64x64xbf16, #tpu.memory_space<vmem>>, vector<1x32xbf16>,
    %swap3A_88 = vector.shape_cast %swap3A_87 : vector<1x32xbf16> to vector<32xbf16>
    %swap3A_89 = vector.shape_cast %broadcast_in_dim3A_0 : vector<32xbf16> to vector<1x32xbf16>
    tpu.vector_store %arg8[%swap3A_85, %swap3A_86], %swap3A_89 {strides = array<i32>} : memref<64x64xbf16, #tpu.memory_space<vmem>>, vector<1x32xbf16>,
    %swap3A_90 = arith.constant 7 : i32
    %swap3A_91 = arith.index_cast %swap3A_90 : i32 to index
    %swap3A_92 = arith.constant 32 : index
    %swap3A_93 = tpu.vector_load %arg8[%swap3A_91, %swap3A_92] {strides = array<i32>} : memref<64x64xbf16, #tpu.memory_space<vmem>>, vector<1x32xbf16>,
    %swap3A_94 = vector.shape_cast %swap3A_93 : vector<1x32xbf16> to vector<32xbf16>
    %swap3A_95 = vector.shape_cast %broadcast_in_dim3A_0 : vector<32xbf16> to vector<1x32xbf16>
    tpu.vector_store %arg8[%swap3A_91, %swap3A_92], %swap3A_95 {strides = array<i32>} : memref<64x64xbf16, #tpu.memory_space<vmem>>, vector<1x32xbf16>,
    %swap3A_96 = arith.constant 8 : i32
    %swap3A_97 = arith.index_cast %swap3A_96 : i32 to index
    %swap3A_98 = arith.constant 0 : index
    %swap3A_99 = tpu.vector_load %arg8[%swap3A_97, %swap3A_98] {strides = array<i32>} : memref<64x64xbf16, #tpu.memory_space<vmem>>, vector<1x32xbf16>,
    %swap3A_100 = vector.shape_cast %swap3A_99 : vector<1x32xbf16> to vector<32xbf16>
    %swap3A_101 = vector.shape_cast %broadcast_in_dim3A_0 : vector<32xbf16> to vector<1x32xbf16>
    tpu.vector_store %arg8[%swap3A_97, %swap3A_98], %swap3A_101 {strides = array<i32>} : memref<64x64xbf16, #tpu.memory_space<vmem>>, vector<1x32xbf16>,
    %swap3A_102 = arith.constant 8 : i32
    %swap3A_103 = arith.index_cast %swap3A_102 : i32 to index
    %swap3A_104 = arith.constant 32 : index
    %swap3A_105 = tpu.vector_load %arg8[%swap3A_103, %swap3A_104] {strides = array<i32>} : memref<64x64xbf16, #tpu.memory_space<vmem>>, vector<1x32xbf16>,
    %swap3A_106 = vector.shape_cast %swap3A_105 : vector<1x32xbf16> to vector<32xbf16>
    %swap3A_107 = vector.shape_cast %broadcast_in_dim3A_0 : vector<32xbf16> to vector<1x32xbf16>
    tpu.vector_store %arg8[%swap3A_103, %swap3A_104], %swap3A_107 {strides = array<i32>} : memref<64x64xbf16, #tpu.memory_space<vmem>>, vector<1x32xbf16>,
    %swap3A_108 = arith.constant 9 : i32
    %swap3A_109 = arith.index_cast %swap3A_108 : i32 to index
    %swap3A_110 = arith.constant 0 : index
    %swap3A_111 = tpu.vector_load %arg8[%swap3A_109, %swap3A_110] {strides = array<i32>} : memref<64x64xbf16, #tpu.memory_space<vmem>>, vector<1x32xbf16>,
    %swap3A_112 = vector.shape_cast %swap3A_111 : vector<1x32xbf16> to vector<32xbf16>
    %swap3A_113 = vector.shape_cast %broadcast_in_dim3A_0 : vector<32xbf16> to vector<1x32xbf16>
    tpu.vector_store %arg8[%swap3A_109, %swap3A_110], %swap3A_113 {strides = array<i32>} : memref<64x64xbf16, #tpu.memory_space<vmem>>, vector<1x32xbf16>,
    %swap3A_114 = arith.constant 9 : i32
    %swap3A_115 = arith.index_cast %swap3A_114 : i32 to index
    %swap3A_116 = arith.constant 32 : index
    %swap3A_117 = tpu.vector_load %arg8[%swap3A_115, %swap3A_116] {strides = array<i32>} : memref<64x64xbf16, #tpu.memory_space<vmem>>, vector<1x32xbf16>,
    %swap3A_118 = vector.shape_cast %swap3A_117 : vector<1x32xbf16> to vector<32xbf16>
    %swap3A_119 = vector.shape_cast %broadcast_in_dim3A_0 : vector<32xbf16> to vector<1x32xbf16>
    tpu.vector_store %arg8[%swap3A_115, %swap3A_116], %swap3A_119 {strides = array<i32>} : memref<64x64xbf16, #tpu.memory_space<vmem>>, vector<1x32xbf16>,
    %swap3A_120 = arith.constant 10 : i32
    %swap3A_121 = arith.index_cast %swap3A_120 : i32 to index
    %swap3A_122 = arith.constant 0 : index
    %swap3A_123 = tpu.vector_load %arg8[%swap3A_121, %swap3A_122] {strides = array<i32>} : memref<64x64xbf16, #tpu.memory_space<vmem>>, vector<1x32xbf16>,
    %swap3A_124 = vector.shape_cast %swap3A_123 : vector<1x32xbf16> to vector<32xbf16>
    %swap3A_125 = vector.shape_cast %broadcast_in_dim3A_0 : vector<32xbf16> to vector<1x32xbf16>
    tpu.vector_store %arg8[%swap3A_121, %swap3A_122], %swap3A_125 {strides = array<i32>} : memref<64x64xbf16, #tpu.memory_space<vmem>>, vector<1x32xbf16>,
    %swap3A_126 = arith.constant 10 : i32
    %swap3A_127 = arith.index_cast %swap3A_126 : i32 to index
    %swap3A_128 = arith.constant 32 : index
    %swap3A_129 = tpu.vector_load %arg8[%swap3A_127, %swap3A_128] {strides = array<i32>} : memref<64x64xbf16, #tpu.memory_space<vmem>>, vector<1x32xbf16>,
    %swap3A_130 = vector.shape_cast %swap3A_129 : vector<1x32xbf16> to vector<32xbf16>
    %swap3A_131 = vector.shape_cast %broadcast_in_dim3A_0 : vector<32xbf16> to vector<1x32xbf16>
    tpu.vector_store %arg8[%swap3A_127, %swap3A_128], %swap3A_131 {strides = array<i32>} : memref<64x64xbf16, #tpu.memory_space<vmem>>, vector<1x32xbf16>,
    %swap3A_132 = arith.constant 11 : i32
    %swap3A_133 = arith.index_cast %swap3A_132 : i32 to index
    %swap3A_134 = arith.constant 0 : index
    %swap3A_135 = tpu.vector_load %arg8[%swap3A_133, %swap3A_134] {strides = array<i32>} : memref<64x64xbf16, #tpu.memory_space<vmem>>, vector<1x32xbf16>,
    %swap3A_136 = vector.shape_cast %swap3A_135 : vector<1x32xbf16> to vector<32xbf16>
    %swap3A_137 = vector.shape_cast %broadcast_in_dim3A_0 : vector<32xbf16> to vector<1x32xbf16>
    tpu.vector_store %arg8[%swap3A_133, %swap3A_134], %swap3A_137 {strides = array<i32>} : memref<64x64xbf16, #tpu.memory_space<vmem>>, vector<1x32xbf16>,
    %swap3A_138 = arith.constant 11 : i32
    %swap3A_139 = arith.index_cast %swap3A_138 : i32 to index
    %swap3A_140 = arith.constant 32 : index
    %swap3A_141 = tpu.vector_load %arg8[%swap3A_139, %swap3A_140] {strides = array<i32>} : memref<64x64xbf16, #tpu.memory_space<vmem>>, vector<1x32xbf16>,
    %swap3A_142 = vector.shape_cast %swap3A_141 : vector<1x32xbf16> to vector<32xbf16>
    %swap3A_143 = vector.shape_cast %broadcast_in_dim3A_0 : vector<32xbf16> to vector<1x32xbf16>
    tpu.vector_store %arg8[%swap3A_139, %swap3A_140], %swap3A_143 {strides = array<i32>} : memref<64x64xbf16, #tpu.memory_space<vmem>>, vector<1x32xbf16>,
    %swap3A_144 = arith.constant 12 : i32
    %swap3A_145 = arith.index_cast %swap3A_144 : i32 to index
    %swap3A_146 = arith.constant 0 : index
    %swap3A_147 = tpu.vector_load %arg8[%swap3A_145, %swap3A_146] {strides = array<i32>} : memref<64x64xbf16, #tpu.memory_space<vmem>>, vector<1x32xbf16>,
    %swap3A_148 = vector.shape_cast %swap3A_147 : vector<1x32xbf16> to vector<32xbf16>
    %swap3A_149 = vector.shape_cast %broadcast_in_dim3A_0 : vector<32xbf16> to vector<1x32xbf16>
    tpu.vector_store %arg8[%swap3A_145, %swap3A_146], %swap3A_149 {strides = array<i32>} : memref<64x64xbf16, #tpu.memory_space<vmem>>, vector<1x32xbf16>,
    %swap3A_150 = arith.constant 12 : i32
    %swap3A_151 = arith.index_cast %swap3A_150 : i32 to index
    %swap3A_152 = arith.constant 32 : index
    %swap3A_153 = tpu.vector_load %arg8[%swap3A_151, %swap3A_152] {strides = array<i32>} : memref<64x64xbf16, #tpu.memory_space<vmem>>, vector<1x32xbf16>,
    %swap3A_154 = vector.shape_cast %swap3A_153 : vector<1x32xbf16> to vector<32xbf16>
    %swap3A_155 = vector.shape_cast %broadcast_in_dim3A_0 : vector<32xbf16> to vector<1x32xbf16>
    tpu.vector_store %arg8[%swap3A_151, %swap3A_152], %swap3A_155 {strides = array<i32>} : memref<64x64xbf16, #tpu.memory_space<vmem>>, vector<1x32xbf16>,
    %swap3A_156 = arith.constant 13 : i32
    %swap3A_157 = arith.index_cast %swap3A_156 : i32 to index
    %swap3A_158 = arith.constant 0 : index
    %swap3A_159 = tpu.vector_load %arg8[%swap3A_157, %swap3A_158] {strides = array<i32>} : memref<64x64xbf16, #tpu.memory_space<vmem>>, vector<1x32xbf16>,
    %swap3A_160 = vector.shape_cast %swap3A_159 : vector<1x32xbf16> to vector<32xbf16>
    %swap3A_161 = vector.shape_cast %broadcast_in_dim3A_0 : vector<32xbf16> to vector<1x32xbf16>
    tpu.vector_store %arg8[%swap3A_157, %swap3A_158], %swap3A_161 {strides = array<i32>} : memref<64x64xbf16, #tpu.memory_space<vmem>>, vector<1x32xbf16>,
    %swap3A_162 = arith.constant 13 : i32
    %swap3A_163 = arith.index_cast %swap3A_162 : i32 to index
    %swap3A_164 = arith.constant 32 : index
    %swap3A_165 = tpu.vector_load %arg8[%swap3A_163, %swap3A_164] {strides = array<i32>} : memref<64x64xbf16, #tpu.memory_space<vmem>>, vector<1x32xbf16>,
    %swap3A_166 = vector.shape_cast %swap3A_165 : vector<1x32xbf16> to vector<32xbf16>
    %swap3A_167 = vector.shape_cast %broadcast_in_dim3A_0 : vector<32xbf16> to vector<1x32xbf16>
    tpu.vector_store %arg8[%swap3A_163, %swap3A_164], %swap3A_167 {strides = array<i32>} : memref<64x64xbf16, #tpu.memory_space<vmem>>, vector<1x32xbf16>,
    %swap3A_168 = arith.constant 14 : i32
    %swap3A_169 = arith.index_cast %swap3A_168 : i32 to index
    %swap3A_170 = arith.constant 0 : index
    %swap3A_171 = tpu.vector_load %arg8[%swap3A_169, %swap3A_170] {strides = array<i32>} : memref<64x64xbf16, #tpu.memory_space<vmem>>, vector<1x32xbf16>,
    %swap3A_172 = vector.shape_cast %swap3A_171 : vector<1x32xbf16> to vector<32xbf16>
    %swap3A_173 = vector.shape_cast %broadcast_in_dim3A_0 : vector<32xbf16> to vector<1x32xbf16>
    tpu.vector_store %arg8[%swap3A_169, %swap3A_170], %swap3A_173 {strides = array<i32>} : memref<64x64xbf16, #tpu.memory_space<vmem>>, vector<1x32xbf16>,
    %swap3A_174 = arith.constant 14 : i32
    %swap3A_175 = arith.index_cast %swap3A_174 : i32 to index
    %swap3A_176 = arith.constant 32 : index
    %swap3A_177 = tpu.vector_load %arg8[%swap3A_175, %swap3A_176] {strides = array<i32>} : memref<64x64xbf16, #tpu.memory_space<vmem>>, vector<1x32xbf16>,
    %swap3A_178 = vector.shape_cast %swap3A_177 : vector<1x32xbf16> to vector<32xbf16>
    %swap3A_179 = vector.shape_cast %broadcast_in_dim3A_0 : vector<32xbf16> to vector<1x32xbf16>
    tpu.vector_store %arg8[%swap3A_175, %swap3A_176], %swap3A_179 {strides = array<i32>} : memref<64x64xbf16, #tpu.memory_space<vmem>>, vector<1x32xbf16>,
    %swap3A_180 = arith.constant 15 : i32
    %swap3A_181 = arith.index_cast %swap3A_180 : i32 to index
    %swap3A_182 = arith.constant 0 : index
    %swap3A_183 = tpu.vector_load %arg8[%swap3A_181, %swap3A_182] {strides = array<i32>} : memref<64x64xbf16, #tpu.memory_space<vmem>>, vector<1x32xbf16>,
    %swap3A_184 = vector.shape_cast %swap3A_183 : vector<1x32xbf16> to vector<32xbf16>
    %swap3A_185 = vector.shape_cast %broadcast_in_dim3A_0 : vector<32xbf16> to vector<1x32xbf16>
    tpu.vector_store %arg8[%swap3A_181, %swap3A_182], %swap3A_185 {strides = array<i32>} : memref<64x64xbf16, #tpu.memory_space<vmem>>, vector<1x32xbf16>,
    %swap3A_186 = arith.constant 15 : i32
    %swap3A_187 = arith.index_cast %swap3A_186 : i32 to index
    %swap3A_188 = arith.constant 32 : index
    %swap3A_189 = tpu.vector_load %arg8[%swap3A_187, %swap3A_188] {strides = array<i32>} : memref<64x64xbf16, #tpu.memory_space<vmem>>, vector<1x32xbf16>,
    %swap3A_190 = vector.shape_cast %swap3A_189 : vector<1x32xbf16> to vector<32xbf16>
    %swap3A_191 = vector.shape_cast %broadcast_in_dim3A_0 : vector<32xbf16> to vector<1x32xbf16>
    tpu.vector_store %arg8[%swap3A_187, %swap3A_188], %swap3A_191 {strides = array<i32>} : memref<64x64xbf16, #tpu.memory_space<vmem>>, vector<1x32xbf16>,
    %swap3A_192 = arith.constant 16 : i32
    %swap3A_193 = arith.index_cast %swap3A_192 : i32 to index
    %swap3A_194 = arith.constant 0 : index
    %swap3A_195 = tpu.vector_load %arg8[%swap3A_193, %swap3A_194] {strides = array<i32>} : memref<64x64xbf16, #tpu.memory_space<vmem>>, vector<1x32xbf16>,
    %swap3A_196 = vector.shape_cast %swap3A_195 : vector<1x32xbf16> to vector<32xbf16>
    %swap3A_197 = vector.shape_cast %broadcast_in_dim3A_0 : vector<32xbf16> to vector<1x32xbf16>
    tpu.vector_store %arg8[%swap3A_193, %swap3A_194], %swap3A_197 {strides = array<i32>} : memref<64x64xbf16, #tpu.memory_space<vmem>>, vector<1x32xbf16>,
    %swap3A_198 = arith.constant 16 : i32
    %swap3A_199 = arith.index_cast %swap3A_198 : i32 to index
    %swap3A_200 = arith.constant 32 : index
    %swap3A_201 = tpu.vector_load %arg8[%swap3A_199, %swap3A_200] {strides = array<i32>} : memref<64x64xbf16, #tpu.memory_space<vmem>>, vector<1x32xbf16>,
    %swap3A_202 = vector.shape_cast %swap3A_201 : vector<1x32xbf16> to vector<32xbf16>
    %swap3A_203 = vector.shape_cast %broadcast_in_dim3A_0 : vector<32xbf16> to vector<1x32xbf16>
    tpu.vector_store %arg8[%swap3A_199, %swap3A_200], %swap3A_203 {strides = array<i32>} : memref<64x64xbf16, #tpu.memory_space<vmem>>, vector<1x32xbf16>,
    %swap3A_204 = arith.constant 17 : i32
    %swap3A_205 = arith.index_cast %swap3A_204 : i32 to index
    %swap3A_206 = arith.constant 0 : index
    %swap3A_207 = tpu.vector_load %arg8[%swap3A_205, %swap3A_206] {strides = array<i32>} : memref<64x64xbf16, #tpu.memory_space<vmem>>, vector<1x32xbf16>,
    %swap3A_208 = vector.shape_cast %swap3A_207 : vector<1x32xbf16> to vector<32xbf16>
    %swap3A_209 = vector.shape_cast %broadcast_in_dim3A_0 : vector<32xbf16> to vector<1x32xbf16>
    tpu.vector_store %arg8[%swap3A_205, %swap3A_206], %swap3A_209 {strides = array<i32>} : memref<64x64xbf16, #tpu.memory_space<vmem>>, vector<1x32xbf16>,
    %swap3A_210 = arith.constant 17 : i32
    %swap3A_211 = arith.index_cast %swap3A_210 : i32 to index
    %swap3A_212 = arith.constant 32 : index
    %swap3A_213 = tpu.vector_load %arg8[%swap3A_211, %swap3A_212] {strides = array<i32>} : memref<64x64xbf16, #tpu.memory_space<vmem>>, vector<1x32xbf16>,
    %swap3A_214 = vector.shape_cast %swap3A_213 : vector<1x32xbf16> to vector<32xbf16>
    %swap3A_215 = vector.shape_cast %broadcast_in_dim3A_0 : vector<32xbf16> to vector<1x32xbf16>
    tpu.vector_store %arg8[%swap3A_211, %swap3A_212], %swap3A_215 {strides = array<i32>} : memref<64x64xbf16, #tpu.memory_space<vmem>>, vector<1x32xbf16>,
    %swap3A_216 = arith.constant 18 : i32
    %swap3A_217 = arith.index_cast %swap3A_216 : i32 to index
    %swap3A_218 = arith.constant 0 : index
    %swap3A_219 = tpu.vector_load %arg8[%swap3A_217, %swap3A_218] {strides = array<i32>} : memref<64x64xbf16, #tpu.memory_space<vmem>>, vector<1x32xbf16>,
    %swap3A_220 = vector.shape_cast %swap3A_219 : vector<1x32xbf16> to vector<32xbf16>
    %swap3A_221 = vector.shape_cast %broadcast_in_dim3A_0 : vector<32xbf16> to vector<1x32xbf16>
    tpu.vector_store %arg8[%swap3A_217, %swap3A_218], %swap3A_221 {strides = array<i32>} : memref<64x64xbf16, #tpu.memory_space<vmem>>, vector<1x32xbf16>,
    %swap3A_222 = arith.constant 18 : i32
    %swap3A_223 = arith.index_cast %swap3A_222 : i32 to index
    %swap3A_224 = arith.constant 32 : index
    %swap3A_225 = tpu.vector_load %arg8[%swap3A_223, %swap3A_224] {strides = array<i32>} : memref<64x64xbf16, #tpu.memory_space<vmem>>, vector<1x32xbf16>,
    %swap3A_226 = vector.shape_cast %swap3A_225 : vector<1x32xbf16> to vector<32xbf16>
    %swap3A_227 = vector.shape_cast %broadcast_in_dim3A_0 : vector<32xbf16> to vector<1x32xbf16>
    tpu.vector_store %arg8[%swap3A_223, %swap3A_224], %swap3A_227 {strides = array<i32>} : memref<64x64xbf16, #tpu.memory_space<vmem>>, vector<1x32xbf16>,
    %swap3A_228 = arith.constant 19 : i32
    %swap3A_229 = arith.index_cast %swap3A_228 : i32 to index
    %swap3A_230 = arith.constant 0 : index
    %swap3A_231 = tpu.vector_load %arg8[%swap3A_229, %swap3A_230] {strides = array<i32>} : memref<64x64xbf16, #tpu.memory_space<vmem>>, vector<1x32xbf16>,
    %swap3A_232 = vector.shape_cast %swap3A_231 : vector<1x32xbf16> to vector<32xbf16>
    %swap3A_233 = vector.shape_cast %broadcast_in_dim3A_0 : vector<32xbf16> to vector<1x32xbf16>
    tpu.vector_store %arg8[%swap3A_229, %swap3A_230], %swap3A_233 {strides = array<i32>} : memref<64x64xbf16, #tpu.memory_space<vmem>>, vector<1x32xbf16>,
    %swap3A_234 = arith.constant 19 : i32
    %swap3A_235 = arith.index_cast %swap3A_234 : i32 to index
    %swap3A_236 = arith.constant 32 : index
    %swap3A_237 = tpu.vector_load %arg8[%swap3A_235, %swap3A_236] {strides = array<i32>} : memref<64x64xbf16, #tpu.memory_space<vmem>>, vector<1x32xbf16>,
    %swap3A_238 = vector.shape_cast %swap3A_237 : vector<1x32xbf16> to vector<32xbf16>
    %swap3A_239 = vector.shape_cast %broadcast_in_dim3A_0 : vector<32xbf16> to vector<1x32xbf16>
    tpu.vector_store %arg8[%swap3A_235, %swap3A_236], %swap3A_239 {strides = array<i32>} : memref<64x64xbf16, #tpu.memory_space<vmem>>, vector<1x32xbf16>,
    %swap3A_240 = arith.constant 20 : i32
    %swap3A_241 = arith.index_cast %swap3A_240 : i32 to index
    %swap3A_242 = arith.constant 0 : index
    %swap3A_243 = tpu.vector_load %arg8[%swap3A_241, %swap3A_242] {strides = array<i32>} : memref<64x64xbf16, #tpu.memory_space<vmem>>, vector<1x32xbf16>,
    %swap3A_244 = vector.shape_cast %swap3A_243 : vector<1x32xbf16> to vector<32xbf16>
    %swap3A_245 = vector.shape_cast %broadcast_in_dim3A_0 : vector<32xbf16> to vector<1x32xbf16>
    tpu.vector_store %arg8[%swap3A_241, %swap3A_242], %swap3A_245 {strides = array<i32>} : memref<64x64xbf16, #tpu.memory_space<vmem>>, vector<1x32xbf16>,
    %swap3A_246 = arith.constant 20 : i32
    %swap3A_247 = arith.index_cast %swap3A_246 : i32 to index
    %swap3A_248 = arith.constant 32 : index
    %swap3A_249 = tpu.vector_load %arg8[%swap3A_247, %swap3A_248] {strides = array<i32>} : memref<64x64xbf16, #tpu.memory_space<vmem>>, vector<1x32xbf16>,
    %swap3A_250 = vector.shape_cast %swap3A_249 : vector<1x32xbf16> to vector<32xbf16>
    %swap3A_251 = vector.shape_cast %broadcast_in_dim3A_0 : vector<32xbf16> to vector<1x32xbf16>
    tpu.vector_store %arg8[%swap3A_247, %swap3A_248], %swap3A_251 {strides = array<i32>} : memref<64x64xbf16, #tpu.memory_space<vmem>>, vector<1x32xbf16>,
    %swap3A_252 = arith.constant 21 : i32
    %swap3A_253 = arith.index_cast %swap3A_252 : i32 to index
    %swap3A_254 = arith.constant 0 : index
    %swap3A_255 = tpu.vector_load %arg8[%swap3A_253, %swap3A_254] {strides = array<i32>} : memref<64x64xbf16, #tpu.memory_space<vmem>>, vector<1x32xbf16>,
    %swap3A_256 = vector.shape_cast %swap3A_255 : vector<1x32xbf16> to vector<32xbf16>
    %swap3A_257 = vector.shape_cast %broadcast_in_dim3A_0 : vector<32xbf16> to vector<1x32xbf16>
    tpu.vector_store %arg8[%swap3A_253, %swap3A_254], %swap3A_257 {strides = array<i32>} : memref<64x64xbf16, #tpu.memory_space<vmem>>, vector<1x32xbf16>,
    %swap3A_258 = arith.constant 21 : i32
    %swap3A_259 = arith.index_cast %swap3A_258 : i32 to index
    %swap3A_260 = arith.constant 32 : index
    %swap3A_261 = tpu.vector_load %arg8[%swap3A_259, %swap3A_260] {strides = array<i32>} : memref<64x64xbf16, #tpu.memory_space<vmem>>, vector<1x32xbf16>,
    %swap3A_262 = vector.shape_cast %swap3A_261 : vector<1x32xbf16> to vector<32xbf16>
    %swap3A_263 = vector.shape_cast %broadcast_in_dim3A_0 : vector<32xbf16> to vector<1x32xbf16>
    tpu.vector_store %arg8[%swap3A_259, %swap3A_260], %swap3A_263 {strides = array<i32>} : memref<64x64xbf16, #tpu.memory_space<vmem>>, vector<1x32xbf16>,
    %swap3A_264 = arith.constant 22 : i32
    %swap3A_265 = arith.index_cast %swap3A_264 : i32 to index
    %swap3A_266 = arith.constant 0 : index
    %swap3A_267 = tpu.vector_load %arg8[%swap3A_265, %swap3A_266] {strides = array<i32>} : memref<64x64xbf16, #tpu.memory_space<vmem>>, vector<1x32xbf16>,
    %swap3A_268 = vector.shape_cast %swap3A_267 : vector<1x32xbf16> to vector<32xbf16>
    %swap3A_269 = vector.shape_cast %broadcast_in_dim3A_0 : vector<32xbf16> to vector<1x32xbf16>
    tpu.vector_store %arg8[%swap3A_265, %swap3A_266], %swap3A_269 {strides = array<i32>} : memref<64x64xbf16, #tpu.memory_space<vmem>>, vector<1x32xbf16>,
    %swap3A_270 = arith.constant 22 : i32
    %swap3A_271 = arith.index_cast %swap3A_270 : i32 to index
    %swap3A_272 = arith.constant 32 : index
    %swap3A_273 = tpu.vector_load %arg8[%swap3A_271, %swap3A_272] {strides = array<i32>} : memref<64x64xbf16, #tpu.memory_space<vmem>>, vector<1x32xbf16>,
    %swap3A_274 = vector.shape_cast %swap3A_273 : vector<1x32xbf16> to vector<32xbf16>
    %swap3A_275 = vector.shape_cast %broadcast_in_dim3A_0 : vector<32xbf16> to vector<1x32xbf16>
    tpu.vector_store %arg8[%swap3A_271, %swap3A_272], %swap3A_275 {strides = array<i32>} : memref<64x64xbf16, #tpu.memory_space<vmem>>, vector<1x32xbf16>,
    %swap3A_276 = arith.constant 23 : i32
    %swap3A_277 = arith.index_cast %swap3A_276 : i32 to index
    %swap3A_278 = arith.constant 0 : index
    %swap3A_279 = tpu.vector_load %arg8[%swap3A_277, %swap3A_278] {strides = array<i32>} : memref<64x64xbf16, #tpu.memory_space<vmem>>, vector<1x32xbf16>,
    %swap3A_280 = vector.shape_cast %swap3A_279 : vector<1x32xbf16> to vector<32xbf16>
    %swap3A_281 = vector.shape_cast %broadcast_in_dim3A_0 : vector<32xbf16> to vector<1x32xbf16>
    tpu.vector_store %arg8[%swap3A_277, %swap3A_278], %swap3A_281 {strides = array<i32>} : memref<64x64xbf16, #tpu.memory_space<vmem>>, vector<1x32xbf16>,
    %swap3A_282 = arith.constant 23 : i32
    %swap3A_283 = arith.index_cast %swap3A_282 : i32 to index
    %swap3A_284 = arith.constant 32 : index
    %swap3A_285 = tpu.vector_load %arg8[%swap3A_283, %swap3A_284] {strides = array<i32>} : memref<64x64xbf16, #tpu.memory_space<vmem>>, vector<1x32xbf16>,
    %swap3A_286 = vector.shape_cast %swap3A_285 : vector<1x32xbf16> to vector<32xbf16>
    %swap3A_287 = vector.shape_cast %broadcast_in_dim3A_0 : vector<32xbf16> to vector<1x32xbf16>
    tpu.vector_store %arg8[%swap3A_283, %swap3A_284], %swap3A_287 {strides = array<i32>} : memref<64x64xbf16, #tpu.memory_space<vmem>>, vector<1x32xbf16>,
    %swap3A_288 = arith.constant 24 : i32
    %swap3A_289 = arith.index_cast %swap3A_288 : i32 to index
    %swap3A_290 = arith.constant 0 : index
    %swap3A_291 = tpu.vector_load %arg8[%swap3A_289, %swap3A_290] {strides = array<i32>} : memref<64x64xbf16, #tpu.memory_space<vmem>>, vector<1x32xbf16>,
    %swap3A_292 = vector.shape_cast %swap3A_291 : vector<1x32xbf16> to vector<32xbf16>
    %swap3A_293 = vector.shape_cast %broadcast_in_dim3A_0 : vector<32xbf16> to vector<1x32xbf16>
    tpu.vector_store %arg8[%swap3A_289, %swap3A_290], %swap3A_293 {strides = array<i32>} : memref<64x64xbf16, #tpu.memory_space<vmem>>, vector<1x32xbf16>,
    %swap3A_294 = arith.constant 24 : i32
    %swap3A_295 = arith.index_cast %swap3A_294 : i32 to index
    %swap3A_296 = arith.constant 32 : index
    %swap3A_297 = tpu.vector_load %arg8[%swap3A_295, %swap3A_296] {strides = array<i32>} : memref<64x64xbf16, #tpu.memory_space<vmem>>, vector<1x32xbf16>,
    %swap3A_298 = vector.shape_cast %swap3A_297 : vector<1x32xbf16> to vector<32xbf16>
    %swap3A_299 = vector.shape_cast %broadcast_in_dim3A_0 : vector<32xbf16> to vector<1x32xbf16>
    tpu.vector_store %arg8[%swap3A_295, %swap3A_296], %swap3A_299 {strides = array<i32>} : memref<64x64xbf16, #tpu.memory_space<vmem>>, vector<1x32xbf16>,
    %swap3A_300 = arith.constant 25 : i32
    %swap3A_301 = arith.index_cast %swap3A_300 : i32 to index
    %swap3A_302 = arith.constant 0 : index
    %swap3A_303 = tpu.vector_load %arg8[%swap3A_301, %swap3A_302] {strides = array<i32>} : memref<64x64xbf16, #tpu.memory_space<vmem>>, vector<1x32xbf16>,
    %swap3A_304 = vector.shape_cast %swap3A_303 : vector<1x32xbf16> to vector<32xbf16>
    %swap3A_305 = vector.shape_cast %broadcast_in_dim3A_0 : vector<32xbf16> to vector<1x32xbf16>
    tpu.vector_store %arg8[%swap3A_301, %swap3A_302], %swap3A_305 {strides = array<i32>} : memref<64x64xbf16, #tpu.memory_space<vmem>>, vector<1x32xbf16>,
    %swap3A_306 = arith.constant 25 : i32
    %swap3A_307 = arith.index_cast %swap3A_306 : i32 to index
    %swap3A_308 = arith.constant 32 : index
    %swap3A_309 = tpu.vector_load %arg8[%swap3A_307, %swap3A_308] {strides = array<i32>} : memref<64x64xbf16, #tpu.memory_space<vmem>>, vector<1x32xbf16>,
    %swap3A_310 = vector.shape_cast %swap3A_309 : vector<1x32xbf16> to vector<32xbf16>
    %swap3A_311 = vector.shape_cast %broadcast_in_dim3A_0 : vector<32xbf16> to vector<1x32xbf16>
    tpu.vector_store %arg8[%swap3A_307, %swap3A_308], %swap3A_311 {strides = array<i32>} : memref<64x64xbf16, #tpu.memory_space<vmem>>, vector<1x32xbf16>,
    %swap3A_312 = arith.constant 26 : i32
    %swap3A_313 = arith.index_cast %swap3A_312 : i32 to index
    %swap3A_314 = arith.constant 0 : index
    %swap3A_315 = tpu.vector_load %arg8[%swap3A_313, %swap3A_314] {strides = array<i32>} : memref<64x64xbf16, #tpu.memory_space<vmem>>, vector<1x32xbf16>,
    %swap3A_316 = vector.shape_cast %swap3A_315 : vector<1x32xbf16> to vector<32xbf16>
    %swap3A_317 = vector.shape_cast %broadcast_in_dim3A_0 : vector<32xbf16> to vector<1x32xbf16>
    tpu.vector_store %arg8[%swap3A_313, %swap3A_314], %swap3A_317 {strides = array<i32>} : memref<64x64xbf16, #tpu.memory_space<vmem>>, vector<1x32xbf16>,
    %swap3A_318 = arith.constant 26 : i32
    %swap3A_319 = arith.index_cast %swap3A_318 : i32 to index
    %swap3A_320 = arith.constant 32 : index
    %swap3A_321 = tpu.vector_load %arg8[%swap3A_319, %swap3A_320] {strides = array<i32>} : memref<64x64xbf16, #tpu.memory_space<vmem>>, vector<1x32xbf16>,
    %swap3A_322 = vector.shape_cast %swap3A_321 : vector<1x32xbf16> to vector<32xbf16>
    %swap3A_323 = vector.shape_cast %broadcast_in_dim3A_0 : vector<32xbf16> to vector<1x32xbf16>
    tpu.vector_store %arg8[%swap3A_319, %swap3A_320], %swap3A_323 {strides = array<i32>} : memref<64x64xbf16, #tpu.memory_space<vmem>>, vector<1x32xbf16>,
    %swap3A_324 = arith.constant 27 : i32
    %swap3A_325 = arith.index_cast %swap3A_324 : i32 to index
    %swap3A_326 = arith.constant 0 : index
    %swap3A_327 = tpu.vector_load %arg8[%swap3A_325, %swap3A_326] {strides = array<i32>} : memref<64x64xbf16, #tpu.memory_space<vmem>>, vector<1x32xbf16>,
    %swap3A_328 = vector.shape_cast %swap3A_327 : vector<1x32xbf16> to vector<32xbf16>
    %swap3A_329 = vector.shape_cast %broadcast_in_dim3A_0 : vector<32xbf16> to vector<1x32xbf16>
    tpu.vector_store %arg8[%swap3A_325, %swap3A_326], %swap3A_329 {strides = array<i32>} : memref<64x64xbf16, #tpu.memory_space<vmem>>, vector<1x32xbf16>,
    %swap3A_330 = arith.constant 27 : i32
    %swap3A_331 = arith.index_cast %swap3A_330 : i32 to index
    %swap3A_332 = arith.constant 32 : index
    %swap3A_333 = tpu.vector_load %arg8[%swap3A_331, %swap3A_332] {strides = array<i32>} : memref<64x64xbf16, #tpu.memory_space<vmem>>, vector<1x32xbf16>,
    %swap3A_334 = vector.shape_cast %swap3A_333 : vector<1x32xbf16> to vector<32xbf16>
    %swap3A_335 = vector.shape_cast %broadcast_in_dim3A_0 : vector<32xbf16> to vector<1x32xbf16>
    tpu.vector_store %arg8[%swap3A_331, %swap3A_332], %swap3A_335 {strides = array<i32>} : memref<64x64xbf16, #tpu.memory_space<vmem>>, vector<1x32xbf16>,
    %swap3A_336 = arith.constant 28 : i32
    %swap3A_337 = arith.index_cast %swap3A_336 : i32 to index
    %swap3A_338 = arith.constant 0 : index
    %swap3A_339 = tpu.vector_load %arg8[%swap3A_337, %swap3A_338] {strides = array<i32>} : memref<64x64xbf16, #tpu.memory_space<vmem>>, vector<1x32xbf16>,
    %swap3A_340 = vector.shape_cast %swap3A_339 : vector<1x32xbf16> to vector<32xbf16>
    %swap3A_341 = vector.shape_cast %broadcast_in_dim3A_0 : vector<32xbf16> to vector<1x32xbf16>
    tpu.vector_store %arg8[%swap3A_337, %swap3A_338], %swap3A_341 {strides = array<i32>} : memref<64x64xbf16, #tpu.memory_space<vmem>>, vector<1x32xbf16>,
    %swap3A_342 = arith.constant 28 : i32
    %swap3A_343 = arith.index_cast %swap3A_342 : i32 to index
    %swap3A_344 = arith.constant 32 : index
    %swap3A_345 = tpu.vector_load %arg8[%swap3A_343, %swap3A_344] {strides = array<i32>} : memref<64x64xbf16, #tpu.memory_space<vmem>>, vector<1x32xbf16>,
    %swap3A_346 = vector.shape_cast %swap3A_345 : vector<1x32xbf16> to vector<32xbf16>
    %swap3A_347 = vector.shape_cast %broadcast_in_dim3A_0 : vector<32xbf16> to vector<1x32xbf16>
    tpu.vector_store %arg8[%swap3A_343, %swap3A_344], %swap3A_347 {strides = array<i32>} : memref<64x64xbf16, #tpu.memory_space<vmem>>, vector<1x32xbf16>,
    %swap3A_348 = arith.constant 29 : i32
    %swap3A_349 = arith.index_cast %swap3A_348 : i32 to index
    %swap3A_350 = arith.constant 0 : index
    %swap3A_351 = tpu.vector_load %arg8[%swap3A_349, %swap3A_350] {strides = array<i32>} : memref<64x64xbf16, #tpu.memory_space<vmem>>, vector<1x32xbf16>,
    %swap3A_352 = vector.shape_cast %swap3A_351 : vector<1x32xbf16> to vector<32xbf16>
    %swap3A_353 = vector.shape_cast %broadcast_in_dim3A_0 : vector<32xbf16> to vector<1x32xbf16>
    tpu.vector_store %arg8[%swap3A_349, %swap3A_350], %swap3A_353 {strides = array<i32>} : memref<64x64xbf16, #tpu.memory_space<vmem>>, vector<1x32xbf16>,
    %swap3A_354 = arith.constant 29 : i32
    %swap3A_355 = arith.index_cast %swap3A_354 : i32 to index
    %swap3A_356 = arith.constant 32 : index
    %swap3A_357 = tpu.vector_load %arg8[%swap3A_355, %swap3A_356] {strides = array<i32>} : memref<64x64xbf16, #tpu.memory_space<vmem>>, vector<1x32xbf16>,
    %swap3A_358 = vector.shape_cast %swap3A_357 : vector<1x32xbf16> to vector<32xbf16>
    %swap3A_359 = vector.shape_cast %broadcast_in_dim3A_0 : vector<32xbf16> to vector<1x32xbf16>
    tpu.vector_store %arg8[%swap3A_355, %swap3A_356], %swap3A_359 {strides = array<i32>} : memref<64x64xbf16, #tpu.memory_space<vmem>>, vector<1x32xbf16>,
    %swap3A_360 = arith.constant 30 : i32
    %swap3A_361 = arith.index_cast %swap3A_360 : i32 to index
    %swap3A_362 = arith.constant 0 : index
    %swap3A_363 = tpu.vector_load %arg8[%swap3A_361, %swap3A_362] {strides = array<i32>} : memref<64x64xbf16, #tpu.memory_space<vmem>>, vector<1x32xbf16>,
    %swap3A_364 = vector.shape_cast %swap3A_363 : vector<1x32xbf16> to vector<32xbf16>
    %swap3A_365 = vector.shape_cast %broadcast_in_dim3A_0 : vector<32xbf16> to vector<1x32xbf16>
    tpu.vector_store %arg8[%swap3A_361, %swap3A_362], %swap3A_365 {strides = array<i32>} : memref<64x64xbf16, #tpu.memory_space<vmem>>, vector<1x32xbf16>,
    %swap3A_366 = arith.constant 30 : i32
    %swap3A_367 = arith.index_cast %swap3A_366 : i32 to index
    %swap3A_368 = arith.constant 32 : index
    %swap3A_369 = tpu.vector_load %arg8[%swap3A_367, %swap3A_368] {strides = array<i32>} : memref<64x64xbf16, #tpu.memory_space<vmem>>, vector<1x32xbf16>,
    %swap3A_370 = vector.shape_cast %swap3A_369 : vector<1x32xbf16> to vector<32xbf16>
    %swap3A_371 = vector.shape_cast %broadcast_in_dim3A_0 : vector<32xbf16> to vector<1x32xbf16>
    tpu.vector_store %arg8[%swap3A_367, %swap3A_368], %swap3A_371 {strides = array<i32>} : memref<64x64xbf16, #tpu.memory_space<vmem>>, vector<1x32xbf16>,
    %swap3A_372 = arith.constant 31 : i32
    %swap3A_373 = arith.index_cast %swap3A_372 : i32 to index
    %swap3A_374 = arith.constant 0 : index
    %swap3A_375 = tpu.vector_load %arg8[%swap3A_373, %swap3A_374] {strides = array<i32>} : memref<64x64xbf16, #tpu.memory_space<vmem>>, vector<1x32xbf16>,
    %swap3A_376 = vector.shape_cast %swap3A_375 : vector<1x32xbf16> to vector<32xbf16>
    %swap3A_377 = vector.shape_cast %broadcast_in_dim3A_0 : vector<32xbf16> to vector<1x32xbf16>
    tpu.vector_store %arg8[%swap3A_373, %swap3A_374], %swap3A_377 {strides = array<i32>} : memref<64x64xbf16, #tpu.memory_space<vmem>>, vector<1x32xbf16>,
    %swap3A_378 = arith.constant 31 : i32
    %swap3A_379 = arith.index_cast %swap3A_378 : i32 to index
    %swap3A_380 = arith.constant 32 : index
    %swap3A_381 = tpu.vector_load %arg8[%swap3A_379, %swap3A_380] {strides = array<i32>} : memref<64x64xbf16, #tpu.memory_space<vmem>>, vector<1x32xbf16>,
    %swap3A_382 = vector.shape_cast %swap3A_381 : vector<1x32xbf16> to vector<32xbf16>
    %swap3A_383 = vector.shape_cast %broadcast_in_dim3A_0 : vector<32xbf16> to vector<1x32xbf16>
    tpu.vector_store %arg8[%swap3A_379, %swap3A_380], %swap3A_383 {strides = array<i32>} : memref<64x64xbf16, #tpu.memory_space<vmem>>, vector<1x32xbf16>,
    %swap3A_384 = arith.constant 32 : i32
    %swap3A_385 = arith.index_cast %swap3A_384 : i32 to index
    %swap3A_386 = arith.constant 0 : index
    %swap3A_387 = tpu.vector_load %arg8[%swap3A_385, %swap3A_386] {strides = array<i32>} : memref<64x64xbf16, #tpu.memory_space<vmem>>, vector<1x32xbf16>,
    %swap3A_388 = vector.shape_cast %swap3A_387 : vector<1x32xbf16> to vector<32xbf16>
    %swap3A_389 = vector.shape_cast %broadcast_in_dim3A_0 : vector<32xbf16> to vector<1x32xbf16>
    tpu.vector_store %arg8[%swap3A_385, %swap3A_386], %swap3A_389 {strides = array<i32>} : memref<64x64xbf16, #tpu.memory_space<vmem>>, vector<1x32xbf16>,
    %swap3A_390 = arith.constant 32 : i32
    %swap3A_391 = arith.index_cast %swap3A_390 : i32 to index
    %swap3A_392 = arith.constant 32 : index
    %swap3A_393 = tpu.vector_load %arg8[%swap3A_391, %swap3A_392] {strides = array<i32>} : memref<64x64xbf16, #tpu.memory_space<vmem>>, vector<1x32xbf16>,
    %swap3A_394 = vector.shape_cast %swap3A_393 : vector<1x32xbf16> to vector<32xbf16>
    %swap3A_395 = vector.shape_cast %broadcast_in_dim3A_0 : vector<32xbf16> to vector<1x32xbf16>
    tpu.vector_store %arg8[%swap3A_391, %swap3A_392], %swap3A_395 {strides = array<i32>} : memref<64x64xbf16, #tpu.memory_space<vmem>>, vector<1x32xbf16>,
    %swap3A_396 = arith.constant 33 : i32
    %swap3A_397 = arith.index_cast %swap3A_396 : i32 to index
    %swap3A_398 = arith.constant 0 : index
    %swap3A_399 = tpu.vector_load %arg8[%swap3A_397, %swap3A_398] {strides = array<i32>} : memref<64x64xbf16, #tpu.memory_space<vmem>>, vector<1x32xbf16>,
    %swap3A_400 = vector.shape_cast %swap3A_399 : vector<1x32xbf16> to vector<32xbf16>
    %swap3A_401 = vector.shape_cast %broadcast_in_dim3A_0 : vector<32xbf16> to vector<1x32xbf16>
    tpu.vector_store %arg8[%swap3A_397, %swap3A_398], %swap3A_401 {strides = array<i32>} : memref<64x64xbf16, #tpu.memory_space<vmem>>, vector<1x32xbf16>,
    %swap3A_402 = arith.constant 33 : i32
    %swap3A_403 = arith.index_cast %swap3A_402 : i32 to index
    %swap3A_404 = arith.constant 32 : index
    %swap3A_405 = tpu.vector_load %arg8[%swap3A_403, %swap3A_404] {strides = array<i32>} : memref<64x64xbf16, #tpu.memory_space<vmem>>, vector<1x32xbf16>,
    %swap3A_406 = vector.shape_cast %swap3A_405 : vector<1x32xbf16> to vector<32xbf16>
    %swap3A_407 = vector.shape_cast %broadcast_in_dim3A_0 : vector<32xbf16> to vector<1x32xbf16>
    tpu.vector_store %arg8[%swap3A_403, %swap3A_404], %swap3A_407 {strides = array<i32>} : memref<64x64xbf16, #tpu.memory_space<vmem>>, vector<1x32xbf16>,
    %swap3A_408 = arith.constant 34 : i32
    %swap3A_409 = arith.index_cast %swap3A_408 : i32 to index
    %swap3A_410 = arith.constant 0 : index
    %swap3A_411 = tpu.vector_load %arg8[%swap3A_409, %swap3A_410] {strides = array<i32>} : memref<64x64xbf16, #tpu.memory_space<vmem>>, vector<1x32xbf16>,
    %swap3A_412 = vector.shape_cast %swap3A_411 : vector<1x32xbf16> to vector<32xbf16>
    %swap3A_413 = vector.shape_cast %broadcast_in_dim3A_0 : vector<32xbf16> to vector<1x32xbf16>
    tpu.vector_store %arg8[%swap3A_409, %swap3A_410], %swap3A_413 {strides = array<i32>} : memref<64x64xbf16, #tpu.memory_space<vmem>>, vector<1x32xbf16>,
    %swap3A_414 = arith.constant 34 : i32
    %swap3A_415 = arith.index_cast %swap3A_414 : i32 to index
    %swap3A_416 = arith.constant 32 : index
    %swap3A_417 = tpu.vector_load %arg8[%swap3A_415, %swap3A_416] {strides = array<i32>} : memref<64x64xbf16, #tpu.memory_space<vmem>>, vector<1x32xbf16>,
    %swap3A_418 = vector.shape_cast %swap3A_417 : vector<1x32xbf16> to vector<32xbf16>
    %swap3A_419 = vector.shape_cast %broadcast_in_dim3A_0 : vector<32xbf16> to vector<1x32xbf16>
    tpu.vector_store %arg8[%swap3A_415, %swap3A_416], %swap3A_419 {strides = array<i32>} : memref<64x64xbf16, #tpu.memory_space<vmem>>, vector<1x32xbf16>,
    %swap3A_420 = arith.constant 35 : i32
    %swap3A_421 = arith.index_cast %swap3A_420 : i32 to index
    %swap3A_422 = arith.constant 0 : index
    %swap3A_423 = tpu.vector_load %arg8[%swap3A_421, %swap3A_422] {strides = array<i32>} : memref<64x64xbf16, #tpu.memory_space<vmem>>, vector<1x32xbf16>,
    %swap3A_424 = vector.shape_cast %swap3A_423 : vector<1x32xbf16> to vector<32xbf16>
    %swap3A_425 = vector.shape_cast %broadcast_in_dim3A_0 : vector<32xbf16> to vector<1x32xbf16>
    tpu.vector_store %arg8[%swap3A_421, %swap3A_422], %swap3A_425 {strides = array<i32>} : memref<64x64xbf16, #tpu.memory_space<vmem>>, vector<1x32xbf16>,
    %swap3A_426 = arith.constant 35 : i32
    %swap3A_427 = arith.index_cast %swap3A_426 : i32 to index
    %swap3A_428 = arith.constant 32 : index
    %swap3A_429 = tpu.vector_load %arg8[%swap3A_427, %swap3A_428] {strides = array<i32>} : memref<64x64xbf16, #tpu.memory_space<vmem>>, vector<1x32xbf16>,
    %swap3A_430 = vector.shape_cast %swap3A_429 : vector<1x32xbf16> to vector<32xbf16>
    %swap3A_431 = vector.shape_cast %broadcast_in_dim3A_0 : vector<32xbf16> to vector<1x32xbf16>
    tpu.vector_store %arg8[%swap3A_427, %swap3A_428], %swap3A_431 {strides = array<i32>} : memref<64x64xbf16, #tpu.memory_space<vmem>>, vector<1x32xbf16>,
    %swap3A_432 = arith.constant 36 : i32
    %swap3A_433 = arith.index_cast %swap3A_432 : i32 to index
    %swap3A_434 = arith.constant 0 : index
    %swap3A_435 = tpu.vector_load %arg8[%swap3A_433, %swap3A_434] {strides = array<i32>} : memref<64x64xbf16, #tpu.memory_space<vmem>>, vector<1x32xbf16>,
    %swap3A_436 = vector.shape_cast %swap3A_435 : vector<1x32xbf16> to vector<32xbf16>
    %swap3A_437 = vector.shape_cast %broadcast_in_dim3A_0 : vector<32xbf16> to vector<1x32xbf16>
    tpu.vector_store %arg8[%swap3A_433, %swap3A_434], %swap3A_437 {strides = array<i32>} : memref<64x64xbf16, #tpu.memory_space<vmem>>, vector<1x32xbf16>,
    %swap3A_438 = arith.constant 36 : i32
    %swap3A_439 = arith.index_cast %swap3A_438 : i32 to index
    %swap3A_440 = arith.constant 32 : index
    %swap3A_441 = tpu.vector_load %arg8[%swap3A_439, %swap3A_440] {strides = array<i32>} : memref<64x64xbf16, #tpu.memory_space<vmem>>, vector<1x32xbf16>,
    %swap3A_442 = vector.shape_cast %swap3A_441 : vector<1x32xbf16> to vector<32xbf16>
    %swap3A_443 = vector.shape_cast %broadcast_in_dim3A_0 : vector<32xbf16> to vector<1x32xbf16>
    tpu.vector_store %arg8[%swap3A_439, %swap3A_440], %swap3A_443 {strides = array<i32>} : memref<64x64xbf16, #tpu.memory_space<vmem>>, vector<1x32xbf16>,
    %swap3A_444 = arith.constant 37 : i32
    %swap3A_445 = arith.index_cast %swap3A_444 : i32 to index
    %swap3A_446 = arith.constant 0 : index
    %swap3A_447 = tpu.vector_load %arg8[%swap3A_445, %swap3A_446] {strides = array<i32>} : memref<64x64xbf16, #tpu.memory_space<vmem>>, vector<1x32xbf16>,
    %swap3A_448 = vector.shape_cast %swap3A_447 : vector<1x32xbf16> to vector<32xbf16>
    %swap3A_449 = vector.shape_cast %broadcast_in_dim3A_0 : vector<32xbf16> to vector<1x32xbf16>
    tpu.vector_store %arg8[%swap3A_445, %swap3A_446], %swap3A_449 {strides = array<i32>} : memref<64x64xbf16, #tpu.memory_space<vmem>>, vector<1x32xbf16>,
    %swap3A_450 = arith.constant 37 : i32
    %swap3A_451 = arith.index_cast %swap3A_450 : i32 to index
    %swap3A_452 = arith.constant 32 : index
    %swap3A_453 = tpu.vector_load %arg8[%swap3A_451, %swap3A_452] {strides = array<i32>} : memref<64x64xbf16, #tpu.memory_space<vmem>>, vector<1x32xbf16>,
    %swap3A_454 = vector.shape_cast %swap3A_453 : vector<1x32xbf16> to vector<32xbf16>
    %swap3A_455 = vector.shape_cast %broadcast_in_dim3A_0 : vector<32xbf16> to vector<1x32xbf16>
    tpu.vector_store %arg8[%swap3A_451, %swap3A_452], %swap3A_455 {strides = array<i32>} : memref<64x64xbf16, #tpu.memory_space<vmem>>, vector<1x32xbf16>,
    %swap3A_456 = arith.constant 38 : i32
    %swap3A_457 = arith.index_cast %swap3A_456 : i32 to index
    %swap3A_458 = arith.constant 0 : index
    %swap3A_459 = tpu.vector_load %arg8[%swap3A_457, %swap3A_458] {strides = array<i32>} : memref<64x64xbf16, #tpu.memory_space<vmem>>, vector<1x32xbf16>,
    %swap3A_460 = vector.shape_cast %swap3A_459 : vector<1x32xbf16> to vector<32xbf16>
    %swap3A_461 = vector.shape_cast %broadcast_in_dim3A_0 : vector<32xbf16> to vector<1x32xbf16>
    tpu.vector_store %arg8[%swap3A_457, %swap3A_458], %swap3A_461 {strides = array<i32>} : memref<64x64xbf16, #tpu.memory_space<vmem>>, vector<1x32xbf16>,
    %swap3A_462 = arith.constant 38 : i32
    %swap3A_463 = arith.index_cast %swap3A_462 : i32 to index
    %swap3A_464 = arith.constant 32 : index
    %swap3A_465 = tpu.vector_load %arg8[%swap3A_463, %swap3A_464] {strides = array<i32>} : memref<64x64xbf16, #tpu.memory_space<vmem>>, vector<1x32xbf16>,
    %swap3A_466 = vector.shape_cast %swap3A_465 : vector<1x32xbf16> to vector<32xbf16>
    %swap3A_467 = vector.shape_cast %broadcast_in_dim3A_0 : vector<32xbf16> to vector<1x32xbf16>
    tpu.vector_store %arg8[%swap3A_463, %swap3A_464], %swap3A_467 {strides = array<i32>} : memref<64x64xbf16, #tpu.memory_space<vmem>>, vector<1x32xbf16>,
    %swap3A_468 = arith.constant 39 : i32
    %swap3A_469 = arith.index_cast %swap3A_468 : i32 to index
    %swap3A_470 = arith.constant 0 : index
    %swap3A_471 = tpu.vector_load %arg8[%swap3A_469, %swap3A_470] {strides = array<i32>} : memref<64x64xbf16, #tpu.memory_space<vmem>>, vector<1x32xbf16>,
    %swap3A_472 = vector.shape_cast %swap3A_471 : vector<1x32xbf16> to vector<32xbf16>
    %swap3A_473 = vector.shape_cast %broadcast_in_dim3A_0 : vector<32xbf16> to vector<1x32xbf16>
    tpu.vector_store %arg8[%swap3A_469, %swap3A_470], %swap3A_473 {strides = array<i32>} : memref<64x64xbf16, #tpu.memory_space<vmem>>, vector<1x32xbf16>,
    %swap3A_474 = arith.constant 39 : i32
    %swap3A_475 = arith.index_cast %swap3A_474 : i32 to index
    %swap3A_476 = arith.constant 32 : index
    %swap3A_477 = tpu.vector_load %arg8[%swap3A_475, %swap3A_476] {strides = array<i32>} : memref<64x64xbf16, #tpu.memory_space<vmem>>, vector<1x32xbf16>,
    %swap3A_478 = vector.shape_cast %swap3A_477 : vector<1x32xbf16> to vector<32xbf16>
    %swap3A_479 = vector.shape_cast %broadcast_in_dim3A_0 : vector<32xbf16> to vector<1x32xbf16>
    tpu.vector_store %arg8[%swap3A_475, %swap3A_476], %swap3A_479 {strides = array<i32>} : memref<64x64xbf16, #tpu.memory_space<vmem>>, vector<1x32xbf16>,
    %swap3A_480 = arith.constant 40 : i32
    %swap3A_481 = arith.index_cast %swap3A_480 : i32 to index
    %swap3A_482 = arith.constant 0 : index
    %swap3A_483 = tpu.vector_load %arg8[%swap3A_481, %swap3A_482] {strides = array<i32>} : memref<64x64xbf16, #tpu.memory_space<vmem>>, vector<1x32xbf16>,
    %swap3A_484 = vector.shape_cast %swap3A_483 : vector<1x32xbf16> to vector<32xbf16>
    %swap3A_485 = vector.shape_cast %broadcast_in_dim3A_0 : vector<32xbf16> to vector<1x32xbf16>
    tpu.vector_store %arg8[%swap3A_481, %swap3A_482], %swap3A_485 {strides = array<i32>} : memref<64x64xbf16, #tpu.memory_space<vmem>>, vector<1x32xbf16>,
    %swap3A_486 = arith.constant 40 : i32
    %swap3A_487 = arith.index_cast %swap3A_486 : i32 to index
    %swap3A_488 = arith.constant 32 : index
    %swap3A_489 = tpu.vector_load %arg8[%swap3A_487, %swap3A_488] {strides = array<i32>} : memref<64x64xbf16, #tpu.memory_space<vmem>>, vector<1x32xbf16>,
    %swap3A_490 = vector.shape_cast %swap3A_489 : vector<1x32xbf16> to vector<32xbf16>
    %swap3A_491 = vector.shape_cast %broadcast_in_dim3A_0 : vector<32xbf16> to vector<1x32xbf16>
    tpu.vector_store %arg8[%swap3A_487, %swap3A_488], %swap3A_491 {strides = array<i32>} : memref<64x64xbf16, #tpu.memory_space<vmem>>, vector<1x32xbf16>,
    %swap3A_492 = arith.constant 41 : i32
    %swap3A_493 = arith.index_cast %swap3A_492 : i32 to index
    %swap3A_494 = arith.constant 0 : index
    %swap3A_495 = tpu.vector_load %arg8[%swap3A_493, %swap3A_494] {strides = array<i32>} : memref<64x64xbf16, #tpu.memory_space<vmem>>, vector<1x32xbf16>,
    %swap3A_496 = vector.shape_cast %swap3A_495 : vector<1x32xbf16> to vector<32xbf16>
    %swap3A_497 = vector.shape_cast %broadcast_in_dim3A_0 : vector<32xbf16> to vector<1x32xbf16>
    tpu.vector_store %arg8[%swap3A_493, %swap3A_494], %swap3A_497 {strides = array<i32>} : memref<64x64xbf16, #tpu.memory_space<vmem>>, vector<1x32xbf16>,
    %swap3A_498 = arith.constant 41 : i32
    %swap3A_499 = arith.index_cast %swap3A_498 : i32 to index
    %swap3A_500 = arith.constant 32 : index
    %swap3A_501 = tpu.vector_load %arg8[%swap3A_499, %swap3A_500] {strides = array<i32>} : memref<64x64xbf16, #tpu.memory_space<vmem>>, vector<1x32xbf16>,
    %swap3A_502 = vector.shape_cast %swap3A_501 : vector<1x32xbf16> to vector<32xbf16>
    %swap3A_503 = vector.shape_cast %broadcast_in_dim3A_0 : vector<32xbf16> to vector<1x32xbf16>
    tpu.vector_store %arg8[%swap3A_499, %swap3A_500], %swap3A_503 {strides = array<i32>} : memref<64x64xbf16, #tpu.memory_space<vmem>>, vector<1x32xbf16>,
    %swap3A_504 = arith.constant 42 : i32
    %swap3A_505 = arith.index_cast %swap3A_504 : i32 to index
    %swap3A_506 = arith.constant 0 : index
    %swap3A_507 = tpu.vector_load %arg8[%swap3A_505, %swap3A_506] {strides = array<i32>} : memref<64x64xbf16, #tpu.memory_space<vmem>>, vector<1x32xbf16>,
    %swap3A_508 = vector.shape_cast %swap3A_507 : vector<1x32xbf16> to vector<32xbf16>
    %swap3A_509 = vector.shape_cast %broadcast_in_dim3A_0 : vector<32xbf16> to vector<1x32xbf16>
    tpu.vector_store %arg8[%swap3A_505, %swap3A_506], %swap3A_509 {strides = array<i32>} : memref<64x64xbf16, #tpu.memory_space<vmem>>, vector<1x32xbf16>,
    %swap3A_510 = arith.constant 42 : i32
    %swap3A_511 = arith.index_cast %swap3A_510 : i32 to index
    %swap3A_512 = arith.constant 32 : index
    %swap3A_513 = tpu.vector_load %arg8[%swap3A_511, %swap3A_512] {strides = array<i32>} : memref<64x64xbf16, #tpu.memory_space<vmem>>, vector<1x32xbf16>,
    %swap3A_514 = vector.shape_cast %swap3A_513 : vector<1x32xbf16> to vector<32xbf16>
    %swap3A_515 = vector.shape_cast %broadcast_in_dim3A_0 : vector<32xbf16> to vector<1x32xbf16>
    tpu.vector_store %arg8[%swap3A_511, %swap3A_512], %swap3A_515 {strides = array<i32>} : memref<64x64xbf16, #tpu.memory_space<vmem>>, vector<1x32xbf16>,
    %swap3A_516 = arith.constant 43 : i32
    %swap3A_517 = arith.index_cast %swap3A_516 : i32 to index
    %swap3A_518 = arith.constant 0 : index
    %swap3A_519 = tpu.vector_load %arg8[%swap3A_517, %swap3A_518] {strides = array<i32>} : memref<64x64xbf16, #tpu.memory_space<vmem>>, vector<1x32xbf16>,
    %swap3A_520 = vector.shape_cast %swap3A_519 : vector<1x32xbf16> to vector<32xbf16>
    %swap3A_521 = vector.shape_cast %broadcast_in_dim3A_0 : vector<32xbf16> to vector<1x32xbf16>
    tpu.vector_store %arg8[%swap3A_517, %swap3A_518], %swap3A_521 {strides = array<i32>} : memref<64x64xbf16, #tpu.memory_space<vmem>>, vector<1x32xbf16>,
    %swap3A_522 = arith.constant 43 : i32
    %swap3A_523 = arith.index_cast %swap3A_522 : i32 to index
    %swap3A_524 = arith.constant 32 : index
    %swap3A_525 = tpu.vector_load %arg8[%swap3A_523, %swap3A_524] {strides = array<i32>} : memref<64x64xbf16, #tpu.memory_space<vmem>>, vector<1x32xbf16>,
    %swap3A_526 = vector.shape_cast %swap3A_525 : vector<1x32xbf16> to vector<32xbf16>
    %swap3A_527 = vector.shape_cast %broadcast_in_dim3A_0 : vector<32xbf16> to vector<1x32xbf16>
    tpu.vector_store %arg8[%swap3A_523, %swap3A_524], %swap3A_527 {strides = array<i32>} : memref<64x64xbf16, #tpu.memory_space<vmem>>, vector<1x32xbf16>,
    %swap3A_528 = arith.constant 44 : i32
    %swap3A_529 = arith.index_cast %swap3A_528 : i32 to index
    %swap3A_530 = arith.constant 0 : index
    %swap3A_531 = tpu.vector_load %arg8[%swap3A_529, %swap3A_530] {strides = array<i32>} : memref<64x64xbf16, #tpu.memory_space<vmem>>, vector<1x32xbf16>,
    %swap3A_532 = vector.shape_cast %swap3A_531 : vector<1x32xbf16> to vector<32xbf16>
    %swap3A_533 = vector.shape_cast %broadcast_in_dim3A_0 : vector<32xbf16> to vector<1x32xbf16>
    tpu.vector_store %arg8[%swap3A_529, %swap3A_530], %swap3A_533 {strides = array<i32>} : memref<64x64xbf16, #tpu.memory_space<vmem>>, vector<1x32xbf16>,
    %swap3A_534 = arith.constant 44 : i32
    %swap3A_535 = arith.index_cast %swap3A_534 : i32 to index
    %swap3A_536 = arith.constant 32 : index
    %swap3A_537 = tpu.vector_load %arg8[%swap3A_535, %swap3A_536] {strides = array<i32>} : memref<64x64xbf16, #tpu.memory_space<vmem>>, vector<1x32xbf16>,
    %swap3A_538 = vector.shape_cast %swap3A_537 : vector<1x32xbf16> to vector<32xbf16>
    %swap3A_539 = vector.shape_cast %broadcast_in_dim3A_0 : vector<32xbf16> to vector<1x32xbf16>
    tpu.vector_store %arg8[%swap3A_535, %swap3A_536], %swap3A_539 {strides = array<i32>} : memref<64x64xbf16, #tpu.memory_space<vmem>>, vector<1x32xbf16>,
    %swap3A_540 = arith.constant 45 : i32
    %swap3A_541 = arith.index_cast %swap3A_540 : i32 to index
    %swap3A_542 = arith.constant 0 : index
    %swap3A_543 = tpu.vector_load %arg8[%swap3A_541, %swap3A_542] {strides = array<i32>} : memref<64x64xbf16, #tpu.memory_space<vmem>>, vector<1x32xbf16>,
    %swap3A_544 = vector.shape_cast %swap3A_543 : vector<1x32xbf16> to vector<32xbf16>
    %swap3A_545 = vector.shape_cast %broadcast_in_dim3A_0 : vector<32xbf16> to vector<1x32xbf16>
    tpu.vector_store %arg8[%swap3A_541, %swap3A_542], %swap3A_545 {strides = array<i32>} : memref<64x64xbf16, #tpu.memory_space<vmem>>, vector<1x32xbf16>,
    %swap3A_546 = arith.constant 45 : i32
    %swap3A_547 = arith.index_cast %swap3A_546 : i32 to index
    %swap3A_548 = arith.constant 32 : index
    %swap3A_549 = tpu.vector_load %arg8[%swap3A_547, %swap3A_548] {strides = array<i32>} : memref<64x64xbf16, #tpu.memory_space<vmem>>, vector<1x32xbf16>,
    %swap3A_550 = vector.shape_cast %swap3A_549 : vector<1x32xbf16> to vector<32xbf16>
    %swap3A_551 = vector.shape_cast %broadcast_in_dim3A_0 : vector<32xbf16> to vector<1x32xbf16>
    tpu.vector_store %arg8[%swap3A_547, %swap3A_548], %swap3A_551 {strides = array<i32>} : memref<64x64xbf16, #tpu.memory_space<vmem>>, vector<1x32xbf16>,
    %swap3A_552 = arith.constant 46 : i32
    %swap3A_553 = arith.index_cast %swap3A_552 : i32 to index
    %swap3A_554 = arith.constant 0 : index
    %swap3A_555 = tpu.vector_load %arg8[%swap3A_553, %swap3A_554] {strides = array<i32>} : memref<64x64xbf16, #tpu.memory_space<vmem>>, vector<1x32xbf16>,
    %swap3A_556 = vector.shape_cast %swap3A_555 : vector<1x32xbf16> to vector<32xbf16>
    %swap3A_557 = vector.shape_cast %broadcast_in_dim3A_0 : vector<32xbf16> to vector<1x32xbf16>
    tpu.vector_store %arg8[%swap3A_553, %swap3A_554], %swap3A_557 {strides = array<i32>} : memref<64x64xbf16, #tpu.memory_space<vmem>>, vector<1x32xbf16>,
    %swap3A_558 = arith.constant 46 : i32
    %swap3A_559 = arith.index_cast %swap3A_558 : i32 to index
    %swap3A_560 = arith.constant 32 : index
    %swap3A_561 = tpu.vector_load %arg8[%swap3A_559, %swap3A_560] {strides = array<i32>} : memref<64x64xbf16, #tpu.memory_space<vmem>>, vector<1x32xbf16>,
    %swap3A_562 = vector.shape_cast %swap3A_561 : vector<1x32xbf16> to vector<32xbf16>
    %swap3A_563 = vector.shape_cast %broadcast_in_dim3A_0 : vector<32xbf16> to vector<1x32xbf16>
    tpu.vector_store %arg8[%swap3A_559, %swap3A_560], %swap3A_563 {strides = array<i32>} : memref<64x64xbf16, #tpu.memory_space<vmem>>, vector<1x32xbf16>,
    %swap3A_564 = arith.constant 47 : i32
    %swap3A_565 = arith.index_cast %swap3A_564 : i32 to index
    %swap3A_566 = arith.constant 0 : index
    %swap3A_567 = tpu.vector_load %arg8[%swap3A_565, %swap3A_566] {strides = array<i32>} : memref<64x64xbf16, #tpu.memory_space<vmem>>, vector<1x32xbf16>,
    %swap3A_568 = vector.shape_cast %swap3A_567 : vector<1x32xbf16> to vector<32xbf16>
    %swap3A_569 = vector.shape_cast %broadcast_in_dim3A_0 : vector<32xbf16> to vector<1x32xbf16>
    tpu.vector_store %arg8[%swap3A_565, %swap3A_566], %swap3A_569 {strides = array<i32>} : memref<64x64xbf16, #tpu.memory_space<vmem>>, vector<1x32xbf16>,
    %swap3A_570 = arith.constant 47 : i32
    %swap3A_571 = arith.index_cast %swap3A_570 : i32 to index
    %swap3A_572 = arith.constant 32 : index
    %swap3A_573 = tpu.vector_load %arg8[%swap3A_571, %swap3A_572] {strides = array<i32>} : memref<64x64xbf16, #tpu.memory_space<vmem>>, vector<1x32xbf16>,
    %swap3A_574 = vector.shape_cast %swap3A_573 : vector<1x32xbf16> to vector<32xbf16>
    %swap3A_575 = vector.shape_cast %broadcast_in_dim3A_0 : vector<32xbf16> to vector<1x32xbf16>
    tpu.vector_store %arg8[%swap3A_571, %swap3A_572], %swap3A_575 {strides = array<i32>} : memref<64x64xbf16, #tpu.memory_space<vmem>>, vector<1x32xbf16>,
    %swap3A_576 = arith.constant 48 : i32
    %swap3A_577 = arith.index_cast %swap3A_576 : i32 to index
    %swap3A_578 = arith.constant 0 : index
    %swap3A_579 = tpu.vector_load %arg8[%swap3A_577, %swap3A_578] {strides = array<i32>} : memref<64x64xbf16, #tpu.memory_space<vmem>>, vector<1x32xbf16>,
    %swap3A_580 = vector.shape_cast %swap3A_579 : vector<1x32xbf16> to vector<32xbf16>
    %swap3A_581 = vector.shape_cast %broadcast_in_dim3A_0 : vector<32xbf16> to vector<1x32xbf16>
    tpu.vector_store %arg8[%swap3A_577, %swap3A_578], %swap3A_581 {strides = array<i32>} : memref<64x64xbf16, #tpu.memory_space<vmem>>, vector<1x32xbf16>,
    %swap3A_582 = arith.constant 48 : i32
    %swap3A_583 = arith.index_cast %swap3A_582 : i32 to index
    %swap3A_584 = arith.constant 32 : index
    %swap3A_585 = tpu.vector_load %arg8[%swap3A_583, %swap3A_584] {strides = array<i32>} : memref<64x64xbf16, #tpu.memory_space<vmem>>, vector<1x32xbf16>,
    %swap3A_586 = vector.shape_cast %swap3A_585 : vector<1x32xbf16> to vector<32xbf16>
    %swap3A_587 = vector.shape_cast %broadcast_in_dim3A_0 : vector<32xbf16> to vector<1x32xbf16>
    tpu.vector_store %arg8[%swap3A_583, %swap3A_584], %swap3A_587 {strides = array<i32>} : memref<64x64xbf16, #tpu.memory_space<vmem>>, vector<1x32xbf16>,
    %swap3A_588 = arith.constant 49 : i32
    %swap3A_589 = arith.index_cast %swap3A_588 : i32 to index
    %swap3A_590 = arith.constant 0 : index
    %swap3A_591 = tpu.vector_load %arg8[%swap3A_589, %swap3A_590] {strides = array<i32>} : memref<64x64xbf16, #tpu.memory_space<vmem>>, vector<1x32xbf16>,
    %swap3A_592 = vector.shape_cast %swap3A_591 : vector<1x32xbf16> to vector<32xbf16>
    %swap3A_593 = vector.shape_cast %broadcast_in_dim3A_0 : vector<32xbf16> to vector<1x32xbf16>
    tpu.vector_store %arg8[%swap3A_589, %swap3A_590], %swap3A_593 {strides = array<i32>} : memref<64x64xbf16, #tpu.memory_space<vmem>>, vector<1x32xbf16>,
    %swap3A_594 = arith.constant 49 : i32
    %swap3A_595 = arith.index_cast %swap3A_594 : i32 to index
    %swap3A_596 = arith.constant 32 : index
    %swap3A_597 = tpu.vector_load %arg8[%swap3A_595, %swap3A_596] {strides = array<i32>} : memref<64x64xbf16, #tpu.memory_space<vmem>>, vector<1x32xbf16>,
    %swap3A_598 = vector.shape_cast %swap3A_597 : vector<1x32xbf16> to vector<32xbf16>
    %swap3A_599 = vector.shape_cast %broadcast_in_dim3A_0 : vector<32xbf16> to vector<1x32xbf16>
    tpu.vector_store %arg8[%swap3A_595, %swap3A_596], %swap3A_599 {strides = array<i32>} : memref<64x64xbf16, #tpu.memory_space<vmem>>, vector<1x32xbf16>,
    %swap3A_600 = arith.constant 50 : i32
    %swap3A_601 = arith.index_cast %swap3A_600 : i32 to index
    %swap3A_602 = arith.constant 0 : index
    %swap3A_603 = tpu.vector_load %arg8[%swap3A_601, %swap3A_602] {strides = array<i32>} : memref<64x64xbf16, #tpu.memory_space<vmem>>, vector<1x32xbf16>,
    %swap3A_604 = vector.shape_cast %swap3A_603 : vector<1x32xbf16> to vector<32xbf16>
    %swap3A_605 = vector.shape_cast %broadcast_in_dim3A_0 : vector<32xbf16> to vector<1x32xbf16>
    tpu.vector_store %arg8[%swap3A_601, %swap3A_602], %swap3A_605 {strides = array<i32>} : memref<64x64xbf16, #tpu.memory_space<vmem>>, vector<1x32xbf16>,
    %swap3A_606 = arith.constant 50 : i32
    %swap3A_607 = arith.index_cast %swap3A_606 : i32 to index
    %swap3A_608 = arith.constant 32 : index
    %swap3A_609 = tpu.vector_load %arg8[%swap3A_607, %swap3A_608] {strides = array<i32>} : memref<64x64xbf16, #tpu.memory_space<vmem>>, vector<1x32xbf16>,
    %swap3A_610 = vector.shape_cast %swap3A_609 : vector<1x32xbf16> to vector<32xbf16>
    %swap3A_611 = vector.shape_cast %broadcast_in_dim3A_0 : vector<32xbf16> to vector<1x32xbf16>
    tpu.vector_store %arg8[%swap3A_607, %swap3A_608], %swap3A_611 {strides = array<i32>} : memref<64x64xbf16, #tpu.memory_space<vmem>>, vector<1x32xbf16>,
    %swap3A_612 = arith.constant 51 : i32
    %swap3A_613 = arith.index_cast %swap3A_612 : i32 to index
    %swap3A_614 = arith.constant 0 : index
    %swap3A_615 = tpu.vector_load %arg8[%swap3A_613, %swap3A_614] {strides = array<i32>} : memref<64x64xbf16, #tpu.memory_space<vmem>>, vector<1x32xbf16>,
    %swap3A_616 = vector.shape_cast %swap3A_615 : vector<1x32xbf16> to vector<32xbf16>
    %swap3A_617 = vector.shape_cast %broadcast_in_dim3A_0 : vector<32xbf16> to vector<1x32xbf16>
    tpu.vector_store %arg8[%swap3A_613, %swap3A_614], %swap3A_617 {strides = array<i32>} : memref<64x64xbf16, #tpu.memory_space<vmem>>, vector<1x32xbf16>,
    %swap3A_618 = arith.constant 51 : i32
    %swap3A_619 = arith.index_cast %swap3A_618 : i32 to index
    %swap3A_620 = arith.constant 32 : index
    %swap3A_621 = tpu.vector_load %arg8[%swap3A_619, %swap3A_620] {strides = array<i32>} : memref<64x64xbf16, #tpu.memory_space<vmem>>, vector<1x32xbf16>,
    %swap3A_622 = vector.shape_cast %swap3A_621 : vector<1x32xbf16> to vector<32xbf16>
    %swap3A_623 = vector.shape_cast %broadcast_in_dim3A_0 : vector<32xbf16> to vector<1x32xbf16>
    tpu.vector_store %arg8[%swap3A_619, %swap3A_620], %swap3A_623 {strides = array<i32>} : memref<64x64xbf16, #tpu.memory_space<vmem>>, vector<1x32xbf16>,
    %swap3A_624 = arith.constant 52 : i32
    %swap3A_625 = arith.index_cast %swap3A_624 : i32 to index
    %swap3A_626 = arith.constant 0 : index
    %swap3A_627 = tpu.vector_load %arg8[%swap3A_625, %swap3A_626] {strides = array<i32>} : memref<64x64xbf16, #tpu.memory_space<vmem>>, vector<1x32xbf16>,
    %swap3A_628 = vector.shape_cast %swap3A_627 : vector<1x32xbf16> to vector<32xbf16>
    %swap3A_629 = vector.shape_cast %broadcast_in_dim3A_0 : vector<32xbf16> to vector<1x32xbf16>
    tpu.vector_store %arg8[%swap3A_625, %swap3A_626], %swap3A_629 {strides = array<i32>} : memref<64x64xbf16, #tpu.memory_space<vmem>>, vector<1x32xbf16>,
    %swap3A_630 = arith.constant 52 : i32
    %swap3A_631 = arith.index_cast %swap3A_630 : i32 to index
    %swap3A_632 = arith.constant 32 : index
    %swap3A_633 = tpu.vector_load %arg8[%swap3A_631, %swap3A_632] {strides = array<i32>} : memref<64x64xbf16, #tpu.memory_space<vmem>>, vector<1x32xbf16>,
    %swap3A_634 = vector.shape_cast %swap3A_633 : vector<1x32xbf16> to vector<32xbf16>
    %swap3A_635 = vector.shape_cast %broadcast_in_dim3A_0 : vector<32xbf16> to vector<1x32xbf16>
    tpu.vector_store %arg8[%swap3A_631, %swap3A_632], %swap3A_635 {strides = array<i32>} : memref<64x64xbf16, #tpu.memory_space<vmem>>, vector<1x32xbf16>,
    %swap3A_636 = arith.constant 53 : i32
    %swap3A_637 = arith.index_cast %swap3A_636 : i32 to index
    %swap3A_638 = arith.constant 0 : index
    %swap3A_639 = tpu.vector_load %arg8[%swap3A_637, %swap3A_638] {strides = array<i32>} : memref<64x64xbf16, #tpu.memory_space<vmem>>, vector<1x32xbf16>,
    %swap3A_640 = vector.shape_cast %swap3A_639 : vector<1x32xbf16> to vector<32xbf16>
    %swap3A_641 = vector.shape_cast %broadcast_in_dim3A_0 : vector<32xbf16> to vector<1x32xbf16>
    tpu.vector_store %arg8[%swap3A_637, %swap3A_638], %swap3A_641 {strides = array<i32>} : memref<64x64xbf16, #tpu.memory_space<vmem>>, vector<1x32xbf16>,
    %swap3A_642 = arith.constant 53 : i32
    %swap3A_643 = arith.index_cast %swap3A_642 : i32 to index
    %swap3A_644 = arith.constant 32 : index
    %swap3A_645 = tpu.vector_load %arg8[%swap3A_643, %swap3A_644] {strides = array<i32>} : memref<64x64xbf16, #tpu.memory_space<vmem>>, vector<1x32xbf16>,
    %swap3A_646 = vector.shape_cast %swap3A_645 : vector<1x32xbf16> to vector<32xbf16>
    %swap3A_647 = vector.shape_cast %broadcast_in_dim3A_0 : vector<32xbf16> to vector<1x32xbf16>
    tpu.vector_store %arg8[%swap3A_643, %swap3A_644], %swap3A_647 {strides = array<i32>} : memref<64x64xbf16, #tpu.memory_space<vmem>>, vector<1x32xbf16>,
    %swap3A_648 = arith.constant 54 : i32
    %swap3A_649 = arith.index_cast %swap3A_648 : i32 to index
    %swap3A_650 = arith.constant 0 : index
    %swap3A_651 = tpu.vector_load %arg8[%swap3A_649, %swap3A_650] {strides = array<i32>} : memref<64x64xbf16, #tpu.memory_space<vmem>>, vector<1x32xbf16>,
    %swap3A_652 = vector.shape_cast %swap3A_651 : vector<1x32xbf16> to vector<32xbf16>
    %swap3A_653 = vector.shape_cast %broadcast_in_dim3A_0 : vector<32xbf16> to vector<1x32xbf16>
    tpu.vector_store %arg8[%swap3A_649, %swap3A_650], %swap3A_653 {strides = array<i32>} : memref<64x64xbf16, #tpu.memory_space<vmem>>, vector<1x32xbf16>,
    %swap3A_654 = arith.constant 54 : i32
    %swap3A_655 = arith.index_cast %swap3A_654 : i32 to index
    %swap3A_656 = arith.constant 32 : index
    %swap3A_657 = tpu.vector_load %arg8[%swap3A_655, %swap3A_656] {strides = array<i32>} : memref<64x64xbf16, #tpu.memory_space<vmem>>, vector<1x32xbf16>,
    %swap3A_658 = vector.shape_cast %swap3A_657 : vector<1x32xbf16> to vector<32xbf16>
    %swap3A_659 = vector.shape_cast %broadcast_in_dim3A_0 : vector<32xbf16> to vector<1x32xbf16>
    tpu.vector_store %arg8[%swap3A_655, %swap3A_656], %swap3A_659 {strides = array<i32>} : memref<64x64xbf16, #tpu.memory_space<vmem>>, vector<1x32xbf16>,
    %swap3A_660 = arith.constant 55 : i32
    %swap3A_661 = arith.index_cast %swap3A_660 : i32 to index
    %swap3A_662 = arith.constant 0 : index
    %swap3A_663 = tpu.vector_load %arg8[%swap3A_661, %swap3A_662] {strides = array<i32>} : memref<64x64xbf16, #tpu.memory_space<vmem>>, vector<1x32xbf16>,
    %swap3A_664 = vector.shape_cast %swap3A_663 : vector<1x32xbf16> to vector<32xbf16>
    %swap3A_665 = vector.shape_cast %broadcast_in_dim3A_0 : vector<32xbf16> to vector<1x32xbf16>
    tpu.vector_store %arg8[%swap3A_661, %swap3A_662], %swap3A_665 {strides = array<i32>} : memref<64x64xbf16, #tpu.memory_space<vmem>>, vector<1x32xbf16>,
    %swap3A_666 = arith.constant 55 : i32
    %swap3A_667 = arith.index_cast %swap3A_666 : i32 to index
    %swap3A_668 = arith.constant 32 : index
    %swap3A_669 = tpu.vector_load %arg8[%swap3A_667, %swap3A_668] {strides = array<i32>} : memref<64x64xbf16, #tpu.memory_space<vmem>>, vector<1x32xbf16>,
    %swap3A_670 = vector.shape_cast %swap3A_669 : vector<1x32xbf16> to vector<32xbf16>
    %swap3A_671 = vector.shape_cast %broadcast_in_dim3A_0 : vector<32xbf16> to vector<1x32xbf16>
    tpu.vector_store %arg8[%swap3A_667, %swap3A_668], %swap3A_671 {strides = array<i32>} : memref<64x64xbf16, #tpu.memory_space<vmem>>, vector<1x32xbf16>,
    %swap3A_672 = arith.constant 56 : i32
    %swap3A_673 = arith.index_cast %swap3A_672 : i32 to index
    %swap3A_674 = arith.constant 0 : index
    %swap3A_675 = tpu.vector_load %arg8[%swap3A_673, %swap3A_674] {strides = array<i32>} : memref<64x64xbf16, #tpu.memory_space<vmem>>, vector<1x32xbf16>,
    %swap3A_676 = vector.shape_cast %swap3A_675 : vector<1x32xbf16> to vector<32xbf16>
    %swap3A_677 = vector.shape_cast %broadcast_in_dim3A_0 : vector<32xbf16> to vector<1x32xbf16>
    tpu.vector_store %arg8[%swap3A_673, %swap3A_674], %swap3A_677 {strides = array<i32>} : memref<64x64xbf16, #tpu.memory_space<vmem>>, vector<1x32xbf16>,
    %swap3A_678 = arith.constant 56 : i32
    %swap3A_679 = arith.index_cast %swap3A_678 : i32 to index
    %swap3A_680 = arith.constant 32 : index
    %swap3A_681 = tpu.vector_load %arg8[%swap3A_679, %swap3A_680] {strides = array<i32>} : memref<64x64xbf16, #tpu.memory_space<vmem>>, vector<1x32xbf16>,
    %swap3A_682 = vector.shape_cast %swap3A_681 : vector<1x32xbf16> to vector<32xbf16>
    %swap3A_683 = vector.shape_cast %broadcast_in_dim3A_0 : vector<32xbf16> to vector<1x32xbf16>
    tpu.vector_store %arg8[%swap3A_679, %swap3A_680], %swap3A_683 {strides = array<i32>} : memref<64x64xbf16, #tpu.memory_space<vmem>>, vector<1x32xbf16>,
    %swap3A_684 = arith.constant 57 : i32
    %swap3A_685 = arith.index_cast %swap3A_684 : i32 to index
    %swap3A_686 = arith.constant 0 : index
    %swap3A_687 = tpu.vector_load %arg8[%swap3A_685, %swap3A_686] {strides = array<i32>} : memref<64x64xbf16, #tpu.memory_space<vmem>>, vector<1x32xbf16>,
    %swap3A_688 = vector.shape_cast %swap3A_687 : vector<1x32xbf16> to vector<32xbf16>
    %swap3A_689 = vector.shape_cast %broadcast_in_dim3A_0 : vector<32xbf16> to vector<1x32xbf16>
    tpu.vector_store %arg8[%swap3A_685, %swap3A_686], %swap3A_689 {strides = array<i32>} : memref<64x64xbf16, #tpu.memory_space<vmem>>, vector<1x32xbf16>,
    %swap3A_690 = arith.constant 57 : i32
    %swap3A_691 = arith.index_cast %swap3A_690 : i32 to index
    %swap3A_692 = arith.constant 32 : index
    %swap3A_693 = tpu.vector_load %arg8[%swap3A_691, %swap3A_692] {strides = array<i32>} : memref<64x64xbf16, #tpu.memory_space<vmem>>, vector<1x32xbf16>,
    %swap3A_694 = vector.shape_cast %swap3A_693 : vector<1x32xbf16> to vector<32xbf16>
    %swap3A_695 = vector.shape_cast %broadcast_in_dim3A_0 : vector<32xbf16> to vector<1x32xbf16>
    tpu.vector_store %arg8[%swap3A_691, %swap3A_692], %swap3A_695 {strides = array<i32>} : memref<64x64xbf16, #tpu.memory_space<vmem>>, vector<1x32xbf16>,
    %swap3A_696 = arith.constant 58 : i32
    %swap3A_697 = arith.index_cast %swap3A_696 : i32 to index
    %swap3A_698 = arith.constant 0 : index
    %swap3A_699 = tpu.vector_load %arg8[%swap3A_697, %swap3A_698] {strides = array<i32>} : memref<64x64xbf16, #tpu.memory_space<vmem>>, vector<1x32xbf16>,
    %swap3A_700 = vector.shape_cast %swap3A_699 : vector<1x32xbf16> to vector<32xbf16>
    %swap3A_701 = vector.shape_cast %broadcast_in_dim3A_0 : vector<32xbf16> to vector<1x32xbf16>
    tpu.vector_store %arg8[%swap3A_697, %swap3A_698], %swap3A_701 {strides = array<i32>} : memref<64x64xbf16, #tpu.memory_space<vmem>>, vector<1x32xbf16>,
    %swap3A_702 = arith.constant 58 : i32
    %swap3A_703 = arith.index_cast %swap3A_702 : i32 to index
    %swap3A_704 = arith.constant 32 : index
    %swap3A_705 = tpu.vector_load %arg8[%swap3A_703, %swap3A_704] {strides = array<i32>} : memref<64x64xbf16, #tpu.memory_space<vmem>>, vector<1x32xbf16>,
    %swap3A_706 = vector.shape_cast %swap3A_705 : vector<1x32xbf16> to vector<32xbf16>
    %swap3A_707 = vector.shape_cast %broadcast_in_dim3A_0 : vector<32xbf16> to vector<1x32xbf16>
    tpu.vector_store %arg8[%swap3A_703, %swap3A_704], %swap3A_707 {strides = array<i32>} : memref<64x64xbf16, #tpu.memory_space<vmem>>, vector<1x32xbf16>,
    %swap3A_708 = arith.constant 59 : i32
    %swap3A_709 = arith.index_cast %swap3A_708 : i32 to index
    %swap3A_710 = arith.constant 0 : index
    %swap3A_711 = tpu.vector_load %arg8[%swap3A_709, %swap3A_710] {strides = array<i32>} : memref<64x64xbf16, #tpu.memory_space<vmem>>, vector<1x32xbf16>,
    %swap3A_712 = vector.shape_cast %swap3A_711 : vector<1x32xbf16> to vector<32xbf16>
    %swap3A_713 = vector.shape_cast %broadcast_in_dim3A_0 : vector<32xbf16> to vector<1x32xbf16>
    tpu.vector_store %arg8[%swap3A_709, %swap3A_710], %swap3A_713 {strides = array<i32>} : memref<64x64xbf16, #tpu.memory_space<vmem>>, vector<1x32xbf16>,
    %swap3A_714 = arith.constant 59 : i32
    %swap3A_715 = arith.index_cast %swap3A_714 : i32 to index
    %swap3A_716 = arith.constant 32 : index
    %swap3A_717 = tpu.vector_load %arg8[%swap3A_715, %swap3A_716] {strides = array<i32>} : memref<64x64xbf16, #tpu.memory_space<vmem>>, vector<1x32xbf16>,
    %swap3A_718 = vector.shape_cast %swap3A_717 : vector<1x32xbf16> to vector<32xbf16>
    %swap3A_719 = vector.shape_cast %broadcast_in_dim3A_0 : vector<32xbf16> to vector<1x32xbf16>
    tpu.vector_store %arg8[%swap3A_715, %swap3A_716], %swap3A_719 {strides = array<i32>} : memref<64x64xbf16, #tpu.memory_space<vmem>>, vector<1x32xbf16>,
    %swap3A_720 = arith.constant 60 : i32
    %swap3A_721 = arith.index_cast %swap3A_720 : i32 to index
    %swap3A_722 = arith.constant 0 : index
    %swap3A_723 = tpu.vector_load %arg8[%swap3A_721, %swap3A_722] {strides = array<i32>} : memref<64x64xbf16, #tpu.memory_space<vmem>>, vector<1x32xbf16>,
    %swap3A_724 = vector.shape_cast %swap3A_723 : vector<1x32xbf16> to vector<32xbf16>
    %swap3A_725 = vector.shape_cast %broadcast_in_dim3A_0 : vector<32xbf16> to vector<1x32xbf16>
    tpu.vector_store %arg8[%swap3A_721, %swap3A_722], %swap3A_725 {strides = array<i32>} : memref<64x64xbf16, #tpu.memory_space<vmem>>, vector<1x32xbf16>,
    %swap3A_726 = arith.constant 60 : i32
    %swap3A_727 = arith.index_cast %swap3A_726 : i32 to index
    %swap3A_728 = arith.constant 32 : index
    %swap3A_729 = tpu.vector_load %arg8[%swap3A_727, %swap3A_728] {strides = array<i32>} : memref<64x64xbf16, #tpu.memory_space<vmem>>, vector<1x32xbf16>,
    %swap3A_730 = vector.shape_cast %swap3A_729 : vector<1x32xbf16> to vector<32xbf16>
    %swap3A_731 = vector.shape_cast %broadcast_in_dim3A_0 : vector<32xbf16> to vector<1x32xbf16>
    tpu.vector_store %arg8[%swap3A_727, %swap3A_728], %swap3A_731 {strides = array<i32>} : memref<64x64xbf16, #tpu.memory_space<vmem>>, vector<1x32xbf16>,
    %swap3A_732 = arith.constant 61 : i32
    %swap3A_733 = arith.index_cast %swap3A_732 : i32 to index
    %swap3A_734 = arith.constant 0 : index
    %swap3A_735 = tpu.vector_load %arg8[%swap3A_733, %swap3A_734] {strides = array<i32>} : memref<64x64xbf16, #tpu.memory_space<vmem>>, vector<1x32xbf16>,
    %swap3A_736 = vector.shape_cast %swap3A_735 : vector<1x32xbf16> to vector<32xbf16>
    %swap3A_737 = vector.shape_cast %broadcast_in_dim3A_0 : vector<32xbf16> to vector<1x32xbf16>
    tpu.vector_store %arg8[%swap3A_733, %swap3A_734], %swap3A_737 {strides = array<i32>} : memref<64x64xbf16, #tpu.memory_space<vmem>>, vector<1x32xbf16>,
    %swap3A_738 = arith.constant 61 : i32
    %swap3A_739 = arith.index_cast %swap3A_738 : i32 to index
    %swap3A_740 = arith.constant 32 : index
    %swap3A_741 = tpu.vector_load %arg8[%swap3A_739, %swap3A_740] {strides = array<i32>} : memref<64x64xbf16, #tpu.memory_space<vmem>>, vector<1x32xbf16>,
    %swap3A_742 = vector.shape_cast %swap3A_741 : vector<1x32xbf16> to vector<32xbf16>
    %swap3A_743 = vector.shape_cast %broadcast_in_dim3A_0 : vector<32xbf16> to vector<1x32xbf16>
    tpu.vector_store %arg8[%swap3A_739, %swap3A_740], %swap3A_743 {strides = array<i32>} : memref<64x64xbf16, #tpu.memory_space<vmem>>, vector<1x32xbf16>,
    %swap3A_744 = arith.constant 62 : i32
    %swap3A_745 = arith.index_cast %swap3A_744 : i32 to index
    %swap3A_746 = arith.constant 0 : index
    %swap3A_747 = tpu.vector_load %arg8[%swap3A_745, %swap3A_746] {strides = array<i32>} : memref<64x64xbf16, #tpu.memory_space<vmem>>, vector<1x32xbf16>,
    %swap3A_748 = vector.shape_cast %swap3A_747 : vector<1x32xbf16> to vector<32xbf16>
    %swap3A_749 = vector.shape_cast %broadcast_in_dim3A_0 : vector<32xbf16> to vector<1x32xbf16>
    tpu.vector_store %arg8[%swap3A_745, %swap3A_746], %swap3A_749 {strides = array<i32>} : memref<64x64xbf16, #tpu.memory_space<vmem>>, vector<1x32xbf16>,
    %swap3A_750 = arith.constant 62 : i32
    %swap3A_751 = arith.index_cast %swap3A_750 : i32 to index
    %swap3A_752 = arith.constant 32 : index
    %swap3A_753 = tpu.vector_load %arg8[%swap3A_751, %swap3A_752] {strides = array<i32>} : memref<64x64xbf16, #tpu.memory_space<vmem>>, vector<1x32xbf16>,
    %swap3A_754 = vector.shape_cast %swap3A_753 : vector<1x32xbf16> to vector<32xbf16>
    %swap3A_755 = vector.shape_cast %broadcast_in_dim3A_0 : vector<32xbf16> to vector<1x32xbf16>
    tpu.vector_store %arg8[%swap3A_751, %swap3A_752], %swap3A_755 {strides = array<i32>} : memref<64x64xbf16, #tpu.memory_space<vmem>>, vector<1x32xbf16>,
    %swap3A_756 = arith.constant 63 : i32
    %swap3A_757 = arith.index_cast %swap3A_756 : i32 to index
    %swap3A_758 = arith.constant 0 : index
    %swap3A_759 = tpu.vector_load %arg8[%swap3A_757, %swap3A_758] {strides = array<i32>} : memref<64x64xbf16, #tpu.memory_space<vmem>>, vector<1x32xbf16>,
    %swap3A_760 = vector.shape_cast %swap3A_759 : vector<1x32xbf16> to vector<32xbf16>
    %swap3A_761 = vector.shape_cast %broadcast_in_dim3A_0 : vector<32xbf16> to vector<1x32xbf16>
    tpu.vector_store %arg8[%swap3A_757, %swap3A_758], %swap3A_761 {strides = array<i32>} : memref<64x64xbf16, #tpu.memory_space<vmem>>, vector<1x32xbf16>,
    %swap3A_762 = arith.constant 63 : i32
    %swap3A_763 = arith.index_cast %swap3A_762 : i32 to index
    %swap3A_764 = arith.constant 32 : index
    %swap3A_765 = tpu.vector_load %arg8[%swap3A_763, %swap3A_764] {strides = array<i32>} : memref<64x64xbf16, #tpu.memory_space<vmem>>, vector<1x32xbf16>,
    %swap3A_766 = vector.shape_cast %swap3A_765 : vector<1x32xbf16> to vector<32xbf16>
    %swap3A_767 = vector.shape_cast %broadcast_in_dim3A_0 : vector<32xbf16> to vector<1x32xbf16>
    tpu.vector_store %arg8[%swap3A_763, %swap3A_764], %swap3A_767 {strides = array<i32>} : memref<64x64xbf16, #tpu.memory_space<vmem>>, vector<1x32xbf16>,
    %mul3A = arith.constant 640 : i32
    %mul3A_768 = arith.muli %arg1, %mul3A : i32
    %add3A = arith.constant 0 : i32
    %add3A_769 = arith.addi %mul3A_768, %add3A : i32
    %dma_start3A = arith.constant 0 : i32
    %dma_start3A_770 = tpu.memref_slice %arg9[%add3A_769, %dma_start3A] : memref<10240x64xbf16, #tpu.memory_space<vmem_shared>> -> memref<64x64xbf16, #tpu.memory_space<vmem_shared>>
    %dma_start3A_771 = arith.constant 0 : i32
    %dma_start3A_772 = tpu.memref_slice %arg9[%add3A_769, %dma_start3A_771] : memref<10240x64xbf16, #tpu.memory_space<vmem_shared>> -> memref<64x64xbf16, #tpu.memory_space<vmem_shared>>
    tpu.enqueue_dma source(%arg8 : memref<64x64xbf16, #tpu.memory_space<vmem>>) target(%dma_start3A_772 : memref<64x64xbf16, #tpu.memory_space<vmem_shared>>) target_semaphore(%arg11 : memref<!tpu.dma_semaphore, #tpu.memory_space<semaphore_mem>>)
    %add3A_773 = arith.constant 64 : i32
    %add3A_774 = arith.addi %mul3A_768, %add3A_773 : i32
    %dma_start3A_775 = arith.constant 0 : i32
    %dma_start3A_776 = tpu.memref_slice %arg9[%add3A_774, %dma_start3A_775] : memref<10240x64xbf16, #tpu.memory_space<vmem_shared>> -> memref<64x64xbf16, #tpu.memory_space<vmem_shared>>
    %dma_start3A_777 = arith.constant 0 : i32
    %dma_start3A_778 = tpu.memref_slice %arg9[%add3A_774, %dma_start3A_777] : memref<10240x64xbf16, #tpu.memory_space<vmem_shared>> -> memref<64x64xbf16, #tpu.memory_space<vmem_shared>>
    tpu.enqueue_dma source(%arg8 : memref<64x64xbf16, #tpu.memory_space<vmem>>) target(%dma_start3A_778 : memref<64x64xbf16, #tpu.memory_space<vmem_shared>>) target_semaphore(%arg11 : memref<!tpu.dma_semaphore, #tpu.memory_space<semaphore_mem>>)
    %add3A_779 = arith.constant 128 : i32
    %add3A_780 = arith.addi %mul3A_768, %add3A_779 : i32
    %dma_start3A_781 = arith.constant 0 : i32
    %dma_start3A_782 = tpu.memref_slice %arg9[%add3A_780, %dma_start3A_781] : memref<10240x64xbf16, #tpu.memory_space<vmem_shared>> -> memref<64x64xbf16, #tpu.memory_space<vmem_shared>>
    %dma_start3A_783 = arith.constant 0 : i32
    %dma_start3A_784 = tpu.memref_slice %arg9[%add3A_780, %dma_start3A_783] : memref<10240x64xbf16, #tpu.memory_space<vmem_shared>> -> memref<64x64xbf16, #tpu.memory_space<vmem_shared>>
    tpu.enqueue_dma source(%arg8 : memref<64x64xbf16, #tpu.memory_space<vmem>>) target(%dma_start3A_784 : memref<64x64xbf16, #tpu.memory_space<vmem_shared>>) target_semaphore(%arg11 : memref<!tpu.dma_semaphore, #tpu.memory_space<semaphore_mem>>)
    %add3A_785 = arith.constant 192 : i32
    %add3A_786 = arith.addi %mul3A_768, %add3A_785 : i32
    %dma_start3A_787 = arith.constant 0 : i32
    %dma_start3A_788 = tpu.memref_slice %arg9[%add3A_786, %dma_start3A_787] : memref<10240x64xbf16, #tpu.memory_space<vmem_shared>> -> memref<64x64xbf16, #tpu.memory_space<vmem_shared>>
    %dma_start3A_789 = arith.constant 0 : i32
    %dma_start3A_790 = tpu.memref_slice %arg9[%add3A_786, %dma_start3A_789] : memref<10240x64xbf16, #tpu.memory_space<vmem_shared>> -> memref<64x64xbf16, #tpu.memory_space<vmem_shared>>
    tpu.enqueue_dma source(%arg8 : memref<64x64xbf16, #tpu.memory_space<vmem>>) target(%dma_start3A_790 : memref<64x64xbf16, #tpu.memory_space<vmem_shared>>) target_semaphore(%arg11 : memref<!tpu.dma_semaphore, #tpu.memory_space<semaphore_mem>>)
    %add3A_791 = arith.constant 256 : i32
    %add3A_792 = arith.addi %mul3A_768, %add3A_791 : i32
    %dma_start3A_793 = arith.constant 0 : i32
    %dma_start3A_794 = tpu.memref_slice %arg9[%add3A_792, %dma_start3A_793] : memref<10240x64xbf16, #tpu.memory_space<vmem_shared>> -> memref<64x64xbf16, #tpu.memory_space<vmem_shared>>
    %dma_start3A_795 = arith.constant 0 : i32
    %dma_start3A_796 = tpu.memref_slice %arg9[%add3A_792, %dma_start3A_795] : memref<10240x64xbf16, #tpu.memory_space<vmem_shared>> -> memref<64x64xbf16, #tpu.memory_space<vmem_shared>>
    tpu.enqueue_dma source(%arg8 : memref<64x64xbf16, #tpu.memory_space<vmem>>) target(%dma_start3A_796 : memref<64x64xbf16, #tpu.memory_space<vmem_shared>>) target_semaphore(%arg11 : memref<!tpu.dma_semaphore, #tpu.memory_space<semaphore_mem>>)
    %add3A_797 = arith.constant 320 : i32
    %add3A_798 = arith.addi %mul3A_768, %add3A_797 : i32
    %dma_start3A_799 = arith.constant 0 : i32
    %dma_start3A_800 = tpu.memref_slice %arg9[%add3A_798, %dma_start3A_799] : memref<10240x64xbf16, #tpu.memory_space<vmem_shared>> -> memref<64x64xbf16, #tpu.memory_space<vmem_shared>>
    %dma_start3A_801 = arith.constant 0 : i32
    %dma_start3A_802 = tpu.memref_slice %arg9[%add3A_798, %dma_start3A_801] : memref<10240x64xbf16, #tpu.memory_space<vmem_shared>> -> memref<64x64xbf16, #tpu.memory_space<vmem_shared>>
    tpu.enqueue_dma source(%arg8 : memref<64x64xbf16, #tpu.memory_space<vmem>>) target(%dma_start3A_802 : memref<64x64xbf16, #tpu.memory_space<vmem_shared>>) target_semaphore(%arg11 : memref<!tpu.dma_semaphore, #tpu.memory_space<semaphore_mem>>)
    %add3A_803 = arith.constant 384 : i32
    %add3A_804 = arith.addi %mul3A_768, %add3A_803 : i32
    %dma_start3A_805 = arith.constant 0 : i32
    %dma_start3A_806 = tpu.memref_slice %arg9[%add3A_804, %dma_start3A_805] : memref<10240x64xbf16, #tpu.memory_space<vmem_shared>> -> memref<64x64xbf16, #tpu.memory_space<vmem_shared>>
    %dma_start3A_807 = arith.constant 0 : i32
    %dma_start3A_808 = tpu.memref_slice %arg9[%add3A_804, %dma_start3A_807] : memref<10240x64xbf16, #tpu.memory_space<vmem_shared>> -> memref<64x64xbf16, #tpu.memory_space<vmem_shared>>
    tpu.enqueue_dma source(%arg8 : memref<64x64xbf16, #tpu.memory_space<vmem>>) target(%dma_start3A_808 : memref<64x64xbf16, #tpu.memory_space<vmem_shared>>) target_semaphore(%arg11 : memref<!tpu.dma_semaphore, #tpu.memory_space<semaphore_mem>>)
    %add3A_809 = arith.constant 448 : i32
    %add3A_810 = arith.addi %mul3A_768, %add3A_809 : i32
    %dma_start3A_811 = arith.constant 0 : i32
    %dma_start3A_812 = tpu.memref_slice %arg9[%add3A_810, %dma_start3A_811] : memref<10240x64xbf16, #tpu.memory_space<vmem_shared>> -> memref<64x64xbf16, #tpu.memory_space<vmem_shared>>
    %dma_start3A_813 = arith.constant 0 : i32
    %dma_start3A_814 = tpu.memref_slice %arg9[%add3A_810, %dma_start3A_813] : memref<10240x64xbf16, #tpu.memory_space<vmem_shared>> -> memref<64x64xbf16, #tpu.memory_space<vmem_shared>>
    tpu.enqueue_dma source(%arg8 : memref<64x64xbf16, #tpu.memory_space<vmem>>) target(%dma_start3A_814 : memref<64x64xbf16, #tpu.memory_space<vmem_shared>>) target_semaphore(%arg11 : memref<!tpu.dma_semaphore, #tpu.memory_space<semaphore_mem>>)
    %add3A_815 = arith.constant 512 : i32
    %add3A_816 = arith.addi %mul3A_768, %add3A_815 : i32
    %dma_start3A_817 = arith.constant 0 : i32
    %dma_start3A_818 = tpu.memref_slice %arg9[%add3A_816, %dma_start3A_817] : memref<10240x64xbf16, #tpu.memory_space<vmem_shared>> -> memref<64x64xbf16, #tpu.memory_space<vmem_shared>>
    %dma_start3A_819 = arith.constant 0 : i32
    %dma_start3A_820 = tpu.memref_slice %arg9[%add3A_816, %dma_start3A_819] : memref<10240x64xbf16, #tpu.memory_space<vmem_shared>> -> memref<64x64xbf16, #tpu.memory_space<vmem_shared>>
    tpu.enqueue_dma source(%arg8 : memref<64x64xbf16, #tpu.memory_space<vmem>>) target(%dma_start3A_820 : memref<64x64xbf16, #tpu.memory_space<vmem_shared>>) target_semaphore(%arg11 : memref<!tpu.dma_semaphore, #tpu.memory_space<semaphore_mem>>)
    %add3A_821 = arith.constant 576 : i32
    %add3A_822 = arith.addi %mul3A_768, %add3A_821 : i32
    %dma_start3A_823 = arith.constant 0 : i32
    %dma_start3A_824 = tpu.memref_slice %arg9[%add3A_822, %dma_start3A_823] : memref<10240x64xbf16, #tpu.memory_space<vmem_shared>> -> memref<64x64xbf16, #tpu.memory_space<vmem_shared>>
    %dma_start3A_825 = arith.constant 0 : i32
    %dma_start3A_826 = tpu.memref_slice %arg9[%add3A_822, %dma_start3A_825] : memref<10240x64xbf16, #tpu.memory_space<vmem_shared>> -> memref<64x64xbf16, #tpu.memory_space<vmem_shared>>
    tpu.enqueue_dma source(%arg8 : memref<64x64xbf16, #tpu.memory_space<vmem>>) target(%dma_start3A_826 : memref<64x64xbf16, #tpu.memory_space<vmem_shared>>) target_semaphore(%arg11 : memref<!tpu.dma_semaphore, #tpu.memory_space<semaphore_mem>>)
    %mul3A_827 = arith.constant 625 : i32
    %mul3A_828 = arith.muli %arg1, %mul3A_827 : i32
    %dma_start3A_829 = arith.constant 0 : i32
    %dma_start3A_830 = tpu.memref_slice %arg10[%mul3A_828, %dma_start3A_829] : memref<10000x64xbf16, #tpu.memory_space<vmem_shared>> -> memref<625x64xbf16, #tpu.memory_space<vmem_shared>>
    %dma_start3A_831 = arith.constant 0 : i32
    %dma_start3A_832 = tpu.memref_slice %arg2[%arg0, %mul3A_828, %dma_start3A_831] : memref<2x10000x64xbf16, #tpu.memory_space<hbm>> -> memref<1x625x64xbf16, #tpu.memory_space<hbm>>
    %dma_start3A_833 = tpu.memref_squeeze %dma_start3A_832 : memref<1x625x64xbf16, #tpu.memory_space<hbm>> -> memref<625x64xbf16, #tpu.memory_space<hbm>>
    tpu.enqueue_dma source(%dma_start3A_833 : memref<625x64xbf16, #tpu.memory_space<hbm>>) target(%dma_start3A_830 : memref<625x64xbf16, #tpu.memory_space<vmem_shared>>) target_semaphore(%arg11 : memref<!tpu.dma_semaphore, #tpu.memory_space<semaphore_mem>>)
    %mul3A_834 = arith.constant 20480 : i32
    %mul3A_835 = arith.muli %arg1, %mul3A_834 : i32
    %lt3A = arith.constant 15 : i32
    %lt3A_836 = arith.cmpi slt, %arg1, %lt3A : i32
    %convert_element_type3A = arith.extui %lt3A_836 : i1 to i32
    %cond3A = arith.constant 0 : i32
    %cond3A_837 = arith.cmpi ne, %convert_element_type3A, %cond3A : i32
    scf.if %cond3A_837 {
      %run_scoped3A = arith.constant 0 : i32
      "tpu.region"() ({
        %run_scoped3A_905 = tpu.sem_alloc : memref<!tpu.dma_semaphore, #tpu.memory_space<semaphore_mem>>
        %dma_start3A_906 = tpu.memref_slice %arg3[%run_scoped3A, %mul3A_835] : memref<2x320000xi32, #tpu.memory_space<hbm>> -> memref<1x20480xi32, #tpu.memory_space<hbm>>
        %dma_start3A_907 = tpu.memref_squeeze %dma_start3A_906 : memref<1x20480xi32, #tpu.memory_space<hbm>> -> memref<20480xi32, #tpu.memory_space<hbm>>
        %dma_start3A_908 = tpu.memref_slice %arg3[%run_scoped3A, %mul3A_835] : memref<2x320000xi32, #tpu.memory_space<hbm>> -> memref<1x20480xi32, #tpu.memory_space<hbm>>
        %dma_start3A_909 = tpu.memref_squeeze %dma_start3A_908 : memref<1x20480xi32, #tpu.memory_space<hbm>> -> memref<20480xi32, #tpu.memory_space<hbm>>
        tpu.enqueue_dma source(%dma_start3A_909 : memref<20480xi32, #tpu.memory_space<hbm>>) target(%arg5 : memref<20480xi32, #tpu.memory_space<vmem>>) target_semaphore(%run_scoped3A_905 : memref<!tpu.dma_semaphore, #tpu.memory_space<semaphore_mem>>)
        %dma_wait3A_910 = tpu.memref_slice %arg3[%run_scoped3A, %mul3A_835] : memref<2x320000xi32, #tpu.memory_space<hbm>> -> memref<1x20480xi32, #tpu.memory_space<hbm>>
        %dma_wait3A_911 = tpu.memref_squeeze %dma_wait3A_910 : memref<1x20480xi32, #tpu.memory_space<hbm>> -> memref<20480xi32, #tpu.memory_space<hbm>>
        %dma_wait3A_912 = tpu.memref_slice %arg3[%run_scoped3A, %mul3A_835] : memref<2x320000xi32, #tpu.memory_space<hbm>> -> memref<1x20480xi32, #tpu.memory_space<hbm>>
        %dma_wait3A_913 = tpu.memref_squeeze %dma_wait3A_912 : memref<1x20480xi32, #tpu.memory_space<hbm>> -> memref<20480xi32, #tpu.memory_space<hbm>>
        tpu.wait_dma2 semaphore(%run_scoped3A_905 : memref<!tpu.dma_semaphore, #tpu.memory_space<semaphore_mem>>) src(%dma_wait3A_913 : memref<20480xi32, #tpu.memory_space<hbm>>) dst(%arg5 : memref<20480xi32, #tpu.memory_space<vmem>>)
        tpu.yield
      }) : () -> ()
      %run_scoped3A_904 = arith.constant 1 : i32
      "tpu.region"() ({
        %run_scoped3A_905 = tpu.sem_alloc : memref<!tpu.dma_semaphore, #tpu.memory_space<semaphore_mem>>
        %dma_start3A_906 = tpu.memref_slice %arg3[%run_scoped3A_904, %mul3A_835] : memref<2x320000xi32, #tpu.memory_space<hbm>> -> memref<1x20480xi32, #tpu.memory_space<hbm>>
        %dma_start3A_907 = tpu.memref_squeeze %dma_start3A_906 : memref<1x20480xi32, #tpu.memory_space<hbm>> -> memref<20480xi32, #tpu.memory_space<hbm>>
        %dma_start3A_908 = tpu.memref_slice %arg3[%run_scoped3A_904, %mul3A_835] : memref<2x320000xi32, #tpu.memory_space<hbm>> -> memref<1x20480xi32, #tpu.memory_space<hbm>>
        %dma_start3A_909 = tpu.memref_squeeze %dma_start3A_908 : memref<1x20480xi32, #tpu.memory_space<hbm>> -> memref<20480xi32, #tpu.memory_space<hbm>>
        tpu.enqueue_dma source(%dma_start3A_909 : memref<20480xi32, #tpu.memory_space<hbm>>) target(%arg6 : memref<20480xi32, #tpu.memory_space<vmem>>) target_semaphore(%run_scoped3A_905 : memref<!tpu.dma_semaphore, #tpu.memory_space<semaphore_mem>>)
        %dma_wait3A_910 = tpu.memref_slice %arg3[%run_scoped3A_904, %mul3A_835] : memref<2x320000xi32, #tpu.memory_space<hbm>> -> memref<1x20480xi32, #tpu.memory_space<hbm>>
        %dma_wait3A_911 = tpu.memref_squeeze %dma_wait3A_910 : memref<1x20480xi32, #tpu.memory_space<hbm>> -> memref<20480xi32, #tpu.memory_space<hbm>>
        %dma_wait3A_912 = tpu.memref_slice %arg3[%run_scoped3A_904, %mul3A_835] : memref<2x320000xi32, #tpu.memory_space<hbm>> -> memref<1x20480xi32, #tpu.memory_space<hbm>>
        %dma_wait3A_913 = tpu.memref_squeeze %dma_wait3A_912 : memref<1x20480xi32, #tpu.memory_space<hbm>> -> memref<20480xi32, #tpu.memory_space<hbm>>
        tpu.wait_dma2 semaphore(%run_scoped3A_905 : memref<!tpu.dma_semaphore, #tpu.memory_space<semaphore_mem>>) src(%dma_wait3A_913 : memref<20480xi32, #tpu.memory_space<hbm>>) dst(%arg6 : memref<20480xi32, #tpu.memory_space<vmem>>)
        tpu.yield
      }) : () -> ()
    } else {
    }
    %eq3A = arith.constant 15 : i32
    %eq3A_838 = arith.cmpi eq, %arg1, %eq3A : i32
    %convert_element_type3A_839 = arith.extui %eq3A_838 : i1 to i32
    %cond3A_840 = arith.constant 0 : i32
    %cond3A_841 = arith.cmpi ne, %convert_element_type3A_839, %cond3A_840 : i32
    scf.if %cond3A_841 {
      %run_scoped3A = arith.constant 0 : i32
      "tpu.region"() ({
        %run_scoped3A_905 = tpu.sem_alloc : memref<!tpu.dma_semaphore, #tpu.memory_space<semaphore_mem>>
        %dma_start3A_906 = arith.constant 0 : i32
        %dma_start3A_907 = tpu.memref_slice %arg5[%dma_start3A_906] : memref<20480xi32, #tpu.memory_space<vmem>> -> memref<12800xi32, #tpu.memory_space<vmem>>
        %dma_start3A_908 = tpu.memref_slice %arg3[%run_scoped3A, %mul3A_835] : memref<2x320000xi32, #tpu.memory_space<hbm>> -> memref<1x12800xi32, #tpu.memory_space<hbm>>
        %dma_start3A_909 = tpu.memref_squeeze %dma_start3A_908 : memref<1x12800xi32, #tpu.memory_space<hbm>> -> memref<12800xi32, #tpu.memory_space<hbm>>
        %dma_start3A_910 = arith.constant 0 : i32
        %dma_start3A_911 = tpu.memref_slice %arg5[%dma_start3A_910] : memref<20480xi32, #tpu.memory_space<vmem>> -> memref<12800xi32, #tpu.memory_space<vmem>>
        %dma_start3A_912 = tpu.memref_slice %arg3[%run_scoped3A, %mul3A_835] : memref<2x320000xi32, #tpu.memory_space<hbm>> -> memref<1x12800xi32, #tpu.memory_space<hbm>>
        %dma_start3A_913 = tpu.memref_squeeze %dma_start3A_912 : memref<1x12800xi32, #tpu.memory_space<hbm>> -> memref<12800xi32, #tpu.memory_space<hbm>>
        tpu.enqueue_dma source(%dma_start3A_913 : memref<12800xi32, #tpu.memory_space<hbm>>) target(%dma_start3A_911 : memref<12800xi32, #tpu.memory_space<vmem>>) target_semaphore(%run_scoped3A_905 : memref<!tpu.dma_semaphore, #tpu.memory_space<semaphore_mem>>)
        %dma_wait3A_914 = arith.constant 0 : i32
        %dma_wait3A_915 = tpu.memref_slice %arg5[%dma_wait3A_914] : memref<20480xi32, #tpu.memory_space<vmem>> -> memref<12800xi32, #tpu.memory_space<vmem>>
        %dma_wait3A_916 = tpu.memref_slice %arg3[%run_scoped3A, %mul3A_835] : memref<2x320000xi32, #tpu.memory_space<hbm>> -> memref<1x12800xi32, #tpu.memory_space<hbm>>
        %dma_wait3A_917 = tpu.memref_squeeze %dma_wait3A_916 : memref<1x12800xi32, #tpu.memory_space<hbm>> -> memref<12800xi32, #tpu.memory_space<hbm>>
        %dma_wait3A_918 = arith.constant 0 : i32
        %dma_wait3A_919 = tpu.memref_slice %arg5[%dma_wait3A_918] : memref<20480xi32, #tpu.memory_space<vmem>> -> memref<12800xi32, #tpu.memory_space<vmem>>
        %dma_wait3A_920 = tpu.memref_slice %arg3[%run_scoped3A, %mul3A_835] : memref<2x320000xi32, #tpu.memory_space<hbm>> -> memref<1x12800xi32, #tpu.memory_space<hbm>>
        %dma_wait3A_921 = tpu.memref_squeeze %dma_wait3A_920 : memref<1x12800xi32, #tpu.memory_space<hbm>> -> memref<12800xi32, #tpu.memory_space<hbm>>
        tpu.wait_dma2 semaphore(%run_scoped3A_905 : memref<!tpu.dma_semaphore, #tpu.memory_space<semaphore_mem>>) src(%dma_wait3A_921 : memref<12800xi32, #tpu.memory_space<hbm>>) dst(%dma_wait3A_919 : memref<12800xi32, #tpu.memory_space<vmem>>)
        tpu.yield
      }) : () -> ()
      %run_scoped3A_904 = arith.constant 1 : i32
      "tpu.region"() ({
        %run_scoped3A_905 = tpu.sem_alloc : memref<!tpu.dma_semaphore, #tpu.memory_space<semaphore_mem>>
        %dma_start3A_906 = arith.constant 0 : i32
        %dma_start3A_907 = tpu.memref_slice %arg6[%dma_start3A_906] : memref<20480xi32, #tpu.memory_space<vmem>> -> memref<12800xi32, #tpu.memory_space<vmem>>
        %dma_start3A_908 = tpu.memref_slice %arg3[%run_scoped3A_904, %mul3A_835] : memref<2x320000xi32, #tpu.memory_space<hbm>> -> memref<1x12800xi32, #tpu.memory_space<hbm>>
        %dma_start3A_909 = tpu.memref_squeeze %dma_start3A_908 : memref<1x12800xi32, #tpu.memory_space<hbm>> -> memref<12800xi32, #tpu.memory_space<hbm>>
        %dma_start3A_910 = arith.constant 0 : i32
        %dma_start3A_911 = tpu.memref_slice %arg6[%dma_start3A_910] : memref<20480xi32, #tpu.memory_space<vmem>> -> memref<12800xi32, #tpu.memory_space<vmem>>
        %dma_start3A_912 = tpu.memref_slice %arg3[%run_scoped3A_904, %mul3A_835] : memref<2x320000xi32, #tpu.memory_space<hbm>> -> memref<1x12800xi32, #tpu.memory_space<hbm>>
        %dma_start3A_913 = tpu.memref_squeeze %dma_start3A_912 : memref<1x12800xi32, #tpu.memory_space<hbm>> -> memref<12800xi32, #tpu.memory_space<hbm>>
        tpu.enqueue_dma source(%dma_start3A_913 : memref<12800xi32, #tpu.memory_space<hbm>>) target(%dma_start3A_911 : memref<12800xi32, #tpu.memory_space<vmem>>) target_semaphore(%run_scoped3A_905 : memref<!tpu.dma_semaphore, #tpu.memory_space<semaphore_mem>>)
        %dma_wait3A_914 = arith.constant 0 : i32
        %dma_wait3A_915 = tpu.memref_slice %arg6[%dma_wait3A_914] : memref<20480xi32, #tpu.memory_space<vmem>> -> memref<12800xi32, #tpu.memory_space<vmem>>
        %dma_wait3A_916 = tpu.memref_slice %arg3[%run_scoped3A_904, %mul3A_835] : memref<2x320000xi32, #tpu.memory_space<hbm>> -> memref<1x12800xi32, #tpu.memory_space<hbm>>
        %dma_wait3A_917 = tpu.memref_squeeze %dma_wait3A_916 : memref<1x12800xi32, #tpu.memory_space<hbm>> -> memref<12800xi32, #tpu.memory_space<hbm>>
        %dma_wait3A_918 = arith.constant 0 : i32
        %dma_wait3A_919 = tpu.memref_slice %arg6[%dma_wait3A_918] : memref<20480xi32, #tpu.memory_space<vmem>> -> memref<12800xi32, #tpu.memory_space<vmem>>
        %dma_wait3A_920 = tpu.memref_slice %arg3[%run_scoped3A_904, %mul3A_835] : memref<2x320000xi32, #tpu.memory_space<hbm>> -> memref<1x12800xi32, #tpu.memory_space<hbm>>
        %dma_wait3A_921 = tpu.memref_squeeze %dma_wait3A_920 : memref<1x12800xi32, #tpu.memory_space<hbm>> -> memref<12800xi32, #tpu.memory_space<hbm>>
        tpu.wait_dma2 semaphore(%run_scoped3A_905 : memref<!tpu.dma_semaphore, #tpu.memory_space<semaphore_mem>>) src(%dma_wait3A_921 : memref<12800xi32, #tpu.memory_space<hbm>>) dst(%dma_wait3A_919 : memref<12800xi32, #tpu.memory_space<vmem>>)
        tpu.yield
      }) : () -> ()
    } else {
    }
    %eq3A_842 = arith.constant 15 : i32
    %eq3A_843 = arith.cmpi eq, %arg1, %eq3A_842 : i32
    %jit3A = arith.constant 100 : i32
    %jit3A_844 = arith.constant 160 : i32
    %select_n3A = arith.select %eq3A_843, %jit3A, %jit3A_844 : i32
    %dma_wait3A = arith.constant 0 : i32
    %dma_wait3A_845 = tpu.memref_slice %arg9[%add3A_769, %dma_wait3A] : memref<10240x64xbf16, #tpu.memory_space<vmem_shared>> -> memref<64x64xbf16, #tpu.memory_space<vmem_shared>>
    %dma_wait3A_846 = arith.constant 0 : i32
    %dma_wait3A_847 = tpu.memref_slice %arg9[%add3A_769, %dma_wait3A_846] : memref<10240x64xbf16, #tpu.memory_space<vmem_shared>> -> memref<64x64xbf16, #tpu.memory_space<vmem_shared>>
    tpu.wait_dma2 semaphore(%arg11 : memref<!tpu.dma_semaphore, #tpu.memory_space<semaphore_mem>>) src(%arg8 : memref<64x64xbf16, #tpu.memory_space<vmem>>) dst(%dma_wait3A_847 : memref<64x64xbf16, #tpu.memory_space<vmem_shared>>)
    %dma_wait3A_848 = arith.constant 0 : i32
    %dma_wait3A_849 = tpu.memref_slice %arg9[%add3A_774, %dma_wait3A_848] : memref<10240x64xbf16, #tpu.memory_space<vmem_shared>> -> memref<64x64xbf16, #tpu.memory_space<vmem_shared>>
    %dma_wait3A_850 = arith.constant 0 : i32
    %dma_wait3A_851 = tpu.memref_slice %arg9[%add3A_774, %dma_wait3A_850] : memref<10240x64xbf16, #tpu.memory_space<vmem_shared>> -> memref<64x64xbf16, #tpu.memory_space<vmem_shared>>
    tpu.wait_dma2 semaphore(%arg11 : memref<!tpu.dma_semaphore, #tpu.memory_space<semaphore_mem>>) src(%arg8 : memref<64x64xbf16, #tpu.memory_space<vmem>>) dst(%dma_wait3A_851 : memref<64x64xbf16, #tpu.memory_space<vmem_shared>>)
    %dma_wait3A_852 = arith.constant 0 : i32
    %dma_wait3A_853 = tpu.memref_slice %arg9[%add3A_780, %dma_wait3A_852] : memref<10240x64xbf16, #tpu.memory_space<vmem_shared>> -> memref<64x64xbf16, #tpu.memory_space<vmem_shared>>
    %dma_wait3A_854 = arith.constant 0 : i32
    %dma_wait3A_855 = tpu.memref_slice %arg9[%add3A_780, %dma_wait3A_854] : memref<10240x64xbf16, #tpu.memory_space<vmem_shared>> -> memref<64x64xbf16, #tpu.memory_space<vmem_shared>>
    tpu.wait_dma2 semaphore(%arg11 : memref<!tpu.dma_semaphore, #tpu.memory_space<semaphore_mem>>) src(%arg8 : memref<64x64xbf16, #tpu.memory_space<vmem>>) dst(%dma_wait3A_855 : memref<64x64xbf16, #tpu.memory_space<vmem_shared>>)
    %dma_wait3A_856 = arith.constant 0 : i32
    %dma_wait3A_857 = tpu.memref_slice %arg9[%add3A_786, %dma_wait3A_856] : memref<10240x64xbf16, #tpu.memory_space<vmem_shared>> -> memref<64x64xbf16, #tpu.memory_space<vmem_shared>>
    %dma_wait3A_858 = arith.constant 0 : i32
    %dma_wait3A_859 = tpu.memref_slice %arg9[%add3A_786, %dma_wait3A_858] : memref<10240x64xbf16, #tpu.memory_space<vmem_shared>> -> memref<64x64xbf16, #tpu.memory_space<vmem_shared>>
    tpu.wait_dma2 semaphore(%arg11 : memref<!tpu.dma_semaphore, #tpu.memory_space<semaphore_mem>>) src(%arg8 : memref<64x64xbf16, #tpu.memory_space<vmem>>) dst(%dma_wait3A_859 : memref<64x64xbf16, #tpu.memory_space<vmem_shared>>)
    %dma_wait3A_860 = arith.constant 0 : i32
    %dma_wait3A_861 = tpu.memref_slice %arg9[%add3A_792, %dma_wait3A_860] : memref<10240x64xbf16, #tpu.memory_space<vmem_shared>> -> memref<64x64xbf16, #tpu.memory_space<vmem_shared>>
    %dma_wait3A_862 = arith.constant 0 : i32
    %dma_wait3A_863 = tpu.memref_slice %arg9[%add3A_792, %dma_wait3A_862] : memref<10240x64xbf16, #tpu.memory_space<vmem_shared>> -> memref<64x64xbf16, #tpu.memory_space<vmem_shared>>
    tpu.wait_dma2 semaphore(%arg11 : memref<!tpu.dma_semaphore, #tpu.memory_space<semaphore_mem>>) src(%arg8 : memref<64x64xbf16, #tpu.memory_space<vmem>>) dst(%dma_wait3A_863 : memref<64x64xbf16, #tpu.memory_space<vmem_shared>>)
    %dma_wait3A_864 = arith.constant 0 : i32
    %dma_wait3A_865 = tpu.memref_slice %arg9[%add3A_798, %dma_wait3A_864] : memref<10240x64xbf16, #tpu.memory_space<vmem_shared>> -> memref<64x64xbf16, #tpu.memory_space<vmem_shared>>
    %dma_wait3A_866 = arith.constant 0 : i32
    %dma_wait3A_867 = tpu.memref_slice %arg9[%add3A_798, %dma_wait3A_866] : memref<10240x64xbf16, #tpu.memory_space<vmem_shared>> -> memref<64x64xbf16, #tpu.memory_space<vmem_shared>>
    tpu.wait_dma2 semaphore(%arg11 : memref<!tpu.dma_semaphore, #tpu.memory_space<semaphore_mem>>) src(%arg8 : memref<64x64xbf16, #tpu.memory_space<vmem>>) dst(%dma_wait3A_867 : memref<64x64xbf16, #tpu.memory_space<vmem_shared>>)
    %dma_wait3A_868 = arith.constant 0 : i32
    %dma_wait3A_869 = tpu.memref_slice %arg9[%add3A_804, %dma_wait3A_868] : memref<10240x64xbf16, #tpu.memory_space<vmem_shared>> -> memref<64x64xbf16, #tpu.memory_space<vmem_shared>>
    %dma_wait3A_870 = arith.constant 0 : i32
    %dma_wait3A_871 = tpu.memref_slice %arg9[%add3A_804, %dma_wait3A_870] : memref<10240x64xbf16, #tpu.memory_space<vmem_shared>> -> memref<64x64xbf16, #tpu.memory_space<vmem_shared>>
    tpu.wait_dma2 semaphore(%arg11 : memref<!tpu.dma_semaphore, #tpu.memory_space<semaphore_mem>>) src(%arg8 : memref<64x64xbf16, #tpu.memory_space<vmem>>) dst(%dma_wait3A_871 : memref<64x64xbf16, #tpu.memory_space<vmem_shared>>)
    %dma_wait3A_872 = arith.constant 0 : i32
    %dma_wait3A_873 = tpu.memref_slice %arg9[%add3A_810, %dma_wait3A_872] : memref<10240x64xbf16, #tpu.memory_space<vmem_shared>> -> memref<64x64xbf16, #tpu.memory_space<vmem_shared>>
    %dma_wait3A_874 = arith.constant 0 : i32
    %dma_wait3A_875 = tpu.memref_slice %arg9[%add3A_810, %dma_wait3A_874] : memref<10240x64xbf16, #tpu.memory_space<vmem_shared>> -> memref<64x64xbf16, #tpu.memory_space<vmem_shared>>
    tpu.wait_dma2 semaphore(%arg11 : memref<!tpu.dma_semaphore, #tpu.memory_space<semaphore_mem>>) src(%arg8 : memref<64x64xbf16, #tpu.memory_space<vmem>>) dst(%dma_wait3A_875 : memref<64x64xbf16, #tpu.memory_space<vmem_shared>>)
    %dma_wait3A_876 = arith.constant 0 : i32
    %dma_wait3A_877 = tpu.memref_slice %arg9[%add3A_816, %dma_wait3A_876] : memref<10240x64xbf16, #tpu.memory_space<vmem_shared>> -> memref<64x64xbf16, #tpu.memory_space<vmem_shared>>
    %dma_wait3A_878 = arith.constant 0 : i32
    %dma_wait3A_879 = tpu.memref_slice %arg9[%add3A_816, %dma_wait3A_878] : memref<10240x64xbf16, #tpu.memory_space<vmem_shared>> -> memref<64x64xbf16, #tpu.memory_space<vmem_shared>>
    tpu.wait_dma2 semaphore(%arg11 : memref<!tpu.dma_semaphore, #tpu.memory_space<semaphore_mem>>) src(%arg8 : memref<64x64xbf16, #tpu.memory_space<vmem>>) dst(%dma_wait3A_879 : memref<64x64xbf16, #tpu.memory_space<vmem_shared>>)
    %dma_wait3A_880 = arith.constant 0 : i32
    %dma_wait3A_881 = tpu.memref_slice %arg9[%add3A_822, %dma_wait3A_880] : memref<10240x64xbf16, #tpu.memory_space<vmem_shared>> -> memref<64x64xbf16, #tpu.memory_space<vmem_shared>>
    %dma_wait3A_882 = arith.constant 0 : i32
    %dma_wait3A_883 = tpu.memref_slice %arg9[%add3A_822, %dma_wait3A_882] : memref<10240x64xbf16, #tpu.memory_space<vmem_shared>> -> memref<64x64xbf16, #tpu.memory_space<vmem_shared>>
    tpu.wait_dma2 semaphore(%arg11 : memref<!tpu.dma_semaphore, #tpu.memory_space<semaphore_mem>>) src(%arg8 : memref<64x64xbf16, #tpu.memory_space<vmem>>) dst(%dma_wait3A_883 : memref<64x64xbf16, #tpu.memory_space<vmem_shared>>)
    %dma_wait3A_884 = arith.constant 0 : i32
    %dma_wait3A_885 = tpu.memref_slice %arg10[%mul3A_828, %dma_wait3A_884] : memref<10000x64xbf16, #tpu.memory_space<vmem_shared>> -> memref<625x64xbf16, #tpu.memory_space<vmem_shared>>
    %dma_wait3A_886 = arith.constant 0 : i32
    %dma_wait3A_887 = tpu.memref_slice %arg2[%arg0, %mul3A_828, %dma_wait3A_886] : memref<2x10000x64xbf16, #tpu.memory_space<hbm>> -> memref<1x625x64xbf16, #tpu.memory_space<hbm>>
    %dma_wait3A_888 = tpu.memref_squeeze %dma_wait3A_887 : memref<1x625x64xbf16, #tpu.memory_space<hbm>> -> memref<625x64xbf16, #tpu.memory_space<hbm>>
    tpu.wait_dma2 semaphore(%arg11 : memref<!tpu.dma_semaphore, #tpu.memory_space<semaphore_mem>>) src(%dma_wait3A_888 : memref<625x64xbf16, #tpu.memory_space<hbm>>) dst(%dma_wait3A_885 : memref<625x64xbf16, #tpu.memory_space<vmem_shared>>)
    %barrier3A = arith.constant 0 : index
    tpu.barrier barrier_id(%barrier3A)
    %scan3A = arith.constant 0 : i32
    %scan3A_889 = arith.constant 0 : i32
    %scan3A_890 = arith.constant 10 : i32
    %scan3A_891 = arith.addi %scan3A_889, %scan3A_890 : i32
    %scan3A_892 = arith.constant 1 : i32
    scf.for %scan3A_904 = %scan3A_889 to %scan3A_891 step %scan3A_892  : i32 {
      %mul3A_905 = arith.constant 128 : i32
      %mul3A_906 = arith.muli %scan3A_904, %mul3A_905 : i32
      %dma_start3A_907 = arith.constant 0 : i32
      %dma_start3A_908 = arith.constant 0 : i32
      %dma_start3A_909 = tpu.memref_slice %arg7[%scan3A_904, %dma_start3A_907, %dma_start3A_908] : memref<10x128x64xbf16, #tpu.memory_space<vmem>> -> memref<1x128x64xbf16, #tpu.memory_space<vmem>>
      %dma_start3A_910 = tpu.memref_squeeze %dma_start3A_909 : memref<1x128x64xbf16, #tpu.memory_space<vmem>> -> memref<128x64xbf16, #tpu.memory_space<vmem>>
      %dma_start3A_911 = tpu.memref_slice %arg5[%mul3A_906] : memref<20480xi32, #tpu.memory_space<vmem>> -> memref<128xi32, #tpu.memory_space<vmem>>
      %dma_start3A_912 = arith.constant 0 : i32
      %dma_start3A_913 = arith.constant 0 : i32
      %dma_start3A_914 = tpu.memref_slice %arg10[%dma_start3A_912, %dma_start3A_913] : memref<10000x64xbf16, #tpu.memory_space<vmem_shared>> -> memref<10000x64xbf16, #tpu.memory_space<vmem_shared>>
      tpu.enqueue_indirect_dma source(%dma_start3A_914 : memref<10000x64xbf16, #tpu.memory_space<vmem_shared>>) target(%dma_start3A_910 : memref<128x64xbf16, #tpu.memory_space<vmem>>) offsets(%dma_start3A_911 : memref<128xi32, #tpu.memory_space<vmem>>) semaphore(%arg11 : memref<!tpu.dma_semaphore, #tpu.memory_space<semaphore_mem>>)
    }
    %scan3A_893 = arith.constant 10 : i32
    %while3A = arith.constant 0 : i32
    %while3A_894 = arith.constant 0 : i32
    %while3A_895 = arith.subi %select_n3A, %while3A_894 : i32
    %while3A_896 = arith.addi %while3A_894, %while3A_895 : i32
    %while3A_897 = arith.constant 1 : i32
    %while3A_898 = arith.divsi %while3A_895, %while3A_897 : i32
    %while3A_899 = arith.muli %while3A_898, %while3A_897 : i32
    %while3A_900 = arith.addi %while3A_894, %while3A_899 : i32
    %while3A_901 = arith.constant 1 : i32
    scf.for %while3A_904 = %while3A_894 to %while3A_900 step %while3A_901  : i32 {
      %rem3A = arith.constant 10 : i32
      %rem3A_905 = arith.remsi %while3A_904, %rem3A : i32
      %mul3A_906 = arith.constant 128 : i32
      %mul3A_907 = arith.muli %while3A_904, %mul3A_906 : i32
      %dma_wait3A_908 = arith.constant 0 : i32
      %dma_wait3A_909 = arith.constant 0 : i32
      %dma_wait3A_910 = tpu.memref_slice %arg7[%rem3A_905, %dma_wait3A_908, %dma_wait3A_909] : memref<10x128x64xbf16, #tpu.memory_space<vmem>> -> memref<1x128x64xbf16, #tpu.memory_space<vmem>>
      %dma_wait3A_911 = tpu.memref_squeeze %dma_wait3A_910 : memref<1x128x64xbf16, #tpu.memory_space<vmem>> -> memref<128x64xbf16, #tpu.memory_space<vmem>>
      %dma_wait3A_912 = tpu.memref_slice %arg5[%mul3A_907] : memref<20480xi32, #tpu.memory_space<vmem>> -> memref<128xi32, #tpu.memory_space<vmem>>
      %dma_wait3A_913 = arith.constant 0 : i32
      %dma_wait3A_914 = arith.constant 0 : i32
      %dma_wait3A_915 = tpu.memref_slice %arg10[%dma_wait3A_913, %dma_wait3A_914] : memref<10000x64xbf16, #tpu.memory_space<vmem_shared>> -> memref<10000x64xbf16, #tpu.memory_space<vmem_shared>>
      tpu.wait_indirect_dma semaphore(%arg11 : memref<!tpu.dma_semaphore, #tpu.memory_space<semaphore_mem>>) src(%dma_wait3A_915 : memref<10000x64xbf16, #tpu.memory_space<vmem_shared>>) dst(%dma_wait3A_911 : memref<128x64xbf16, #tpu.memory_space<vmem>>)
      %mul3A_916 = arith.constant 128 : i32
      %mul3A_917 = arith.muli %while3A_904, %mul3A_916 : i32
      %dma_start3A_918 = arith.constant 0 : i32
      %dma_start3A_919 = arith.constant 0 : i32
      %dma_start3A_920 = tpu.memref_slice %arg7[%rem3A_905, %dma_start3A_918, %dma_start3A_919] : memref<10x128x64xbf16, #tpu.memory_space<vmem>> -> memref<1x128x64xbf16, #tpu.memory_space<vmem>>
      %dma_start3A_921 = tpu.memref_squeeze %dma_start3A_920 : memref<1x128x64xbf16, #tpu.memory_space<vmem>> -> memref<128x64xbf16, #tpu.memory_space<vmem>>
      %dma_start3A_922 = tpu.memref_slice %arg6[%mul3A_917] : memref<20480xi32, #tpu.memory_space<vmem>> -> memref<128xi32, #tpu.memory_space<vmem>>
      %dma_start3A_923 = arith.constant 0 : i32
      %dma_start3A_924 = arith.constant 0 : i32
      %dma_start3A_925 = tpu.memref_slice %arg9[%dma_start3A_923, %dma_start3A_924] : memref<10240x64xbf16, #tpu.memory_space<vmem_shared>> -> memref<10240x64xbf16, #tpu.memory_space<vmem_shared>>
      tpu.enqueue_indirect_dma source(%dma_start3A_921 : memref<128x64xbf16, #tpu.memory_space<vmem>>) target(%dma_start3A_925 : memref<10240x64xbf16, #tpu.memory_space<vmem_shared>>) offsets(%dma_start3A_922 : memref<128xi32, #tpu.memory_space<vmem>>) semaphore(%arg12 : memref<!tpu.dma_semaphore, #tpu.memory_space<semaphore_mem>>) {add = true}
      %mul3A_926 = arith.constant 128 : i32
      %mul3A_927 = arith.muli %while3A_904, %mul3A_926 : i32
      %dma_wait3A_928 = arith.constant 0 : i32
      %dma_wait3A_929 = arith.constant 0 : i32
      %dma_wait3A_930 = tpu.memref_slice %arg7[%rem3A_905, %dma_wait3A_928, %dma_wait3A_929] : memref<10x128x64xbf16, #tpu.memory_space<vmem>> -> memref<1x128x64xbf16, #tpu.memory_space<vmem>>
      %dma_wait3A_931 = tpu.memref_squeeze %dma_wait3A_930 : memref<1x128x64xbf16, #tpu.memory_space<vmem>> -> memref<128x64xbf16, #tpu.memory_space<vmem>>
      %dma_wait3A_932 = tpu.memref_slice %arg6[%mul3A_927] : memref<20480xi32, #tpu.memory_space<vmem>> -> memref<128xi32, #tpu.memory_space<vmem>>
      %dma_wait3A_933 = arith.constant 0 : i32
      %dma_wait3A_934 = arith.constant 0 : i32
      %dma_wait3A_935 = tpu.memref_slice %arg9[%dma_wait3A_933, %dma_wait3A_934] : memref<10240x64xbf16, #tpu.memory_space<vmem_shared>> -> memref<10240x64xbf16, #tpu.memory_space<vmem_shared>>
      tpu.wait_indirect_dma semaphore(%arg12 : memref<!tpu.dma_semaphore, #tpu.memory_space<semaphore_mem>>) src(%dma_wait3A_931 : memref<128x64xbf16, #tpu.memory_space<vmem>>) dst(%dma_wait3A_935 : memref<10240x64xbf16, #tpu.memory_space<vmem_shared>>)
      %add3A_936 = arith.constant 10 : i32
      %add3A_937 = arith.addi %while3A_904, %add3A_936 : i32
      %lt3A_938 = arith.cmpi slt, %add3A_937, %select_n3A : i32
      %convert_element_type3A_939 = arith.extui %lt3A_938 : i1 to i32
      %cond3A_940 = arith.constant 0 : i32
      %cond3A_941 = arith.cmpi ne, %convert_element_type3A_939, %cond3A_940 : i32
      scf.if %cond3A_941 {
        %mul3A_942 = arith.constant 128 : i32
        %mul3A_943 = arith.muli %add3A_937, %mul3A_942 : i32
        %dma_start3A_944 = arith.constant 0 : i32
        %dma_start3A_945 = arith.constant 0 : i32
        %dma_start3A_946 = tpu.memref_slice %arg7[%rem3A_905, %dma_start3A_944, %dma_start3A_945] : memref<10x128x64xbf16, #tpu.memory_space<vmem>> -> memref<1x128x64xbf16, #tpu.memory_space<vmem>>
        %dma_start3A_947 = tpu.memref_squeeze %dma_start3A_946 : memref<1x128x64xbf16, #tpu.memory_space<vmem>> -> memref<128x64xbf16, #tpu.memory_space<vmem>>
        %dma_start3A_948 = tpu.memref_slice %arg5[%mul3A_943] : memref<20480xi32, #tpu.memory_space<vmem>> -> memref<128xi32, #tpu.memory_space<vmem>>
        %dma_start3A_949 = arith.constant 0 : i32
        %dma_start3A_950 = arith.constant 0 : i32
        %dma_start3A_951 = tpu.memref_slice %arg10[%dma_start3A_949, %dma_start3A_950] : memref<10000x64xbf16, #tpu.memory_space<vmem_shared>> -> memref<10000x64xbf16, #tpu.memory_space<vmem_shared>>
        tpu.enqueue_indirect_dma source(%dma_start3A_951 : memref<10000x64xbf16, #tpu.memory_space<vmem_shared>>) target(%dma_start3A_947 : memref<128x64xbf16, #tpu.memory_space<vmem>>) offsets(%dma_start3A_948 : memref<128xi32, #tpu.memory_space<vmem>>) semaphore(%arg11 : memref<!tpu.dma_semaphore, #tpu.memory_space<semaphore_mem>>)
      } else {
      }
    }
    %while3A_902 = arith.constant 1 : i32
    scf.for %while3A_904 = %while3A_900 to %while3A_896 step %while3A_902  : i32 {
      %rem3A = arith.constant 10 : i32
      %rem3A_905 = arith.remsi %while3A_904, %rem3A : i32
      %mul3A_906 = arith.constant 128 : i32
      %mul3A_907 = arith.muli %while3A_904, %mul3A_906 : i32
      %dma_wait3A_908 = arith.constant 0 : i32
      %dma_wait3A_909 = arith.constant 0 : i32
      %dma_wait3A_910 = tpu.memref_slice %arg7[%rem3A_905, %dma_wait3A_908, %dma_wait3A_909] : memref<10x128x64xbf16, #tpu.memory_space<vmem>> -> memref<1x128x64xbf16, #tpu.memory_space<vmem>>
      %dma_wait3A_911 = tpu.memref_squeeze %dma_wait3A_910 : memref<1x128x64xbf16, #tpu.memory_space<vmem>> -> memref<128x64xbf16, #tpu.memory_space<vmem>>
      %dma_wait3A_912 = tpu.memref_slice %arg5[%mul3A_907] : memref<20480xi32, #tpu.memory_space<vmem>> -> memref<128xi32, #tpu.memory_space<vmem>>
      %dma_wait3A_913 = arith.constant 0 : i32
      %dma_wait3A_914 = arith.constant 0 : i32
      %dma_wait3A_915 = tpu.memref_slice %arg10[%dma_wait3A_913, %dma_wait3A_914] : memref<10000x64xbf16, #tpu.memory_space<vmem_shared>> -> memref<10000x64xbf16, #tpu.memory_space<vmem_shared>>
      tpu.wait_indirect_dma semaphore(%arg11 : memref<!tpu.dma_semaphore, #tpu.memory_space<semaphore_mem>>) src(%dma_wait3A_915 : memref<10000x64xbf16, #tpu.memory_space<vmem_shared>>) dst(%dma_wait3A_911 : memref<128x64xbf16, #tpu.memory_space<vmem>>)
      %mul3A_916 = arith.constant 128 : i32
      %mul3A_917 = arith.muli %while3A_904, %mul3A_916 : i32
      %dma_start3A_918 = arith.constant 0 : i32
      %dma_start3A_919 = arith.constant 0 : i32
      %dma_start3A_920 = tpu.memref_slice %arg7[%rem3A_905, %dma_start3A_918, %dma_start3A_919] : memref<10x128x64xbf16, #tpu.memory_space<vmem>> -> memref<1x128x64xbf16, #tpu.memory_space<vmem>>
      %dma_start3A_921 = tpu.memref_squeeze %dma_start3A_920 : memref<1x128x64xbf16, #tpu.memory_space<vmem>> -> memref<128x64xbf16, #tpu.memory_space<vmem>>
      %dma_start3A_922 = tpu.memref_slice %arg6[%mul3A_917] : memref<20480xi32, #tpu.memory_space<vmem>> -> memref<128xi32, #tpu.memory_space<vmem>>
      %dma_start3A_923 = arith.constant 0 : i32
      %dma_start3A_924 = arith.constant 0 : i32
      %dma_start3A_925 = tpu.memref_slice %arg9[%dma_start3A_923, %dma_start3A_924] : memref<10240x64xbf16, #tpu.memory_space<vmem_shared>> -> memref<10240x64xbf16, #tpu.memory_space<vmem_shared>>
      tpu.enqueue_indirect_dma source(%dma_start3A_921 : memref<128x64xbf16, #tpu.memory_space<vmem>>) target(%dma_start3A_925 : memref<10240x64xbf16, #tpu.memory_space<vmem_shared>>) offsets(%dma_start3A_922 : memref<128xi32, #tpu.memory_space<vmem>>) semaphore(%arg12 : memref<!tpu.dma_semaphore, #tpu.memory_space<semaphore_mem>>) {add = true}
      %mul3A_926 = arith.constant 128 : i32
      %mul3A_927 = arith.muli %while3A_904, %mul3A_926 : i32
      %dma_wait3A_928 = arith.constant 0 : i32
      %dma_wait3A_929 = arith.constant 0 : i32
      %dma_wait3A_930 = tpu.memref_slice %arg7[%rem3A_905, %dma_wait3A_928, %dma_wait3A_929] : memref<10x128x64xbf16, #tpu.memory_space<vmem>> -> memref<1x128x64xbf16, #tpu.memory_space<vmem>>
      %dma_wait3A_931 = tpu.memref_squeeze %dma_wait3A_930 : memref<1x128x64xbf16, #tpu.memory_space<vmem>> -> memref<128x64xbf16, #tpu.memory_space<vmem>>
      %dma_wait3A_932 = tpu.memref_slice %arg6[%mul3A_927] : memref<20480xi32, #tpu.memory_space<vmem>> -> memref<128xi32, #tpu.memory_space<vmem>>
      %dma_wait3A_933 = arith.constant 0 : i32
      %dma_wait3A_934 = arith.constant 0 : i32
      %dma_wait3A_935 = tpu.memref_slice %arg9[%dma_wait3A_933, %dma_wait3A_934] : memref<10240x64xbf16, #tpu.memory_space<vmem_shared>> -> memref<10240x64xbf16, #tpu.memory_space<vmem_shared>>
      tpu.wait_indirect_dma semaphore(%arg12 : memref<!tpu.dma_semaphore, #tpu.memory_space<semaphore_mem>>) src(%dma_wait3A_931 : memref<128x64xbf16, #tpu.memory_space<vmem>>) dst(%dma_wait3A_935 : memref<10240x64xbf16, #tpu.memory_space<vmem_shared>>)
      %add3A_936 = arith.constant 10 : i32
      %add3A_937 = arith.addi %while3A_904, %add3A_936 : i32
      %lt3A_938 = arith.cmpi slt, %add3A_937, %select_n3A : i32
      %convert_element_type3A_939 = arith.extui %lt3A_938 : i1 to i32
      %cond3A_940 = arith.constant 0 : i32
      %cond3A_941 = arith.cmpi ne, %convert_element_type3A_939, %cond3A_940 : i32
      scf.if %cond3A_941 {
        %mul3A_942 = arith.constant 128 : i32
        %mul3A_943 = arith.muli %add3A_937, %mul3A_942 : i32
        %dma_start3A_944 = arith.constant 0 : i32
        %dma_start3A_945 = arith.constant 0 : i32
        %dma_start3A_946 = tpu.memref_slice %arg7[%rem3A_905, %dma_start3A_944, %dma_start3A_945] : memref<10x128x64xbf16, #tpu.memory_space<vmem>> -> memref<1x128x64xbf16, #tpu.memory_space<vmem>>
        %dma_start3A_947 = tpu.memref_squeeze %dma_start3A_946 : memref<1x128x64xbf16, #tpu.memory_space<vmem>> -> memref<128x64xbf16, #tpu.memory_space<vmem>>
        %dma_start3A_948 = tpu.memref_slice %arg5[%mul3A_943] : memref<20480xi32, #tpu.memory_space<vmem>> -> memref<128xi32, #tpu.memory_space<vmem>>
        %dma_start3A_949 = arith.constant 0 : i32
        %dma_start3A_950 = arith.constant 0 : i32
        %dma_start3A_951 = tpu.memref_slice %arg10[%dma_start3A_949, %dma_start3A_950] : memref<10000x64xbf16, #tpu.memory_space<vmem_shared>> -> memref<10000x64xbf16, #tpu.memory_space<vmem_shared>>
        tpu.enqueue_indirect_dma source(%dma_start3A_951 : memref<10000x64xbf16, #tpu.memory_space<vmem_shared>>) target(%dma_start3A_947 : memref<128x64xbf16, #tpu.memory_space<vmem>>) offsets(%dma_start3A_948 : memref<128xi32, #tpu.memory_space<vmem>>) semaphore(%arg11 : memref<!tpu.dma_semaphore, #tpu.memory_space<semaphore_mem>>)
      } else {
      }
    }
    %barrier3A_903 = arith.constant 0 : index
    tpu.barrier barrier_id(%barrier3A_903)
    "tpu.region"() ({
      %run_scoped3A = tpu.sem_alloc : memref<!tpu.dma_semaphore, #tpu.memory_space<semaphore_mem>>
      %dma_start3A_904 = arith.constant 0 : i32
      %dma_start3A_905 = tpu.memref_slice %arg4[%arg0, %mul3A_768, %dma_start3A_904] : memref<2x10240x64xbf16, #tpu.memory_space<hbm>> -> memref<1x640x64xbf16, #tpu.memory_space<hbm>>
      %dma_start3A_906 = tpu.memref_squeeze %dma_start3A_905 : memref<1x640x64xbf16, #tpu.memory_space<hbm>> -> memref<640x64xbf16, #tpu.memory_space<hbm>>
      %dma_start3A_907 = arith.constant 0 : i32
      %dma_start3A_908 = tpu.memref_slice %arg9[%mul3A_768, %dma_start3A_907] : memref<10240x64xbf16, #tpu.memory_space<vmem_shared>> -> memref<640x64xbf16, #tpu.memory_space<vmem_shared>>
      tpu.enqueue_dma source(%dma_start3A_908 : memref<640x64xbf16, #tpu.memory_space<vmem_shared>>) target(%dma_start3A_906 : memref<640x64xbf16, #tpu.memory_space<hbm>>) target_semaphore(%run_scoped3A : memref<!tpu.dma_semaphore, #tpu.memory_space<semaphore_mem>>)
      %dma_wait3A_909 = arith.constant 0 : i32
      %dma_wait3A_910 = tpu.memref_slice %arg4[%arg0, %mul3A_768, %dma_wait3A_909] : memref<2x10240x64xbf16, #tpu.memory_space<hbm>> -> memref<1x640x64xbf16, #tpu.memory_space<hbm>>
      %dma_wait3A_911 = tpu.memref_squeeze %dma_wait3A_910 : memref<1x640x64xbf16, #tpu.memory_space<hbm>> -> memref<640x64xbf16, #tpu.memory_space<hbm>>
      %dma_wait3A_912 = arith.constant 0 : i32
      %dma_wait3A_913 = tpu.memref_slice %arg9[%mul3A_768, %dma_wait3A_912] : memref<10240x64xbf16, #tpu.memory_space<vmem_shared>> -> memref<640x64xbf16, #tpu.memory_space<vmem_shared>>
      tpu.wait_dma2 semaphore(%run_scoped3A : memref<!tpu.dma_semaphore, #tpu.memory_space<semaphore_mem>>) src(%dma_wait3A_913 : memref<640x64xbf16, #tpu.memory_space<vmem_shared>>) dst(%dma_wait3A_911 : memref<640x64xbf16, #tpu.memory_space<hbm>>)
      tpu.yield
    }) : () -> ()
    return
  }
}

module attributes {stable_mosaic.version = 14 : i64} {
  func.func @_tc_layer_body(%arg0: i32, %arg1: memref<2000x128xf32, #tpu.memory_space<vmem>>, %arg2: memref<2x2000x64xbf16, #tpu.memory_space<vmem>>, %arg3: memref<2000x16xf32, #tpu.memory_space<vmem>>, %arg4: memref<128x128xf32, #tpu.memory_space<vmem>>, %arg5: memref<128x128xf32, #tpu.memory_space<vmem>>, %arg6: memref<1x128xf32, #tpu.memory_space<vmem>>, %arg7: memref<2x2000x64xbf16, #tpu.memory_space<vmem>>) attributes {dimension_semantics = [#tpu.dimension_semantics<arbitrary>], iteration_bounds = array<i64: 5>, scalar_prefetch = 0 : i64, scratch_operands = 0 : i64, tpu.core_type = #tpu.core_type<tc>, window_params = [{transform_indices = @transform_0, window_bounds = array<i64: 2000, 128>}, {transform_indices = @transform_1, window_bounds = array<i64: 2, 2000, 64>}, {transform_indices = @transform_2, window_bounds = array<i64: 2000, 16>}, {pipeline_mode = #tpu.pipeline_mode<synchronous>, transform_indices = @transform_3, window_bounds = array<i64: 128, 128>}, {pipeline_mode = #tpu.pipeline_mode<synchronous>, transform_indices = @transform_4, window_bounds = array<i64: 128, 128>}, {pipeline_mode = #tpu.pipeline_mode<synchronous>, transform_indices = @transform_5, window_bounds = array<i64: 1, 128>}, {transform_indices = @transform_6, window_bounds = array<i64: 2, 2000, 64>}]} {
    %get3A = arith.constant 0 : index
    %get3A_0 = arith.constant 0 : index
    %get3A_1 = vector.load %arg1[%get3A, %get3A_0] : memref<2000x128xf32, #tpu.memory_space<vmem>>, vector<2000x128xf32>
    %get3A_2 = arith.constant 0 : index
    %get3A_3 = arith.constant 0 : index
    %get3A_4 = arith.constant 0 : index
    %get3A_5 = vector.load %arg2[%get3A_2, %get3A_3, %get3A_4] : memref<2x2000x64xbf16, #tpu.memory_space<vmem>>, vector<2x2000x64xbf16>
    %get3A_6 = arith.constant 0 : index
    %get3A_7 = arith.constant 0 : index
    %get3A_8 = vector.load %arg3[%get3A_6, %get3A_7] : memref<2000x16xf32, #tpu.memory_space<vmem>>, vector<2000x16xf32>
    %slice3A = vector.extract_strided_slice %get3A_5 {offsets = [0, 0, 0], sizes = [1, 2000, 64], strides = [1, 1, 1]} : vector<2x2000x64xbf16> to vector<1x2000x64xbf16>
    %squeeze3A = vector.shape_cast %slice3A : vector<1x2000x64xbf16> to vector<2000x64xbf16>
    %slice3A_9 = vector.extract_strided_slice %get3A_5 {offsets = [1, 0, 0], sizes = [1, 2000, 64], strides = [1, 1, 1]} : vector<2x2000x64xbf16> to vector<1x2000x64xbf16>
    %squeeze3A_10 = vector.shape_cast %slice3A_9 : vector<1x2000x64xbf16> to vector<2000x64xbf16>
    %concatenate3A = tpu.concatenate %squeeze3A, %squeeze3A_10 in 1 : vector<2000x64xbf16>, vector<2000x64xbf16> -> vector<2000x128xbf16>
    %convert_element_type3A = arith.extf %concatenate3A : vector<2000x128xbf16> to vector<2000x128xf32>
    %slice3A_11 = vector.extract_strided_slice %get3A_8 {offsets = [0, 0], sizes = [2000, 1], strides = [1, 1]} : vector<2000x16xf32> to vector<2000x1xf32>
    %max3A = arith.constant 1.000000e+00 : f32
    %max3A_12 = vector.broadcast %max3A : f32 to vector<2000x1xf32>
    %max3A_13 = arith.maximumf %slice3A_11, %max3A_12 : vector<2000x1xf32>
    %div3A = arith.constant 1.000000e+00 : f32
    %div3A_14 = vector.broadcast %div3A : f32 to vector<2000x1xf32>
    %div3A_15 = arith.divf %div3A_14, %max3A_13 : vector<2000x1xf32>
    %mul3A = vector.broadcast %div3A_15 : vector<2000x1xf32> to vector<2000x128xf32>
    %mul3A_16 = arith.mulf %convert_element_type3A, %mul3A : vector<2000x128xf32>
    %get3A_17 = arith.constant 0 : index
    %get3A_18 = arith.constant 0 : index
    %get3A_19 = vector.load %arg4[%get3A_17, %get3A_18] : memref<128x128xf32, #tpu.memory_space<vmem>>, vector<128x128xf32>
    %get3A_20 = arith.constant 0 : index
    %get3A_21 = arith.constant 0 : index
    %get3A_22 = vector.load %arg5[%get3A_20, %get3A_21] : memref<128x128xf32, #tpu.memory_space<vmem>>, vector<128x128xf32>
    %get3A_23 = arith.constant 0 : index
    %get3A_24 = arith.constant 0 : index
    %get3A_25 = vector.load %arg6[%get3A_23, %get3A_24] : memref<1x128xf32, #tpu.memory_space<vmem>>, vector<1x128xf32>
    %dot_general3A = arith.constant dense<0.000000e+00> : vector<2000x128xf32>
    %dot_general3A_26 = tpu.matmul %get3A_1, %get3A_19, %dot_general3A {dimension_numbers = #tpu.dot_dimension_numbers<[1], [0], [0], [1], [0, 0, 1, 1], [], []>, transpose_lhs_hint = false} : vector<2000x128xf32>, vector<128x128xf32>, vector<2000x128xf32> -> vector<2000x128xf32>
    %dot_general3A_27 = arith.constant dense<0.000000e+00> : vector<2000x128xf32>
    %dot_general3A_28 = tpu.matmul %mul3A_16, %get3A_22, %dot_general3A_27 {dimension_numbers = #tpu.dot_dimension_numbers<[1], [0], [0], [1], [0, 0, 1, 1], [], []>, transpose_lhs_hint = false} : vector<2000x128xf32>, vector<128x128xf32>, vector<2000x128xf32> -> vector<2000x128xf32>
    %add3A = arith.addf %dot_general3A_26, %dot_general3A_28 : vector<2000x128xf32>
    %add3A_29 = vector.broadcast %get3A_25 : vector<1x128xf32> to vector<2000x128xf32>
    %add3A_30 = arith.addf %add3A, %add3A_29 : vector<2000x128xf32>
    %max3A_31 = arith.constant 0.000000e+00 : f32
    %max3A_32 = vector.broadcast %max3A_31 : f32 to vector<2000x128xf32>
    %max3A_33 = arith.maximumf %add3A_30, %max3A_32 : vector<2000x128xf32>
    %convert_element_type3A_34 = arith.truncf %max3A_33 : vector<2000x128xf32> to vector<2000x128xbf16>
    %slice3A_35 = vector.extract_strided_slice %convert_element_type3A_34 {offsets = [0, 0], sizes = [2000, 64], strides = [1, 1]} : vector<2000x128xbf16> to vector<2000x64xbf16>
    %swap3A = arith.constant 0 : index
    %swap3A_36 = arith.constant 0 : index
    %swap3A_37 = arith.constant 0 : index
    %swap3A_38 = vector.load %arg7[%swap3A, %swap3A_36, %swap3A_37] : memref<2x2000x64xbf16, #tpu.memory_space<vmem>>, vector<1x2000x64xbf16>
    %swap3A_39 = vector.shape_cast %swap3A_38 : vector<1x2000x64xbf16> to vector<2000x64xbf16>
    %swap3A_40 = vector.shape_cast %slice3A_35 : vector<2000x64xbf16> to vector<1x2000x64xbf16>
    tpu.vector_store %arg7[%swap3A, %swap3A_36, %swap3A_37], %swap3A_40 {strides = array<i32>} : memref<2x2000x64xbf16, #tpu.memory_space<vmem>>, vector<1x2000x64xbf16>,
    %slice3A_41 = vector.extract_strided_slice %convert_element_type3A_34 {offsets = [0, 64], sizes = [2000, 64], strides = [1, 1]} : vector<2000x128xbf16> to vector<2000x64xbf16>
    %swap3A_42 = arith.constant 1 : index
    %swap3A_43 = arith.constant 0 : index
    %swap3A_44 = arith.constant 0 : index
    %swap3A_45 = vector.load %arg7[%swap3A_42, %swap3A_43, %swap3A_44] : memref<2x2000x64xbf16, #tpu.memory_space<vmem>>, vector<1x2000x64xbf16>
    %swap3A_46 = vector.shape_cast %swap3A_45 : vector<1x2000x64xbf16> to vector<2000x64xbf16>
    %swap3A_47 = vector.shape_cast %slice3A_41 : vector<2000x64xbf16> to vector<1x2000x64xbf16>
    tpu.vector_store %arg7[%swap3A_42, %swap3A_43, %swap3A_44], %swap3A_47 {strides = array<i32>} : memref<2x2000x64xbf16, #tpu.memory_space<vmem>>, vector<1x2000x64xbf16>,
    return
  }
  func.func @transform_0(%arg0: i32) -> (i32, i32) {
    %c0_i32 = arith.constant 0 : i32
    %c0_i32_0 = arith.constant 0 : i32
    return %arg0, %c0_i32 : i32, i32
  }
  func.func @transform_1(%arg0: i32) -> (i32, i32, i32) {
    %c0_i32 = arith.constant 0 : i32
    %c0_i32_0 = arith.constant 0 : i32
    %c0_i32_1 = arith.constant 0 : i32
    return %c0_i32, %arg0, %c0_i32_0 : i32, i32, i32
  }
  func.func @transform_2(%arg0: i32) -> (i32, i32) {
    %c0_i32 = arith.constant 0 : i32
    %c0_i32_0 = arith.constant 0 : i32
    return %arg0, %c0_i32 : i32, i32
  }
  func.func @transform_3(%arg0: i32) -> (i32, i32) {
    %c0_i32 = arith.constant 0 : i32
    %c0_i32_0 = arith.constant 0 : i32
    %c0_i32_1 = arith.constant 0 : i32
    return %c0_i32, %c0_i32_0 : i32, i32
  }
  func.func @transform_4(%arg0: i32) -> (i32, i32) {
    %c0_i32 = arith.constant 0 : i32
    %c0_i32_0 = arith.constant 0 : i32
    %c0_i32_1 = arith.constant 0 : i32
    return %c0_i32, %c0_i32_0 : i32, i32
  }
  func.func @transform_5(%arg0: i32) -> (i32, i32) {
    %c0_i32 = arith.constant 0 : i32
    %c0_i32_0 = arith.constant 0 : i32
    %c0_i32_1 = arith.constant 0 : i32
    return %c0_i32, %c0_i32_0 : i32, i32
  }
  func.func @transform_6(%arg0: i32) -> (i32, i32, i32) {
    %c0_i32 = arith.constant 0 : i32
    %c0_i32_0 = arith.constant 0 : i32
    %c0_i32_1 = arith.constant 0 : i32
    return %c0_i32, %arg0, %c0_i32_0 : i32, i32, i32
  }
}

module attributes {stable_mosaic.version = 14 : i64} {
  func.func @_tc_layer_pool_body(%arg0: i32, %arg1: memref<2x2000x64xbf16, #tpu.memory_space<vmem>>, %arg2: memref<2x2000x64xbf16, #tpu.memory_space<vmem>>, %arg3: memref<2000x16xf32, #tpu.memory_space<vmem>>, %arg4: memref<128x128xf32, #tpu.memory_space<vmem>>, %arg5: memref<128x128xf32, #tpu.memory_space<vmem>>, %arg6: memref<1x128xf32, #tpu.memory_space<vmem>>, %arg7: memref<128x128xf32, #tpu.memory_space<vmem>>, %arg8: memref<1x128xf32, #tpu.memory_space<vmem>>, %arg9: memref<1x128xf32, #tpu.memory_space<vmem>>, %arg10: memref<1x1xf32, #tpu.memory_space<vmem>>, %arg11: memref<1x1xf32, #tpu.memory_space<vmem>>, %arg12: memref<1x128xf32, #tpu.memory_space<vmem>>) attributes {dimension_semantics = [#tpu.dimension_semantics<arbitrary>], iteration_bounds = array<i64: 5>, scalar_prefetch = 0 : i64, scratch_operands = 1 : i64, tpu.core_type = #tpu.core_type<tc>, window_params = [{transform_indices = @transform_0, window_bounds = array<i64: 2, 2000, 64>}, {transform_indices = @transform_1, window_bounds = array<i64: 2, 2000, 64>}, {transform_indices = @transform_2, window_bounds = array<i64: 2000, 16>}, {pipeline_mode = #tpu.pipeline_mode<synchronous>, transform_indices = @transform_3, window_bounds = array<i64: 128, 128>}, {pipeline_mode = #tpu.pipeline_mode<synchronous>, transform_indices = @transform_4, window_bounds = array<i64: 128, 128>}, {pipeline_mode = #tpu.pipeline_mode<synchronous>, transform_indices = @transform_5, window_bounds = array<i64: 1, 128>}, {pipeline_mode = #tpu.pipeline_mode<synchronous>, transform_indices = @transform_6, window_bounds = array<i64: 128, 128>}, {pipeline_mode = #tpu.pipeline_mode<synchronous>, transform_indices = @transform_7, window_bounds = array<i64: 1, 128>}, {pipeline_mode = #tpu.pipeline_mode<synchronous>, transform_indices = @transform_8, window_bounds = array<i64: 1, 128>}, {pipeline_mode = #tpu.pipeline_mode<synchronous>, transform_indices = @transform_9, window_bounds = array<i64: 1, 1>}, {pipeline_mode = #tpu.pipeline_mode<synchronous>, transform_indices = @transform_10, window_bounds = array<i64: 1, 1>}]} {
    %get3A = arith.constant 0 : index
    %get3A_0 = arith.constant 0 : index
    %get3A_1 = arith.constant 0 : index
    %get3A_2 = vector.load %arg1[%get3A, %get3A_0, %get3A_1] : memref<2x2000x64xbf16, #tpu.memory_space<vmem>>, vector<2x2000x64xbf16>
    %slice3A = vector.extract_strided_slice %get3A_2 {offsets = [0, 0, 0], sizes = [1, 2000, 64], strides = [1, 1, 1]} : vector<2x2000x64xbf16> to vector<1x2000x64xbf16>
    %squeeze3A = vector.shape_cast %slice3A : vector<1x2000x64xbf16> to vector<2000x64xbf16>
    %slice3A_3 = vector.extract_strided_slice %get3A_2 {offsets = [1, 0, 0], sizes = [1, 2000, 64], strides = [1, 1, 1]} : vector<2x2000x64xbf16> to vector<1x2000x64xbf16>
    %squeeze3A_4 = vector.shape_cast %slice3A_3 : vector<1x2000x64xbf16> to vector<2000x64xbf16>
    %concatenate3A = tpu.concatenate %squeeze3A, %squeeze3A_4 in 1 : vector<2000x64xbf16>, vector<2000x64xbf16> -> vector<2000x128xbf16>
    %convert_element_type3A = arith.extf %concatenate3A : vector<2000x128xbf16> to vector<2000x128xf32>
    %get3A_5 = arith.constant 0 : index
    %get3A_6 = arith.constant 0 : index
    %get3A_7 = arith.constant 0 : index
    %get3A_8 = vector.load %arg2[%get3A_5, %get3A_6, %get3A_7] : memref<2x2000x64xbf16, #tpu.memory_space<vmem>>, vector<2x2000x64xbf16>
    %get3A_9 = arith.constant 0 : index
    %get3A_10 = arith.constant 0 : index
    %get3A_11 = vector.load %arg3[%get3A_9, %get3A_10] : memref<2000x16xf32, #tpu.memory_space<vmem>>, vector<2000x16xf32>
    %slice3A_12 = vector.extract_strided_slice %get3A_8 {offsets = [0, 0, 0], sizes = [1, 2000, 64], strides = [1, 1, 1]} : vector<2x2000x64xbf16> to vector<1x2000x64xbf16>
    %squeeze3A_13 = vector.shape_cast %slice3A_12 : vector<1x2000x64xbf16> to vector<2000x64xbf16>
    %slice3A_14 = vector.extract_strided_slice %get3A_8 {offsets = [1, 0, 0], sizes = [1, 2000, 64], strides = [1, 1, 1]} : vector<2x2000x64xbf16> to vector<1x2000x64xbf16>
    %squeeze3A_15 = vector.shape_cast %slice3A_14 : vector<1x2000x64xbf16> to vector<2000x64xbf16>
    %concatenate3A_16 = tpu.concatenate %squeeze3A_13, %squeeze3A_15 in 1 : vector<2000x64xbf16>, vector<2000x64xbf16> -> vector<2000x128xbf16>
    %convert_element_type3A_17 = arith.extf %concatenate3A_16 : vector<2000x128xbf16> to vector<2000x128xf32>
    %slice3A_18 = vector.extract_strided_slice %get3A_11 {offsets = [0, 0], sizes = [2000, 1], strides = [1, 1]} : vector<2000x16xf32> to vector<2000x1xf32>
    %max3A = arith.constant 1.000000e+00 : f32
    %max3A_19 = vector.broadcast %max3A : f32 to vector<2000x1xf32>
    %max3A_20 = arith.maximumf %slice3A_18, %max3A_19 : vector<2000x1xf32>
    %div3A = arith.constant 1.000000e+00 : f32
    %div3A_21 = vector.broadcast %div3A : f32 to vector<2000x1xf32>
    %div3A_22 = arith.divf %div3A_21, %max3A_20 : vector<2000x1xf32>
    %mul3A = vector.broadcast %div3A_22 : vector<2000x1xf32> to vector<2000x128xf32>
    %mul3A_23 = arith.mulf %convert_element_type3A_17, %mul3A : vector<2000x128xf32>
    %get3A_24 = arith.constant 0 : index
    %get3A_25 = arith.constant 0 : index
    %get3A_26 = vector.load %arg4[%get3A_24, %get3A_25] : memref<128x128xf32, #tpu.memory_space<vmem>>, vector<128x128xf32>
    %get3A_27 = arith.constant 0 : index
    %get3A_28 = arith.constant 0 : index
    %get3A_29 = vector.load %arg5[%get3A_27, %get3A_28] : memref<128x128xf32, #tpu.memory_space<vmem>>, vector<128x128xf32>
    %get3A_30 = arith.constant 0 : index
    %get3A_31 = arith.constant 0 : index
    %get3A_32 = vector.load %arg6[%get3A_30, %get3A_31] : memref<1x128xf32, #tpu.memory_space<vmem>>, vector<1x128xf32>
    %dot_general3A = arith.constant dense<0.000000e+00> : vector<2000x128xf32>
    %dot_general3A_33 = tpu.matmul %convert_element_type3A, %get3A_26, %dot_general3A {dimension_numbers = #tpu.dot_dimension_numbers<[1], [0], [0], [1], [0, 0, 1, 1], [], []>, transpose_lhs_hint = false} : vector<2000x128xf32>, vector<128x128xf32>, vector<2000x128xf32> -> vector<2000x128xf32>
    %dot_general3A_34 = arith.constant dense<0.000000e+00> : vector<2000x128xf32>
    %dot_general3A_35 = tpu.matmul %mul3A_23, %get3A_29, %dot_general3A_34 {dimension_numbers = #tpu.dot_dimension_numbers<[1], [0], [0], [1], [0, 0, 1, 1], [], []>, transpose_lhs_hint = false} : vector<2000x128xf32>, vector<128x128xf32>, vector<2000x128xf32> -> vector<2000x128xf32>
    %add3A = arith.addf %dot_general3A_33, %dot_general3A_35 : vector<2000x128xf32>
    %add3A_36 = vector.broadcast %get3A_32 : vector<1x128xf32> to vector<2000x128xf32>
    %add3A_37 = arith.addf %add3A, %add3A_36 : vector<2000x128xf32>
    %max3A_38 = arith.constant 0.000000e+00 : f32
    %max3A_39 = vector.broadcast %max3A_38 : f32 to vector<2000x128xf32>
    %max3A_40 = arith.maximumf %add3A_37, %max3A_39 : vector<2000x128xf32>
    %eq3A = arith.constant 0 : i32
    %eq3A_41 = arith.cmpi eq, %arg0, %eq3A : i32
    %convert_element_type3A_42 = arith.extui %eq3A_41 : i1 to i32
    %cond3A = arith.constant 0 : i32
    %cond3A_43 = arith.cmpi ne, %convert_element_type3A_42, %cond3A : i32
    scf.if %cond3A_43 {
      %broadcast_in_dim3A_56 = arith.constant 0.000000e+00 : f32
      %broadcast_in_dim3A_57 = vector.broadcast %broadcast_in_dim3A_56 : f32 to vector<1x128xf32>
      %swap3A_58 = arith.constant 0 : index
      %swap3A_59 = arith.constant 0 : index
      %swap3A_60 = vector.load %arg12[%swap3A_58, %swap3A_59] : memref<1x128xf32, #tpu.memory_space<vmem>>, vector<1x128xf32>
      tpu.vector_store %arg12[%swap3A_58, %swap3A_59], %broadcast_in_dim3A_57 {strides = array<i32>} : memref<1x128xf32, #tpu.memory_space<vmem>>, vector<1x128xf32>,
    } else {
    }
    %get3A_44 = arith.constant 0 : index
    %get3A_45 = arith.constant 0 : index
    %get3A_46 = vector.load %arg12[%get3A_44, %get3A_45] : memref<1x128xf32, #tpu.memory_space<vmem>>, vector<1x128xf32>
    %reduce_sum3A = arith.constant dense<0.000000e+00> : vector<128xf32>
    %reduce_sum3A_47 = vector.multi_reduction <add>, %max3A_40, %reduce_sum3A [0] : vector<2000x128xf32> to vector<128xf32>
    %broadcast_in_dim3A = vector.shape_cast %reduce_sum3A_47 : vector<128xf32> to vector<1x128xf32>
    %add3A_48 = arith.addf %get3A_46, %broadcast_in_dim3A : vector<1x128xf32>
    %swap3A = arith.constant 0 : index
    %swap3A_49 = arith.constant 0 : index
    %swap3A_50 = vector.load %arg12[%swap3A, %swap3A_49] : memref<1x128xf32, #tpu.memory_space<vmem>>, vector<1x128xf32>
    tpu.vector_store %arg12[%swap3A, %swap3A_49], %add3A_48 {strides = array<i32>} : memref<1x128xf32, #tpu.memory_space<vmem>>, vector<1x128xf32>,
    %eq3A_51 = arith.constant 4 : i32
    %eq3A_52 = arith.cmpi eq, %arg0, %eq3A_51 : i32
    %convert_element_type3A_53 = arith.extui %eq3A_52 : i1 to i32
    %cond3A_54 = arith.constant 0 : i32
    %cond3A_55 = arith.cmpi ne, %convert_element_type3A_53, %cond3A_54 : i32
    scf.if %cond3A_55 {
      %get3A_56 = arith.constant 0 : index
      %get3A_57 = arith.constant 0 : index
      %get3A_58 = vector.load %arg12[%get3A_56, %get3A_57] : memref<1x128xf32, #tpu.memory_space<vmem>>, vector<1x128xf32>
      %mul3A_59 = arith.constant 9.99999974E-5 : f32
      %mul3A_60 = vector.broadcast %mul3A_59 : f32 to vector<1x128xf32>
      %mul3A_61 = arith.mulf %get3A_58, %mul3A_60 : vector<1x128xf32>
      %get3A_62 = arith.constant 0 : index
      %get3A_63 = arith.constant 0 : index
      %get3A_64 = vector.load %arg7[%get3A_62, %get3A_63] : memref<128x128xf32, #tpu.memory_space<vmem>>, vector<128x128xf32>
      %dot_general3A_65 = arith.constant dense<0.000000e+00> : vector<1x128xf32>
      %dot_general3A_66 = tpu.matmul %mul3A_61, %get3A_64, %dot_general3A_65 {dimension_numbers = #tpu.dot_dimension_numbers<[1], [0], [0], [1], [0, 0, 1, 1], [], []>, transpose_lhs_hint = false} : vector<1x128xf32>, vector<128x128xf32>, vector<1x128xf32> -> vector<1x128xf32>
      %get3A_67 = arith.constant 0 : index
      %get3A_68 = arith.constant 0 : index
      %get3A_69 = vector.load %arg8[%get3A_67, %get3A_68] : memref<1x128xf32, #tpu.memory_space<vmem>>, vector<1x128xf32>
      %add3A_70 = arith.addf %dot_general3A_66, %get3A_69 : vector<1x128xf32>
      %max3A_71 = arith.constant 0.000000e+00 : f32
      %max3A_72 = vector.broadcast %max3A_71 : f32 to vector<1x128xf32>
      %max3A_73 = arith.maximumf %add3A_70, %max3A_72 : vector<1x128xf32>
      %get3A_74 = arith.constant 0 : index
      %get3A_75 = arith.constant 0 : index
      %get3A_76 = vector.load %arg9[%get3A_74, %get3A_75] : memref<1x128xf32, #tpu.memory_space<vmem>>, vector<1x128xf32>
      %mul3A_77 = arith.mulf %max3A_73, %get3A_76 : vector<1x128xf32>
      %reduce_sum3A_78 = arith.constant dense<0.000000e+00> : vector<1xf32>
      %reduce_sum3A_79 = vector.multi_reduction <add>, %mul3A_77, %reduce_sum3A_78 [1] : vector<1x128xf32> to vector<1xf32>
      %broadcast_in_dim3A_80 = vector.shape_cast %reduce_sum3A_79 : vector<1xf32> to vector<1x1xf32>
      %get3A_81 = arith.constant 0 : index
      %get3A_82 = arith.constant 0 : index
      %get3A_83 = vector.load %arg10[%get3A_81, %get3A_82] : memref<1x1xf32, #tpu.memory_space<vmem>>, vector<1x1xf32>
      %add3A_84 = arith.addf %broadcast_in_dim3A_80, %get3A_83 : vector<1x1xf32>
      %logistic3A = arith.negf %add3A_84 : vector<1x1xf32>
      %logistic3A_85 = math.exp %logistic3A : vector<1x1xf32>
      %logistic3A_86 = arith.constant 1.000000e+00 : f32
      %logistic3A_87 = vector.broadcast %logistic3A_86 : f32 to vector<1x1xf32>
      %logistic3A_88 = arith.addf %logistic3A_87, %logistic3A_85 : vector<1x1xf32>
      %logistic3A_89 = arith.divf %logistic3A_87, %logistic3A_88 : vector<1x1xf32>
      %swap3A_90 = arith.constant 0 : index
      %swap3A_91 = arith.constant 0 : index
      %swap3A_92 = vector.load %arg11[%swap3A_90, %swap3A_91] : memref<1x1xf32, #tpu.memory_space<vmem>>, vector<1x1xf32>
      tpu.vector_store %arg11[%swap3A_90, %swap3A_91], %logistic3A_89 {strides = array<i32>} : memref<1x1xf32, #tpu.memory_space<vmem>>, vector<1x1xf32>,
    } else {
    }
    return
  }
  func.func @transform_0(%arg0: i32) -> (i32, i32, i32) {
    %c0_i32 = arith.constant 0 : i32
    %c0_i32_0 = arith.constant 0 : i32
    %c0_i32_1 = arith.constant 0 : i32
    return %c0_i32, %arg0, %c0_i32_0 : i32, i32, i32
  }
  func.func @transform_1(%arg0: i32) -> (i32, i32, i32) {
    %c0_i32 = arith.constant 0 : i32
    %c0_i32_0 = arith.constant 0 : i32
    %c0_i32_1 = arith.constant 0 : i32
    return %c0_i32, %arg0, %c0_i32_0 : i32, i32, i32
  }
  func.func @transform_2(%arg0: i32) -> (i32, i32) {
    %c0_i32 = arith.constant 0 : i32
    %c0_i32_0 = arith.constant 0 : i32
    return %arg0, %c0_i32 : i32, i32
  }
  func.func @transform_3(%arg0: i32) -> (i32, i32) {
    %c0_i32 = arith.constant 0 : i32
    %c0_i32_0 = arith.constant 0 : i32
    %c0_i32_1 = arith.constant 0 : i32
    return %c0_i32, %c0_i32_0 : i32, i32
  }
  func.func @transform_4(%arg0: i32) -> (i32, i32) {
    %c0_i32 = arith.constant 0 : i32
    %c0_i32_0 = arith.constant 0 : i32
    %c0_i32_1 = arith.constant 0 : i32
    return %c0_i32, %c0_i32_0 : i32, i32
  }
  func.func @transform_5(%arg0: i32) -> (i32, i32) {
    %c0_i32 = arith.constant 0 : i32
    %c0_i32_0 = arith.constant 0 : i32
    %c0_i32_1 = arith.constant 0 : i32
    return %c0_i32, %c0_i32_0 : i32, i32
  }
  func.func @transform_6(%arg0: i32) -> (i32, i32) {
    %c0_i32 = arith.constant 0 : i32
    %c0_i32_0 = arith.constant 0 : i32
    %c0_i32_1 = arith.constant 0 : i32
    return %c0_i32, %c0_i32_0 : i32, i32
  }
  func.func @transform_7(%arg0: i32) -> (i32, i32) {
    %c0_i32 = arith.constant 0 : i32
    %c0_i32_0 = arith.constant 0 : i32
    %c0_i32_1 = arith.constant 0 : i32
    return %c0_i32, %c0_i32_0 : i32, i32
  }
  func.func @transform_8(%arg0: i32) -> (i32, i32) {
    %c0_i32 = arith.constant 0 : i32
    %c0_i32_0 = arith.constant 0 : i32
    %c0_i32_1 = arith.constant 0 : i32
    return %c0_i32, %c0_i32_0 : i32, i32
  }
  func.func @transform_9(%arg0: i32) -> (i32, i32) {
    %c0_i32 = arith.constant 0 : i32
    %c0_i32_0 = arith.constant 0 : i32
    %c0_i32_1 = arith.constant 0 : i32
    return %c0_i32, %c0_i32_0 : i32, i32
  }
  func.func @transform_10(%arg0: i32) -> (i32, i32) {
    %c0_i32 = arith.constant 0 : i32
    %c0_i32_0 = arith.constant 0 : i32
    %c0_i32_1 = arith.constant 0 : i32
    return %c0_i32, %c0_i32_0 : i32, i32
  }
}

</mosaic_0001>

<sc_bundles>
// kernel: kernel.6.cloned.1.call-start
scs
__scs_entry_jumppad:
0x0: {  	(pc) =	sbr.rel $0x88, $3  }
0x1: {  	(tag) =	ssettag $0x0;
	lr =	simm.s32 $0x1  }
0x2: {  	[smem:$0x3F95] =	sst lr;
	_ =	strace $0xD0000000  }
0x3: {  	_ = 	snop  }
0x4: {  	_ = 	snop  }
0x5: {  	_ = 	snop  }
0x6: {  	_ = 	snop  }
0x7: {  	_ = 	snop  }
__scs_overlays_trampoline_lowered:
0x8: {  	[smem:$0x3FA4] =	sst s0  }
0x9: {  	[smem:$0x3FA5] =	sst s1  }
0xa: {  	[smem:$0x3FA6] =	sst s2  }
0xb: {  	[smem:$0x3FA7] =	sst s3  }
0xc: {  	[smem:$0x3FA8] =	sst s4  }
0xd: {  	[smem:$0x3FA9] =	sst s5  }
0xe: {  	[smem:$0x3FAA] =	sst s6  }
0xf: {  	[smem:$0x3FAB] =	sst s7  }
0x10: {  	[smem:$0x3FAC] =	sst s8  }
0x11: {  	[smem:$0x3FAD] =	sst s9;
	s0 =	simm.s32 @!p0 $0x0  }
0x12: {  	s1 =	sld [smem:$0x3F93];
	s0 =	simm.s32 @p0 $0x1  }
0x13: {  	[smem:$0x3FAE] =	sst s0;
	s0 =	simm.s32 @!p1 $0x0  }
0x14: {  	s2 =	sld [smem:$0x3F92];
	s0 =	simm.s32 @p1 $0x1  }
0x15: {  	[smem:$0x3FAF] =	sst s0;
	s0 =	simm.s32 @!p2 $0x0  }
0x16: {  	s3 =	sld [smem:$0x3FDB];
	s0 =	simm.s32 @p2 $0x1  }
0x17: {  	s4 =	simm.s32 $0x1BF5;
	[smem:$0x3FB1] =	sst s0  }
0x18: {  	s0 =	sld [smem:$0x3F94];
	_ =	swait.ge [sflag:s4], $0x0  }
0x19: {  	s7 =	sld [smem:$0x3F95]  }
0x1a: {  	s8 =	sadd.s32 $0xFFFFE003, lr  }
0x1b: {  	s9 =	sadd.s32 $0xFFFFFEF7, lr;
	s5 =	simm.s32 $0xFFFFFFFF;
	p2 =	slt.u32 s8, $0xFFFFF086  }
0x1c: {  	p1 =	slt.u32 s9, $0xF7A;
	s5 =	simm.s32 @!p2 $0x0  }
0x1d: {  	s5 =	simm.s32 @p1 $0x1;
	p0 =	seq.s32 s7, s2  }
0x1e: {  	s7 =	smul.u32 @!p0 $0xF7A, s2;
	p2 =	seq.s32 @!p0 s5, $0x0  }
0x1f: {  	s9 =	smul.u32 $0xF7A, s1;
	s8 =	simm.s32 @!p0 $0x1BF5;
	p2 =	por !p2, p0  }
0x20: {  	[sflag:s8] =	ssyncset.s32 @!p0 $0xFFFFF086;
	s6 =	sadd.s32 @!p0 s3, s7;
	s7 =	simm.s32 @!p0 $0x108  }
0x21: {  	s3 =	sadd.s32 s3, s9;
	s6 =	sadd.s32 @!p0 $0x88, s6;
	s7 =	simm.s32 @p2 $0x1082  }
0x22: {  	[simem:s7], [sflag:s8] =	dma.local @!p0 [hbm:s6], $0xF7A  }
0x23: {  	s9 =	sor.u32 $0xD0000000, s2;
	s6 =	simm.s32 $0x108;
	_ =	swait.ge @!p0 [sflag:s8], $0x0  }
0x24: {  	s3 =	sadd.s32 $0x88, s3;
	s6 =	simm.s32 @!p1 $0x1082;
	[sflag:s4] =	ssyncset.s32 $0xFFFFF086  }
0x25: {  	[simem:s6], [sflag:s4] =	dma.local [hbm:s3], $0xF7A  }
0x26: {  	[smem:$0x3F95] =	sst s1;
	(tag) =	ssettag s2;
	_ =	strace s9  }
0x27: {  	s1 =	sld [smem:$0x3FA5]  }
0x28: {  	s2 =	sld [smem:$0x3FA6]  }
0x29: {  	s4 =	sld [smem:$0x3FA8]  }
0x2a: {  	p0 =	seq.s32 s5, $0x0;
	s5 =	sld [smem:$0x3FA9]  }
0x2b: {  	s6 =	sld [smem:$0x3FAA]  }
0x2c: {  	s7 =	sld [smem:$0x3FAB]  }
0x2d: {  	s3 =	simm.s32 $0x108;
	s8 =	sld [smem:$0x3FAC]  }
0x2e: {  	s3 =	simm.s32 @!p0 $0x1082;
	s9 =	sld [smem:$0x3FAD]  }
0x2f: {  	lr =	sadd.s32 s0, s3;
	s0 =	sld [smem:$0x3FA4]  }
0x30: {  	s3 =	sld [smem:$0x3FA7]  }
0x31: {  	[smem:$0x3FB0] =	sst s10  }
0x32: {  	s10 =	sld [smem:$0x3FAE];
	_ =	sdelay $0x3  }
0x33: {  	p0 =	seq.s32 s10, $0x1;
	s10 =	sld [smem:$0x3FB0];
	_ =	sdelay $0x3  }
0x34: {  	[smem:$0x3FB0] =	sst s10  }
0x35: {  	s10 =	sld [smem:$0x3FAF];
	_ =	sdelay $0x3  }
0x36: {  	p1 =	seq.s32 s10, $0x1;
	s10 =	sld [smem:$0x3FB0];
	_ =	sdelay $0x3  }
0x37: {  	[smem:$0x3FB0] =	sst s10  }
0x38: {  	s10 =	sld [smem:$0x3FB1]  }
0x39: {  	_ = 	snop;
	(pc) =	sbr.ind lr, $3  }
0x3a: {  	_ = 	snop  }
0x3b: {  	_ = 	snop  }
0x3c: {  	p2 =	seq.s32 s10, $0x1;
	s10 =	sld [smem:$0x3FB0]  }
0x3d: {  	_ =	shalt  }
0x3e: {  	_ =	shalt  }
0x3f: {  	_ =	shalt  }
0x40: {  	_ =	shalt  }
0x41: {  	_ =	shalt  }
0x42: {  	_ =	shalt  }
0x43: {  	_ =	shalt  }
0x44: {  	_ =	shalt  }
0x45: {  	_ =	shalt  }
0x46: {  	_ =	shalt  }
0x47: {  	_ =	shalt  }
0x48: {  	_ =	shalt  }
0x49: {  	_ =	shalt  }
0x4a: {  	_ =	shalt  }
0x4b: {  	_ =	shalt  }
0x4c: {  	_ =	shalt  }
0x4d: {  	_ =	shalt  }
0x4e: {  	_ =	shalt  }
0x4f: {  	_ =	shalt  }
0x50: {  	_ =	shalt  }
0x51: {  	_ =	shalt  }
0x52: {  	_ =	shalt  }
0x53: {  	_ =	shalt  }
0x54: {  	_ =	shalt  }
0x55: {  	_ =	shalt  }
0x56: {  	_ =	shalt  }
0x57: {  	_ =	shalt  }
0x58: {  	_ =	shalt  }
0x59: {  	_ =	shalt  }
0x5a: {  	_ =	shalt  }
0x5b: {  	_ =	shalt  }
0x5c: {  	_ =	shalt  }
0x5d: {  	_ =	shalt  }
0x5e: {  	_ =	shalt  }
0x5f: {  	_ =	shalt  }
0x60: {  	_ =	shalt  }
0x61: {  	_ =	shalt  }
0x62: {  	_ =	shalt  }
0x63: {  	_ =	shalt  }
0x64: {  	_ =	shalt  }
0x65: {  	_ =	shalt  }
0x66: {  	_ =	shalt  }
0x67: {  	_ =	shalt  }
0x68: {  	_ =	shalt  }
0x69: {  	_ =	shalt  }
0x6a: {  	_ =	shalt  }
0x6b: {  	_ =	shalt  }
0x6c: {  	_ =	shalt  }
0x6d: {  	_ =	shalt  }
0x6e: {  	_ =	shalt  }
0x6f: {  	_ =	shalt  }
0x70: {  	_ =	shalt  }
0x71: {  	_ =	shalt  }
0x72: {  	_ =	shalt  }
0x73: {  	_ =	shalt  }
0x74: {  	_ =	shalt  }
0x75: {  	_ =	shalt  }
0x76: {  	_ =	shalt  }
0x77: {  	_ =	shalt  }
0x78: {  	_ =	shalt  }
0x79: {  	_ =	shalt  }
0x7a: {  	_ =	shalt  }
0x7b: {  	_ =	shalt  }
0x7c: {  	_ =	shalt  }
0x7d: {  	_ =	shalt  }
0x7e: {  	_ =	shalt  }
0x7f: {  	_ =	shalt  }
0x80: {  	_ =	shalt  }
0x81: {  	_ =	shalt  }
0x82: {  	_ =	shalt  }
0x83: {  	_ =	shalt  }
0x84: {  	_ =	shalt  }
0x85: {  	_ =	shalt  }
0x86: {  	_ =	shalt  }
0x87: {  	_ =	shalt  }
.Lfunc_end0:
.L_simem_size_0:
called_computation_lowered:
.L_overlay_start_0:
0x88: {  	s2 =	sld [smem:$0x3FD9]  }
0x89: {  	s3 =	sld [smem:$0x3FFE];
	_ =	sdelay $0x1  }
0x8a: {  	s1 =	srdreg.scid  }
0x8b: {  	s0 =	sand.u32 $0x1, s1  }
0x8c: {  	s16 =	sshll.u32 s0, $0xA;
	s2 =	sadd.s32 s3, s2  }
0x8d: {  	s2 =	sadd.s32 s2, s16  }
0x8e: {  	[smem:$0x3FBC] =	sst s2  }
0x8f: {  	_ = 	snop  }
0x90: {  	(tm) =	ssettm $0x1  }
0x91: {  	s17 =	sld [smem:$0x3FFB];
	_ =	sdelay $0x3  }
0x92: {  	_ =	strace s17  }
0x93: {  	s2 =	sld [smem:$0x3FFC];
	_ =	sdelay $0x3  }
0x94: {  	_ =	strace s2  }
0x95: {  	s2 =	sld [smem:$0x3FFD];
	_ =	sdelay $0x3  }
0x96: {  	_ =	strace s2  }
0x97: {  	_ =	strace $0x8FFFFFFF  }
0x98: {  	s18 =	sld [smem:$0x3FDB];
	_ =	sdelay $0x1  }
0x99: {  	s19 =	simm.s32 $_scs_section_size  }
0x9a: {  	s4 =	simm.s32 $_size__tile_overlayer_lowered;
	s5 =	simm.s32 $_tile_overlayer_lowered  }
0x9b: {  	s22 =	simm.s32 $0x1BFF;
	s21 =	sshll.u32 s5, $0x1;
	s2 =	sadd.s32 s19, s18  }
0x9c: {  	s6 =	simm.s32 $0x0;
	s20 =	sshll.u32 s4, $0x1;
	s4 =	sadd.s32 s21, s2  }
0x9d: {  	[timem:s6], [sflag:s22] =	dma.local [hbm:s4], s20  }
0x9e: {  	_ =	swait.ge [sflag:s22], s20  }
0x9f: {  	s3 =	ssub.s32 $0x0, s20;
	[sflag:s22] =	ssyncset.done $0x0  }
0xa0: {  	[sflag:s22] =	ssyncadd.s32 s3;
	_ =	sdelay $0x1  }
0xa1: {  	s23 =	simm.s32 $0x1B8B  }
0xa2: {  	_ =	swait.ge [sflag:s23], $0x1  }
0xa3: {  	[sflag:s23] =	ssyncset.done $0x0  }
0xa4: {  	s25 =	simm.s32 $0x1B8E;
	s24 =	sld [smem:$0x3FFE];
	[sflag:s23] =	ssyncadd.s32 $0xFFFFFFFF  }
0xa5: {  	s26 =	simm.s32 $execute0_lowered;
	[smem:$0x3FD2] =	sst s25  }
0xa6: {  	s4 =	sshll.u32 s26, $0x1;
	_ =	strace $0x80000046;
	[dreg:$0x1] =	wrdreg $0xFFFFFFFF  }
0xa7: {  	s28 =	simm.s32 $_size_execute0_lowered;
	s2 =	sadd.s32 s2, s4;
	[dreg:$0x0] =	wrdreg $0x0  }
0xa8: {  	s4 =	sshll.u32 s28, $0x1;
	[dreg:$0x2] =	wrdreg s2  }
0xa9: {  	[dreg:$0x3] =	wrdreg s4  }
0xaa: {  	[dreg:$0x4] =	wrdreg $0xC0  }
0xab: {  	_ =	task [dreg:s6], $0x5FFFF  }
0xac: {  	[dreg:$0x1] =	wrdreg $0xFFFFFFFF  }
0xad: {  	[dreg:$0x0] =	wrdreg $0x60  }
0xae: {  	[dreg:$0x2] =	wrdreg s24  }
0xaf: {  	[dreg:$0x3] =	wrdreg $0x134000  }
0xb0: {  	[dreg:$0x4] =	wrdreg $0x184000  }
0xb1: {  	[dreg:$0x5] =	wrdreg $0x1AC000  }
0xb2: {  	[dreg:$0x6] =	wrdreg $0x9  }
0xb3: {  	_ =	task.clear_ibuf [dreg:s6], $0x7FFFF;
	_ =	strace $0x90000046  }
0xb4: {  	s29 =	simm.s32 $0x9;
	_ =	strace $0x80000048  }
0xb5: {  	_ =	swait.ge [sflag:s29], $0x1  }
0xb6: {  	[sflag:s29] =	ssyncadd.s32 $0xFFFFFFFF  }
0xb7: {  	_ =	strace $0x90000048  }
0xb8: {  	_ =	sfence  }
0xb9: {  	s30 =	sld [smem:$0x0];
	_ =	sdelay $0x2  }
0xba: {  	s31 =	sshll.u32 s1, $0xD;
	s1 =	sshrl.u32 s1, $0x2  }
0xbb: {  	s3 =	sand.u32 $0x4000, s31;
	s1 =	sadd.s32 s1, s30  }
0xbc: {  	s0 =	sor.u32 s3, s0;
	s1 =	sshll.u32 s1, $0x11  }
0xbd: {  	s0 =	sor.u32 s1, s0  }
0xbe: {  	s0 =	sadd.s32 $0x8F2B, s0  }
0xbf: {  	[sflag:s0] =	ssyncadd.remote.s32 $0x1  }
0xc0: {  	_ =	sfence.sel $0xFFFF  }
0xc1: {  	[dreg:$0x0] =	wrdreg $0xFFFFFFFF;
	(pc) =	sbr.abs _section_cstart, $3  }
0xc2: {  	[dreg:$0x1] =	wrdreg $0xFFFFFFFF  }
0xc3: {  	_ =	task.clear_ibuf [dreg:s6], $0x2FFFF;
	_ =	strace $0x9FFFFFFF  }
0xc4: {  	(tm) =	ssettm $0x7FFFFFFF  }
0xc5: {  	_ =	shalt  }
tec
execute0_lowered:
.L_overlay_start_1:
0x0: {  	(tag) =	ssettag $0x1  }
0x1: {  	s2 =	srdreg.scid;
	s17 =	stileid.u32  }
0x2: {  	s5 =	sand.u32 $0x1, s2;
	s2 =	smul.u32 $0x9C40, s17  }
0x3: {  	s0 =	rddreg [dreg:$0x0];
	s7 =	smul.u32 $0x5000, s17  }
0x4: {  	s1 =	rddreg [dreg:$0x1];
	s8 =	smul.u32 $0xA000, s17  }
0x5: {  	s3 =	rddreg [dreg:$0x2];
	s10 =	smul.u32 $0x2800, s17  }
0x6: {  	s4 =	rddreg [dreg:$0x3];
	s9 =	simm.s32 $0x0;
	s13 =	smul.u32 $0x280, s17  }
0x7: {  	[smem:$0x7FF] =	sst s9;
	s31 =	sadd.s32 $0x29840, s0;
	s6 =	smul.u32 $0x9C400, s5  }
0x8: {  	p1 =	seq.s32 s17, $0xF;
	s23 =	smul.u32 $0xA0000, s5;
	_ =	strace $0x80000047  }
0x9: {  	s26 =	ssub.s32 $0x2, s5;
	p0 =	sne.s32 s5, $0x0;
	s7 =	sshrl.u32 s7, $0x3  }
0xa: {  	s25 =	sshrl.u32 s10, $0x3;
	s28 =	sshrl.u32 s26, $0x1;
	s29 =	sshrl.u32 s8, $0x1  }
0xb: {  	s30 =	sor.u32 $0x40, s13;
	s18 =	sadd.s32 $0x80, s13;
	s21 =	sadd.s32 $0xC0, s13  }
0xc: {  	s6 =	sadd.s32 s2, s6;
	s9 =	sadd.s32 s8, s23;
	s12 =	sadd.s32 s7, s0  }
0xd: {  	s15 =	sadd.s32 s25, s0;
	s7 =	sadd.s32 s10, s3;
	s16 =	sshll.u32 s30, $0x5  }
0xe: {  	s8 =	sshll.u32 s30, $0x4;
	s19 =	sshll.u32 s18, $0x5;
	s22 =	sshll.u32 s21, $0x5  }
0xf: {  	s25 =	sadd.s32 $0x140, s13;
	s2 =	sshrl.u32 s2, $0x1;
	s6 =	sshrl.u32 s6, $0x4  }
0x10: {  	s24 =	sshrl.u32 s9, $0x4;
	s9 =	ssub.s32 s26, s28;
	s10 =	sadd.s32 s16, s1  }
0x11: {  	s8 =	sadd.s32 s8, s3;
	s16 =	sadd.s32 $0x100, s13;
	s26 =	sshll.u32 s25, $0x5  }
0x12: {  	s28 =	sshll.u32 s25, $0x4;
	s25 =	sadd.s32 s2, s4;
	s11 =	sadd.s32 s6, s0  }
0x13: {  	s14 =	sadd.s32 s24, s0;
	s6 =	sadd.s32 s29, s1;
	[dreg:$0x5] =	wrdreg s10  }
0x14: {  	[dreg:$0x6] =	wrdreg s8;
	s10 =	sshll.u32 s18, $0x4;
	s8 =	sadd.s32 s19, s1  }
0x15: {  	s23 =	sshll.u32 s16, $0x5;
	s24 =	sshll.u32 s16, $0x4;
	s5 =	sadd.s32 s26, s1  }
0x16: {  	s29 =	sadd.s32 $0x180, s13;
	s16 =	sadd.s32 $0x1C0, s13;
	[dreg:$0x7] =	wrdreg s8  }
0x17: {  	s19 =	sadd.s32 $0x200, s13;
	s20 =	sadd.s32 s10, s3;
	[dreg:$0xd] =	wrdreg s5  }
0x18: {  	s8 =	sshll.u32 s21, $0x4;
	s10 =	sadd.s32 s22, s1;
	[dreg:$0x8] =	wrdreg s20  }
0x19: {  	s5 =	sadd.s32 s28, s3;
	s30 =	sshll.u32 s29, $0x5;
	[dreg:$0x9] =	wrdreg s10  }
0x1a: {  	s18 =	sshll.u32 s16, $0x5;
	s26 =	sadd.s32 $0x2C00, s11;
	[dreg:$0xe] =	wrdreg s5  }
0x1b: {  	s21 =	sshll.u32 s19, $0x4;
	s28 =	sadd.s32 $0x16600, s12;
	[dreg:$0x17] =	wrdreg s26  }
0x1c: {  	s22 =	sadd.s32 $0x240, s13;
	s8 =	sadd.s32 s8, s3;
	[dreg:$0x18] =	wrdreg s28  }
0x1d: {  	s2 =	sadd.s32 $0x2F000, s14;
	s5 =	sadd.s32 s30, s1;
	[dreg:$0xa] =	wrdreg s8  }
0x1e: {  	s11 =	simm.s32 $0x12000;
	s30 =	sadd.s32 $0x1FC00, s0;
	[dreg:$0xf] =	wrdreg s5  }
0x1f: {  	s13 =	simm.s32 $0x1;
	s8 =	sadd.s32 s23, s1;
	[dreg:$0x1a] =	wrdreg s30  }
0x20: {  	s5 =	sshll.u32 s16, $0x4;
	[dreg:$0xb] =	wrdreg s8;
	s8 =	sadd.s32 s24, s3  }
0x21: {  	s20 =	sshll.u32 s19, $0x5;
	s5 =	sadd.s32 s5, s3;
	[dreg:$0xc] =	wrdreg s8  }
0x22: {  	s14 =	simm.s32 $0x80;
	[dreg:$0x12] =	wrdreg s5;
	s5 =	sadd.s32 s20, s1  }
0x23: {  	s8 =	sshll.u32 s29, $0x4;
	s29 =	sadd.s32 $0x20240, s12;
	[dreg:$0x13] =	wrdreg s5  }
0x24: {  	s0 =	sadd.s32 $0x2A000, s15;
	s10 =	sadd.s32 s8, s3;
	[dreg:$0x19] =	wrdreg s29  }
0x25: {  	s15 =	simm.s32 $0x3;
	s8 =	sadd.s32 s18, s1;
	[dreg:$0x10] =	wrdreg s10  }
0x26: {  	s23 =	sshll.u32 s22, $0x5;
	s5 =	sadd.s32 s21, s3;
	[dreg:$0x11] =	wrdreg s8  }
0x27: {  	s16 =	simm.s32 $0x0;
	[dreg:$0x14] =	wrdreg s5;
	s5 =	sadd.s32 s23, s1  }
0x28: {  	s12 =	simm.s32 $0x12800;
	s8 =	sshll.u32 s22, $0x4;
	[dreg:$0x15] =	wrdreg s5  }
0x29: {  	s24 =	sadd.s32 s8, s3;
	s5 =	smax.u32 s9, $0x1;
	s9 =	sshll.u32 s17, $0x6  }
0x2a: {  	v0 =	vimm.bf16 $0.0e+00;
	v1 =	vimm.f32 $0.0e+00;
	v2 =	vimm.f32 $1.000000000e+00;
	s8 =	sshrl.u32 s25, $0x3;
	[dreg:$0x16] =	wrdreg s24;
	s10 =	sor.u32 $0x1C01, s9  }
.LBB2_1:
0x2b: {  	[tilespmem:$0x12000] =	vst v0  }
0x2c: {  	[tilespmem:$0x12010] =	vst v0  }
0x2d: {  	[tilespmem:$0x12020] =	vst v0  }
0x2e: {  	[tilespmem:$0x12030] =	vst v0  }
0x2f: {  	[tilespmem:$0x12040] =	vst v0  }
0x30: {  	[tilespmem:$0x12050] =	vst v0  }
0x31: {  	[tilespmem:$0x12060] =	vst v0  }
0x32: {  	[tilespmem:$0x12070] =	vst v0  }
0x33: {  	[tilespmem:$0x12080] =	vst v0  }
0x34: {  	[tilespmem:$0x12090] =	vst v0  }
0x35: {  	[tilespmem:$0x120A0] =	vst v0  }
0x36: {  	[tilespmem:$0x120B0] =	vst v0  }
0x37: {  	[tilespmem:$0x120C0] =	vst v0  }
0x38: {  	[tilespmem:$0x120D0] =	vst v0  }
0x39: {  	[tilespmem:$0x120E0] =	vst v0  }
0x3a: {  	[tilespmem:$0x120F0] =	vst v0  }
0x3b: {  	[tilespmem:$0x12100] =	vst v0  }
0x3c: {  	[tilespmem:$0x12110] =	vst v0  }
0x3d: {  	[tilespmem:$0x12120] =	vst v0  }
0x3e: {  	[tilespmem:$0x12130] =	vst v0  }
0x3f: {  	[tilespmem:$0x12140] =	vst v0  }
0x40: {  	[tilespmem:$0x12150] =	vst v0  }
0x41: {  	[tilespmem:$0x12160] =	vst v0  }
0x42: {  	[tilespmem:$0x12170] =	vst v0  }
0x43: {  	[tilespmem:$0x12180] =	vst v0  }
0x44: {  	[tilespmem:$0x12190] =	vst v0  }
0x45: {  	[tilespmem:$0x121A0] =	vst v0  }
0x46: {  	[tilespmem:$0x121B0] =	vst v0  }
0x47: {  	[tilespmem:$0x121C0] =	vst v0  }
0x48: {  	[tilespmem:$0x121D0] =	vst v0  }
0x49: {  	[tilespmem:$0x121E0] =	vst v0  }
0x4a: {  	[tilespmem:$0x121F0] =	vst v0  }
0x4b: {  	[tilespmem:$0x12200] =	vst v0  }
0x4c: {  	[tilespmem:$0x12210] =	vst v0  }
0x4d: {  	[tilespmem:$0x12220] =	vst v0  }
0x4e: {  	[tilespmem:$0x12230] =	vst v0  }
0x4f: {  	[tilespmem:$0x12240] =	vst v0  }
0x50: {  	[tilespmem:$0x12250] =	vst v0  }
0x51: {  	[tilespmem:$0x12260] =	vst v0  }
0x52: {  	[tilespmem:$0x12270] =	vst v0  }
0x53: {  	[tilespmem:$0x12280] =	vst v0  }
0x54: {  	[tilespmem:$0x12290] =	vst v0  }
0x55: {  	[tilespmem:$0x122A0] =	vst v0  }
0x56: {  	[tilespmem:$0x122B0] =	vst v0  }
0x57: {  	[tilespmem:$0x122C0] =	vst v0  }
0x58: {  	[tilespmem:$0x122D0] =	vst v0  }
0x59: {  	[tilespmem:$0x122E0] =	vst v0  }
0x5a: {  	[tilespmem:$0x122F0] =	vst v0  }
0x5b: {  	[tilespmem:$0x12300] =	vst v0  }
0x5c: {  	[tilespmem:$0x12310] =	vst v0  }
0x5d: {  	[tilespmem:$0x12320] =	vst v0  }
0x5e: {  	[tilespmem:$0x12330] =	vst v0  }
0x5f: {  	[tilespmem:$0x12340] =	vst v0  }
0x60: {  	[tilespmem:$0x12350] =	vst v0  }
0x61: {  	[tilespmem:$0x12360] =	vst v0  }
0x62: {  	[tilespmem:$0x12370] =	vst v0  }
0x63: {  	[tilespmem:$0x12380] =	vst v0  }
0x64: {  	[tilespmem:$0x12390] =	vst v0  }
0x65: {  	[tilespmem:$0x123A0] =	vst v0  }
0x66: {  	[tilespmem:$0x123B0] =	vst v0  }
0x67: {  	[tilespmem:$0x123C0] =	vst v0  }
0x68: {  	[tilespmem:$0x123D0] =	vst v0  }
0x69: {  	[tilespmem:$0x123E0] =	vst v0  }
0x6a: {  	[tilespmem:$0x123F0] =	vst v0  }
0x6b: {  	[tilespmem:$0x12400] =	vst v0  }
0x6c: {  	[tilespmem:$0x12410] =	vst v0  }
0x6d: {  	[tilespmem:$0x12420] =	vst v0  }
0x6e: {  	[tilespmem:$0x12430] =	vst v0  }
0x6f: {  	[tilespmem:$0x12440] =	vst v0  }
0x70: {  	[tilespmem:$0x12450] =	vst v0  }
0x71: {  	[tilespmem:$0x12460] =	vst v0  }
0x72: {  	[tilespmem:$0x12470] =	vst v0  }
0x73: {  	[tilespmem:$0x12480] =	vst v0  }
0x74: {  	[tilespmem:$0x12490] =	vst v0  }
0x75: {  	[tilespmem:$0x124A0] =	vst v0  }
0x76: {  	[tilespmem:$0x124B0] =	vst v0  }
0x77: {  	[tilespmem:$0x124C0] =	vst v0  }
0x78: {  	[tilespmem:$0x124D0] =	vst v0  }
0x79: {  	[tilespmem:$0x124E0] =	vst v0  }
0x7a: {  	[tilespmem:$0x124F0] =	vst v0  }
0x7b: {  	[tilespmem:$0x12500] =	vst v0  }
0x7c: {  	[tilespmem:$0x12510] =	vst v0  }
0x7d: {  	[tilespmem:$0x12520] =	vst v0  }
0x7e: {  	[tilespmem:$0x12530] =	vst v0  }
0x7f: {  	[tilespmem:$0x12540] =	vst v0  }
0x80: {  	[tilespmem:$0x12550] =	vst v0  }
0x81: {  	[tilespmem:$0x12560] =	vst v0  }
0x82: {  	[tilespmem:$0x12570] =	vst v0  }
0x83: {  	[tilespmem:$0x12580] =	vst v0  }
0x84: {  	[tilespmem:$0x12590] =	vst v0  }
0x85: {  	[tilespmem:$0x125A0] =	vst v0  }
0x86: {  	[tilespmem:$0x125B0] =	vst v0  }
0x87: {  	[tilespmem:$0x125C0] =	vst v0  }
0x88: {  	[tilespmem:$0x125D0] =	vst v0  }
0x89: {  	[tilespmem:$0x125E0] =	vst v0  }
0x8a: {  	[tilespmem:$0x125F0] =	vst v0  }
0x8b: {  	[tilespmem:$0x12600] =	vst v0  }
0x8c: {  	[tilespmem:$0x12610] =	vst v0  }
0x8d: {  	[tilespmem:$0x12620] =	vst v0  }
0x8e: {  	[tilespmem:$0x12630] =	vst v0  }
0x8f: {  	[tilespmem:$0x12640] =	vst v0  }
0x90: {  	[tilespmem:$0x12650] =	vst v0  }
0x91: {  	[tilespmem:$0x12660] =	vst v0  }
0x92: {  	[tilespmem:$0x12670] =	vst v0  }
0x93: {  	[tilespmem:$0x12680] =	vst v0  }
0x94: {  	[tilespmem:$0x12690] =	vst v0  }
0x95: {  	[tilespmem:$0x126A0] =	vst v0  }
0x96: {  	[tilespmem:$0x126B0] =	vst v0  }
0x97: {  	[tilespmem:$0x126C0] =	vst v0  }
0x98: {  	[tilespmem:$0x126D0] =	vst v0  }
0x99: {  	[tilespmem:$0x126E0] =	vst v0  }
0x9a: {  	[tilespmem:$0x126F0] =	vst v0  }
0x9b: {  	[tilespmem:$0x12700] =	vst v0  }
0x9c: {  	[tilespmem:$0x12710] =	vst v0  }
0x9d: {  	[tilespmem:$0x12720] =	vst v0  }
0x9e: {  	[tilespmem:$0x12730] =	vst v0  }
0x9f: {  	[tilespmem:$0x12740] =	vst v0  }
0xa0: {  	[tilespmem:$0x12750] =	vst v0  }
0xa1: {  	[tilespmem:$0x12760] =	vst v0  }
0xa2: {  	[tilespmem:$0x12770] =	vst v0  }
0xa3: {  	[tilespmem:$0x12780] =	vst v0  }
0xa4: {  	[tilespmem:$0x12790] =	vst v0  }
0xa5: {  	[tilespmem:$0x127A0] =	vst v0  }
0xa6: {  	[tilespmem:$0x127B0] =	vst v0  }
0xa7: {  	[tilespmem:$0x127C0] =	vst v0  }
0xa8: {  	[tilespmem:$0x127D0] =	vst v0  }
0xa9: {  	[tilespmem:$0x127E0] =	vst v0  }
0xaa: {  	[tilespmem:$0x127F0] =	vst v0  }
0xab: {  	[tilespmem:$0x12800] =	vst v1  }
0xac: {  	[tilespmem:$0x12810] =	vst v1  }
0xad: {  	[tilespmem:$0x12820] =	vst v1  }
0xae: {  	[tilespmem:$0x12830] =	vst v1  }
0xaf: {  	[tilespmem:$0x12840] =	vst v1  }
0xb0: {  	[tilespmem:$0x12850] =	vst v1  }
0xb1: {  	[tilespmem:$0x12860] =	vst v1  }
0xb2: {  	[tilespmem:$0x12870] =	vst v1  }
0xb3: {  	[tilespmem:$0x12880] =	vst v1  }
0xb4: {  	[tilespmem:$0x12890] =	vst v1  }
0xb5: {  	[tilespmem:$0x128A0] =	vst v1  }
0xb6: {  	[tilespmem:$0x128B0] =	vst v1  }
0xb7: {  	[tilespmem:$0x128C0] =	vst v1  }
0xb8: {  	[tilespmem:$0x128D0] =	vst v1  }
0xb9: {  	[tilespmem:$0x128E0] =	vst v1  }
0xba: {  	[tilespmem:$0x128F0] =	vst v1  }
0xbb: {  	[tilespmem:$0x12900] =	vst v1  }
0xbc: {  	[tilespmem:$0x12910] =	vst v1  }
0xbd: {  	[tilespmem:$0x12920] =	vst v1  }
0xbe: {  	[tilespmem:$0x12930] =	vst v1  }
0xbf: {  	[tilespmem:$0x12940] =	vst v1  }
0xc0: {  	[tilespmem:$0x12950] =	vst v1  }
0xc1: {  	[tilespmem:$0x12960] =	vst v1  }
0xc2: {  	[tilespmem:$0x12970] =	vst v1  }
0xc3: {  	[tilespmem:$0x12980] =	vst v1  }
0xc4: {  	[tilespmem:$0x12990] =	vst v1  }
0xc5: {  	[tilespmem:$0x129A0] =	vst v1  }
0xc6: {  	[tilespmem:$0x129B0] =	vst v1  }
0xc7: {  	[tilespmem:$0x129C0] =	vst v1  }
0xc8: {  	[tilespmem:$0x129D0] =	vst v1  }
0xc9: {  	[tilespmem:$0x129E0] =	vst v1  }
0xca: {  	[tilespmem:$0x129F0] =	vst v1  }
0xcb: {  	[tilespmem:$0x12A00] =	vst v1  }
0xcc: {  	[tilespmem:$0x12A10] =	vst v1  }
0xcd: {  	[tilespmem:$0x12A20] =	vst v1  }
0xce: {  	[tilespmem:$0x12A30] =	vst v1  }
0xcf: {  	[tilespmem:$0x12A40] =	vst v1  }
0xd0: {  	[tilespmem:$0x12A50] =	vst v1  }
0xd1: {  	[tilespmem:$0x12A60] =	vst v1  }
0xd2: {  	[tilespmem:$0x12A70] =	vst v1  }
0xd3: {  	[tilespmem:$0x12A80] =	vst v1  }
0xd4: {  	[tilespmem:$0x12A90] =	vst v1  }
0xd5: {  	[tilespmem:$0x12AA0] =	vst v1  }
0xd6: {  	[tilespmem:$0x12AB0] =	vst v1  }
0xd7: {  	[tilespmem:$0x12AC0] =	vst v1  }
0xd8: {  	[tilespmem:$0x12AD0] =	vst v1  }
0xd9: {  	[tilespmem:$0x12AE0] =	vst v1  }
0xda: {  	[tilespmem:$0x12AF0] =	vst v1  }
0xdb: {  	[tilespmem:$0x12B00] =	vst v1  }
0xdc: {  	[tilespmem:$0x12B10] =	vst v1  }
0xdd: {  	[tilespmem:$0x12B20] =	vst v1  }
0xde: {  	[tilespmem:$0x12B30] =	vst v1  }
0xdf: {  	[tilespmem:$0x12B40] =	vst v1  }
0xe0: {  	[tilespmem:$0x12B50] =	vst v1  }
0xe1: {  	[tilespmem:$0x12B60] =	vst v1  }
0xe2: {  	[tilespmem:$0x12B70] =	vst v1  }
0xe3: {  	[tilespmem:$0x12B80] =	vst v1  }
0xe4: {  	[tilespmem:$0x12B90] =	vst v1  }
0xe5: {  	[tilespmem:$0x12BA0] =	vst v1  }
0xe6: {  	[tilespmem:$0x12BB0] =	vst v1  }
0xe7: {  	[tilespmem:$0x12BC0] =	vst v1  }
0xe8: {  	[tilespmem:$0x12BD0] =	vst v1  }
0xe9: {  	[tilespmem:$0x12BE0] =	vst v1  }
0xea: {  	[tilespmem:$0x12BF0] =	vst v1  }
0xeb: {  	[tilespmem:$0x12C00] =	vst v2  }
0xec: {  	[tilespmem:$0x12C10] =	vst v2  }
0xed: {  	[tilespmem:$0x12C20] =	vst v2  }
0xee: {  	[tilespmem:$0x12C30] =	vst v2  }
0xef: {  	[tilespmem:$0x12C40] =	vst v2  }
0xf0: {  	[tilespmem:$0x12C50] =	vst v2  }
0xf1: {  	[tilespmem:$0x12C60] =	vst v2  }
0xf2: {  	[tilespmem:$0x12C70] =	vst v2  }
0xf3: {  	[tilespmem:$0x12C80] =	vst v2  }
0xf4: {  	[tilespmem:$0x12C90] =	vst v2  }
0xf5: {  	[tilespmem:$0x12CA0] =	vst v2  }
0xf6: {  	[tilespmem:$0x12CB0] =	vst v2  }
0xf7: {  	[tilespmem:$0x12CC0] =	vst v2  }
0xf8: {  	[tilespmem:$0x12CD0] =	vst v2  }
0xf9: {  	[tilespmem:$0x12CE0] =	vst v2  }
0xfa: {  	[tilespmem:$0x12CF0] =	vst v2  }
0xfb: {  	[tilespmem:$0x12D00] =	vst v2  }
0xfc: {  	[tilespmem:$0x12D10] =	vst v2  }
0xfd: {  	[tilespmem:$0x12D20] =	vst v2  }
0xfe: {  	[tilespmem:$0x12D30] =	vst v2  }
0xff: {  	[tilespmem:$0x12D40] =	vst v2  }
0x100: {  	[tilespmem:$0x12D50] =	vst v2  }
0x101: {  	[tilespmem:$0x12D60] =	vst v2  }
0x102: {  	[tilespmem:$0x12D70] =	vst v2  }
0x103: {  	[tilespmem:$0x12D80] =	vst v2  }
0x104: {  	[tilespmem:$0x12D90] =	vst v2  }
0x105: {  	[tilespmem:$0x12DA0] =	vst v2  }
0x106: {  	[tilespmem:$0x12DB0] =	vst v2  }
0x107: {  	[tilespmem:$0x12DC0] =	vst v2  }
0x108: {  	[tilespmem:$0x12DD0] =	vst v2  }
0x109: {  	[tilespmem:$0x12DE0] =	vst v2  }
0x10a: {  	[tilespmem:$0x12DF0] =	vst v2  }
0x10b: {  	[tilespmem:$0x12E00] =	vst v2  }
0x10c: {  	[tilespmem:$0x12E10] =	vst v2  }
0x10d: {  	[tilespmem:$0x12E20] =	vst v2  }
0x10e: {  	[tilespmem:$0x12E30] =	vst v2  }
0x10f: {  	[tilespmem:$0x12E40] =	vst v2  }
0x110: {  	[tilespmem:$0x12E50] =	vst v2  }
0x111: {  	[tilespmem:$0x12E60] =	vst v2  }
0x112: {  	[tilespmem:$0x12E70] =	vst v2  }
0x113: {  	[tilespmem:$0x12E80] =	vst v2  }
0x114: {  	[tilespmem:$0x12E90] =	vst v2  }
0x115: {  	[tilespmem:$0x12EA0] =	vst v2  }
0x116: {  	[tilespmem:$0x12EB0] =	vst v2  }
0x117: {  	[tilespmem:$0x12EC0] =	vst v2  }
0x118: {  	[tilespmem:$0x12ED0] =	vst v2  }
0x119: {  	[tilespmem:$0x12EE0] =	vst v2  }
0x11a: {  	[tilespmem:$0x12EF0] =	vst v2  }
0x11b: {  	[tilespmem:$0x12F00] =	vst v2  }
0x11c: {  	[tilespmem:$0x12F10] =	vst v2  }
0x11d: {  	[tilespmem:$0x12F20] =	vst v2  }
0x11e: {  	[tilespmem:$0x12F30] =	vst v2  }
0x11f: {  	[tilespmem:$0x12F40] =	vst v2  }
0x120: {  	[tilespmem:$0x12F50] =	vst v2  }
0x121: {  	[tilespmem:$0x12F60] =	vst v2  }
0x122: {  	[tilespmem:$0x12F70] =	vst v2  }
0x123: {  	[tilespmem:$0x12F80] =	vst v2  }
0x124: {  	[tilespmem:$0x12F90] =	vst v2  }
0x125: {  	[tilespmem:$0x12FA0] =	vst v2  }
0x126: {  	[tilespmem:$0x12FB0] =	vst v2  }
0x127: {  	[tilespmem:$0x12FC0] =	vst v2  }
0x128: {  	[tilespmem:$0x12FD0] =	vst v2  }
0x129: {  	[tilespmem:$0x12FE0] =	vst v2  }
0x12a: {  	[tilespmem:$0x12FF0] =	vst v2  }
0x12b: {  	[tilespmem:$0x13000] =	vst v2  }
0x12c: {  	[tilespmem:$0x13010] =	vst v2  }
0x12d: {  	[tilespmem:$0x13020] =	vst v2  }
0x12e: {  	[tilespmem:$0x13030] =	vst v2  }
0x12f: {  	[tilespmem:$0x13040] =	vst v2  }
0x130: {  	[tilespmem:$0x13050] =	vst v2  }
0x131: {  	[tilespmem:$0x13060] =	vst v2  }
0x132: {  	[tilespmem:$0x13070] =	vst v2  }
0x133: {  	[tilespmem:$0x13080] =	vst v2  }
0x134: {  	[tilespmem:$0x13090] =	vst v2  }
0x135: {  	[tilespmem:$0x130A0] =	vst v2  }
0x136: {  	[tilespmem:$0x130B0] =	vst v2  }
0x137: {  	[tilespmem:$0x130C0] =	vst v2  }
0x138: {  	[tilespmem:$0x130D0] =	vst v2  }
0x139: {  	[tilespmem:$0x130E0] =	vst v2  }
0x13a: {  	[tilespmem:$0x130F0] =	vst v2  }
0x13b: {  	[tilespmem:$0x13100] =	vst v2  }
0x13c: {  	[tilespmem:$0x13110] =	vst v2  }
0x13d: {  	[tilespmem:$0x13120] =	vst v2  }
0x13e: {  	[tilespmem:$0x13130] =	vst v2  }
0x13f: {  	[tilespmem:$0x13140] =	vst v2  }
0x140: {  	[tilespmem:$0x13150] =	vst v2  }
0x141: {  	[tilespmem:$0x13160] =	vst v2  }
0x142: {  	[tilespmem:$0x13170] =	vst v2  }
0x143: {  	[tilespmem:$0x13180] =	vst v2  }
0x144: {  	[tilespmem:$0x13190] =	vst v2  }
0x145: {  	[tilespmem:$0x131A0] =	vst v2  }
0x146: {  	[tilespmem:$0x131B0] =	vst v2  }
0x147: {  	[tilespmem:$0x131C0] =	vst v2  }
0x148: {  	[tilespmem:$0x131D0] =	vst v2  }
0x149: {  	[tilespmem:$0x131E0] =	vst v2  }
0x14a: {  	[tilespmem:$0x131F0] =	vst v2  }
0x14b: {  	[tilespmem:$0x13200] =	vst v2  }
0x14c: {  	[tilespmem:$0x13210] =	vst v2  }
0x14d: {  	[tilespmem:$0x13220] =	vst v2  }
0x14e: {  	[tilespmem:$0x13230] =	vst v2  }
0x14f: {  	[tilespmem:$0x13240] =	vst v2  }
0x150: {  	[tilespmem:$0x13250] =	vst v2  }
0x151: {  	[tilespmem:$0x13260] =	vst v2  }
0x152: {  	[tilespmem:$0x13270] =	vst v2  }
0x153: {  	[tilespmem:$0x13280] =	vst v2  }
0x154: {  	[tilespmem:$0x13290] =	vst v2  }
0x155: {  	[tilespmem:$0x132A0] =	vst v2  }
0x156: {  	[tilespmem:$0x132B0] =	vst v2  }
0x157: {  	[tilespmem:$0x132C0] =	vst v2  }
0x158: {  	[tilespmem:$0x132D0] =	vst v2  }
0x159: {  	[tilespmem:$0x132E0] =	vst v2  }
0x15a: {  	[tilespmem:$0x132F0] =	vst v2  }
0x15b: {  	[tilespmem:$0x13300] =	vst v2  }
0x15c: {  	[tilespmem:$0x13310] =	vst v2  }
0x15d: {  	[tilespmem:$0x13320] =	vst v2  }
0x15e: {  	[tilespmem:$0x13330] =	vst v2  }
0x15f: {  	[tilespmem:$0x13340] =	vst v2  }
0x160: {  	[tilespmem:$0x13350] =	vst v2  }
0x161: {  	[tilespmem:$0x13360] =	vst v2  }
0x162: {  	[tilespmem:$0x13370] =	vst v2  }
0x163: {  	[tilespmem:$0x13380] =	vst v2  }
0x164: {  	[tilespmem:$0x13390] =	vst v2  }
0x165: {  	[tilespmem:$0x133A0] =	vst v2  }
0x166: {  	[tilespmem:$0x133B0] =	vst v2  }
0x167: {  	[tilespmem:$0x133C0] =	vst v2  }
0x168: {  	[tilespmem:$0x133D0] =	vst v2  }
0x169: {  	[tilespmem:$0x133E0] =	vst v2  }
0x16a: {  	[tilespmem:$0x133F0] =	vst v2  }
0x16b: {  	[spmem:s6] =	stream.linear.scatter [tilespmem:s11], [sflag:$0x1], $0x800, $0x38;
	[tilespmem:$0x1FA20] =	vst v63  }
0x16c: {  	s17 =	rddreg [dreg:$0x5]  }
0x16d: {  	[spmem:s7] =	stream.linear.scatter [tilespmem:s12], [sflag:$0x1], $0x400, $0x38;
	[tilespmem:$0x1FA20] =	vst v63  }
0x16e: {  	s21 =	rddreg [dreg:$0x6]  }
0x16f: {  	[spmem:s17] =	stream.linear.scatter [tilespmem:s11], [sflag:$0x1], $0x800, $0x38;
	[tilespmem:$0x1FA20] =	vst v63  }
0x170: {  	s22 =	rddreg [dreg:$0x7]  }
0x171: {  	[spmem:s21] =	stream.linear.scatter [tilespmem:s12], [sflag:$0x1], $0x400, $0x38;
	[tilespmem:$0x1FA20] =	vst v63  }
0x172: {  	s23 =	rddreg [dreg:$0x8]  }
0x173: {  	[spmem:s22] =	stream.linear.scatter [tilespmem:s11], [sflag:$0x1], $0x800, $0x38;
	[tilespmem:$0x1FA20] =	vst v63  }
0x174: {  	s24 =	rddreg [dreg:$0x9]  }
0x175: {  	[spmem:s23] =	stream.linear.scatter [tilespmem:s12], [sflag:$0x1], $0x400, $0x38;
	[tilespmem:$0x1FA20] =	vst v63  }
0x176: {  	s25 =	rddreg [dreg:$0xa]  }
0x177: {  	[spmem:s24] =	stream.linear.scatter [tilespmem:s11], [sflag:$0x1], $0x800, $0x38;
	[tilespmem:$0x1FA20] =	vst v63  }
0x178: {  	s26 =	rddreg [dreg:$0xb]  }
0x179: {  	[spmem:s25] =	stream.linear.scatter [tilespmem:s12], [sflag:$0x1], $0x400, $0x38;
	[tilespmem:$0x1FA20] =	vst v63  }
0x17a: {  	s18 =	rddreg [dreg:$0xc]  }
0x17b: {  	[spmem:s26] =	stream.linear.scatter [tilespmem:s11], [sflag:$0x1], $0x800, $0x38;
	[tilespmem:$0x1FA20] =	vst v63  }
0x17c: {  	s19 =	rddreg [dreg:$0xd]  }
0x17d: {  	[spmem:s18] =	stream.linear.scatter [tilespmem:s12], [sflag:$0x1], $0x400, $0x38;
	[tilespmem:$0x1FA20] =	vst v63  }
0x17e: {  	s20 =	rddreg [dreg:$0xe]  }
0x17f: {  	[spmem:s19] =	stream.linear.scatter [tilespmem:s11], [sflag:$0x1], $0x800, $0x38;
	[tilespmem:$0x1FA20] =	vst v63  }
0x180: {  	s21 =	rddreg [dreg:$0xf]  }
0x181: {  	[spmem:s20] =	stream.linear.scatter [tilespmem:s12], [sflag:$0x1], $0x400, $0x38;
	[tilespmem:$0x1FA20] =	vst v63  }
0x182: {  	s22 =	rddreg [dreg:$0x10]  }
0x183: {  	[spmem:s21] =	stream.linear.scatter [tilespmem:s11], [sflag:$0x1], $0x800, $0x38;
	[tilespmem:$0x1FA20] =	vst v63  }
0x184: {  	s23 =	rddreg [dreg:$0x11]  }
0x185: {  	[spmem:s22] =	stream.linear.scatter [tilespmem:s12], [sflag:$0x1], $0x400, $0x38;
	[tilespmem:$0x1FA20] =	vst v63  }
0x186: {  	s24 =	rddreg [dreg:$0x12]  }
0x187: {  	[spmem:s23] =	stream.linear.scatter [tilespmem:s11], [sflag:$0x1], $0x800, $0x38;
	[tilespmem:$0x1FA20] =	vst v63  }
0x188: {  	s25 =	rddreg [dreg:$0x13]  }
0x189: {  	[spmem:s24] =	stream.linear.scatter [tilespmem:s12], [sflag:$0x1], $0x400, $0x38;
	[tilespmem:$0x1FA20] =	vst v63  }
0x18a: {  	s26 =	rddreg [dreg:$0x14]  }
0x18b: {  	[spmem:s25] =	stream.linear.scatter [tilespmem:s11], [sflag:$0x1], $0x800, $0x38;
	[tilespmem:$0x1FA20] =	vst v63  }
0x18c: {  	s18 =	rddreg [dreg:$0x15]  }
0x18d: {  	[spmem:s26] =	stream.linear.scatter [tilespmem:s12], [sflag:$0x1], $0x400, $0x38;
	[tilespmem:$0x1FA20] =	vst v63  }
0x18e: {  	s19 =	rddreg [dreg:$0x16]  }
0x18f: {  	[spmem:s18] =	stream.linear.scatter [tilespmem:s11], [sflag:$0x1], $0x800, $0x38;
	[tilespmem:$0x1FA20] =	vst v63  }
0x190: {  	s20 =	rddreg [dreg:$0x17]  }
0x191: {  	[spmem:s19] =	stream.linear.scatter [tilespmem:s12], [sflag:$0x1], $0x400, $0x38;
	[tilespmem:$0x1FA20] =	vst v63  }
0x192: {  	[spmem:s8], [sflag:s10] =	dma.local [hbm:s20], $0x9C4  }
0x193: {  	s17 =	simm.s32 @p1 $0x0;
	s18 =	rddreg [dreg:$0x1a]  }
0x194: {  	[tilespmem:s17], [sflag:$0x3] =	stream.linear.gather @p1 [hbm4b:s18+s17], $0x3200, $0x38;
	[tilespmem:$0x1FA20] =	vst v63  }
0x195: {  	s18 =	simm.s32 @p1 $0x3  }
0x196: {  	_ =	swait.ge @p1 [sflag:s18], $0x3200  }
0x197: {  	[sflag:s18] =	ssyncset.done @p1 $0x0  }
0x198: {  	s19 =	simm.s32 @p1 $0x5000;
	[sflag:s18] =	ssyncadd.s32 @p1 $0xFFFFCE00  }
0x199: {  	[tilespmem:s19], [sflag:$0x3] =	stream.linear.gather @p1 [hbm4b:s31+s17], $0x3200, $0x38;
	[tilespmem:$0x1FA20] =	vst v63  }
0x19a: {  	_ =	swait.ge @p1 [sflag:s18], $0x3200  }
0x19b: {  	[sflag:s18] =	ssyncset.done @p1 $0x0  }
0x19c: {  	s17 =	simm.s32 @!p1 $0x0;
	[sflag:s18] =	ssyncadd.s32 @p1 $0xFFFFCE00;
	s18 =	rddreg [dreg:$0x18]  }
0x19d: {  	[tilespmem:s17], [sflag:$0x3] =	stream.linear.gather @!p1 [hbm4b:s18+s17], $0x5000, $0x38;
	[tilespmem:$0x1FA20] =	vst v63  }
0x19e: {  	s18 =	simm.s32 @!p1 $0x3  }
0x19f: {  	_ =	swait.ge @!p1 [sflag:s18], $0x5000  }
0x1a0: {  	[sflag:s18] =	ssyncset.done @!p1 $0x0  }
0x1a1: {  	s19 =	simm.s32 @!p1 $0x5000;
	s20 =	rddreg [dreg:$0x19];
	[sflag:s18] =	ssyncadd.s32 @!p1 $0xFFFFB000  }
0x1a2: {  	[tilespmem:s19], [sflag:$0x3] =	stream.linear.gather @!p1 [hbm4b:s20+s17], $0x5000, $0x38;
	[tilespmem:$0x1FA20] =	vst v63  }
0x1a3: {  	_ =	swait.ge @!p1 [sflag:s18], $0x5000  }
0x1a4: {  	[sflag:s18] =	ssyncset.done @!p1 $0x0  }
0x1a5: {  	[sflag:s18] =	ssyncadd.s32 @!p1 $0xFFFFB000  }
0x1a6: {  	_ =	swait.ge [sflag:s13], $0x800  }
0x1a7: {  	[sflag:s13] =	ssyncset.done $0x0  }
0x1a8: {  	[sflag:s13] =	ssyncadd.s32 $0xFFFFF800  }
0x1a9: {  	_ =	swait.ge [sflag:s13], $0x400  }
0x1aa: {  	[sflag:s13] =	ssyncset.done $0x0  }
0x1ab: {  	[sflag:s13] =	ssyncadd.s32 $0xFFFFFC00  }
0x1ac: {  	_ =	swait.ge [sflag:s13], $0x800  }
0x1ad: {  	[sflag:s13] =	ssyncset.done $0x0  }
0x1ae: {  	[sflag:s13] =	ssyncadd.s32 $0xFFFFF800  }
0x1af: {  	_ =	swait.ge [sflag:s13], $0x400  }
0x1b0: {  	[sflag:s13] =	ssyncset.done $0x0  }
0x1b1: {  	[sflag:s13] =	ssyncadd.s32 $0xFFFFFC00  }
0x1b2: {  	_ =	swait.ge [sflag:s13], $0x800  }
0x1b3: {  	[sflag:s13] =	ssyncset.done $0x0  }
0x1b4: {  	[sflag:s13] =	ssyncadd.s32 $0xFFFFF800  }
0x1b5: {  	_ =	swait.ge [sflag:s13], $0x400  }
0x1b6: {  	[sflag:s13] =	ssyncset.done $0x0  }
0x1b7: {  	[sflag:s13] =	ssyncadd.s32 $0xFFFFFC00  }
0x1b8: {  	_ =	swait.ge [sflag:s13], $0x800  }
0x1b9: {  	[sflag:s13] =	ssyncset.done $0x0  }
0x1ba: {  	[sflag:s13] =	ssyncadd.s32 $0xFFFFF800  }
0x1bb: {  	_ =	swait.ge [sflag:s13], $0x400  }
0x1bc: {  	[sflag:s13] =	ssyncset.done $0x0  }
0x1bd: {  	[sflag:s13] =	ssyncadd.s32 $0xFFFFFC00  }
0x1be: {  	_ =	swait.ge [sflag:s13], $0x800  }
0x1bf: {  	[sflag:s13] =	ssyncset.done $0x0  }
0x1c0: {  	[sflag:s13] =	ssyncadd.s32 $0xFFFFF800  }
0x1c1: {  	_ =	swait.ge [sflag:s13], $0x400  }
0x1c2: {  	[sflag:s13] =	ssyncset.done $0x0  }
0x1c3: {  	[sflag:s13] =	ssyncadd.s32 $0xFFFFFC00  }
0x1c4: {  	_ =	swait.ge [sflag:s13], $0x800  }
0x1c5: {  	[sflag:s13] =	ssyncset.done $0x0  }
0x1c6: {  	[sflag:s13] =	ssyncadd.s32 $0xFFFFF800  }
0x1c7: {  	_ =	swait.ge [sflag:s13], $0x400  }
0x1c8: {  	[sflag:s13] =	ssyncset.done $0x0  }
0x1c9: {  	[sflag:s13] =	ssyncadd.s32 $0xFFFFFC00  }
0x1ca: {  	_ =	swait.ge [sflag:s13], $0x800  }
0x1cb: {  	[sflag:s13] =	ssyncset.done $0x0  }
0x1cc: {  	[sflag:s13] =	ssyncadd.s32 $0xFFFFF800  }
0x1cd: {  	_ =	swait.ge [sflag:s13], $0x400  }
0x1ce: {  	[sflag:s13] =	ssyncset.done $0x0  }
0x1cf: {  	[sflag:s13] =	ssyncadd.s32 $0xFFFFFC00  }
0x1d0: {  	_ =	swait.ge [sflag:s13], $0x800  }
0x1d1: {  	[sflag:s13] =	ssyncset.done $0x0  }
0x1d2: {  	[sflag:s13] =	ssyncadd.s32 $0xFFFFF800  }
0x1d3: {  	_ =	swait.ge [sflag:s13], $0x400  }
0x1d4: {  	[sflag:s13] =	ssyncset.done $0x0  }
0x1d5: {  	[sflag:s13] =	ssyncadd.s32 $0xFFFFFC00  }
0x1d6: {  	_ =	swait.ge [sflag:s13], $0x800  }
0x1d7: {  	[sflag:s13] =	ssyncset.done $0x0  }
0x1d8: {  	[sflag:s13] =	ssyncadd.s32 $0xFFFFF800  }
0x1d9: {  	_ =	swait.ge [sflag:s13], $0x400  }
0x1da: {  	[sflag:s13] =	ssyncset.done $0x0  }
0x1db: {  	[sflag:s13] =	ssyncadd.s32 $0xFFFFFC00  }
0x1dc: {  	_ =	swait.ge [sflag:s13], $0x800  }
0x1dd: {  	[sflag:s13] =	ssyncset.done $0x0  }
0x1de: {  	[sflag:s13] =	ssyncadd.s32 $0xFFFFF800  }
0x1df: {  	_ =	swait.ge [sflag:s13], $0x400  }
0x1e0: {  	[sflag:s13] =	ssyncset.done $0x0  }
0x1e1: {  	[sflag:s13] =	ssyncadd.s32 $0xFFFFFC00  }
0x1e2: {  	_ =	swait.ge [sflag:s13], $0x9C4  }
0x1e3: {  	[sflag:s13] =	ssyncset.done $0x0  }
0x1e4: {  	[sflag:s13] =	ssyncadd.s32 $0xFFFFF63C  }
0x1e5: {  	s21 =	simm.s32 $0xA000;
	s17 =	simm.s32 $0x0;
	[bflag:$0x0] =	sbarrier.arrive $0xFFFF  }
0x1e6: {  	[tilespmem:s21], [sflag:$0x1] =	stream.indirect.gather [spmem:s4], $0x20, s17, s14, $0xb8;
	[tilespmem:$0x1FA20] =	vst v63  }
0x1e7: {  	s22 =	simm.s32 $0xB000  }
0x1e8: {  	[tilespmem:s22], [sflag:$0x1] =	stream.indirect.gather [spmem:s4], $0x20, s14, s14, $0xb8;
	[tilespmem:$0x1FA20] =	vst v63  }
0x1e9: {  	s23 =	simm.s32 $0x100;
	s24 =	simm.s32 $0xC000  }
0x1ea: {  	[tilespmem:s24], [sflag:$0x1] =	stream.indirect.gather [spmem:s4], $0x20, s23, s14, $0xb8;
	[tilespmem:$0x1FA20] =	vst v63  }
0x1eb: {  	s25 =	simm.s32 $0x180;
	s26 =	simm.s32 $0xD000  }
0x1ec: {  	[tilespmem:s26], [sflag:$0x1] =	stream.indirect.gather [spmem:s4], $0x20, s25, s14, $0xb8;
	[tilespmem:$0x1FA20] =	vst v63  }
0x1ed: {  	s19 =	simm.s32 $0x200;
	s20 =	simm.s32 $0xE000  }
0x1ee: {  	[tilespmem:s20], [sflag:$0x1] =	stream.indirect.gather [spmem:s4], $0x20, s19, s14, $0xb8;
	[tilespmem:$0x1FA20] =	vst v63  }
0x1ef: {  	s21 =	simm.s32 $0x280;
	s22 =	simm.s32 $0xF000  }
0x1f0: {  	[tilespmem:s22], [sflag:$0x1] =	stream.indirect.gather [spmem:s4], $0x20, s21, s14, $0xb8;
	[tilespmem:$0x1FA20] =	vst v63  }
0x1f1: {  	s23 =	simm.s32 $0x300;
	s24 =	simm.s32 $0x10000  }
0x1f2: {  	[tilespmem:s24], [sflag:$0x1] =	stream.indirect.gather [spmem:s4], $0x20, s23, s14, $0xb8;
	[tilespmem:$0x1FA20] =	vst v63  }
0x1f3: {  	s17 =	sand.u32 $0x1C000, s17;
	s25 =	simm.s32 $0x380;
	s26 =	simm.s32 $0x11000  }
0x1f4: {  	[tilespmem:s26], [sflag:$0x1] =	stream.indirect.gather [spmem:s4], $0x20, s25, s14, $0xb8;
	[tilespmem:$0x1FA20] =	vst v63  }
0x1f5: {  	s17 =	sshrl.u32 s17, $0x2;
	_ =	swait.ge [sflag:s13], $0x1000  }
0x1f6: {  	s20 =	sadd.s32 $0xA000, s17;
	[sflag:s13] =	ssyncset.done $0x0  }
0x1f7: {  	s17 =	simm.s32 @p0 $0x2;
	s23 =	simm.s32 $0x5000;
	[sflag:s13] =	ssyncadd.s32 $0xFFFFF000  }
0x1f8: {  	[spmem:s1] =	stream.indirect.scatter.add.bf16 [tilespmem:s20], [sflag:$0x2], $0x20, s23, s14, $0xb8;
	[tilespmem:$0x1FA20] =	vst v63  }
0x1f9: {  	s18 =	simm.s32 @!p1 $0xA0;
	_ =	swait.ge @p0 [sflag:s17], $0x1000  }
0x1fa: {  	s18 =	simm.s32 @p1 $0x64;
	[sflag:s17] =	ssyncset.done @p0 $0x0  }
0x1fb: {  	s21 =	simm.s32 @!p0 $0x80;
	s22 =	simm.s32 @!p0 $0x12C00;
	[sflag:s17] =	ssyncadd.s32 @p0 $0xFFFFF000  }
0x1fc: {  	[spmem:s3] =	stream.indirect.scatter.add.f32 @!p0 [tilespmem:s22], [sflag:$0x2], $0x10, s23, s21, $0xb8;
	[tilespmem:$0x1FA20] =	vst v63  }
0x1fd: {  	s19 =	simm.s32 @!p0 $0x2;
	s23 =	sshll.u32 s18, $0xE  }
0x1fe: {  	_ =	swait.ge @!p0 [sflag:s19], $0x1000;
	p2 =	sne.s32 s23, $0x4000  }
.Ltmp0:
0x1ff: {  	[sflag:s19] =	ssyncset.done @!p0 $0x0;
	(pc) =	sbr.rel @!p2 .LBB2_3-.Ltmp0, $4  }
0x200: {  	s29 =	simm.s32 $0x400;
	[sflag:s19] =	ssyncadd.s32 @!p0 $0xFFFFF000  }
0x201: {  	s28 =	simm.s32 $0x480;
	p3 =	sle.u32 s18, $0x8;
	_ =	swait.ge @!p0 [sflag:s19], $0x800  }
0x202: {  	s30 =	simm.s32 @!p3 $0x80;
	s24 =	simm.s32 $0x4000;
	[sflag:s19] =	ssyncset.done @!p0 $0x0  }
0x203: {  	s25 =	simm.s32 $0x5080;
	s26 =	simm.s32 $0x9;
	[sflag:s19] =	ssyncadd.s32 @!p0 $0xFFFFF800  }
.LBB2_2:
0x204: {  	[tilespmem:s20], [sflag:$0x1] =	stream.indirect.gather @!p3 [spmem:s4], $0x20, s29, s30, $0xb8;
	[tilespmem:$0x1FA20] =	vst v63  }
0x205: {  	s20 =	sand.u32 $0x1C000, s24;
	s24 =	sadd.s32 $0x4000, s24;
	_ =	swait.ge [sflag:s13], $0x1000  }
0x206: {  	s20 =	sshrl.u32 s20, $0x2;
	p2 =	sne.s32 s23, s24;
	[sflag:s13] =	ssyncset.done $0x0  }
0x207: {  	s20 =	sadd.s32 $0xA000, s20;
	[sflag:s13] =	ssyncadd.s32 $0xFFFFF000  }
0x208: {  	[spmem:s1] =	stream.indirect.scatter.add.bf16 [tilespmem:s20], [sflag:$0x2], $0x20, s25, s14, $0xb8;
	[tilespmem:$0x1FA20] =	vst v63  }
0x209: {  	s29 =	smov.u32 s28;
	_ =	swait.ge @p0 [sflag:s17], $0x1000  }
0x20a: {  	[sflag:s17] =	ssyncset.done @p0 $0x0  }
0x20b: {  	[sflag:s17] =	ssyncadd.s32 @p0 $0xFFFFF000  }
0x20c: {  	[spmem:s3] =	stream.indirect.scatter.add.f32 @!p0 [tilespmem:s22], [sflag:$0x2], $0x10, s25, s21, $0xb8;
	[tilespmem:$0x1FA20] =	vst v63  }
0x20d: {  	_ =	swait.ge @!p0 [sflag:s19], $0x1000  }
.Ltmp1:
0x20e: {  	[sflag:s19] =	ssyncset.done @!p0 $0x0;
	(pc) =	sbr.rel @p2 .LBB2_2-.Ltmp1, $4  }
0x20f: {  	[sflag:s19] =	ssyncadd.s32 @!p0 $0xFFFFF000  }
0x210: {  	s25 =	sadd.s32 $0x80, s25;
	_ =	swait.ge @!p0 [sflag:s19], $0x800  }
0x211: {  	p3 =	sge.u32 s26, s18;
	s26 =	sadd.s32 $0x1, s26;
	[sflag:s19] =	ssyncset.done @!p0 $0x0  }
0x212: {  	s28 =	sadd.s32 $0x80, s28;
	s30 =	simm.s32 @!p3 $0x80;
	[sflag:s19] =	ssyncadd.s32 @!p0 $0xFFFFF800  }
.LBB2_3:
0x213: {  	[tilespmem:s20], [sflag:$0x1] =	stream.indirect.gather @!p3 [spmem:s4], $0x20, s29, s30, $0xb8;
	[tilespmem:$0x1FA20] =	vst v63  }
0x214: {  	s17 =	sor.u32 $0x1C03, s9;
	s18 =	sshrl.u32 s6, $0x3;
	[bflag:$0x0] =	sbarrier.arrive $0xFFFF  }
0x215: {  	[hbm:s2], [sflag:s17] =	dma.local [spmem:s18], $0xA00  }
0x216: {  	_ =	swait.ge [sflag:s15], $0xA00  }
0x217: {  	s16 =	sadd.s32 $0x1, s16;
	[sflag:s15] =	ssyncset.done $0x0  }
0x218: {  	p2 =	sne.s32 s16, s5;
	s18 =	sshrl.u32 @!p0 s7, $0x3;
	[sflag:s15] =	ssyncadd.s32 $0xFFFFF600  }
0x219: {  	[hbm:s0], [sflag:s17] =	dma.local @!p0 [spmem:s18], $0x500  }
.Ltmp2:
0x21a: {  	_ = 	snop;
	(pc) =	sbr.rel @p2 .LBB2_1-.Ltmp2, $4  }
0x21b: {  	s17 =	simm.s32 @!p0 $0x3  }
0x21c: {  	_ =	swait.ge @!p0 [sflag:s17], $0x500  }
0x21d: {  	[sflag:s17] =	ssyncset.done @!p0 $0x0  }
0x21e: {  	[sflag:s17] =	ssyncadd.s32 @!p0 $0xFFFFFB00  }
0x21f: {  	_ =	sfence.sel $0x180000  }
0x220: {  	[bflag:$0x0] =	sbarrier.arrive $0xFFFF  }
0x221: {  	_ =	strace $0x90000047  }
0x222: {  	s0 =	stileid.u32;
	[bflag:$0x2] =	sbarrier.arrive $0xFFFF  }
0x223: {  	p0 =	sne.s32 s0, $0x0;
	s0 =	rddreg [dreg:$0x4]  }
0x224: {  	s0 =	sadd.s32 @!p0 $0x100000, s0  }
0x225: {  	[sflag:s0] =	ssyncadd.tile.s32 @!p0 $0x1;
	_ =	shalt  }
.Lfunc_end2:
_tile_overlayer_lowered:
.L_overlay_start_2:
0x226: {  	(tag) =	ssettag $0x2  }
0x227: {  	s0 =	rddreg [dreg:$0x0];
	s2 =	stileid.u32  }
0x228: {  	s1 =	rddreg [dreg:$0x1];
	p0 =	sne.s32 s2, $0x0  }
0x229: {  	s3 =	rddreg [dreg:$0x2];
	[bflag:$0x3] =	sbarrier.arrive $0xFFFF;
	s2 =	simm.s32 @!p0 $0x1C03  }
0x22a: {  	[timem:s3], [sflag:s2] =	dma.local @!p0 [hbm:s0], s1  }
0x22b: {  	s0 =	simm.s32 @!p0 $0x3  }
0x22c: {  	_ =	swait.ge @!p0 [sflag:s0], s1  }
0x22d: {  	s1 =	ssub.s32 @!p0 $0x0, s1;
	[sflag:s0] =	ssyncset.done @!p0 $0x0  }
0x22e: {  	[sflag:s0] =	ssyncadd.s32 @!p0 s1  }
0x22f: {  	[bflag:$0x3] =	sbarrier.arrive $0xFFFF  }
0x230: {  	_ =	shalt  }

// kernel: kernel.9.cloned.1.call-start
scs
__scs_entry_jumppad:
0x0: {  	(pc) =	sbr.rel $0x88, $3  }
0x1: {  	(tag) =	ssettag $0x0;
	lr =	simm.s32 $0x1  }
0x2: {  	[smem:$0x3F95] =	sst lr;
	_ =	strace $0xD0000000  }
0x3: {  	_ = 	snop  }
0x4: {  	_ = 	snop  }
0x5: {  	_ = 	snop  }
0x6: {  	_ = 	snop  }
0x7: {  	_ = 	snop  }
__scs_overlays_trampoline_lowered:
0x8: {  	[smem:$0x3FA4] =	sst s0  }
0x9: {  	[smem:$0x3FA5] =	sst s1  }
0xa: {  	[smem:$0x3FA6] =	sst s2  }
0xb: {  	[smem:$0x3FA7] =	sst s3  }
0xc: {  	[smem:$0x3FA8] =	sst s4  }
0xd: {  	[smem:$0x3FA9] =	sst s5  }
0xe: {  	[smem:$0x3FAA] =	sst s6  }
0xf: {  	[smem:$0x3FAB] =	sst s7  }
0x10: {  	[smem:$0x3FAC] =	sst s8  }
0x11: {  	[smem:$0x3FAD] =	sst s9;
	s0 =	simm.s32 @!p0 $0x0  }
0x12: {  	s1 =	sld [smem:$0x3F93];
	s0 =	simm.s32 @p0 $0x1  }
0x13: {  	[smem:$0x3FAE] =	sst s0;
	s0 =	simm.s32 @!p1 $0x0  }
0x14: {  	s2 =	sld [smem:$0x3F92];
	s0 =	simm.s32 @p1 $0x1  }
0x15: {  	[smem:$0x3FAF] =	sst s0;
	s0 =	simm.s32 @!p2 $0x0  }
0x16: {  	s3 =	sld [smem:$0x3FDB];
	s0 =	simm.s32 @p2 $0x1  }
0x17: {  	s4 =	simm.s32 $0x1BF5;
	[smem:$0x3FB1] =	sst s0  }
0x18: {  	s0 =	sld [smem:$0x3F94];
	_ =	swait.ge [sflag:s4], $0x0  }
0x19: {  	s7 =	sld [smem:$0x3F95]  }
0x1a: {  	s8 =	sadd.s32 $0xFFFFE003, lr  }
0x1b: {  	s9 =	sadd.s32 $0xFFFFFEF7, lr;
	s5 =	simm.s32 $0xFFFFFFFF;
	p2 =	slt.u32 s8, $0xFFFFF086  }
0x1c: {  	p1 =	slt.u32 s9, $0xF7A;
	s5 =	simm.s32 @!p2 $0x0  }
0x1d: {  	s5 =	simm.s32 @p1 $0x1;
	p0 =	seq.s32 s7, s2  }
0x1e: {  	s7 =	smul.u32 @!p0 $0xF7A, s2;
	p2 =	seq.s32 @!p0 s5, $0x0  }
0x1f: {  	s9 =	smul.u32 $0xF7A, s1;
	s8 =	simm.s32 @!p0 $0x1BF5;
	p2 =	por !p2, p0  }
0x20: {  	[sflag:s8] =	ssyncset.s32 @!p0 $0xFFFFF086;
	s6 =	sadd.s32 @!p0 s3, s7;
	s7 =	simm.s32 @!p0 $0x108  }
0x21: {  	s3 =	sadd.s32 s3, s9;
	s6 =	sadd.s32 @!p0 $0x88, s6;
	s7 =	simm.s32 @p2 $0x1082  }
0x22: {  	[simem:s7], [sflag:s8] =	dma.local @!p0 [hbm:s6], $0xF7A  }
0x23: {  	s9 =	sor.u32 $0xD0000000, s2;
	s6 =	simm.s32 $0x108;
	_ =	swait.ge @!p0 [sflag:s8], $0x0  }
0x24: {  	s3 =	sadd.s32 $0x88, s3;
	s6 =	simm.s32 @!p1 $0x1082;
	[sflag:s4] =	ssyncset.s32 $0xFFFFF086  }
0x25: {  	[simem:s6], [sflag:s4] =	dma.local [hbm:s3], $0xF7A  }
0x26: {  	[smem:$0x3F95] =	sst s1;
	(tag) =	ssettag s2;
	_ =	strace s9  }
0x27: {  	s1 =	sld [smem:$0x3FA5]  }
0x28: {  	s2 =	sld [smem:$0x3FA6]  }
0x29: {  	s4 =	sld [smem:$0x3FA8]  }
0x2a: {  	p0 =	seq.s32 s5, $0x0;
	s5 =	sld [smem:$0x3FA9]  }
0x2b: {  	s6 =	sld [smem:$0x3FAA]  }
0x2c: {  	s7 =	sld [smem:$0x3FAB]  }
0x2d: {  	s3 =	simm.s32 $0x108;
	s8 =	sld [smem:$0x3FAC]  }
0x2e: {  	s3 =	simm.s32 @!p0 $0x1082;
	s9 =	sld [smem:$0x3FAD]  }
0x2f: {  	lr =	sadd.s32 s0, s3;
	s0 =	sld [smem:$0x3FA4]  }
0x30: {  	s3 =	sld [smem:$0x3FA7]  }
0x31: {  	[smem:$0x3FB0] =	sst s10  }
0x32: {  	s10 =	sld [smem:$0x3FAE];
	_ =	sdelay $0x3  }
0x33: {  	p0 =	seq.s32 s10, $0x1;
	s10 =	sld [smem:$0x3FB0];
	_ =	sdelay $0x3  }
0x34: {  	[smem:$0x3FB0] =	sst s10  }
0x35: {  	s10 =	sld [smem:$0x3FAF];
	_ =	sdelay $0x3  }
0x36: {  	p1 =	seq.s32 s10, $0x1;
	s10 =	sld [smem:$0x3FB0];
	_ =	sdelay $0x3  }
0x37: {  	[smem:$0x3FB0] =	sst s10  }
0x38: {  	s10 =	sld [smem:$0x3FB1]  }
0x39: {  	_ = 	snop;
	(pc) =	sbr.ind lr, $3  }
0x3a: {  	_ = 	snop  }
0x3b: {  	_ = 	snop  }
0x3c: {  	p2 =	seq.s32 s10, $0x1;
	s10 =	sld [smem:$0x3FB0]  }
0x3d: {  	_ =	shalt  }
0x3e: {  	_ =	shalt  }
0x3f: {  	_ =	shalt  }
0x40: {  	_ =	shalt  }
0x41: {  	_ =	shalt  }
0x42: {  	_ =	shalt  }
0x43: {  	_ =	shalt  }
0x44: {  	_ =	shalt  }
0x45: {  	_ =	shalt  }
0x46: {  	_ =	shalt  }
0x47: {  	_ =	shalt  }
0x48: {  	_ =	shalt  }
0x49: {  	_ =	shalt  }
0x4a: {  	_ =	shalt  }
0x4b: {  	_ =	shalt  }
0x4c: {  	_ =	shalt  }
0x4d: {  	_ =	shalt  }
0x4e: {  	_ =	shalt  }
0x4f: {  	_ =	shalt  }
0x50: {  	_ =	shalt  }
0x51: {  	_ =	shalt  }
0x52: {  	_ =	shalt  }
0x53: {  	_ =	shalt  }
0x54: {  	_ =	shalt  }
0x55: {  	_ =	shalt  }
0x56: {  	_ =	shalt  }
0x57: {  	_ =	shalt  }
0x58: {  	_ =	shalt  }
0x59: {  	_ =	shalt  }
0x5a: {  	_ =	shalt  }
0x5b: {  	_ =	shalt  }
0x5c: {  	_ =	shalt  }
0x5d: {  	_ =	shalt  }
0x5e: {  	_ =	shalt  }
0x5f: {  	_ =	shalt  }
0x60: {  	_ =	shalt  }
0x61: {  	_ =	shalt  }
0x62: {  	_ =	shalt  }
0x63: {  	_ =	shalt  }
0x64: {  	_ =	shalt  }
0x65: {  	_ =	shalt  }
0x66: {  	_ =	shalt  }
0x67: {  	_ =	shalt  }
0x68: {  	_ =	shalt  }
0x69: {  	_ =	shalt  }
0x6a: {  	_ =	shalt  }
0x6b: {  	_ =	shalt  }
0x6c: {  	_ =	shalt  }
0x6d: {  	_ =	shalt  }
0x6e: {  	_ =	shalt  }
0x6f: {  	_ =	shalt  }
0x70: {  	_ =	shalt  }
0x71: {  	_ =	shalt  }
0x72: {  	_ =	shalt  }
0x73: {  	_ =	shalt  }
0x74: {  	_ =	shalt  }
0x75: {  	_ =	shalt  }
0x76: {  	_ =	shalt  }
0x77: {  	_ =	shalt  }
0x78: {  	_ =	shalt  }
0x79: {  	_ =	shalt  }
0x7a: {  	_ =	shalt  }
0x7b: {  	_ =	shalt  }
0x7c: {  	_ =	shalt  }
0x7d: {  	_ =	shalt  }
0x7e: {  	_ =	shalt  }
0x7f: {  	_ =	shalt  }
0x80: {  	_ =	shalt  }
0x81: {  	_ =	shalt  }
0x82: {  	_ =	shalt  }
0x83: {  	_ =	shalt  }
0x84: {  	_ =	shalt  }
0x85: {  	_ =	shalt  }
0x86: {  	_ =	shalt  }
0x87: {  	_ =	shalt  }
.Lfunc_end0:
.L_simem_size_0:
called_computation.1_lowered:
.L_overlay_start_0:
0x88: {  	s2 =	sld [smem:$0x3FD9]  }
0x89: {  	s3 =	sld [smem:$0x3FFE];
	_ =	sdelay $0x1  }
0x8a: {  	s1 =	srdreg.scid  }
0x8b: {  	s0 =	sand.u32 $0x1, s1  }
0x8c: {  	s16 =	sshll.u32 s0, $0xA;
	s2 =	sadd.s32 s3, s2  }
0x8d: {  	s2 =	sadd.s32 s2, s16  }
0x8e: {  	[smem:$0x3FBC] =	sst s2  }
0x8f: {  	_ = 	snop  }
0x90: {  	(tm) =	ssettm $0x1  }
0x91: {  	s17 =	sld [smem:$0x3FFB];
	_ =	sdelay $0x3  }
0x92: {  	_ =	strace s17  }
0x93: {  	s2 =	sld [smem:$0x3FFC];
	_ =	sdelay $0x3  }
0x94: {  	_ =	strace s2  }
0x95: {  	s2 =	sld [smem:$0x3FFD];
	_ =	sdelay $0x3  }
0x96: {  	_ =	strace s2  }
0x97: {  	_ =	strace $0x8FFFFFFF  }
0x98: {  	s18 =	sld [smem:$0x3FDB];
	_ =	sdelay $0x1  }
0x99: {  	s19 =	simm.s32 $_scs_section_size  }
0x9a: {  	s4 =	simm.s32 $_size__tile_overlayer_lowered;
	s5 =	simm.s32 $_tile_overlayer_lowered  }
0x9b: {  	s22 =	simm.s32 $0x1BFF;
	s21 =	sshll.u32 s5, $0x1;
	s2 =	sadd.s32 s19, s18  }
0x9c: {  	s6 =	simm.s32 $0x0;
	s20 =	sshll.u32 s4, $0x1;
	s4 =	sadd.s32 s21, s2  }
0x9d: {  	[timem:s6], [sflag:s22] =	dma.local [hbm:s4], s20  }
0x9e: {  	_ =	swait.ge [sflag:s22], s20  }
0x9f: {  	s3 =	ssub.s32 $0x0, s20;
	[sflag:s22] =	ssyncset.done $0x0  }
0xa0: {  	[sflag:s22] =	ssyncadd.s32 s3;
	_ =	sdelay $0x1  }
0xa1: {  	s23 =	simm.s32 $0x1B8B  }
0xa2: {  	_ =	swait.ge [sflag:s23], $0x1  }
0xa3: {  	[sflag:s23] =	ssyncset.done $0x0  }
0xa4: {  	s25 =	simm.s32 $0x1B8E;
	s24 =	sld [smem:$0x3FFE];
	[sflag:s23] =	ssyncadd.s32 $0xFFFFFFFF  }
0xa5: {  	s26 =	simm.s32 $execute0_lowered;
	[smem:$0x3FD2] =	sst s25  }
0xa6: {  	s4 =	sshll.u32 s26, $0x1;
	_ =	strace $0x80000049;
	[dreg:$0x1] =	wrdreg $0xFFFFFFFF  }
0xa7: {  	s28 =	simm.s32 $_size_execute0_lowered;
	s2 =	sadd.s32 s2, s4;
	[dreg:$0x0] =	wrdreg $0x0  }
0xa8: {  	s4 =	sshll.u32 s28, $0x1;
	[dreg:$0x2] =	wrdreg s2  }
0xa9: {  	[dreg:$0x3] =	wrdreg s4  }
0xaa: {  	[dreg:$0x4] =	wrdreg $0xC0  }
0xab: {  	_ =	task [dreg:s6], $0x5FFFF  }
0xac: {  	[dreg:$0x1] =	wrdreg $0xFFFFFFFF  }
0xad: {  	[dreg:$0x0] =	wrdreg $0x60  }
0xae: {  	[dreg:$0x2] =	wrdreg s24  }
0xaf: {  	[dreg:$0x3] =	wrdreg $0x148000  }
0xb0: {  	[dreg:$0x4] =	wrdreg $0x198000  }
0xb1: {  	[dreg:$0x5] =	wrdreg $0x9  }
0xb2: {  	_ =	task.clear_ibuf [dreg:s6], $0x6FFFF;
	_ =	strace $0x90000049  }
0xb3: {  	s29 =	simm.s32 $0x9;
	_ =	strace $0x8000004B  }
0xb4: {  	_ =	swait.ge [sflag:s29], $0x1  }
0xb5: {  	[sflag:s29] =	ssyncadd.s32 $0xFFFFFFFF  }
0xb6: {  	_ =	strace $0x9000004B  }
0xb7: {  	_ =	sfence  }
0xb8: {  	s30 =	sld [smem:$0x0];
	_ =	sdelay $0x2  }
0xb9: {  	s31 =	sshll.u32 s1, $0xD;
	s1 =	sshrl.u32 s1, $0x2  }
0xba: {  	s3 =	sand.u32 $0x4000, s31;
	s1 =	sadd.s32 s1, s30  }
0xbb: {  	s0 =	sor.u32 s3, s0;
	s1 =	sshll.u32 s1, $0x11  }
0xbc: {  	s0 =	sor.u32 s1, s0  }
0xbd: {  	s0 =	sadd.s32 $0x8F2B, s0  }
0xbe: {  	[sflag:s0] =	ssyncadd.remote.s32 $0x1  }
0xbf: {  	_ =	sfence.sel $0xFFFF  }
0xc0: {  	[dreg:$0x0] =	wrdreg $0xFFFFFFFF;
	(pc) =	sbr.abs _section_cstart, $3  }
0xc1: {  	[dreg:$0x1] =	wrdreg $0xFFFFFFFF  }
0xc2: {  	_ =	task.clear_ibuf [dreg:s6], $0x2FFFF;
	_ =	strace $0x9FFFFFFF  }
0xc3: {  	(tm) =	ssettm $0x7FFFFFFF  }
tec
execute0_lowered:
.L_overlay_start_1:
0x0: {  	(tag) =	ssettag $0x1  }
0x1: {  	s0 =	rddreg [dreg:$0x0]  }
0x2: {  	s1 =	srdreg.scid;
	s11 =	stileid.u32  }
0x3: {  	s2 =	rddreg [dreg:$0x1];
	s6 =	smul.u32 $0x9C40, s11  }
0x4: {  	s3 =	rddreg [dreg:$0x2];
	s5 =	smul.u32 $0xA000, s11  }
0x5: {  	s8 =	simm.s32 $0x0;
	s28 =	simm.s32 $0x80;
	s20 =	smul.u32 $0x5000, s11  }
0x6: {  	s31 =	simm.s32 $0x2;
	s1 =	sand.u32 $0x1, s1;
	s9 =	smul.u32 $0x14000, s11  }
0x7: {  	[smem:$0x7FF] =	sst s8;
	s15 =	sshll.u32 s11, $0x6;
	s4 =	smul.u32 $0x9C400, s1  }
0x8: {  	p0 =	seq.s32 s11, $0xF;
	s7 =	smul.u32 $0xA0000, s1;
	_ =	strace $0x8000004A  }
0x9: {  	s1 =	ssub.s32 $0x2, s1;
	s17 =	sor.u32 $0x1C01, s15;
	s8 =	sshrl.u32 s20, $0x3  }
0xa: {  	s10 =	sshrl.u32 s1, $0x1;
	s9 =	sshrl.u32 s9, $0x2;
	s20 =	sadd.s32 $0x1FC00, s0  }
0xb: {  	s4 =	sadd.s32 s6, s4;
	s7 =	sadd.s32 s5, s7;
	s9 =	sadd.s32 s9, s2  }
0xc: {  	s8 =	sadd.s32 s8, s0;
	s5 =	sshrl.u32 s5, $0x1;
	s21 =	sadd.s32 $0x800, s9  }
0xd: {  	s1 =	ssub.s32 s1, s10;
	s22 =	sadd.s32 $0x1000, s9;
	[dreg:$0x4] =	wrdreg s21  }
0xe: {  	s6 =	sshrl.u32 s6, $0x1;
	s23 =	sadd.s32 $0x1800, s9;
	[dreg:$0x5] =	wrdreg s22  }
0xf: {  	s4 =	sshrl.u32 s4, $0x4;
	s24 =	sadd.s32 $0x2000, s9;
	[dreg:$0x6] =	wrdreg s23  }
0x10: {  	s7 =	sshrl.u32 s7, $0x4;
	s25 =	sadd.s32 $0x2800, s9;
	[dreg:$0x7] =	wrdreg s24  }
0x11: {  	s5 =	sadd.s32 s5, s2;
	s26 =	sadd.s32 $0x3000, s9;
	[dreg:$0x8] =	wrdreg s25  }
0x12: {  	s29 =	sadd.s32 $0x3800, s9;
	s30 =	sadd.s32 $0x4000, s9;
	[dreg:$0x9] =	wrdreg s26  }
0x13: {  	s9 =	sadd.s32 $0x4800, s9;
	s6 =	sadd.s32 s6, s3;
	[dreg:$0xa] =	wrdreg s29  }
0x14: {  	s18 =	sadd.s32 $0x16600, s8;
	s19 =	sadd.s32 $0x20240, s8;
	[dreg:$0xb] =	wrdreg s30  }
0x15: {  	s4 =	sadd.s32 s4, s0;
	s7 =	sadd.s32 s7, s0;
	[dreg:$0xc] =	wrdreg s9  }
0x16: {  	s21 =	sadd.s32 $0x29840, s0;
	s23 =	smax.u32 s1, $0x1;
	s24 =	simm.s32 $0x14000  }
0x17: {  	s25 =	sshrl.u32 s6, $0x3;
	s26 =	simm.s32 $0x1;
	s1 =	simm.s32 $0x3  }
0x18: {  	v0 =	vimm.bf16 $0.0e+00;
	s0 =	simm.s32 $0x0;
	s16 =	sadd.s32 $0x2C00, s4;
	s22 =	sadd.s32 $0x2A000, s7  }
.LBB2_1:
0x19: {  	[tilespmem:$0x14000] =	vst v0  }
0x1a: {  	[tilespmem:$0x14010] =	vst v0  }
0x1b: {  	[tilespmem:$0x14020] =	vst v0  }
0x1c: {  	[tilespmem:$0x14030] =	vst v0  }
0x1d: {  	[tilespmem:$0x14040] =	vst v0  }
0x1e: {  	[tilespmem:$0x14050] =	vst v0  }
0x1f: {  	[tilespmem:$0x14060] =	vst v0  }
0x20: {  	[tilespmem:$0x14070] =	vst v0  }
0x21: {  	[tilespmem:$0x14080] =	vst v0  }
0x22: {  	[tilespmem:$0x14090] =	vst v0  }
0x23: {  	[tilespmem:$0x140A0] =	vst v0  }
0x24: {  	[tilespmem:$0x140B0] =	vst v0  }
0x25: {  	[tilespmem:$0x140C0] =	vst v0  }
0x26: {  	[tilespmem:$0x140D0] =	vst v0  }
0x27: {  	[tilespmem:$0x140E0] =	vst v0  }
0x28: {  	[tilespmem:$0x140F0] =	vst v0  }
0x29: {  	[tilespmem:$0x14100] =	vst v0  }
0x2a: {  	[tilespmem:$0x14110] =	vst v0  }
0x2b: {  	[tilespmem:$0x14120] =	vst v0  }
0x2c: {  	[tilespmem:$0x14130] =	vst v0  }
0x2d: {  	[tilespmem:$0x14140] =	vst v0  }
0x2e: {  	[tilespmem:$0x14150] =	vst v0  }
0x2f: {  	[tilespmem:$0x14160] =	vst v0  }
0x30: {  	[tilespmem:$0x14170] =	vst v0  }
0x31: {  	[tilespmem:$0x14180] =	vst v0  }
0x32: {  	[tilespmem:$0x14190] =	vst v0  }
0x33: {  	[tilespmem:$0x141A0] =	vst v0  }
0x34: {  	[tilespmem:$0x141B0] =	vst v0  }
0x35: {  	[tilespmem:$0x141C0] =	vst v0  }
0x36: {  	[tilespmem:$0x141D0] =	vst v0  }
0x37: {  	[tilespmem:$0x141E0] =	vst v0  }
0x38: {  	[tilespmem:$0x141F0] =	vst v0  }
0x39: {  	[tilespmem:$0x14200] =	vst v0  }
0x3a: {  	[tilespmem:$0x14210] =	vst v0  }
0x3b: {  	[tilespmem:$0x14220] =	vst v0  }
0x3c: {  	[tilespmem:$0x14230] =	vst v0  }
0x3d: {  	[tilespmem:$0x14240] =	vst v0  }
0x3e: {  	[tilespmem:$0x14250] =	vst v0  }
0x3f: {  	[tilespmem:$0x14260] =	vst v0  }
0x40: {  	[tilespmem:$0x14270] =	vst v0  }
0x41: {  	[tilespmem:$0x14280] =	vst v0  }
0x42: {  	[tilespmem:$0x14290] =	vst v0  }
0x43: {  	[tilespmem:$0x142A0] =	vst v0  }
0x44: {  	[tilespmem:$0x142B0] =	vst v0  }
0x45: {  	[tilespmem:$0x142C0] =	vst v0  }
0x46: {  	[tilespmem:$0x142D0] =	vst v0  }
0x47: {  	[tilespmem:$0x142E0] =	vst v0  }
0x48: {  	[tilespmem:$0x142F0] =	vst v0  }
0x49: {  	[tilespmem:$0x14300] =	vst v0  }
0x4a: {  	[tilespmem:$0x14310] =	vst v0  }
0x4b: {  	[tilespmem:$0x14320] =	vst v0  }
0x4c: {  	[tilespmem:$0x14330] =	vst v0  }
0x4d: {  	[tilespmem:$0x14340] =	vst v0  }
0x4e: {  	[tilespmem:$0x14350] =	vst v0  }
0x4f: {  	[tilespmem:$0x14360] =	vst v0  }
0x50: {  	[tilespmem:$0x14370] =	vst v0  }
0x51: {  	[tilespmem:$0x14380] =	vst v0  }
0x52: {  	[tilespmem:$0x14390] =	vst v0  }
0x53: {  	[tilespmem:$0x143A0] =	vst v0  }
0x54: {  	[tilespmem:$0x143B0] =	vst v0  }
0x55: {  	[tilespmem:$0x143C0] =	vst v0  }
0x56: {  	[tilespmem:$0x143D0] =	vst v0  }
0x57: {  	[tilespmem:$0x143E0] =	vst v0  }
0x58: {  	[tilespmem:$0x143F0] =	vst v0  }
0x59: {  	[tilespmem:$0x14400] =	vst v0  }
0x5a: {  	[tilespmem:$0x14410] =	vst v0  }
0x5b: {  	[tilespmem:$0x14420] =	vst v0  }
0x5c: {  	[tilespmem:$0x14430] =	vst v0  }
0x5d: {  	[tilespmem:$0x14440] =	vst v0  }
0x5e: {  	[tilespmem:$0x14450] =	vst v0  }
0x5f: {  	[tilespmem:$0x14460] =	vst v0  }
0x60: {  	[tilespmem:$0x14470] =	vst v0  }
0x61: {  	[tilespmem:$0x14480] =	vst v0  }
0x62: {  	[tilespmem:$0x14490] =	vst v0  }
0x63: {  	[tilespmem:$0x144A0] =	vst v0  }
0x64: {  	[tilespmem:$0x144B0] =	vst v0  }
0x65: {  	[tilespmem:$0x144C0] =	vst v0  }
0x66: {  	[tilespmem:$0x144D0] =	vst v0  }
0x67: {  	[tilespmem:$0x144E0] =	vst v0  }
0x68: {  	[tilespmem:$0x144F0] =	vst v0  }
0x69: {  	[tilespmem:$0x14500] =	vst v0  }
0x6a: {  	[tilespmem:$0x14510] =	vst v0  }
0x6b: {  	[tilespmem:$0x14520] =	vst v0  }
0x6c: {  	[tilespmem:$0x14530] =	vst v0  }
0x6d: {  	[tilespmem:$0x14540] =	vst v0  }
0x6e: {  	[tilespmem:$0x14550] =	vst v0  }
0x6f: {  	[tilespmem:$0x14560] =	vst v0  }
0x70: {  	[tilespmem:$0x14570] =	vst v0  }
0x71: {  	[tilespmem:$0x14580] =	vst v0  }
0x72: {  	[tilespmem:$0x14590] =	vst v0  }
0x73: {  	[tilespmem:$0x145A0] =	vst v0  }
0x74: {  	[tilespmem:$0x145B0] =	vst v0  }
0x75: {  	[tilespmem:$0x145C0] =	vst v0  }
0x76: {  	[tilespmem:$0x145D0] =	vst v0  }
0x77: {  	[tilespmem:$0x145E0] =	vst v0  }
0x78: {  	[tilespmem:$0x145F0] =	vst v0  }
0x79: {  	[tilespmem:$0x14600] =	vst v0  }
0x7a: {  	[tilespmem:$0x14610] =	vst v0  }
0x7b: {  	[tilespmem:$0x14620] =	vst v0  }
0x7c: {  	[tilespmem:$0x14630] =	vst v0  }
0x7d: {  	[tilespmem:$0x14640] =	vst v0  }
0x7e: {  	[tilespmem:$0x14650] =	vst v0  }
0x7f: {  	[tilespmem:$0x14660] =	vst v0  }
0x80: {  	[tilespmem:$0x14670] =	vst v0  }
0x81: {  	[tilespmem:$0x14680] =	vst v0  }
0x82: {  	[tilespmem:$0x14690] =	vst v0  }
0x83: {  	[tilespmem:$0x146A0] =	vst v0  }
0x84: {  	[tilespmem:$0x146B0] =	vst v0  }
0x85: {  	[tilespmem:$0x146C0] =	vst v0  }
0x86: {  	[tilespmem:$0x146D0] =	vst v0  }
0x87: {  	[tilespmem:$0x146E0] =	vst v0  }
0x88: {  	[tilespmem:$0x146F0] =	vst v0  }
0x89: {  	[tilespmem:$0x14700] =	vst v0  }
0x8a: {  	[tilespmem:$0x14710] =	vst v0  }
0x8b: {  	[tilespmem:$0x14720] =	vst v0  }
0x8c: {  	[tilespmem:$0x14730] =	vst v0  }
0x8d: {  	[tilespmem:$0x14740] =	vst v0  }
0x8e: {  	[tilespmem:$0x14750] =	vst v0  }
0x8f: {  	[tilespmem:$0x14760] =	vst v0  }
0x90: {  	[tilespmem:$0x14770] =	vst v0  }
0x91: {  	[tilespmem:$0x14780] =	vst v0  }
0x92: {  	[tilespmem:$0x14790] =	vst v0  }
0x93: {  	[tilespmem:$0x147A0] =	vst v0  }
0x94: {  	[tilespmem:$0x147B0] =	vst v0  }
0x95: {  	[tilespmem:$0x147C0] =	vst v0  }
0x96: {  	[tilespmem:$0x147D0] =	vst v0  }
0x97: {  	[tilespmem:$0x147E0] =	vst v0  }
0x98: {  	[tilespmem:$0x147F0] =	vst v0  }
0x99: {  	[spmem:s5] =	stream.linear.scatter [tilespmem:s24], [sflag:$0x1], $0x800, $0x38;
	[tilespmem:$0x1E620] =	vst v63  }
0x9a: {  	s4 =	rddreg [dreg:$0x4]  }
0x9b: {  	[spmem:s4] =	stream.linear.scatter [tilespmem:s24], [sflag:$0x1], $0x800, $0x38;
	[tilespmem:$0x1E620] =	vst v63  }
0x9c: {  	s10 =	rddreg [dreg:$0x5]  }
0x9d: {  	[spmem:s10] =	stream.linear.scatter [tilespmem:s24], [sflag:$0x1], $0x800, $0x38;
	[tilespmem:$0x1E620] =	vst v63  }
0x9e: {  	s11 =	rddreg [dreg:$0x6]  }
0x9f: {  	[spmem:s11] =	stream.linear.scatter [tilespmem:s24], [sflag:$0x1], $0x800, $0x38;
	[tilespmem:$0x1E620] =	vst v63  }
0xa0: {  	s12 =	rddreg [dreg:$0x7]  }
0xa1: {  	[spmem:s12] =	stream.linear.scatter [tilespmem:s24], [sflag:$0x1], $0x800, $0x38;
	[tilespmem:$0x1E620] =	vst v63  }
0xa2: {  	s13 =	rddreg [dreg:$0x8]  }
0xa3: {  	[spmem:s13] =	stream.linear.scatter [tilespmem:s24], [sflag:$0x1], $0x800, $0x38;
	[tilespmem:$0x1E620] =	vst v63  }
0xa4: {  	s14 =	rddreg [dreg:$0x9]  }
0xa5: {  	[spmem:s14] =	stream.linear.scatter [tilespmem:s24], [sflag:$0x1], $0x800, $0x38;
	[tilespmem:$0x1E620] =	vst v63  }
0xa6: {  	s30 =	rddreg [dreg:$0xa]  }
0xa7: {  	[spmem:s30] =	stream.linear.scatter [tilespmem:s24], [sflag:$0x1], $0x800, $0x38;
	[tilespmem:$0x1E620] =	vst v63  }
0xa8: {  	s6 =	rddreg [dreg:$0xb]  }
0xa9: {  	[spmem:s6] =	stream.linear.scatter [tilespmem:s24], [sflag:$0x1], $0x800, $0x38;
	[tilespmem:$0x1E620] =	vst v63  }
0xaa: {  	s7 =	rddreg [dreg:$0xc];
	s4 =	simm.s32 @p0 $0x0;
	s6 =	simm.s32 @p0 $0x3  }
0xab: {  	[spmem:s7] =	stream.linear.scatter [tilespmem:s24], [sflag:$0x1], $0x800, $0x38;
	[tilespmem:$0x1E620] =	vst v63  }
0xac: {  	[spmem:s25], [sflag:s17] =	dma.local [hbm:s16], $0x9C4  }
0xad: {  	[tilespmem:s4], [sflag:$0x3] =	stream.linear.gather @p0 [hbm4b:s20+s4], $0x3200, $0x38;
	[tilespmem:$0x1E620] =	vst v63  }
0xae: {  	_ =	swait.ge @p0 [sflag:s6], $0x3200  }
0xaf: {  	[sflag:s6] =	ssyncset.done @p0 $0x0  }
0xb0: {  	s7 =	simm.s32 @p0 $0x5000;
	[sflag:s6] =	ssyncadd.s32 @p0 $0xFFFFCE00  }
0xb1: {  	[tilespmem:s7], [sflag:$0x3] =	stream.linear.gather @p0 [hbm4b:s21+s4], $0x3200, $0x38;
	[tilespmem:$0x1E620] =	vst v63  }
0xb2: {  	_ =	swait.ge @p0 [sflag:s6], $0x3200  }
0xb3: {  	[sflag:s6] =	ssyncset.done @p0 $0x0  }
0xb4: {  	s4 =	simm.s32 @!p0 $0x0;
	[sflag:s6] =	ssyncadd.s32 @p0 $0xFFFFCE00;
	s6 =	simm.s32 @!p0 $0x3  }
0xb5: {  	[tilespmem:s4], [sflag:$0x3] =	stream.linear.gather @!p0 [hbm4b:s18+s4], $0x5000, $0x38;
	[tilespmem:$0x1E620] =	vst v63  }
0xb6: {  	_ =	swait.ge @!p0 [sflag:s6], $0x5000  }
0xb7: {  	[sflag:s6] =	ssyncset.done @!p0 $0x0  }
0xb8: {  	s7 =	simm.s32 @!p0 $0x5000;
	[sflag:s6] =	ssyncadd.s32 @!p0 $0xFFFFB000  }
0xb9: {  	[tilespmem:s7], [sflag:$0x3] =	stream.linear.gather @!p0 [hbm4b:s19+s4], $0x5000, $0x38;
	[tilespmem:$0x1E620] =	vst v63  }
0xba: {  	_ =	swait.ge @!p0 [sflag:s6], $0x5000  }
0xbb: {  	[sflag:s6] =	ssyncset.done @!p0 $0x0  }
0xbc: {  	[sflag:s6] =	ssyncadd.s32 @!p0 $0xFFFFB000  }
0xbd: {  	_ =	swait.ge [sflag:s26], $0x800  }
0xbe: {  	[sflag:s26] =	ssyncset.done $0x0  }
0xbf: {  	[sflag:s26] =	ssyncadd.s32 $0xFFFFF800  }
0xc0: {  	_ =	swait.ge [sflag:s26], $0x800  }
0xc1: {  	[sflag:s26] =	ssyncset.done $0x0  }
0xc2: {  	[sflag:s26] =	ssyncadd.s32 $0xFFFFF800  }
0xc3: {  	_ =	swait.ge [sflag:s26], $0x800  }
0xc4: {  	[sflag:s26] =	ssyncset.done $0x0  }
0xc5: {  	[sflag:s26] =	ssyncadd.s32 $0xFFFFF800  }
0xc6: {  	_ =	swait.ge [sflag:s26], $0x800  }
0xc7: {  	[sflag:s26] =	ssyncset.done $0x0  }
0xc8: {  	[sflag:s26] =	ssyncadd.s32 $0xFFFFF800  }
0xc9: {  	_ =	swait.ge [sflag:s26], $0x800  }
0xca: {  	[sflag:s26] =	ssyncset.done $0x0  }
0xcb: {  	[sflag:s26] =	ssyncadd.s32 $0xFFFFF800  }
0xcc: {  	_ =	swait.ge [sflag:s26], $0x800  }
0xcd: {  	[sflag:s26] =	ssyncset.done $0x0  }
0xce: {  	[sflag:s26] =	ssyncadd.s32 $0xFFFFF800  }
0xcf: {  	_ =	swait.ge [sflag:s26], $0x800  }
0xd0: {  	[sflag:s26] =	ssyncset.done $0x0  }
0xd1: {  	[sflag:s26] =	ssyncadd.s32 $0xFFFFF800  }
0xd2: {  	_ =	swait.ge [sflag:s26], $0x800  }
0xd3: {  	[sflag:s26] =	ssyncset.done $0x0  }
0xd4: {  	[sflag:s26] =	ssyncadd.s32 $0xFFFFF800  }
0xd5: {  	_ =	swait.ge [sflag:s26], $0x800  }
0xd6: {  	[sflag:s26] =	ssyncset.done $0x0  }
0xd7: {  	[sflag:s26] =	ssyncadd.s32 $0xFFFFF800  }
0xd8: {  	_ =	swait.ge [sflag:s26], $0x800  }
0xd9: {  	[sflag:s26] =	ssyncset.done $0x0  }
0xda: {  	[sflag:s26] =	ssyncadd.s32 $0xFFFFF800  }
0xdb: {  	_ =	swait.ge [sflag:s26], $0x9C4  }
0xdc: {  	[sflag:s26] =	ssyncset.done $0x0  }
0xdd: {  	[sflag:s26] =	ssyncadd.s32 $0xFFFFF63C  }
0xde: {  	s4 =	simm.s32 $0xA000;
	s7 =	simm.s32 $0x0;
	[bflag:$0x0] =	sbarrier.arrive $0xFFFF  }
0xdf: {  	[tilespmem:s4], [sflag:$0x1] =	stream.indirect.gather [spmem:s3], $0x20, s7, s28, $0xb8;
	[tilespmem:$0x1E620] =	vst v63  }
0xe0: {  	s8 =	simm.s32 $0xB000  }
0xe1: {  	[tilespmem:s8], [sflag:$0x1] =	stream.indirect.gather [spmem:s3], $0x20, s28, s28, $0xb8;
	[tilespmem:$0x1E620] =	vst v63  }
0xe2: {  	s9 =	simm.s32 $0x100;
	s8 =	simm.s32 $0xC000  }
0xe3: {  	[tilespmem:s8], [sflag:$0x1] =	stream.indirect.gather [spmem:s3], $0x20, s9, s28, $0xb8;
	[tilespmem:$0x1E620] =	vst v63  }
0xe4: {  	s10 =	simm.s32 $0x180;
	s11 =	simm.s32 $0xD000  }
0xe5: {  	[tilespmem:s11], [sflag:$0x1] =	stream.indirect.gather [spmem:s3], $0x20, s10, s28, $0xb8;
	[tilespmem:$0x1E620] =	vst v63  }
0xe6: {  	s29 =	simm.s32 @!p0 $0xA0;
	s12 =	simm.s32 $0x200;
	s13 =	simm.s32 $0xE000  }
0xe7: {  	[tilespmem:s13], [sflag:$0x1] =	stream.indirect.gather [spmem:s3], $0x20, s12, s28, $0xb8;
	[tilespmem:$0x1E620] =	vst v63  }
0xe8: {  	p1 =	por $0x0, $0x0;
	s14 =	simm.s32 $0x280;
	s30 =	simm.s32 $0xF000  }
0xe9: {  	[tilespmem:s30], [sflag:$0x1] =	stream.indirect.gather [spmem:s3], $0x20, s14, s28, $0xb8;
	[tilespmem:$0x1E620] =	vst v63  }
0xea: {  	s29 =	simm.s32 @p0 $0x64;
	s8 =	simm.s32 $0x300;
	s9 =	simm.s32 $0x10000  }
0xeb: {  	[tilespmem:s9], [sflag:$0x1] =	stream.indirect.gather [spmem:s3], $0x20, s8, s28, $0xb8;
	[tilespmem:$0x1E620] =	vst v63  }
0xec: {  	p2 =	sne.s32 s29, $0x1;
	s10 =	simm.s32 $0x380;
	s11 =	simm.s32 $0x11000  }
0xed: {  	[tilespmem:s11], [sflag:$0x1] =	stream.indirect.gather [spmem:s3], $0x20, s10, s28, $0xb8;
	[tilespmem:$0x1E620] =	vst v63  }
.Ltmp0:
0xee: {  	s6 =	simm.s32 $0x1;
	s12 =	simm.s32 $0x400;
	(pc) =	sbr.rel @!p2 .LBB2_2-.Ltmp0, $4  }
0xef: {  	s13 =	simm.s32 $0x12000;
	s14 =	simm.s32 $0x480;
	s30 =	simm.s32 $0x13000  }
0xf0: {  	[tilespmem:s13], [sflag:$0x1] =	stream.indirect.gather [spmem:s3], $0x20, s12, s28, $0xb8;
	[tilespmem:$0x1E620] =	vst v63  }
0xf1: {  	s9 =	simm.s32 $0x5000;
	s10 =	simm.s32 $0x500;
	s11 =	smulhi.u32 $0xCCCCCCCD, s7  }
0xf2: {  	[tilespmem:s30], [sflag:$0x1] =	stream.indirect.gather [spmem:s3], $0x20, s14, s28, $0xb8;
	[tilespmem:$0x1E620] =	vst v63  }
0xf3: {  	s4 =	sshrl.u32 s11, $0x3  }
0xf4: {  	_ =	swait.ge [sflag:s26], $0x1000;
	s4 =	smul.u32 $0xFFFD8000, s4  }
0xf5: {  	s8 =	simm.s32 $0x2;
	p3 =	sne.s32 s29, $0x2;
	s11 =	smulhi.u32 $0xCCCCCCCD, s6  }
.Ltmp1:
0xf6: {  	[sflag:s26] =	ssyncset.done $0x0;
	s4 =	sshra.s32 s4, $0x2;
	(pc) =	sbr.rel @!p3 .LBB2_4-.Ltmp1, $4  }
0xf7: {  	p2 =	sle.u32 s29, $0xA;
	[sflag:s26] =	ssyncadd.s32 $0xFFFFF000;
	s7 =	sadd.s32 $0xA000, s4  }
0xf8: {  	[spmem:s2] =	stream.indirect.scatter.add.bf16 [tilespmem:s7], [sflag:$0x2], $0x20, s9, s28, $0xb8;
	[tilespmem:$0x1E620] =	vst v63  }
0xf9: {  	s30 =	simm.s32 $0x580;
	p1 =	por $0x1, $0x1;
	_ =	swait.ge [sflag:s31], $0x1000  }
0xfa: {  	s4 =	simm.s32 $0xB000;
	s9 =	simm.s32 $0x5080;
	[sflag:s31] =	ssyncset.done $0x0  }
.LBB2_5:
0xfb: {  	s11 =	sshrl.u32 s11, $0x3;
	s12 =	simm.s32 @!p2 $0x80;
	s13 =	smov.u32 s6  }
0xfc: {  	s6 =	smov.u32 s8;
	s8 =	sadd.s32 $0x1, s8;
	s14 =	smov.u32 s9  }
0xfd: {  	p3 =	sne.s32 s29, s8;
	s11 =	smul.u32 $0xFFFD8000, s11;
	[sflag:s31] =	ssyncadd.s32 $0xFFFFF000  }
0xfe: {  	[tilespmem:s7], [sflag:$0x1] =	stream.indirect.gather @!p2 [spmem:s3], $0x20, s10, s12, $0xb8;
	[tilespmem:$0x1E620] =	vst v63  }
0xff: {  	s10 =	smov.u32 s30;
	s7 =	sshra.s32 s11, $0x2;
	_ =	swait.ge [sflag:s26], $0x1000  }
.Ltmp2:
0x100: {  	s7 =	sadd.s32 s7, s4;
	[sflag:s26] =	ssyncset.done $0x0;
	(pc) =	sbr.rel @p3 .LBB2_5-.Ltmp2, $4  }
0x101: {  	s9 =	sadd.s32 $0x80, s9;
	s4 =	sadd.s32 $0x1000, s4;
	[sflag:s26] =	ssyncadd.s32 $0xFFFFF000  }
0x102: {  	[spmem:s2] =	stream.indirect.scatter.add.bf16 [tilespmem:s7], [sflag:$0x2], $0x20, s14, s28, $0xb8;
	[tilespmem:$0x1E620] =	vst v63  }
0x103: {  	s12 =	sadd.s32 $0xA, s13;
	s11 =	smulhi.u32 $0xCCCCCCCD, s6;
	_ =	swait.ge [sflag:s31], $0x1000  }
0x104: {  	s30 =	sadd.s32 $0x80, s30;
	p2 =	sge.u32 s12, s29;
	[sflag:s31] =	ssyncset.done $0x0  }
0x105: {  	s8 =	smov.u32 s10;
	s10 =	smov.u32 s30  }
.LBB2_7:
0x106: {  	s11 =	sshrl.u32 s11, $0x3;
	p2 =	por p2, !p1  }
0x107: {  	[sflag:s31] =	ssyncadd.s32 @p1 $0xFFFFF000;
	s12 =	simm.s32 @!p2 $0x80;
	s11 =	smul.u32 $0xFFFD8000, s11  }
0x108: {  	[tilespmem:s7], [sflag:$0x1] =	stream.indirect.gather @!p2 [spmem:s3], $0x20, s8, s12, $0xb8;
	[tilespmem:$0x1E620] =	vst v63  }
0x109: {  	_ =	swait.ge [sflag:s26], $0x1000  }
0x10a: {  	s14 =	sshra.s32 s11, $0x2;
	[sflag:s26] =	ssyncset.done $0x0  }
0x10b: {  	s4 =	sadd.s32 s14, s4;
	[sflag:s26] =	ssyncadd.s32 $0xFFFFF000  }
0x10c: {  	[spmem:s2] =	stream.indirect.scatter.add.bf16 [tilespmem:s4], [sflag:$0x2], $0x20, s9, s28, $0xb8;
	[tilespmem:$0x1E620] =	vst v63  }
0x10d: {  	s6 =	sadd.s32 $0xA, s6;
	_ =	swait.ge [sflag:s31], $0x1000  }
0x10e: {  	s30 =	sshrl.u32 s5, $0x3;
	p1 =	sge.u32 s6, s29;
	[sflag:s31] =	ssyncset.done $0x0  }
0x10f: {  	s0 =	sadd.s32 $0x1, s0;
	s6 =	simm.s32 @!p1 $0x80;
	[sflag:s31] =	ssyncadd.s32 $0xFFFFF000  }
0x110: {  	[tilespmem:s4], [sflag:$0x1] =	stream.indirect.gather @!p1 [spmem:s3], $0x20, s10, s6, $0xb8;
	[tilespmem:$0x1E620] =	vst v63  }
0x111: {  	s29 =	sor.u32 $0x1C03, s15;
	p1 =	sne.s32 s0, s23;
	[bflag:$0x0] =	sbarrier.arrive $0xFFFF  }
0x112: {  	[hbm:s22], [sflag:s29] =	dma.local [spmem:s30], $0xA00  }
.Ltmp3:
0x113: {  	_ = 	snop;
	(pc) =	sbr.rel @p1 .LBB2_1-.Ltmp3, $4  }
.Ltmp4:
0x114: {  	_ = 	snop;
	(pc) =	sbr.rel @!p1 .LBB2_8-.Ltmp4, $4  }
0x115: {  	_ =	swait.ge [sflag:s1], $0xA00  }
0x116: {  	[sflag:s1] =	ssyncset.done $0x0  }
0x117: {  	[sflag:s1] =	ssyncadd.s32 $0xFFFFF600  }
0x118: {  	_ = 	snop  }
.LBB2_2:
.Ltmp5:
0x119: {  	(pc) =	sbr.rel .LBB2_7-.Ltmp5, $2  }
0x11a: {  	_ =	sdelay $0x2  }
0x11b: {  	s6 =	simm.s32 $0x0  }
.LBB2_4:
.Ltmp6:
0x11c: {  	(pc) =	sbr.rel .LBB2_7-.Ltmp6, $2  }
0x11d: {  	_ =	sdelay $0x2  }
0x11e: {  	s9 =	simm.s32 $0x5080;
	s8 =	simm.s32 $0x500;
	s10 =	simm.s32 $0x580  }
.LBB2_8:
0x11f: {  	_ =	sfence.sel $0x180000  }
0x120: {  	[bflag:$0x0] =	sbarrier.arrive $0xFFFF  }
0x121: {  	_ =	strace $0x9000004A  }
0x122: {  	s0 =	stileid.u32;
	[bflag:$0x2] =	sbarrier.arrive $0xFFFF  }
0x123: {  	p0 =	sne.s32 s0, $0x0;
	s0 =	rddreg [dreg:$0x3]  }
0x124: {  	s0 =	sadd.s32 @!p0 $0x100000, s0  }
0x125: {  	[sflag:s0] =	ssyncadd.tile.s32 @!p0 $0x1;
	_ =	shalt  }
.Lfunc_end2:
_tile_overlayer_lowered:
.L_overlay_start_2:
0x126: {  	(tag) =	ssettag $0x2  }
0x127: {  	s0 =	rddreg [dreg:$0x0];
	s2 =	stileid.u32  }
0x128: {  	s1 =	rddreg [dreg:$0x1];
	p0 =	sne.s32 s2, $0x0  }
0x129: {  	s3 =	rddreg [dreg:$0x2];
	[bflag:$0x3] =	sbarrier.arrive $0xFFFF;
	s2 =	simm.s32 @!p0 $0x1C03  }
0x12a: {  	[timem:s3], [sflag:s2] =	dma.local @!p0 [hbm:s0], s1  }
0x12b: {  	s0 =	simm.s32 @!p0 $0x3  }
0x12c: {  	_ =	swait.ge @!p0 [sflag:s0], s1  }
0x12d: {  	s1 =	ssub.s32 @!p0 $0x0, s1;
	[sflag:s0] =	ssyncset.done @!p0 $0x0  }
0x12e: {  	[sflag:s0] =	ssyncadd.s32 @!p0 s1  }
0x12f: {  	[bflag:$0x3] =	sbarrier.arrive $0xFFFF  }
0x130: {  	_ =	shalt  }

</sc_bundles>
